<compile_context>
chip_gen: v7x
topology: tpu7x:2x2x1
jax: 0.10.2.dev20260603
libtpu: 0.0.44.dev20260713+nightly
codegen_flags: <defaults>
</compile_context>

<pallas_src>
import dataclasses

import jax
import jax.numpy as jnp
from jax import lax
from jax.experimental import pallas as pl
from jax.experimental.pallas import tpu as pltpu
from jax.experimental.pallas import tpu_sc as plsc

HEIGHT = 512
WIDTH = 512
INTENSITY = 255.0

N_POINTS = 2_000_000

CHUNK_PTS = 640
N_CHUNKS = N_POINTS // CHUNK_PTS
N_WORKERS = 32
ITERS = -(-N_CHUNKS // N_WORKERS)
BATCHES = CHUNK_PTS // 128
N_BINS = HEIGHT * WIDTH
BINS_PER_TILE = N_BINS // 16


def _params_tc(xp, yp, zp):
    def body(x_ref, y_ref, z_ref, o_ref):
        xmin = jnp.min(x_ref[...])
        ymin = jnp.min(y_ref[...])
        zmin = jnp.min(z_ref[...])
        dx = jnp.max(x_ref[...]) - xmin
        dy = jnp.max(y_ref[...]) - ymin
        dz = jnp.max(z_ref[...]) - zmin
        o_ref[0:1, :] = jnp.full((1, 16), xmin, jnp.float32)
        o_ref[1:2, :] = jnp.full((1, 16), dx, jnp.float32)
        o_ref[2:3, :] = jnp.full((1, 16), ymin, jnp.float32)
        o_ref[3:4, :] = jnp.full((1, 16), dy, jnp.float32)
        o_ref[4:5, :] = jnp.full((1, 16), zmin, jnp.float32)
        o_ref[5:6, :] = jnp.full((1, 16), dz, jnp.float32)

    return pl.pallas_call(
        body,
        out_shape=jax.ShapeDtypeStruct((6, 16), jnp.float32),
    )(xp, yp, zp)


def _histogram_sc(xp, yp, zp, params96):
    mesh = plsc.VectorSubcoreMesh(core_axis_name="c", subcore_axis_name="s")
    cp = pltpu.CompilerParams()
    if "needs_layout_passes" in pltpu.CompilerParams.__dataclass_fields__:
        cp = dataclasses.replace(cp, needs_layout_passes=False)

    @pl.kernel(
        out_type=jax.ShapeDtypeStruct((2, 2, N_BINS), jnp.float32),
        mesh=mesh,
        compiler_params=cp,
        scratch_types=[
            pltpu.VMEM((2, CHUNK_PTS), jnp.float32),
            pltpu.VMEM((2, CHUNK_PTS), jnp.float32),
            pltpu.VMEM((2, CHUNK_PTS), jnp.float32),
            pltpu.VMEM((2 * BATCHES, 128), jnp.int32),
            pltpu.VMEM((2 * BATCHES, 128), jnp.float32),
            pltpu.VMEM((128,), jnp.float32),
            pltpu.VMEM((BINS_PER_TILE,), jnp.float32),
            pltpu.VMEM((96,), jnp.float32),
            pltpu.VMEM_SHARED((N_BINS,), jnp.float32),
            pltpu.VMEM_SHARED((N_BINS,), jnp.float32),
            pltpu.SemaphoreType.DMA,
            pltpu.SemaphoreType.DMA,
            pltpu.SemaphoreType.DMA,
        ],
    )
    def k(xp_hbm, yp_hbm, zp_hbm, prm_hbm, out_hbm, ptsx, ptsy, ptsz,
          idxb, valb, onesb, zb, prm, hsum, hcnt, dsem0, dsem1, ssem):
        core = lax.axis_index("c")
        sid = lax.axis_index("s")
        wid = sid * 2 + core

        pltpu.sync_copy(prm_hbm, prm)

        ones16 = jnp.full((16,), 1.0, jnp.float32)
        zeros16 = jnp.zeros((16,), jnp.float32)

        @pl.loop(0, BINS_PER_TILE, step=16)
        def _(i):
            zb[pl.ds(i, 16)] = zeros16

        @pl.loop(0, 128, step=16)
        def _(i):
            onesb[pl.ds(i, 16)] = ones16

        pltpu.sync_copy(zb, hsum.at[pl.ds(sid * BINS_PER_TILE, BINS_PER_TILE)])
        pltpu.sync_copy(zb, hcnt.at[pl.ds(sid * BINS_PER_TILE, BINS_PER_TILE)])
        plsc.subcore_barrier()

        xmin = prm[pl.ds(0, 16)]
        dx = prm[pl.ds(16, 16)]
        ymin = prm[pl.ds(32, 16)]
        dy = prm[pl.ds(48, 16)]
        zmin = prm[pl.ds(64, 16)]
        dz = prm[pl.ds(80, 16)]
        cw = jnp.full((16,), float(WIDTH - 1), jnp.float32)
        ch = jnp.full((16,), float(HEIGHT - 1), jnp.float32)
        ci = jnp.full((16,), INTENSITY, jnp.float32)
        max_bin = jnp.full((16,), WIDTH - 1, jnp.int32)

        def fire_load(c, buf, sem):
            base = c * CHUNK_PTS
            pltpu.async_copy(xp_hbm.at[pl.ds(base, CHUNK_PTS)],
                             ptsx.at[buf], sem)
            pltpu.async_copy(yp_hbm.at[pl.ds(base, CHUNK_PTS)],
                             ptsy.at[buf], sem)
            pltpu.async_copy(zp_hbm.at[pl.ds(base, CHUNK_PTS)],
                             ptsz.at[buf], sem)

        def wait_load(c, buf, sem):
            base = c * CHUNK_PTS
            pltpu.make_async_copy(xp_hbm.at[pl.ds(base, CHUNK_PTS)],
                                  ptsx.at[buf], sem).wait()
            pltpu.make_async_copy(yp_hbm.at[pl.ds(base, CHUNK_PTS)],
                                  ptsy.at[buf], sem).wait()
            pltpu.make_async_copy(zp_hbm.at[pl.ds(base, CHUNK_PTS)],
                                  ptsz.at[buf], sem).wait()

        def compute_chunk(buf):
            descs = []
            for b in range(BATCHES):
                slot = buf * BATCHES + b
                for j in range(8):
                    p = b * 128 + j * 16
                    gx = ptsx[buf, pl.ds(p, 16)]
                    gy = ptsy[buf, pl.ds(p, 16)]
                    gz = ptsz[buf, pl.ds(p, 16)]
                    vx = (cw * (gx - xmin)) / dx
                    vy = (ch * (gy - ymin)) / dy
                    vz = (ci * (gz - zmin)) / dz
                    bx = jnp.minimum(vx.astype(jnp.int32), max_bin)
                    by = jnp.minimum(vy.astype(jnp.int32), max_bin)
                    pix = (max_bin - by) * WIDTH + bx
                    idxb[slot, pl.ds(j * 16, 16)] = pix
                    valb[slot, pl.ds(j * 16, 16)] = vz
                descs.append(pltpu.async_copy(
                    valb.at[slot], hsum.at[idxb.at[slot]], ssem, add=True))
                descs.append(pltpu.async_copy(
                    onesb, hcnt.at[idxb.at[slot]], ssem, add=True))
            return descs

        PAIR_ITERS = ITERS // 2
        fire_load(wid, 0, dsem0)

        @pl.loop(0, PAIR_ITERS)
        def _(it):
            c0 = wid + it * (2 * N_WORKERS)
            c1 = c0 + N_WORKERS
            c1_ok = c1 < N_CHUNKS

            @pl.when(c1_ok)
            def _():
                fire_load(c1, 1, dsem1)

            wait_load(c0, 0, dsem0)
            descs0 = compute_chunk(0)

            @pl.when(it + 1 < PAIR_ITERS)
            def _():
                fire_load(c0 + 2 * N_WORKERS, 0, dsem0)

            @pl.when(c1_ok)
            def _():
                wait_load(c1, 1, dsem1)
                descs1 = compute_chunk(1)
                for d in descs1:
                    d.wait()

            for d in descs0:
                d.wait()

        plsc.subcore_barrier()
        seg = pl.ds(sid * BINS_PER_TILE, BINS_PER_TILE)
        pltpu.sync_copy(hsum.at[seg], out_hbm.at[core, 0, seg])
        pltpu.sync_copy(hcnt.at[seg], out_hbm.at[core, 1, seg])

    return k(xp, yp, zp, params96)


def _combine_tc(parts):
    def body(p_ref, o_ref):
        s = p_ref[0, 0] + p_ref[1, 0]
        c = p_ref[0, 1] + p_ref[1, 1]
        nz = c > 0.0
        o_ref[...] = jnp.where(nz, s / jnp.where(nz, c, 1.0), 0.0)

    return pl.pallas_call(
        body,
        out_shape=jax.ShapeDtypeStruct((HEIGHT, WIDTH), jnp.float32),
    )(parts)


def kernel(pc):
    xp = pc[:, 0]
    yp = pc[:, 1]
    zp = pc[:, 2]
    params = _params_tc(xp.reshape(-1, 128), yp.reshape(-1, 128),
                        zp.reshape(-1, 128))
    parts = _histogram_sc(xp, yp, zp, params.reshape(96))
    return _combine_tc(parts.reshape(2, 2, HEIGHT, WIDTH))

# --- scband reference (transcript-rebuilt; emitter-appended) ---
"""Pipeline reference for scband-project-to-plane-32487132627565 (READ-ONLY COPY).

The authoritative reference and input builder live on the scoring server;
editing this copy changes nothing except your own understanding.
"""

import jax, jax.numpy as jnp
import numpy as np

HEIGHT = 512
WIDTH = 512
INTENSITY = 255.0


def setup_inputs(seed: int = 0) -> dict:
    key = jax.random.key(seed)
    pc = jax.random.normal(key, (2000000, 3), dtype=jnp.float32)
    return {"pc": pc}


def reference(pc):
    # _scale_point_cloud
    x = pc[:, 0]
    y = pc[:, 1]
    z = pc[:, 2]
    x_min, x_max = jnp.min(x), jnp.max(x)
    y_min, y_max = jnp.min(y), jnp.max(y)
    z_min, z_max = jnp.min(z), jnp.max(z)
    x = (WIDTH - 1) * (x - x_min) / (x_max - x_min)
    y = (HEIGHT - 1) * (y - y_min) / (y_max - y_min)
    z = INTENSITY * (z - z_min) / (z_max - z_min)

    # _compute_depth_map
    h_axis = jnp.arange(HEIGHT, dtype=jnp.float32)
    w_axis = jnp.arange(WIDTH, dtype=jnp.float32)
    x_bins = jnp.digitize(x, w_axis) - 1
    y_bins = jnp.digitize(y, h_axis) - 1

    hw_pixels_sum = jnp.zeros((HEIGHT, WIDTH), dtype=jnp.float32).at[y_bins, x_bins].add(z)
    hw_pixels_count = jnp.zeros((HEIGHT, WIDTH), dtype=jnp.float32).at[y_bins, x_bins].add(1.0)

    nonzero_mask = hw_pixels_count > 0
    safe_count = jnp.where(nonzero_mask, hw_pixels_count, 1.0)
    depth_map = jnp.where(nonzero_mask, hw_pixels_sum / safe_count, 0.0)

    # np.flip(..., axis=0)
    return jnp.flip(depth_map, axis=0)

if __name__ == "__main__":
    import jax
    _d = setup_inputs()
    print(jax.jit(kernel)(*tuple(_d.values())))

</pallas_src>

<mosaic_0001>
#map = affine_map<(d0, d1) -> (0)>
#map1 = affine_map<(d0, d1) -> (0, 0, 0)>
module attributes {stable_mosaic.version = 14 : i64} {
  func.func @k(%arg0: i32, %arg1: i32, %arg2: memref<2000000xf32, #tpu.memory_space<hbm>>, %arg3: memref<2000000xf32, #tpu.memory_space<hbm>>, %arg4: memref<2000000xf32, #tpu.memory_space<hbm>>, %arg5: memref<96xf32, #tpu.memory_space<hbm>>, %arg6: memref<2x2x262144xf32, #tpu.memory_space<hbm>>, %arg7: memref<2x640xf32, #tpu.memory_space<vmem>>, %arg8: memref<2x640xf32, #tpu.memory_space<vmem>>, %arg9: memref<2x640xf32, #tpu.memory_space<vmem>>, %arg10: memref<10x128xi32, #tpu.memory_space<vmem>>, %arg11: memref<10x128xf32, #tpu.memory_space<vmem>>, %arg12: memref<128xf32, #tpu.memory_space<vmem>>, %arg13: memref<16384xf32, #tpu.memory_space<vmem>>, %arg14: memref<96xf32, #tpu.memory_space<vmem>>, %arg15: memref<262144xf32, #tpu.memory_space<vmem_shared>>, %arg16: memref<262144xf32, #tpu.memory_space<vmem_shared>>, %arg17: memref<!tpu.dma_semaphore, #tpu.memory_space<semaphore_mem>>, %arg18: memref<!tpu.dma_semaphore, #tpu.memory_space<semaphore_mem>>, %arg19: memref<!tpu.dma_semaphore, #tpu.memory_space<semaphore_mem>>) attributes {dimension_semantics = [#tpu.dimension_semantics<core_parallel>, #tpu.dimension_semantics<subcore_parallel>], iteration_bounds = array<i64: 2, 16>, scalar_prefetch = 0 : i64, scratch_operands = 13 : i64, tpu.core_type = #tpu.core_type<sc_vector_subcore>, window_params = [{transform_indices = #map}, {transform_indices = #map}, {transform_indices = #map}, {transform_indices = #map}, {transform_indices = #map1}]} {
    %mul3A = arith.constant 2 : i32
    %mul3A_0 = arith.muli %arg1, %mul3A : i32
    %add3A = arith.addi %mul3A_0, %arg0 : i32
    "tpu.region"() ({
      %run_scoped3A_73 = tpu.sem_alloc : memref<!tpu.dma_semaphore, #tpu.memory_space<semaphore_mem>>
      tpu.enqueue_dma source(%arg5 : memref<96xf32, #tpu.memory_space<hbm>>) target(%arg14 : memref<96xf32, #tpu.memory_space<vmem>>) target_semaphore(%run_scoped3A_73 : memref<!tpu.dma_semaphore, #tpu.memory_space<semaphore_mem>>)
      tpu.wait_dma2 semaphore(%run_scoped3A_73 : memref<!tpu.dma_semaphore, #tpu.memory_space<semaphore_mem>>) src(%arg5 : memref<96xf32, #tpu.memory_space<hbm>>) dst(%arg14 : memref<96xf32, #tpu.memory_space<vmem>>)
      tpu.yield
    }) : () -> ()
    %broadcast_in_dim3A = arith.constant 1.000000e+00 : f32
    %broadcast_in_dim3A_1 = vector.broadcast %broadcast_in_dim3A : f32 to vector<16xf32>
    %broadcast_in_dim3A_2 = arith.constant 0.000000e+00 : f32
    %broadcast_in_dim3A_3 = vector.broadcast %broadcast_in_dim3A_2 : f32 to vector<16xf32>
    %scan3A = arith.constant 0 : i32
    %scan3A_4 = arith.constant 1024 : i32
    %scan3A_5 = arith.addi %scan3A, %scan3A_4 : i32
    %scan3A_6 = arith.constant 1 : i32
    scf.for %scan3A_73 = %scan3A to %scan3A_5 step %scan3A_6  : i32 {
      %mul3A_74 = arith.constant 16 : i32
      %mul3A_75 = arith.muli %scan3A_73, %mul3A_74 : i32
      %add3A_76 = arith.constant 0 : i32
      %add3A_77 = arith.addi %add3A_76, %mul3A_75 : i32
      %swap3A = arith.index_cast %add3A_77 : i32 to index
      %swap3A_78 = tpu.vector_load %arg13[%swap3A] {strides = array<i32>} : memref<16384xf32, #tpu.memory_space<vmem>>, vector<16xf32>,
      tpu.vector_store %arg13[%swap3A], %broadcast_in_dim3A_3 {strides = array<i32>} : memref<16384xf32, #tpu.memory_space<vmem>>, vector<16xf32>,
    }
    %scan3A_7 = arith.constant 1024 : i32
    %scan3A_8 = arith.constant 0 : i32
    %scan3A_9 = arith.constant 8 : i32
    %scan3A_10 = arith.addi %scan3A_8, %scan3A_9 : i32
    %scan3A_11 = arith.constant 1 : i32
    scf.for %scan3A_73 = %scan3A_8 to %scan3A_10 step %scan3A_11  : i32 {
      %mul3A_74 = arith.constant 16 : i32
      %mul3A_75 = arith.muli %scan3A_73, %mul3A_74 : i32
      %add3A_76 = arith.constant 0 : i32
      %add3A_77 = arith.addi %add3A_76, %mul3A_75 : i32
      %swap3A = arith.index_cast %add3A_77 : i32 to index
      %swap3A_78 = tpu.vector_load %arg12[%swap3A] {strides = array<i32>} : memref<128xf32, #tpu.memory_space<vmem>>, vector<16xf32>,
      tpu.vector_store %arg12[%swap3A], %broadcast_in_dim3A_1 {strides = array<i32>} : memref<128xf32, #tpu.memory_space<vmem>>, vector<16xf32>,
    }
    %scan3A_12 = arith.constant 8 : i32
    %mul3A_13 = arith.constant 16384 : i32
    %mul3A_14 = arith.muli %arg1, %mul3A_13 : i32
    "tpu.region"() ({
      %run_scoped3A_73 = tpu.sem_alloc : memref<!tpu.dma_semaphore, #tpu.memory_space<semaphore_mem>>
      %dma_start3A_74 = tpu.memref_slice %arg15[%mul3A_14] : memref<262144xf32, #tpu.memory_space<vmem_shared>> -> memref<16384xf32, #tpu.memory_space<vmem_shared>>
      %dma_start3A_75 = tpu.memref_slice %arg15[%mul3A_14] : memref<262144xf32, #tpu.memory_space<vmem_shared>> -> memref<16384xf32, #tpu.memory_space<vmem_shared>>
      tpu.enqueue_dma source(%arg13 : memref<16384xf32, #tpu.memory_space<vmem>>) target(%dma_start3A_75 : memref<16384xf32, #tpu.memory_space<vmem_shared>>) target_semaphore(%run_scoped3A_73 : memref<!tpu.dma_semaphore, #tpu.memory_space<semaphore_mem>>)
      %dma_wait3A = tpu.memref_slice %arg15[%mul3A_14] : memref<262144xf32, #tpu.memory_space<vmem_shared>> -> memref<16384xf32, #tpu.memory_space<vmem_shared>>
      %dma_wait3A_76 = tpu.memref_slice %arg15[%mul3A_14] : memref<262144xf32, #tpu.memory_space<vmem_shared>> -> memref<16384xf32, #tpu.memory_space<vmem_shared>>
      tpu.wait_dma2 semaphore(%run_scoped3A_73 : memref<!tpu.dma_semaphore, #tpu.memory_space<semaphore_mem>>) src(%arg13 : memref<16384xf32, #tpu.memory_space<vmem>>) dst(%dma_wait3A_76 : memref<16384xf32, #tpu.memory_space<vmem_shared>>)
      tpu.yield
    }) : () -> ()
    %mul3A_15 = arith.constant 16384 : i32
    %mul3A_16 = arith.muli %arg1, %mul3A_15 : i32
    "tpu.region"() ({
      %run_scoped3A_73 = tpu.sem_alloc : memref<!tpu.dma_semaphore, #tpu.memory_space<semaphore_mem>>
      %dma_start3A_74 = tpu.memref_slice %arg16[%mul3A_16] : memref<262144xf32, #tpu.memory_space<vmem_shared>> -> memref<16384xf32, #tpu.memory_space<vmem_shared>>
      %dma_start3A_75 = tpu.memref_slice %arg16[%mul3A_16] : memref<262144xf32, #tpu.memory_space<vmem_shared>> -> memref<16384xf32, #tpu.memory_space<vmem_shared>>
      tpu.enqueue_dma source(%arg13 : memref<16384xf32, #tpu.memory_space<vmem>>) target(%dma_start3A_75 : memref<16384xf32, #tpu.memory_space<vmem_shared>>) target_semaphore(%run_scoped3A_73 : memref<!tpu.dma_semaphore, #tpu.memory_space<semaphore_mem>>)
      %dma_wait3A = tpu.memref_slice %arg16[%mul3A_16] : memref<262144xf32, #tpu.memory_space<vmem_shared>> -> memref<16384xf32, #tpu.memory_space<vmem_shared>>
      %dma_wait3A_76 = tpu.memref_slice %arg16[%mul3A_16] : memref<262144xf32, #tpu.memory_space<vmem_shared>> -> memref<16384xf32, #tpu.memory_space<vmem_shared>>
      tpu.wait_dma2 semaphore(%run_scoped3A_73 : memref<!tpu.dma_semaphore, #tpu.memory_space<semaphore_mem>>) src(%arg13 : memref<16384xf32, #tpu.memory_space<vmem>>) dst(%dma_wait3A_76 : memref<16384xf32, #tpu.memory_space<vmem_shared>>)
      tpu.yield
    }) : () -> ()
    %barrier3A = arith.constant 0 : index
    tpu.barrier barrier_id(%barrier3A)
    %get3A = arith.constant 0 : index
    %get3A_17 = tpu.vector_load %arg14[%get3A] {strides = array<i32>} : memref<96xf32, #tpu.memory_space<vmem>>, vector<16xf32>,
    %get3A_18 = arith.constant 16 : index
    %get3A_19 = tpu.vector_load %arg14[%get3A_18] {strides = array<i32>} : memref<96xf32, #tpu.memory_space<vmem>>, vector<16xf32>,
    %get3A_20 = arith.constant 32 : index
    %get3A_21 = tpu.vector_load %arg14[%get3A_20] {strides = array<i32>} : memref<96xf32, #tpu.memory_space<vmem>>, vector<16xf32>,
    %get3A_22 = arith.constant 48 : index
    %get3A_23 = tpu.vector_load %arg14[%get3A_22] {strides = array<i32>} : memref<96xf32, #tpu.memory_space<vmem>>, vector<16xf32>,
    %get3A_24 = arith.constant 64 : index
    %get3A_25 = tpu.vector_load %arg14[%get3A_24] {strides = array<i32>} : memref<96xf32, #tpu.memory_space<vmem>>, vector<16xf32>,
    %get3A_26 = arith.constant 80 : index
    %get3A_27 = tpu.vector_load %arg14[%get3A_26] {strides = array<i32>} : memref<96xf32, #tpu.memory_space<vmem>>, vector<16xf32>,
    %broadcast_in_dim3A_28 = arith.constant 5.110000e+02 : f32
    %broadcast_in_dim3A_29 = vector.broadcast %broadcast_in_dim3A_28 : f32 to vector<16xf32>
    %broadcast_in_dim3A_30 = arith.constant 5.110000e+02 : f32
    %broadcast_in_dim3A_31 = vector.broadcast %broadcast_in_dim3A_30 : f32 to vector<16xf32>
    %broadcast_in_dim3A_32 = arith.constant 2.550000e+02 : f32
    %broadcast_in_dim3A_33 = vector.broadcast %broadcast_in_dim3A_32 : f32 to vector<16xf32>
    %broadcast_in_dim3A_34 = arith.constant 511 : i32
    %broadcast_in_dim3A_35 = vector.broadcast %broadcast_in_dim3A_34 : i32 to vector<16xi32>
    %mul3A_36 = arith.constant 640 : i32
    %mul3A_37 = arith.muli %add3A, %mul3A_36 : i32
    %dma_start3A = arith.constant 0 : i32
    %dma_start3A_38 = arith.constant 0 : i32
    %dma_start3A_39 = tpu.memref_slice %arg7[%dma_start3A, %dma_start3A_38] : memref<2x640xf32, #tpu.memory_space<vmem>> -> memref<1x640xf32, #tpu.memory_space<vmem>>
    %dma_start3A_40 = tpu.memref_squeeze %dma_start3A_39 : memref<1x640xf32, #tpu.memory_space<vmem>> -> memref<640xf32, #tpu.memory_space<vmem>>
    %dma_start3A_41 = tpu.memref_slice %arg2[%mul3A_37] : memref<2000000xf32, #tpu.memory_space<hbm>> -> memref<640xf32, #tpu.memory_space<hbm>>
    %dma_start3A_42 = arith.constant 0 : i32
    %dma_start3A_43 = tpu.memref_slice %arg7[%dma_start3A, %dma_start3A_42] : memref<2x640xf32, #tpu.memory_space<vmem>> -> memref<1x640xf32, #tpu.memory_space<vmem>>
    %dma_start3A_44 = tpu.memref_squeeze %dma_start3A_43 : memref<1x640xf32, #tpu.memory_space<vmem>> -> memref<640xf32, #tpu.memory_space<vmem>>
    %dma_start3A_45 = tpu.memref_slice %arg2[%mul3A_37] : memref<2000000xf32, #tpu.memory_space<hbm>> -> memref<640xf32, #tpu.memory_space<hbm>>
    tpu.enqueue_dma source(%dma_start3A_45 : memref<640xf32, #tpu.memory_space<hbm>>) target(%dma_start3A_44 : memref<640xf32, #tpu.memory_space<vmem>>) target_semaphore(%arg17 : memref<!tpu.dma_semaphore, #tpu.memory_space<semaphore_mem>>)
    %dma_start3A_46 = arith.constant 0 : i32
    %dma_start3A_47 = arith.constant 0 : i32
    %dma_start3A_48 = tpu.memref_slice %arg8[%dma_start3A_46, %dma_start3A_47] : memref<2x640xf32, #tpu.memory_space<vmem>> -> memref<1x640xf32, #tpu.memory_space<vmem>>
    %dma_start3A_49 = tpu.memref_squeeze %dma_start3A_48 : memref<1x640xf32, #tpu.memory_space<vmem>> -> memref<640xf32, #tpu.memory_space<vmem>>
    %dma_start3A_50 = tpu.memref_slice %arg3[%mul3A_37] : memref<2000000xf32, #tpu.memory_space<hbm>> -> memref<640xf32, #tpu.memory_space<hbm>>
    %dma_start3A_51 = arith.constant 0 : i32
    %dma_start3A_52 = tpu.memref_slice %arg8[%dma_start3A_46, %dma_start3A_51] : memref<2x640xf32, #tpu.memory_space<vmem>> -> memref<1x640xf32, #tpu.memory_space<vmem>>
    %dma_start3A_53 = tpu.memref_squeeze %dma_start3A_52 : memref<1x640xf32, #tpu.memory_space<vmem>> -> memref<640xf32, #tpu.memory_space<vmem>>
    %dma_start3A_54 = tpu.memref_slice %arg3[%mul3A_37] : memref<2000000xf32, #tpu.memory_space<hbm>> -> memref<640xf32, #tpu.memory_space<hbm>>
    tpu.enqueue_dma source(%dma_start3A_54 : memref<640xf32, #tpu.memory_space<hbm>>) target(%dma_start3A_53 : memref<640xf32, #tpu.memory_space<vmem>>) target_semaphore(%arg17 : memref<!tpu.dma_semaphore, #tpu.memory_space<semaphore_mem>>)
    %dma_start3A_55 = arith.constant 0 : i32
    %dma_start3A_56 = arith.constant 0 : i32
    %dma_start3A_57 = tpu.memref_slice %arg9[%dma_start3A_55, %dma_start3A_56] : memref<2x640xf32, #tpu.memory_space<vmem>> -> memref<1x640xf32, #tpu.memory_space<vmem>>
    %dma_start3A_58 = tpu.memref_squeeze %dma_start3A_57 : memref<1x640xf32, #tpu.memory_space<vmem>> -> memref<640xf32, #tpu.memory_space<vmem>>
    %dma_start3A_59 = tpu.memref_slice %arg4[%mul3A_37] : memref<2000000xf32, #tpu.memory_space<hbm>> -> memref<640xf32, #tpu.memory_space<hbm>>
    %dma_start3A_60 = arith.constant 0 : i32
    %dma_start3A_61 = tpu.memref_slice %arg9[%dma_start3A_55, %dma_start3A_60] : memref<2x640xf32, #tpu.memory_space<vmem>> -> memref<1x640xf32, #tpu.memory_space<vmem>>
    %dma_start3A_62 = tpu.memref_squeeze %dma_start3A_61 : memref<1x640xf32, #tpu.memory_space<vmem>> -> memref<640xf32, #tpu.memory_space<vmem>>
    %dma_start3A_63 = tpu.memref_slice %arg4[%mul3A_37] : memref<2000000xf32, #tpu.memory_space<hbm>> -> memref<640xf32, #tpu.memory_space<hbm>>
    tpu.enqueue_dma source(%dma_start3A_63 : memref<640xf32, #tpu.memory_space<hbm>>) target(%dma_start3A_62 : memref<640xf32, #tpu.memory_space<vmem>>) target_semaphore(%arg17 : memref<!tpu.dma_semaphore, #tpu.memory_space<semaphore_mem>>)
    %scan3A_64 = arith.constant 0 : i32
    %scan3A_65 = arith.constant 49 : i32
    %scan3A_66 = arith.addi %scan3A_64, %scan3A_65 : i32
    %scan3A_67 = arith.constant 1 : i32
    scf.for %scan3A_73 = %scan3A_64 to %scan3A_66 step %scan3A_67  : i32 {
      %mul3A_74 = arith.constant 1 : i32
      %mul3A_75 = arith.muli %scan3A_73, %mul3A_74 : i32
      %add3A_76 = arith.constant 0 : i32
      %add3A_77 = arith.addi %add3A_76, %mul3A_75 : i32
      %mul3A_78 = arith.constant 64 : i32
      %mul3A_79 = arith.muli %add3A_77, %mul3A_78 : i32
      %add3A_80 = arith.addi %add3A, %mul3A_79 : i32
      %add3A_81 = arith.constant 32 : i32
      %add3A_82 = arith.addi %add3A_80, %add3A_81 : i32
      %lt3A = arith.constant 3125 : i32
      %lt3A_83 = arith.cmpi slt, %add3A_82, %lt3A : i32
      %convert_element_type3A = arith.extui %lt3A_83 : i1 to i32
      %cond3A = arith.constant 0 : i32
      %cond3A_84 = arith.cmpi ne, %convert_element_type3A, %cond3A : i32
      scf.if %cond3A_84 {
        %mul3A_1799 = arith.constant 640 : i32
        %mul3A_1800 = arith.muli %add3A_82, %mul3A_1799 : i32
        %dma_start3A_1801 = arith.constant 1 : i32
        %dma_start3A_1802 = arith.constant 0 : i32
        %dma_start3A_1803 = tpu.memref_slice %arg7[%dma_start3A_1801, %dma_start3A_1802] : memref<2x640xf32, #tpu.memory_space<vmem>> -> memref<1x640xf32, #tpu.memory_space<vmem>>
        %dma_start3A_1804 = tpu.memref_squeeze %dma_start3A_1803 : memref<1x640xf32, #tpu.memory_space<vmem>> -> memref<640xf32, #tpu.memory_space<vmem>>
        %dma_start3A_1805 = tpu.memref_slice %arg2[%mul3A_1800] : memref<2000000xf32, #tpu.memory_space<hbm>> -> memref<640xf32, #tpu.memory_space<hbm>>
        %dma_start3A_1806 = arith.constant 0 : i32
        %dma_start3A_1807 = tpu.memref_slice %arg7[%dma_start3A_1801, %dma_start3A_1806] : memref<2x640xf32, #tpu.memory_space<vmem>> -> memref<1x640xf32, #tpu.memory_space<vmem>>
        %dma_start3A_1808 = tpu.memref_squeeze %dma_start3A_1807 : memref<1x640xf32, #tpu.memory_space<vmem>> -> memref<640xf32, #tpu.memory_space<vmem>>
        %dma_start3A_1809 = tpu.memref_slice %arg2[%mul3A_1800] : memref<2000000xf32, #tpu.memory_space<hbm>> -> memref<640xf32, #tpu.memory_space<hbm>>
        tpu.enqueue_dma source(%dma_start3A_1809 : memref<640xf32, #tpu.memory_space<hbm>>) target(%dma_start3A_1808 : memref<640xf32, #tpu.memory_space<vmem>>) target_semaphore(%arg18 : memref<!tpu.dma_semaphore, #tpu.memory_space<semaphore_mem>>)
        %dma_start3A_1810 = arith.constant 1 : i32
        %dma_start3A_1811 = arith.constant 0 : i32
        %dma_start3A_1812 = tpu.memref_slice %arg8[%dma_start3A_1810, %dma_start3A_1811] : memref<2x640xf32, #tpu.memory_space<vmem>> -> memref<1x640xf32, #tpu.memory_space<vmem>>
        %dma_start3A_1813 = tpu.memref_squeeze %dma_start3A_1812 : memref<1x640xf32, #tpu.memory_space<vmem>> -> memref<640xf32, #tpu.memory_space<vmem>>
        %dma_start3A_1814 = tpu.memref_slice %arg3[%mul3A_1800] : memref<2000000xf32, #tpu.memory_space<hbm>> -> memref<640xf32, #tpu.memory_space<hbm>>
        %dma_start3A_1815 = arith.constant 0 : i32
        %dma_start3A_1816 = tpu.memref_slice %arg8[%dma_start3A_1810, %dma_start3A_1815] : memref<2x640xf32, #tpu.memory_space<vmem>> -> memref<1x640xf32, #tpu.memory_space<vmem>>
        %dma_start3A_1817 = tpu.memref_squeeze %dma_start3A_1816 : memref<1x640xf32, #tpu.memory_space<vmem>> -> memref<640xf32, #tpu.memory_space<vmem>>
        %dma_start3A_1818 = tpu.memref_slice %arg3[%mul3A_1800] : memref<2000000xf32, #tpu.memory_space<hbm>> -> memref<640xf32, #tpu.memory_space<hbm>>
        tpu.enqueue_dma source(%dma_start3A_1818 : memref<640xf32, #tpu.memory_space<hbm>>) target(%dma_start3A_1817 : memref<640xf32, #tpu.memory_space<vmem>>) target_semaphore(%arg18 : memref<!tpu.dma_semaphore, #tpu.memory_space<semaphore_mem>>)
        %dma_start3A_1819 = arith.constant 1 : i32
        %dma_start3A_1820 = arith.constant 0 : i32
        %dma_start3A_1821 = tpu.memref_slice %arg9[%dma_start3A_1819, %dma_start3A_1820] : memref<2x640xf32, #tpu.memory_space<vmem>> -> memref<1x640xf32, #tpu.memory_space<vmem>>
        %dma_start3A_1822 = tpu.memref_squeeze %dma_start3A_1821 : memref<1x640xf32, #tpu.memory_space<vmem>> -> memref<640xf32, #tpu.memory_space<vmem>>
        %dma_start3A_1823 = tpu.memref_slice %arg4[%mul3A_1800] : memref<2000000xf32, #tpu.memory_space<hbm>> -> memref<640xf32, #tpu.memory_space<hbm>>
        %dma_start3A_1824 = arith.constant 0 : i32
        %dma_start3A_1825 = tpu.memref_slice %arg9[%dma_start3A_1819, %dma_start3A_1824] : memref<2x640xf32, #tpu.memory_space<vmem>> -> memref<1x640xf32, #tpu.memory_space<vmem>>
        %dma_start3A_1826 = tpu.memref_squeeze %dma_start3A_1825 : memref<1x640xf32, #tpu.memory_space<vmem>> -> memref<640xf32, #tpu.memory_space<vmem>>
        %dma_start3A_1827 = tpu.memref_slice %arg4[%mul3A_1800] : memref<2000000xf32, #tpu.memory_space<hbm>> -> memref<640xf32, #tpu.memory_space<hbm>>
        tpu.enqueue_dma source(%dma_start3A_1827 : memref<640xf32, #tpu.memory_space<hbm>>) target(%dma_start3A_1826 : memref<640xf32, #tpu.memory_space<vmem>>) target_semaphore(%arg18 : memref<!tpu.dma_semaphore, #tpu.memory_space<semaphore_mem>>)
      } else {
      }
      %mul3A_85 = arith.constant 640 : i32
      %mul3A_86 = arith.muli %add3A_80, %mul3A_85 : i32
      %dma_wait3A = arith.constant 0 : i32
      %dma_wait3A_87 = arith.constant 0 : i32
      %dma_wait3A_88 = tpu.memref_slice %arg7[%dma_wait3A, %dma_wait3A_87] : memref<2x640xf32, #tpu.memory_space<vmem>> -> memref<1x640xf32, #tpu.memory_space<vmem>>
      %dma_wait3A_89 = tpu.memref_squeeze %dma_wait3A_88 : memref<1x640xf32, #tpu.memory_space<vmem>> -> memref<640xf32, #tpu.memory_space<vmem>>
      %dma_wait3A_90 = tpu.memref_slice %arg2[%mul3A_86] : memref<2000000xf32, #tpu.memory_space<hbm>> -> memref<640xf32, #tpu.memory_space<hbm>>
      %dma_wait3A_91 = arith.constant 0 : i32
      %dma_wait3A_92 = tpu.memref_slice %arg7[%dma_wait3A, %dma_wait3A_91] : memref<2x640xf32, #tpu.memory_space<vmem>> -> memref<1x640xf32, #tpu.memory_space<vmem>>
      %dma_wait3A_93 = tpu.memref_squeeze %dma_wait3A_92 : memref<1x640xf32, #tpu.memory_space<vmem>> -> memref<640xf32, #tpu.memory_space<vmem>>
      %dma_wait3A_94 = tpu.memref_slice %arg2[%mul3A_86] : memref<2000000xf32, #tpu.memory_space<hbm>> -> memref<640xf32, #tpu.memory_space<hbm>>
      tpu.wait_dma2 semaphore(%arg17 : memref<!tpu.dma_semaphore, #tpu.memory_space<semaphore_mem>>) src(%dma_wait3A_94 : memref<640xf32, #tpu.memory_space<hbm>>) dst(%dma_wait3A_93 : memref<640xf32, #tpu.memory_space<vmem>>)
      %dma_wait3A_95 = arith.constant 0 : i32
      %dma_wait3A_96 = arith.constant 0 : i32
      %dma_wait3A_97 = tpu.memref_slice %arg8[%dma_wait3A_95, %dma_wait3A_96] : memref<2x640xf32, #tpu.memory_space<vmem>> -> memref<1x640xf32, #tpu.memory_space<vmem>>
      %dma_wait3A_98 = tpu.memref_squeeze %dma_wait3A_97 : memref<1x640xf32, #tpu.memory_space<vmem>> -> memref<640xf32, #tpu.memory_space<vmem>>
      %dma_wait3A_99 = tpu.memref_slice %arg3[%mul3A_86] : memref<2000000xf32, #tpu.memory_space<hbm>> -> memref<640xf32, #tpu.memory_space<hbm>>
      %dma_wait3A_100 = arith.constant 0 : i32
      %dma_wait3A_101 = tpu.memref_slice %arg8[%dma_wait3A_95, %dma_wait3A_100] : memref<2x640xf32, #tpu.memory_space<vmem>> -> memref<1x640xf32, #tpu.memory_space<vmem>>
      %dma_wait3A_102 = tpu.memref_squeeze %dma_wait3A_101 : memref<1x640xf32, #tpu.memory_space<vmem>> -> memref<640xf32, #tpu.memory_space<vmem>>
      %dma_wait3A_103 = tpu.memref_slice %arg3[%mul3A_86] : memref<2000000xf32, #tpu.memory_space<hbm>> -> memref<640xf32, #tpu.memory_space<hbm>>
      tpu.wait_dma2 semaphore(%arg17 : memref<!tpu.dma_semaphore, #tpu.memory_space<semaphore_mem>>) src(%dma_wait3A_103 : memref<640xf32, #tpu.memory_space<hbm>>) dst(%dma_wait3A_102 : memref<640xf32, #tpu.memory_space<vmem>>)
      %dma_wait3A_104 = arith.constant 0 : i32
      %dma_wait3A_105 = arith.constant 0 : i32
      %dma_wait3A_106 = tpu.memref_slice %arg9[%dma_wait3A_104, %dma_wait3A_105] : memref<2x640xf32, #tpu.memory_space<vmem>> -> memref<1x640xf32, #tpu.memory_space<vmem>>
      %dma_wait3A_107 = tpu.memref_squeeze %dma_wait3A_106 : memref<1x640xf32, #tpu.memory_space<vmem>> -> memref<640xf32, #tpu.memory_space<vmem>>
      %dma_wait3A_108 = tpu.memref_slice %arg4[%mul3A_86] : memref<2000000xf32, #tpu.memory_space<hbm>> -> memref<640xf32, #tpu.memory_space<hbm>>
      %dma_wait3A_109 = arith.constant 0 : i32
      %dma_wait3A_110 = tpu.memref_slice %arg9[%dma_wait3A_104, %dma_wait3A_109] : memref<2x640xf32, #tpu.memory_space<vmem>> -> memref<1x640xf32, #tpu.memory_space<vmem>>
      %dma_wait3A_111 = tpu.memref_squeeze %dma_wait3A_110 : memref<1x640xf32, #tpu.memory_space<vmem>> -> memref<640xf32, #tpu.memory_space<vmem>>
      %dma_wait3A_112 = tpu.memref_slice %arg4[%mul3A_86] : memref<2000000xf32, #tpu.memory_space<hbm>> -> memref<640xf32, #tpu.memory_space<hbm>>
      tpu.wait_dma2 semaphore(%arg17 : memref<!tpu.dma_semaphore, #tpu.memory_space<semaphore_mem>>) src(%dma_wait3A_112 : memref<640xf32, #tpu.memory_space<hbm>>) dst(%dma_wait3A_111 : memref<640xf32, #tpu.memory_space<vmem>>)
      %get3A_113 = arith.constant 0 : i32
      %get3A_114 = arith.index_cast %get3A_113 : i32 to index
      %get3A_115 = arith.constant 0 : index
      %get3A_116 = tpu.vector_load %arg7[%get3A_114, %get3A_115] {strides = array<i32>} : memref<2x640xf32, #tpu.memory_space<vmem>>, vector<16xf32>,
      %get3A_117 = arith.constant 0 : i32
      %get3A_118 = arith.index_cast %get3A_117 : i32 to index
      %get3A_119 = arith.constant 0 : index
      %get3A_120 = tpu.vector_load %arg8[%get3A_118, %get3A_119] {strides = array<i32>} : memref<2x640xf32, #tpu.memory_space<vmem>>, vector<16xf32>,
      %get3A_121 = arith.constant 0 : i32
      %get3A_122 = arith.index_cast %get3A_121 : i32 to index
      %get3A_123 = arith.constant 0 : index
      %get3A_124 = tpu.vector_load %arg9[%get3A_122, %get3A_123] {strides = array<i32>} : memref<2x640xf32, #tpu.memory_space<vmem>>, vector<16xf32>,
      %sub3A = arith.subf %get3A_116, %get3A_17 : vector<16xf32>
      %mul3A_125 = arith.mulf %broadcast_in_dim3A_29, %sub3A : vector<16xf32>
      %div3A = arith.divf %mul3A_125, %get3A_19 : vector<16xf32>
      %sub3A_126 = arith.subf %get3A_120, %get3A_21 : vector<16xf32>
      %mul3A_127 = arith.mulf %broadcast_in_dim3A_31, %sub3A_126 : vector<16xf32>
      %div3A_128 = arith.divf %mul3A_127, %get3A_23 : vector<16xf32>
      %sub3A_129 = arith.subf %get3A_124, %get3A_25 : vector<16xf32>
      %mul3A_130 = arith.mulf %broadcast_in_dim3A_33, %sub3A_129 : vector<16xf32>
      %div3A_131 = arith.divf %mul3A_130, %get3A_27 : vector<16xf32>
      %convert_element_type3A_132 = arith.fptosi %div3A : vector<16xf32> to vector<16xi32>
      %min3A = arith.minsi %convert_element_type3A_132, %broadcast_in_dim3A_35 : vector<16xi32>
      %convert_element_type3A_133 = arith.fptosi %div3A_128 : vector<16xf32> to vector<16xi32>
      %min3A_134 = arith.minsi %convert_element_type3A_133, %broadcast_in_dim3A_35 : vector<16xi32>
      %sub3A_135 = arith.subi %broadcast_in_dim3A_35, %min3A_134 : vector<16xi32>
      %mul3A_136 = arith.constant 512 : i32
      %mul3A_137 = vector.broadcast %mul3A_136 : i32 to vector<16xi32>
      %mul3A_138 = arith.muli %sub3A_135, %mul3A_137 : vector<16xi32>
      %add3A_139 = arith.addi %mul3A_138, %min3A : vector<16xi32>
      %swap3A = arith.constant 0 : i32
      %swap3A_140 = arith.index_cast %swap3A : i32 to index
      %swap3A_141 = arith.constant 0 : index
      %swap3A_142 = tpu.vector_load %arg10[%swap3A_140, %swap3A_141] {strides = array<i32>} : memref<10x128xi32, #tpu.memory_space<vmem>>, vector<16xi32>,
      tpu.vector_store %arg10[%swap3A_140, %swap3A_141], %add3A_139 {strides = array<i32>} : memref<10x128xi32, #tpu.memory_space<vmem>>, vector<16xi32>,
      %swap3A_143 = arith.constant 0 : i32
      %swap3A_144 = arith.index_cast %swap3A_143 : i32 to index
      %swap3A_145 = arith.constant 0 : index
      %swap3A_146 = tpu.vector_load %arg11[%swap3A_144, %swap3A_145] {strides = array<i32>} : memref<10x128xf32, #tpu.memory_space<vmem>>, vector<16xf32>,
      tpu.vector_store %arg11[%swap3A_144, %swap3A_145], %div3A_131 {strides = array<i32>} : memref<10x128xf32, #tpu.memory_space<vmem>>, vector<16xf32>,
      %get3A_147 = arith.constant 0 : i32
      %get3A_148 = arith.index_cast %get3A_147 : i32 to index
      %get3A_149 = arith.constant 16 : index
      %get3A_150 = tpu.vector_load %arg7[%get3A_148, %get3A_149] {strides = array<i32>} : memref<2x640xf32, #tpu.memory_space<vmem>>, vector<16xf32>,
      %get3A_151 = arith.constant 0 : i32
      %get3A_152 = arith.index_cast %get3A_151 : i32 to index
      %get3A_153 = arith.constant 16 : index
      %get3A_154 = tpu.vector_load %arg8[%get3A_152, %get3A_153] {strides = array<i32>} : memref<2x640xf32, #tpu.memory_space<vmem>>, vector<16xf32>,
      %get3A_155 = arith.constant 0 : i32
      %get3A_156 = arith.index_cast %get3A_155 : i32 to index
      %get3A_157 = arith.constant 16 : index
      %get3A_158 = tpu.vector_load %arg9[%get3A_156, %get3A_157] {strides = array<i32>} : memref<2x640xf32, #tpu.memory_space<vmem>>, vector<16xf32>,
      %sub3A_159 = arith.subf %get3A_150, %get3A_17 : vector<16xf32>
      %mul3A_160 = arith.mulf %broadcast_in_dim3A_29, %sub3A_159 : vector<16xf32>
      %div3A_161 = arith.divf %mul3A_160, %get3A_19 : vector<16xf32>
      %sub3A_162 = arith.subf %get3A_154, %get3A_21 : vector<16xf32>
      %mul3A_163 = arith.mulf %broadcast_in_dim3A_31, %sub3A_162 : vector<16xf32>
      %div3A_164 = arith.divf %mul3A_163, %get3A_23 : vector<16xf32>
      %sub3A_165 = arith.subf %get3A_158, %get3A_25 : vector<16xf32>
      %mul3A_166 = arith.mulf %broadcast_in_dim3A_33, %sub3A_165 : vector<16xf32>
      %div3A_167 = arith.divf %mul3A_166, %get3A_27 : vector<16xf32>
      %convert_element_type3A_168 = arith.fptosi %div3A_161 : vector<16xf32> to vector<16xi32>
      %min3A_169 = arith.minsi %convert_element_type3A_168, %broadcast_in_dim3A_35 : vector<16xi32>
      %convert_element_type3A_170 = arith.fptosi %div3A_164 : vector<16xf32> to vector<16xi32>
      %min3A_171 = arith.minsi %convert_element_type3A_170, %broadcast_in_dim3A_35 : vector<16xi32>
      %sub3A_172 = arith.subi %broadcast_in_dim3A_35, %min3A_171 : vector<16xi32>
      %mul3A_173 = arith.constant 512 : i32
      %mul3A_174 = vector.broadcast %mul3A_173 : i32 to vector<16xi32>
      %mul3A_175 = arith.muli %sub3A_172, %mul3A_174 : vector<16xi32>
      %add3A_176 = arith.addi %mul3A_175, %min3A_169 : vector<16xi32>
      %swap3A_177 = arith.constant 0 : i32
      %swap3A_178 = arith.index_cast %swap3A_177 : i32 to index
      %swap3A_179 = arith.constant 16 : index
      %swap3A_180 = tpu.vector_load %arg10[%swap3A_178, %swap3A_179] {strides = array<i32>} : memref<10x128xi32, #tpu.memory_space<vmem>>, vector<16xi32>,
      tpu.vector_store %arg10[%swap3A_178, %swap3A_179], %add3A_176 {strides = array<i32>} : memref<10x128xi32, #tpu.memory_space<vmem>>, vector<16xi32>,
      %swap3A_181 = arith.constant 0 : i32
      %swap3A_182 = arith.index_cast %swap3A_181 : i32 to index
      %swap3A_183 = arith.constant 16 : index
      %swap3A_184 = tpu.vector_load %arg11[%swap3A_182, %swap3A_183] {strides = array<i32>} : memref<10x128xf32, #tpu.memory_space<vmem>>, vector<16xf32>,
      tpu.vector_store %arg11[%swap3A_182, %swap3A_183], %div3A_167 {strides = array<i32>} : memref<10x128xf32, #tpu.memory_space<vmem>>, vector<16xf32>,
      %get3A_185 = arith.constant 0 : i32
      %get3A_186 = arith.index_cast %get3A_185 : i32 to index
      %get3A_187 = arith.constant 32 : index
      %get3A_188 = tpu.vector_load %arg7[%get3A_186, %get3A_187] {strides = array<i32>} : memref<2x640xf32, #tpu.memory_space<vmem>>, vector<16xf32>,
      %get3A_189 = arith.constant 0 : i32
      %get3A_190 = arith.index_cast %get3A_189 : i32 to index
      %get3A_191 = arith.constant 32 : index
      %get3A_192 = tpu.vector_load %arg8[%get3A_190, %get3A_191] {strides = array<i32>} : memref<2x640xf32, #tpu.memory_space<vmem>>, vector<16xf32>,
      %get3A_193 = arith.constant 0 : i32
      %get3A_194 = arith.index_cast %get3A_193 : i32 to index
      %get3A_195 = arith.constant 32 : index
      %get3A_196 = tpu.vector_load %arg9[%get3A_194, %get3A_195] {strides = array<i32>} : memref<2x640xf32, #tpu.memory_space<vmem>>, vector<16xf32>,
      %sub3A_197 = arith.subf %get3A_188, %get3A_17 : vector<16xf32>
      %mul3A_198 = arith.mulf %broadcast_in_dim3A_29, %sub3A_197 : vector<16xf32>
      %div3A_199 = arith.divf %mul3A_198, %get3A_19 : vector<16xf32>
      %sub3A_200 = arith.subf %get3A_192, %get3A_21 : vector<16xf32>
      %mul3A_201 = arith.mulf %broadcast_in_dim3A_31, %sub3A_200 : vector<16xf32>
      %div3A_202 = arith.divf %mul3A_201, %get3A_23 : vector<16xf32>
      %sub3A_203 = arith.subf %get3A_196, %get3A_25 : vector<16xf32>
      %mul3A_204 = arith.mulf %broadcast_in_dim3A_33, %sub3A_203 : vector<16xf32>
      %div3A_205 = arith.divf %mul3A_204, %get3A_27 : vector<16xf32>
      %convert_element_type3A_206 = arith.fptosi %div3A_199 : vector<16xf32> to vector<16xi32>
      %min3A_207 = arith.minsi %convert_element_type3A_206, %broadcast_in_dim3A_35 : vector<16xi32>
      %convert_element_type3A_208 = arith.fptosi %div3A_202 : vector<16xf32> to vector<16xi32>
      %min3A_209 = arith.minsi %convert_element_type3A_208, %broadcast_in_dim3A_35 : vector<16xi32>
      %sub3A_210 = arith.subi %broadcast_in_dim3A_35, %min3A_209 : vector<16xi32>
      %mul3A_211 = arith.constant 512 : i32
      %mul3A_212 = vector.broadcast %mul3A_211 : i32 to vector<16xi32>
      %mul3A_213 = arith.muli %sub3A_210, %mul3A_212 : vector<16xi32>
      %add3A_214 = arith.addi %mul3A_213, %min3A_207 : vector<16xi32>
      %swap3A_215 = arith.constant 0 : i32
      %swap3A_216 = arith.index_cast %swap3A_215 : i32 to index
      %swap3A_217 = arith.constant 32 : index
      %swap3A_218 = tpu.vector_load %arg10[%swap3A_216, %swap3A_217] {strides = array<i32>} : memref<10x128xi32, #tpu.memory_space<vmem>>, vector<16xi32>,
      tpu.vector_store %arg10[%swap3A_216, %swap3A_217], %add3A_214 {strides = array<i32>} : memref<10x128xi32, #tpu.memory_space<vmem>>, vector<16xi32>,
      %swap3A_219 = arith.constant 0 : i32
      %swap3A_220 = arith.index_cast %swap3A_219 : i32 to index
      %swap3A_221 = arith.constant 32 : index
      %swap3A_222 = tpu.vector_load %arg11[%swap3A_220, %swap3A_221] {strides = array<i32>} : memref<10x128xf32, #tpu.memory_space<vmem>>, vector<16xf32>,
      tpu.vector_store %arg11[%swap3A_220, %swap3A_221], %div3A_205 {strides = array<i32>} : memref<10x128xf32, #tpu.memory_space<vmem>>, vector<16xf32>,
      %get3A_223 = arith.constant 0 : i32
      %get3A_224 = arith.index_cast %get3A_223 : i32 to index
      %get3A_225 = arith.constant 48 : index
      %get3A_226 = tpu.vector_load %arg7[%get3A_224, %get3A_225] {strides = array<i32>} : memref<2x640xf32, #tpu.memory_space<vmem>>, vector<16xf32>,
      %get3A_227 = arith.constant 0 : i32
      %get3A_228 = arith.index_cast %get3A_227 : i32 to index
      %get3A_229 = arith.constant 48 : index
      %get3A_230 = tpu.vector_load %arg8[%get3A_228, %get3A_229] {strides = array<i32>} : memref<2x640xf32, #tpu.memory_space<vmem>>, vector<16xf32>,
      %get3A_231 = arith.constant 0 : i32
      %get3A_232 = arith.index_cast %get3A_231 : i32 to index
      %get3A_233 = arith.constant 48 : index
      %get3A_234 = tpu.vector_load %arg9[%get3A_232, %get3A_233] {strides = array<i32>} : memref<2x640xf32, #tpu.memory_space<vmem>>, vector<16xf32>,
      %sub3A_235 = arith.subf %get3A_226, %get3A_17 : vector<16xf32>
      %mul3A_236 = arith.mulf %broadcast_in_dim3A_29, %sub3A_235 : vector<16xf32>
      %div3A_237 = arith.divf %mul3A_236, %get3A_19 : vector<16xf32>
      %sub3A_238 = arith.subf %get3A_230, %get3A_21 : vector<16xf32>
      %mul3A_239 = arith.mulf %broadcast_in_dim3A_31, %sub3A_238 : vector<16xf32>
      %div3A_240 = arith.divf %mul3A_239, %get3A_23 : vector<16xf32>
      %sub3A_241 = arith.subf %get3A_234, %get3A_25 : vector<16xf32>
      %mul3A_242 = arith.mulf %broadcast_in_dim3A_33, %sub3A_241 : vector<16xf32>
      %div3A_243 = arith.divf %mul3A_242, %get3A_27 : vector<16xf32>
      %convert_element_type3A_244 = arith.fptosi %div3A_237 : vector<16xf32> to vector<16xi32>
      %min3A_245 = arith.minsi %convert_element_type3A_244, %broadcast_in_dim3A_35 : vector<16xi32>
      %convert_element_type3A_246 = arith.fptosi %div3A_240 : vector<16xf32> to vector<16xi32>
      %min3A_247 = arith.minsi %convert_element_type3A_246, %broadcast_in_dim3A_35 : vector<16xi32>
      %sub3A_248 = arith.subi %broadcast_in_dim3A_35, %min3A_247 : vector<16xi32>
      %mul3A_249 = arith.constant 512 : i32
      %mul3A_250 = vector.broadcast %mul3A_249 : i32 to vector<16xi32>
      %mul3A_251 = arith.muli %sub3A_248, %mul3A_250 : vector<16xi32>
      %add3A_252 = arith.addi %mul3A_251, %min3A_245 : vector<16xi32>
      %swap3A_253 = arith.constant 0 : i32
      %swap3A_254 = arith.index_cast %swap3A_253 : i32 to index
      %swap3A_255 = arith.constant 48 : index
      %swap3A_256 = tpu.vector_load %arg10[%swap3A_254, %swap3A_255] {strides = array<i32>} : memref<10x128xi32, #tpu.memory_space<vmem>>, vector<16xi32>,
      tpu.vector_store %arg10[%swap3A_254, %swap3A_255], %add3A_252 {strides = array<i32>} : memref<10x128xi32, #tpu.memory_space<vmem>>, vector<16xi32>,
      %swap3A_257 = arith.constant 0 : i32
      %swap3A_258 = arith.index_cast %swap3A_257 : i32 to index
      %swap3A_259 = arith.constant 48 : index
      %swap3A_260 = tpu.vector_load %arg11[%swap3A_258, %swap3A_259] {strides = array<i32>} : memref<10x128xf32, #tpu.memory_space<vmem>>, vector<16xf32>,
      tpu.vector_store %arg11[%swap3A_258, %swap3A_259], %div3A_243 {strides = array<i32>} : memref<10x128xf32, #tpu.memory_space<vmem>>, vector<16xf32>,
      %get3A_261 = arith.constant 0 : i32
      %get3A_262 = arith.index_cast %get3A_261 : i32 to index
      %get3A_263 = arith.constant 64 : index
      %get3A_264 = tpu.vector_load %arg7[%get3A_262, %get3A_263] {strides = array<i32>} : memref<2x640xf32, #tpu.memory_space<vmem>>, vector<16xf32>,
      %get3A_265 = arith.constant 0 : i32
      %get3A_266 = arith.index_cast %get3A_265 : i32 to index
      %get3A_267 = arith.constant 64 : index
      %get3A_268 = tpu.vector_load %arg8[%get3A_266, %get3A_267] {strides = array<i32>} : memref<2x640xf32, #tpu.memory_space<vmem>>, vector<16xf32>,
      %get3A_269 = arith.constant 0 : i32
      %get3A_270 = arith.index_cast %get3A_269 : i32 to index
      %get3A_271 = arith.constant 64 : index
      %get3A_272 = tpu.vector_load %arg9[%get3A_270, %get3A_271] {strides = array<i32>} : memref<2x640xf32, #tpu.memory_space<vmem>>, vector<16xf32>,
      %sub3A_273 = arith.subf %get3A_264, %get3A_17 : vector<16xf32>
      %mul3A_274 = arith.mulf %broadcast_in_dim3A_29, %sub3A_273 : vector<16xf32>
      %div3A_275 = arith.divf %mul3A_274, %get3A_19 : vector<16xf32>
      %sub3A_276 = arith.subf %get3A_268, %get3A_21 : vector<16xf32>
      %mul3A_277 = arith.mulf %broadcast_in_dim3A_31, %sub3A_276 : vector<16xf32>
      %div3A_278 = arith.divf %mul3A_277, %get3A_23 : vector<16xf32>
      %sub3A_279 = arith.subf %get3A_272, %get3A_25 : vector<16xf32>
      %mul3A_280 = arith.mulf %broadcast_in_dim3A_33, %sub3A_279 : vector<16xf32>
      %div3A_281 = arith.divf %mul3A_280, %get3A_27 : vector<16xf32>
      %convert_element_type3A_282 = arith.fptosi %div3A_275 : vector<16xf32> to vector<16xi32>
      %min3A_283 = arith.minsi %convert_element_type3A_282, %broadcast_in_dim3A_35 : vector<16xi32>
      %convert_element_type3A_284 = arith.fptosi %div3A_278 : vector<16xf32> to vector<16xi32>
      %min3A_285 = arith.minsi %convert_element_type3A_284, %broadcast_in_dim3A_35 : vector<16xi32>
      %sub3A_286 = arith.subi %broadcast_in_dim3A_35, %min3A_285 : vector<16xi32>
      %mul3A_287 = arith.constant 512 : i32
      %mul3A_288 = vector.broadcast %mul3A_287 : i32 to vector<16xi32>
      %mul3A_289 = arith.muli %sub3A_286, %mul3A_288 : vector<16xi32>
      %add3A_290 = arith.addi %mul3A_289, %min3A_283 : vector<16xi32>
      %swap3A_291 = arith.constant 0 : i32
      %swap3A_292 = arith.index_cast %swap3A_291 : i32 to index
      %swap3A_293 = arith.constant 64 : index
      %swap3A_294 = tpu.vector_load %arg10[%swap3A_292, %swap3A_293] {strides = array<i32>} : memref<10x128xi32, #tpu.memory_space<vmem>>, vector<16xi32>,
      tpu.vector_store %arg10[%swap3A_292, %swap3A_293], %add3A_290 {strides = array<i32>} : memref<10x128xi32, #tpu.memory_space<vmem>>, vector<16xi32>,
      %swap3A_295 = arith.constant 0 : i32
      %swap3A_296 = arith.index_cast %swap3A_295 : i32 to index
      %swap3A_297 = arith.constant 64 : index
      %swap3A_298 = tpu.vector_load %arg11[%swap3A_296, %swap3A_297] {strides = array<i32>} : memref<10x128xf32, #tpu.memory_space<vmem>>, vector<16xf32>,
      tpu.vector_store %arg11[%swap3A_296, %swap3A_297], %div3A_281 {strides = array<i32>} : memref<10x128xf32, #tpu.memory_space<vmem>>, vector<16xf32>,
      %get3A_299 = arith.constant 0 : i32
      %get3A_300 = arith.index_cast %get3A_299 : i32 to index
      %get3A_301 = arith.constant 80 : index
      %get3A_302 = tpu.vector_load %arg7[%get3A_300, %get3A_301] {strides = array<i32>} : memref<2x640xf32, #tpu.memory_space<vmem>>, vector<16xf32>,
      %get3A_303 = arith.constant 0 : i32
      %get3A_304 = arith.index_cast %get3A_303 : i32 to index
      %get3A_305 = arith.constant 80 : index
      %get3A_306 = tpu.vector_load %arg8[%get3A_304, %get3A_305] {strides = array<i32>} : memref<2x640xf32, #tpu.memory_space<vmem>>, vector<16xf32>,
      %get3A_307 = arith.constant 0 : i32
      %get3A_308 = arith.index_cast %get3A_307 : i32 to index
      %get3A_309 = arith.constant 80 : index
      %get3A_310 = tpu.vector_load %arg9[%get3A_308, %get3A_309] {strides = array<i32>} : memref<2x640xf32, #tpu.memory_space<vmem>>, vector<16xf32>,
      %sub3A_311 = arith.subf %get3A_302, %get3A_17 : vector<16xf32>
      %mul3A_312 = arith.mulf %broadcast_in_dim3A_29, %sub3A_311 : vector<16xf32>
      %div3A_313 = arith.divf %mul3A_312, %get3A_19 : vector<16xf32>
      %sub3A_314 = arith.subf %get3A_306, %get3A_21 : vector<16xf32>
      %mul3A_315 = arith.mulf %broadcast_in_dim3A_31, %sub3A_314 : vector<16xf32>
      %div3A_316 = arith.divf %mul3A_315, %get3A_23 : vector<16xf32>
      %sub3A_317 = arith.subf %get3A_310, %get3A_25 : vector<16xf32>
      %mul3A_318 = arith.mulf %broadcast_in_dim3A_33, %sub3A_317 : vector<16xf32>
      %div3A_319 = arith.divf %mul3A_318, %get3A_27 : vector<16xf32>
      %convert_element_type3A_320 = arith.fptosi %div3A_313 : vector<16xf32> to vector<16xi32>
      %min3A_321 = arith.minsi %convert_element_type3A_320, %broadcast_in_dim3A_35 : vector<16xi32>
      %convert_element_type3A_322 = arith.fptosi %div3A_316 : vector<16xf32> to vector<16xi32>
      %min3A_323 = arith.minsi %convert_element_type3A_322, %broadcast_in_dim3A_35 : vector<16xi32>
      %sub3A_324 = arith.subi %broadcast_in_dim3A_35, %min3A_323 : vector<16xi32>
      %mul3A_325 = arith.constant 512 : i32
      %mul3A_326 = vector.broadcast %mul3A_325 : i32 to vector<16xi32>
      %mul3A_327 = arith.muli %sub3A_324, %mul3A_326 : vector<16xi32>
      %add3A_328 = arith.addi %mul3A_327, %min3A_321 : vector<16xi32>
      %swap3A_329 = arith.constant 0 : i32
      %swap3A_330 = arith.index_cast %swap3A_329 : i32 to index
      %swap3A_331 = arith.constant 80 : index
      %swap3A_332 = tpu.vector_load %arg10[%swap3A_330, %swap3A_331] {strides = array<i32>} : memref<10x128xi32, #tpu.memory_space<vmem>>, vector<16xi32>,
      tpu.vector_store %arg10[%swap3A_330, %swap3A_331], %add3A_328 {strides = array<i32>} : memref<10x128xi32, #tpu.memory_space<vmem>>, vector<16xi32>,
      %swap3A_333 = arith.constant 0 : i32
      %swap3A_334 = arith.index_cast %swap3A_333 : i32 to index
      %swap3A_335 = arith.constant 80 : index
      %swap3A_336 = tpu.vector_load %arg11[%swap3A_334, %swap3A_335] {strides = array<i32>} : memref<10x128xf32, #tpu.memory_space<vmem>>, vector<16xf32>,
      tpu.vector_store %arg11[%swap3A_334, %swap3A_335], %div3A_319 {strides = array<i32>} : memref<10x128xf32, #tpu.memory_space<vmem>>, vector<16xf32>,
      %get3A_337 = arith.constant 0 : i32
      %get3A_338 = arith.index_cast %get3A_337 : i32 to index
      %get3A_339 = arith.constant 96 : index
      %get3A_340 = tpu.vector_load %arg7[%get3A_338, %get3A_339] {strides = array<i32>} : memref<2x640xf32, #tpu.memory_space<vmem>>, vector<16xf32>,
      %get3A_341 = arith.constant 0 : i32
      %get3A_342 = arith.index_cast %get3A_341 : i32 to index
      %get3A_343 = arith.constant 96 : index
      %get3A_344 = tpu.vector_load %arg8[%get3A_342, %get3A_343] {strides = array<i32>} : memref<2x640xf32, #tpu.memory_space<vmem>>, vector<16xf32>,
      %get3A_345 = arith.constant 0 : i32
      %get3A_346 = arith.index_cast %get3A_345 : i32 to index
      %get3A_347 = arith.constant 96 : index
      %get3A_348 = tpu.vector_load %arg9[%get3A_346, %get3A_347] {strides = array<i32>} : memref<2x640xf32, #tpu.memory_space<vmem>>, vector<16xf32>,
      %sub3A_349 = arith.subf %get3A_340, %get3A_17 : vector<16xf32>
      %mul3A_350 = arith.mulf %broadcast_in_dim3A_29, %sub3A_349 : vector<16xf32>
      %div3A_351 = arith.divf %mul3A_350, %get3A_19 : vector<16xf32>
      %sub3A_352 = arith.subf %get3A_344, %get3A_21 : vector<16xf32>
      %mul3A_353 = arith.mulf %broadcast_in_dim3A_31, %sub3A_352 : vector<16xf32>
      %div3A_354 = arith.divf %mul3A_353, %get3A_23 : vector<16xf32>
      %sub3A_355 = arith.subf %get3A_348, %get3A_25 : vector<16xf32>
      %mul3A_356 = arith.mulf %broadcast_in_dim3A_33, %sub3A_355 : vector<16xf32>
      %div3A_357 = arith.divf %mul3A_356, %get3A_27 : vector<16xf32>
      %convert_element_type3A_358 = arith.fptosi %div3A_351 : vector<16xf32> to vector<16xi32>
      %min3A_359 = arith.minsi %convert_element_type3A_358, %broadcast_in_dim3A_35 : vector<16xi32>
      %convert_element_type3A_360 = arith.fptosi %div3A_354 : vector<16xf32> to vector<16xi32>
      %min3A_361 = arith.minsi %convert_element_type3A_360, %broadcast_in_dim3A_35 : vector<16xi32>
      %sub3A_362 = arith.subi %broadcast_in_dim3A_35, %min3A_361 : vector<16xi32>
      %mul3A_363 = arith.constant 512 : i32
      %mul3A_364 = vector.broadcast %mul3A_363 : i32 to vector<16xi32>
      %mul3A_365 = arith.muli %sub3A_362, %mul3A_364 : vector<16xi32>
      %add3A_366 = arith.addi %mul3A_365, %min3A_359 : vector<16xi32>
      %swap3A_367 = arith.constant 0 : i32
      %swap3A_368 = arith.index_cast %swap3A_367 : i32 to index
      %swap3A_369 = arith.constant 96 : index
      %swap3A_370 = tpu.vector_load %arg10[%swap3A_368, %swap3A_369] {strides = array<i32>} : memref<10x128xi32, #tpu.memory_space<vmem>>, vector<16xi32>,
      tpu.vector_store %arg10[%swap3A_368, %swap3A_369], %add3A_366 {strides = array<i32>} : memref<10x128xi32, #tpu.memory_space<vmem>>, vector<16xi32>,
      %swap3A_371 = arith.constant 0 : i32
      %swap3A_372 = arith.index_cast %swap3A_371 : i32 to index
      %swap3A_373 = arith.constant 96 : index
      %swap3A_374 = tpu.vector_load %arg11[%swap3A_372, %swap3A_373] {strides = array<i32>} : memref<10x128xf32, #tpu.memory_space<vmem>>, vector<16xf32>,
      tpu.vector_store %arg11[%swap3A_372, %swap3A_373], %div3A_357 {strides = array<i32>} : memref<10x128xf32, #tpu.memory_space<vmem>>, vector<16xf32>,
      %get3A_375 = arith.constant 0 : i32
      %get3A_376 = arith.index_cast %get3A_375 : i32 to index
      %get3A_377 = arith.constant 112 : index
      %get3A_378 = tpu.vector_load %arg7[%get3A_376, %get3A_377] {strides = array<i32>} : memref<2x640xf32, #tpu.memory_space<vmem>>, vector<16xf32>,
      %get3A_379 = arith.constant 0 : i32
      %get3A_380 = arith.index_cast %get3A_379 : i32 to index
      %get3A_381 = arith.constant 112 : index
      %get3A_382 = tpu.vector_load %arg8[%get3A_380, %get3A_381] {strides = array<i32>} : memref<2x640xf32, #tpu.memory_space<vmem>>, vector<16xf32>,
      %get3A_383 = arith.constant 0 : i32
      %get3A_384 = arith.index_cast %get3A_383 : i32 to index
      %get3A_385 = arith.constant 112 : index
      %get3A_386 = tpu.vector_load %arg9[%get3A_384, %get3A_385] {strides = array<i32>} : memref<2x640xf32, #tpu.memory_space<vmem>>, vector<16xf32>,
      %sub3A_387 = arith.subf %get3A_378, %get3A_17 : vector<16xf32>
      %mul3A_388 = arith.mulf %broadcast_in_dim3A_29, %sub3A_387 : vector<16xf32>
      %div3A_389 = arith.divf %mul3A_388, %get3A_19 : vector<16xf32>
      %sub3A_390 = arith.subf %get3A_382, %get3A_21 : vector<16xf32>
      %mul3A_391 = arith.mulf %broadcast_in_dim3A_31, %sub3A_390 : vector<16xf32>
      %div3A_392 = arith.divf %mul3A_391, %get3A_23 : vector<16xf32>
      %sub3A_393 = arith.subf %get3A_386, %get3A_25 : vector<16xf32>
      %mul3A_394 = arith.mulf %broadcast_in_dim3A_33, %sub3A_393 : vector<16xf32>
      %div3A_395 = arith.divf %mul3A_394, %get3A_27 : vector<16xf32>
      %convert_element_type3A_396 = arith.fptosi %div3A_389 : vector<16xf32> to vector<16xi32>
      %min3A_397 = arith.minsi %convert_element_type3A_396, %broadcast_in_dim3A_35 : vector<16xi32>
      %convert_element_type3A_398 = arith.fptosi %div3A_392 : vector<16xf32> to vector<16xi32>
      %min3A_399 = arith.minsi %convert_element_type3A_398, %broadcast_in_dim3A_35 : vector<16xi32>
      %sub3A_400 = arith.subi %broadcast_in_dim3A_35, %min3A_399 : vector<16xi32>
      %mul3A_401 = arith.constant 512 : i32
      %mul3A_402 = vector.broadcast %mul3A_401 : i32 to vector<16xi32>
      %mul3A_403 = arith.muli %sub3A_400, %mul3A_402 : vector<16xi32>
      %add3A_404 = arith.addi %mul3A_403, %min3A_397 : vector<16xi32>
      %swap3A_405 = arith.constant 0 : i32
      %swap3A_406 = arith.index_cast %swap3A_405 : i32 to index
      %swap3A_407 = arith.constant 112 : index
      %swap3A_408 = tpu.vector_load %arg10[%swap3A_406, %swap3A_407] {strides = array<i32>} : memref<10x128xi32, #tpu.memory_space<vmem>>, vector<16xi32>,
      tpu.vector_store %arg10[%swap3A_406, %swap3A_407], %add3A_404 {strides = array<i32>} : memref<10x128xi32, #tpu.memory_space<vmem>>, vector<16xi32>,
      %swap3A_409 = arith.constant 0 : i32
      %swap3A_410 = arith.index_cast %swap3A_409 : i32 to index
      %swap3A_411 = arith.constant 112 : index
      %swap3A_412 = tpu.vector_load %arg11[%swap3A_410, %swap3A_411] {strides = array<i32>} : memref<10x128xf32, #tpu.memory_space<vmem>>, vector<16xf32>,
      tpu.vector_store %arg11[%swap3A_410, %swap3A_411], %div3A_395 {strides = array<i32>} : memref<10x128xf32, #tpu.memory_space<vmem>>, vector<16xf32>,
      %dma_start3A_413 = arith.constant 0 : i32
      %dma_start3A_414 = arith.constant 0 : i32
      %dma_start3A_415 = arith.constant 0 : i32
      %dma_start3A_416 = tpu.memref_slice %arg11[%dma_start3A_413, %dma_start3A_415] : memref<10x128xf32, #tpu.memory_space<vmem>> -> memref<1x128xf32, #tpu.memory_space<vmem>>
      %dma_start3A_417 = tpu.memref_squeeze %dma_start3A_416 : memref<1x128xf32, #tpu.memory_space<vmem>> -> memref<128xf32, #tpu.memory_space<vmem>>
      %dma_start3A_418 = arith.constant 0 : i32
      %dma_start3A_419 = tpu.memref_slice %arg10[%dma_start3A_414, %dma_start3A_418] : memref<10x128xi32, #tpu.memory_space<vmem>> -> memref<1x128xi32, #tpu.memory_space<vmem>>
      %dma_start3A_420 = tpu.memref_squeeze %dma_start3A_419 : memref<1x128xi32, #tpu.memory_space<vmem>> -> memref<128xi32, #tpu.memory_space<vmem>>
      %dma_start3A_421 = arith.constant 0 : i32
      %dma_start3A_422 = tpu.memref_slice %arg15[%dma_start3A_421] : memref<262144xf32, #tpu.memory_space<vmem_shared>> -> memref<262144xf32, #tpu.memory_space<vmem_shared>>
      tpu.enqueue_indirect_dma source(%dma_start3A_417 : memref<128xf32, #tpu.memory_space<vmem>>) target(%dma_start3A_422 : memref<262144xf32, #tpu.memory_space<vmem_shared>>) offsets(%dma_start3A_420 : memref<128xi32, #tpu.memory_space<vmem>>) semaphore(%arg19 : memref<!tpu.dma_semaphore, #tpu.memory_space<semaphore_mem>>) {add = true}
      %dma_start3A_423 = arith.constant 0 : i32
      %dma_start3A_424 = arith.constant 0 : i32
      %dma_start3A_425 = tpu.memref_slice %arg10[%dma_start3A_423, %dma_start3A_424] : memref<10x128xi32, #tpu.memory_space<vmem>> -> memref<1x128xi32, #tpu.memory_space<vmem>>
      %dma_start3A_426 = tpu.memref_squeeze %dma_start3A_425 : memref<1x128xi32, #tpu.memory_space<vmem>> -> memref<128xi32, #tpu.memory_space<vmem>>
      %dma_start3A_427 = arith.constant 0 : i32
      %dma_start3A_428 = tpu.memref_slice %arg16[%dma_start3A_427] : memref<262144xf32, #tpu.memory_space<vmem_shared>> -> memref<262144xf32, #tpu.memory_space<vmem_shared>>
      tpu.enqueue_indirect_dma source(%arg12 : memref<128xf32, #tpu.memory_space<vmem>>) target(%dma_start3A_428 : memref<262144xf32, #tpu.memory_space<vmem_shared>>) offsets(%dma_start3A_426 : memref<128xi32, #tpu.memory_space<vmem>>) semaphore(%arg19 : memref<!tpu.dma_semaphore, #tpu.memory_space<semaphore_mem>>) {add = true}
      %get3A_429 = arith.constant 0 : i32
      %get3A_430 = arith.index_cast %get3A_429 : i32 to index
      %get3A_431 = arith.constant 128 : index
      %get3A_432 = tpu.vector_load %arg7[%get3A_430, %get3A_431] {strides = array<i32>} : memref<2x640xf32, #tpu.memory_space<vmem>>, vector<16xf32>,
      %get3A_433 = arith.constant 0 : i32
      %get3A_434 = arith.index_cast %get3A_433 : i32 to index
      %get3A_435 = arith.constant 128 : index
      %get3A_436 = tpu.vector_load %arg8[%get3A_434, %get3A_435] {strides = array<i32>} : memref<2x640xf32, #tpu.memory_space<vmem>>, vector<16xf32>,
      %get3A_437 = arith.constant 0 : i32
      %get3A_438 = arith.index_cast %get3A_437 : i32 to index
      %get3A_439 = arith.constant 128 : index
      %get3A_440 = tpu.vector_load %arg9[%get3A_438, %get3A_439] {strides = array<i32>} : memref<2x640xf32, #tpu.memory_space<vmem>>, vector<16xf32>,
      %sub3A_441 = arith.subf %get3A_432, %get3A_17 : vector<16xf32>
      %mul3A_442 = arith.mulf %broadcast_in_dim3A_29, %sub3A_441 : vector<16xf32>
      %div3A_443 = arith.divf %mul3A_442, %get3A_19 : vector<16xf32>
      %sub3A_444 = arith.subf %get3A_436, %get3A_21 : vector<16xf32>
      %mul3A_445 = arith.mulf %broadcast_in_dim3A_31, %sub3A_444 : vector<16xf32>
      %div3A_446 = arith.divf %mul3A_445, %get3A_23 : vector<16xf32>
      %sub3A_447 = arith.subf %get3A_440, %get3A_25 : vector<16xf32>
      %mul3A_448 = arith.mulf %broadcast_in_dim3A_33, %sub3A_447 : vector<16xf32>
      %div3A_449 = arith.divf %mul3A_448, %get3A_27 : vector<16xf32>
      %convert_element_type3A_450 = arith.fptosi %div3A_443 : vector<16xf32> to vector<16xi32>
      %min3A_451 = arith.minsi %convert_element_type3A_450, %broadcast_in_dim3A_35 : vector<16xi32>
      %convert_element_type3A_452 = arith.fptosi %div3A_446 : vector<16xf32> to vector<16xi32>
      %min3A_453 = arith.minsi %convert_element_type3A_452, %broadcast_in_dim3A_35 : vector<16xi32>
      %sub3A_454 = arith.subi %broadcast_in_dim3A_35, %min3A_453 : vector<16xi32>
      %mul3A_455 = arith.constant 512 : i32
      %mul3A_456 = vector.broadcast %mul3A_455 : i32 to vector<16xi32>
      %mul3A_457 = arith.muli %sub3A_454, %mul3A_456 : vector<16xi32>
      %add3A_458 = arith.addi %mul3A_457, %min3A_451 : vector<16xi32>
      %swap3A_459 = arith.constant 1 : i32
      %swap3A_460 = arith.index_cast %swap3A_459 : i32 to index
      %swap3A_461 = arith.constant 0 : index
      %swap3A_462 = tpu.vector_load %arg10[%swap3A_460, %swap3A_461] {strides = array<i32>} : memref<10x128xi32, #tpu.memory_space<vmem>>, vector<16xi32>,
      tpu.vector_store %arg10[%swap3A_460, %swap3A_461], %add3A_458 {strides = array<i32>} : memref<10x128xi32, #tpu.memory_space<vmem>>, vector<16xi32>,
      %swap3A_463 = arith.constant 1 : i32
      %swap3A_464 = arith.index_cast %swap3A_463 : i32 to index
      %swap3A_465 = arith.constant 0 : index
      %swap3A_466 = tpu.vector_load %arg11[%swap3A_464, %swap3A_465] {strides = array<i32>} : memref<10x128xf32, #tpu.memory_space<vmem>>, vector<16xf32>,
      tpu.vector_store %arg11[%swap3A_464, %swap3A_465], %div3A_449 {strides = array<i32>} : memref<10x128xf32, #tpu.memory_space<vmem>>, vector<16xf32>,
      %get3A_467 = arith.constant 0 : i32
      %get3A_468 = arith.index_cast %get3A_467 : i32 to index
      %get3A_469 = arith.constant 144 : index
      %get3A_470 = tpu.vector_load %arg7[%get3A_468, %get3A_469] {strides = array<i32>} : memref<2x640xf32, #tpu.memory_space<vmem>>, vector<16xf32>,
      %get3A_471 = arith.constant 0 : i32
      %get3A_472 = arith.index_cast %get3A_471 : i32 to index
      %get3A_473 = arith.constant 144 : index
      %get3A_474 = tpu.vector_load %arg8[%get3A_472, %get3A_473] {strides = array<i32>} : memref<2x640xf32, #tpu.memory_space<vmem>>, vector<16xf32>,
      %get3A_475 = arith.constant 0 : i32
      %get3A_476 = arith.index_cast %get3A_475 : i32 to index
      %get3A_477 = arith.constant 144 : index
      %get3A_478 = tpu.vector_load %arg9[%get3A_476, %get3A_477] {strides = array<i32>} : memref<2x640xf32, #tpu.memory_space<vmem>>, vector<16xf32>,
      %sub3A_479 = arith.subf %get3A_470, %get3A_17 : vector<16xf32>
      %mul3A_480 = arith.mulf %broadcast_in_dim3A_29, %sub3A_479 : vector<16xf32>
      %div3A_481 = arith.divf %mul3A_480, %get3A_19 : vector<16xf32>
      %sub3A_482 = arith.subf %get3A_474, %get3A_21 : vector<16xf32>
      %mul3A_483 = arith.mulf %broadcast_in_dim3A_31, %sub3A_482 : vector<16xf32>
      %div3A_484 = arith.divf %mul3A_483, %get3A_23 : vector<16xf32>
      %sub3A_485 = arith.subf %get3A_478, %get3A_25 : vector<16xf32>
      %mul3A_486 = arith.mulf %broadcast_in_dim3A_33, %sub3A_485 : vector<16xf32>
      %div3A_487 = arith.divf %mul3A_486, %get3A_27 : vector<16xf32>
      %convert_element_type3A_488 = arith.fptosi %div3A_481 : vector<16xf32> to vector<16xi32>
      %min3A_489 = arith.minsi %convert_element_type3A_488, %broadcast_in_dim3A_35 : vector<16xi32>
      %convert_element_type3A_490 = arith.fptosi %div3A_484 : vector<16xf32> to vector<16xi32>
      %min3A_491 = arith.minsi %convert_element_type3A_490, %broadcast_in_dim3A_35 : vector<16xi32>
      %sub3A_492 = arith.subi %broadcast_in_dim3A_35, %min3A_491 : vector<16xi32>
      %mul3A_493 = arith.constant 512 : i32
      %mul3A_494 = vector.broadcast %mul3A_493 : i32 to vector<16xi32>
      %mul3A_495 = arith.muli %sub3A_492, %mul3A_494 : vector<16xi32>
      %add3A_496 = arith.addi %mul3A_495, %min3A_489 : vector<16xi32>
      %swap3A_497 = arith.constant 1 : i32
      %swap3A_498 = arith.index_cast %swap3A_497 : i32 to index
      %swap3A_499 = arith.constant 16 : index
      %swap3A_500 = tpu.vector_load %arg10[%swap3A_498, %swap3A_499] {strides = array<i32>} : memref<10x128xi32, #tpu.memory_space<vmem>>, vector<16xi32>,
      tpu.vector_store %arg10[%swap3A_498, %swap3A_499], %add3A_496 {strides = array<i32>} : memref<10x128xi32, #tpu.memory_space<vmem>>, vector<16xi32>,
      %swap3A_501 = arith.constant 1 : i32
      %swap3A_502 = arith.index_cast %swap3A_501 : i32 to index
      %swap3A_503 = arith.constant 16 : index
      %swap3A_504 = tpu.vector_load %arg11[%swap3A_502, %swap3A_503] {strides = array<i32>} : memref<10x128xf32, #tpu.memory_space<vmem>>, vector<16xf32>,
      tpu.vector_store %arg11[%swap3A_502, %swap3A_503], %div3A_487 {strides = array<i32>} : memref<10x128xf32, #tpu.memory_space<vmem>>, vector<16xf32>,
      %get3A_505 = arith.constant 0 : i32
      %get3A_506 = arith.index_cast %get3A_505 : i32 to index
      %get3A_507 = arith.constant 160 : index
      %get3A_508 = tpu.vector_load %arg7[%get3A_506, %get3A_507] {strides = array<i32>} : memref<2x640xf32, #tpu.memory_space<vmem>>, vector<16xf32>,
      %get3A_509 = arith.constant 0 : i32
      %get3A_510 = arith.index_cast %get3A_509 : i32 to index
      %get3A_511 = arith.constant 160 : index
      %get3A_512 = tpu.vector_load %arg8[%get3A_510, %get3A_511] {strides = array<i32>} : memref<2x640xf32, #tpu.memory_space<vmem>>, vector<16xf32>,
      %get3A_513 = arith.constant 0 : i32
      %get3A_514 = arith.index_cast %get3A_513 : i32 to index
      %get3A_515 = arith.constant 160 : index
      %get3A_516 = tpu.vector_load %arg9[%get3A_514, %get3A_515] {strides = array<i32>} : memref<2x640xf32, #tpu.memory_space<vmem>>, vector<16xf32>,
      %sub3A_517 = arith.subf %get3A_508, %get3A_17 : vector<16xf32>
      %mul3A_518 = arith.mulf %broadcast_in_dim3A_29, %sub3A_517 : vector<16xf32>
      %div3A_519 = arith.divf %mul3A_518, %get3A_19 : vector<16xf32>
      %sub3A_520 = arith.subf %get3A_512, %get3A_21 : vector<16xf32>
      %mul3A_521 = arith.mulf %broadcast_in_dim3A_31, %sub3A_520 : vector<16xf32>
      %div3A_522 = arith.divf %mul3A_521, %get3A_23 : vector<16xf32>
      %sub3A_523 = arith.subf %get3A_516, %get3A_25 : vector<16xf32>
      %mul3A_524 = arith.mulf %broadcast_in_dim3A_33, %sub3A_523 : vector<16xf32>
      %div3A_525 = arith.divf %mul3A_524, %get3A_27 : vector<16xf32>
      %convert_element_type3A_526 = arith.fptosi %div3A_519 : vector<16xf32> to vector<16xi32>
      %min3A_527 = arith.minsi %convert_element_type3A_526, %broadcast_in_dim3A_35 : vector<16xi32>
      %convert_element_type3A_528 = arith.fptosi %div3A_522 : vector<16xf32> to vector<16xi32>
      %min3A_529 = arith.minsi %convert_element_type3A_528, %broadcast_in_dim3A_35 : vector<16xi32>
      %sub3A_530 = arith.subi %broadcast_in_dim3A_35, %min3A_529 : vector<16xi32>
      %mul3A_531 = arith.constant 512 : i32
      %mul3A_532 = vector.broadcast %mul3A_531 : i32 to vector<16xi32>
      %mul3A_533 = arith.muli %sub3A_530, %mul3A_532 : vector<16xi32>
      %add3A_534 = arith.addi %mul3A_533, %min3A_527 : vector<16xi32>
      %swap3A_535 = arith.constant 1 : i32
      %swap3A_536 = arith.index_cast %swap3A_535 : i32 to index
      %swap3A_537 = arith.constant 32 : index
      %swap3A_538 = tpu.vector_load %arg10[%swap3A_536, %swap3A_537] {strides = array<i32>} : memref<10x128xi32, #tpu.memory_space<vmem>>, vector<16xi32>,
      tpu.vector_store %arg10[%swap3A_536, %swap3A_537], %add3A_534 {strides = array<i32>} : memref<10x128xi32, #tpu.memory_space<vmem>>, vector<16xi32>,
      %swap3A_539 = arith.constant 1 : i32
      %swap3A_540 = arith.index_cast %swap3A_539 : i32 to index
      %swap3A_541 = arith.constant 32 : index
      %swap3A_542 = tpu.vector_load %arg11[%swap3A_540, %swap3A_541] {strides = array<i32>} : memref<10x128xf32, #tpu.memory_space<vmem>>, vector<16xf32>,
      tpu.vector_store %arg11[%swap3A_540, %swap3A_541], %div3A_525 {strides = array<i32>} : memref<10x128xf32, #tpu.memory_space<vmem>>, vector<16xf32>,
      %get3A_543 = arith.constant 0 : i32
      %get3A_544 = arith.index_cast %get3A_543 : i32 to index
      %get3A_545 = arith.constant 176 : index
      %get3A_546 = tpu.vector_load %arg7[%get3A_544, %get3A_545] {strides = array<i32>} : memref<2x640xf32, #tpu.memory_space<vmem>>, vector<16xf32>,
      %get3A_547 = arith.constant 0 : i32
      %get3A_548 = arith.index_cast %get3A_547 : i32 to index
      %get3A_549 = arith.constant 176 : index
      %get3A_550 = tpu.vector_load %arg8[%get3A_548, %get3A_549] {strides = array<i32>} : memref<2x640xf32, #tpu.memory_space<vmem>>, vector<16xf32>,
      %get3A_551 = arith.constant 0 : i32
      %get3A_552 = arith.index_cast %get3A_551 : i32 to index
      %get3A_553 = arith.constant 176 : index
      %get3A_554 = tpu.vector_load %arg9[%get3A_552, %get3A_553] {strides = array<i32>} : memref<2x640xf32, #tpu.memory_space<vmem>>, vector<16xf32>,
      %sub3A_555 = arith.subf %get3A_546, %get3A_17 : vector<16xf32>
      %mul3A_556 = arith.mulf %broadcast_in_dim3A_29, %sub3A_555 : vector<16xf32>
      %div3A_557 = arith.divf %mul3A_556, %get3A_19 : vector<16xf32>
      %sub3A_558 = arith.subf %get3A_550, %get3A_21 : vector<16xf32>
      %mul3A_559 = arith.mulf %broadcast_in_dim3A_31, %sub3A_558 : vector<16xf32>
      %div3A_560 = arith.divf %mul3A_559, %get3A_23 : vector<16xf32>
      %sub3A_561 = arith.subf %get3A_554, %get3A_25 : vector<16xf32>
      %mul3A_562 = arith.mulf %broadcast_in_dim3A_33, %sub3A_561 : vector<16xf32>
      %div3A_563 = arith.divf %mul3A_562, %get3A_27 : vector<16xf32>
      %convert_element_type3A_564 = arith.fptosi %div3A_557 : vector<16xf32> to vector<16xi32>
      %min3A_565 = arith.minsi %convert_element_type3A_564, %broadcast_in_dim3A_35 : vector<16xi32>
      %convert_element_type3A_566 = arith.fptosi %div3A_560 : vector<16xf32> to vector<16xi32>
      %min3A_567 = arith.minsi %convert_element_type3A_566, %broadcast_in_dim3A_35 : vector<16xi32>
      %sub3A_568 = arith.subi %broadcast_in_dim3A_35, %min3A_567 : vector<16xi32>
      %mul3A_569 = arith.constant 512 : i32
      %mul3A_570 = vector.broadcast %mul3A_569 : i32 to vector<16xi32>
      %mul3A_571 = arith.muli %sub3A_568, %mul3A_570 : vector<16xi32>
      %add3A_572 = arith.addi %mul3A_571, %min3A_565 : vector<16xi32>
      %swap3A_573 = arith.constant 1 : i32
      %swap3A_574 = arith.index_cast %swap3A_573 : i32 to index
      %swap3A_575 = arith.constant 48 : index
      %swap3A_576 = tpu.vector_load %arg10[%swap3A_574, %swap3A_575] {strides = array<i32>} : memref<10x128xi32, #tpu.memory_space<vmem>>, vector<16xi32>,
      tpu.vector_store %arg10[%swap3A_574, %swap3A_575], %add3A_572 {strides = array<i32>} : memref<10x128xi32, #tpu.memory_space<vmem>>, vector<16xi32>,
      %swap3A_577 = arith.constant 1 : i32
      %swap3A_578 = arith.index_cast %swap3A_577 : i32 to index
      %swap3A_579 = arith.constant 48 : index
      %swap3A_580 = tpu.vector_load %arg11[%swap3A_578, %swap3A_579] {strides = array<i32>} : memref<10x128xf32, #tpu.memory_space<vmem>>, vector<16xf32>,
      tpu.vector_store %arg11[%swap3A_578, %swap3A_579], %div3A_563 {strides = array<i32>} : memref<10x128xf32, #tpu.memory_space<vmem>>, vector<16xf32>,
      %get3A_581 = arith.constant 0 : i32
      %get3A_582 = arith.index_cast %get3A_581 : i32 to index
      %get3A_583 = arith.constant 192 : index
      %get3A_584 = tpu.vector_load %arg7[%get3A_582, %get3A_583] {strides = array<i32>} : memref<2x640xf32, #tpu.memory_space<vmem>>, vector<16xf32>,
      %get3A_585 = arith.constant 0 : i32
      %get3A_586 = arith.index_cast %get3A_585 : i32 to index
      %get3A_587 = arith.constant 192 : index
      %get3A_588 = tpu.vector_load %arg8[%get3A_586, %get3A_587] {strides = array<i32>} : memref<2x640xf32, #tpu.memory_space<vmem>>, vector<16xf32>,
      %get3A_589 = arith.constant 0 : i32
      %get3A_590 = arith.index_cast %get3A_589 : i32 to index
      %get3A_591 = arith.constant 192 : index
      %get3A_592 = tpu.vector_load %arg9[%get3A_590, %get3A_591] {strides = array<i32>} : memref<2x640xf32, #tpu.memory_space<vmem>>, vector<16xf32>,
      %sub3A_593 = arith.subf %get3A_584, %get3A_17 : vector<16xf32>
      %mul3A_594 = arith.mulf %broadcast_in_dim3A_29, %sub3A_593 : vector<16xf32>
      %div3A_595 = arith.divf %mul3A_594, %get3A_19 : vector<16xf32>
      %sub3A_596 = arith.subf %get3A_588, %get3A_21 : vector<16xf32>
      %mul3A_597 = arith.mulf %broadcast_in_dim3A_31, %sub3A_596 : vector<16xf32>
      %div3A_598 = arith.divf %mul3A_597, %get3A_23 : vector<16xf32>
      %sub3A_599 = arith.subf %get3A_592, %get3A_25 : vector<16xf32>
      %mul3A_600 = arith.mulf %broadcast_in_dim3A_33, %sub3A_599 : vector<16xf32>
      %div3A_601 = arith.divf %mul3A_600, %get3A_27 : vector<16xf32>
      %convert_element_type3A_602 = arith.fptosi %div3A_595 : vector<16xf32> to vector<16xi32>
      %min3A_603 = arith.minsi %convert_element_type3A_602, %broadcast_in_dim3A_35 : vector<16xi32>
      %convert_element_type3A_604 = arith.fptosi %div3A_598 : vector<16xf32> to vector<16xi32>
      %min3A_605 = arith.minsi %convert_element_type3A_604, %broadcast_in_dim3A_35 : vector<16xi32>
      %sub3A_606 = arith.subi %broadcast_in_dim3A_35, %min3A_605 : vector<16xi32>
      %mul3A_607 = arith.constant 512 : i32
      %mul3A_608 = vector.broadcast %mul3A_607 : i32 to vector<16xi32>
      %mul3A_609 = arith.muli %sub3A_606, %mul3A_608 : vector<16xi32>
      %add3A_610 = arith.addi %mul3A_609, %min3A_603 : vector<16xi32>
      %swap3A_611 = arith.constant 1 : i32
      %swap3A_612 = arith.index_cast %swap3A_611 : i32 to index
      %swap3A_613 = arith.constant 64 : index
      %swap3A_614 = tpu.vector_load %arg10[%swap3A_612, %swap3A_613] {strides = array<i32>} : memref<10x128xi32, #tpu.memory_space<vmem>>, vector<16xi32>,
      tpu.vector_store %arg10[%swap3A_612, %swap3A_613], %add3A_610 {strides = array<i32>} : memref<10x128xi32, #tpu.memory_space<vmem>>, vector<16xi32>,
      %swap3A_615 = arith.constant 1 : i32
      %swap3A_616 = arith.index_cast %swap3A_615 : i32 to index
      %swap3A_617 = arith.constant 64 : index
      %swap3A_618 = tpu.vector_load %arg11[%swap3A_616, %swap3A_617] {strides = array<i32>} : memref<10x128xf32, #tpu.memory_space<vmem>>, vector<16xf32>,
      tpu.vector_store %arg11[%swap3A_616, %swap3A_617], %div3A_601 {strides = array<i32>} : memref<10x128xf32, #tpu.memory_space<vmem>>, vector<16xf32>,
      %get3A_619 = arith.constant 0 : i32
      %get3A_620 = arith.index_cast %get3A_619 : i32 to index
      %get3A_621 = arith.constant 208 : index
      %get3A_622 = tpu.vector_load %arg7[%get3A_620, %get3A_621] {strides = array<i32>} : memref<2x640xf32, #tpu.memory_space<vmem>>, vector<16xf32>,
      %get3A_623 = arith.constant 0 : i32
      %get3A_624 = arith.index_cast %get3A_623 : i32 to index
      %get3A_625 = arith.constant 208 : index
      %get3A_626 = tpu.vector_load %arg8[%get3A_624, %get3A_625] {strides = array<i32>} : memref<2x640xf32, #tpu.memory_space<vmem>>, vector<16xf32>,
      %get3A_627 = arith.constant 0 : i32
      %get3A_628 = arith.index_cast %get3A_627 : i32 to index
      %get3A_629 = arith.constant 208 : index
      %get3A_630 = tpu.vector_load %arg9[%get3A_628, %get3A_629] {strides = array<i32>} : memref<2x640xf32, #tpu.memory_space<vmem>>, vector<16xf32>,
      %sub3A_631 = arith.subf %get3A_622, %get3A_17 : vector<16xf32>
      %mul3A_632 = arith.mulf %broadcast_in_dim3A_29, %sub3A_631 : vector<16xf32>
      %div3A_633 = arith.divf %mul3A_632, %get3A_19 : vector<16xf32>
      %sub3A_634 = arith.subf %get3A_626, %get3A_21 : vector<16xf32>
      %mul3A_635 = arith.mulf %broadcast_in_dim3A_31, %sub3A_634 : vector<16xf32>
      %div3A_636 = arith.divf %mul3A_635, %get3A_23 : vector<16xf32>
      %sub3A_637 = arith.subf %get3A_630, %get3A_25 : vector<16xf32>
      %mul3A_638 = arith.mulf %broadcast_in_dim3A_33, %sub3A_637 : vector<16xf32>
      %div3A_639 = arith.divf %mul3A_638, %get3A_27 : vector<16xf32>
      %convert_element_type3A_640 = arith.fptosi %div3A_633 : vector<16xf32> to vector<16xi32>
      %min3A_641 = arith.minsi %convert_element_type3A_640, %broadcast_in_dim3A_35 : vector<16xi32>
      %convert_element_type3A_642 = arith.fptosi %div3A_636 : vector<16xf32> to vector<16xi32>
      %min3A_643 = arith.minsi %convert_element_type3A_642, %broadcast_in_dim3A_35 : vector<16xi32>
      %sub3A_644 = arith.subi %broadcast_in_dim3A_35, %min3A_643 : vector<16xi32>
      %mul3A_645 = arith.constant 512 : i32
      %mul3A_646 = vector.broadcast %mul3A_645 : i32 to vector<16xi32>
      %mul3A_647 = arith.muli %sub3A_644, %mul3A_646 : vector<16xi32>
      %add3A_648 = arith.addi %mul3A_647, %min3A_641 : vector<16xi32>
      %swap3A_649 = arith.constant 1 : i32
      %swap3A_650 = arith.index_cast %swap3A_649 : i32 to index
      %swap3A_651 = arith.constant 80 : index
      %swap3A_652 = tpu.vector_load %arg10[%swap3A_650, %swap3A_651] {strides = array<i32>} : memref<10x128xi32, #tpu.memory_space<vmem>>, vector<16xi32>,
      tpu.vector_store %arg10[%swap3A_650, %swap3A_651], %add3A_648 {strides = array<i32>} : memref<10x128xi32, #tpu.memory_space<vmem>>, vector<16xi32>,
      %swap3A_653 = arith.constant 1 : i32
      %swap3A_654 = arith.index_cast %swap3A_653 : i32 to index
      %swap3A_655 = arith.constant 80 : index
      %swap3A_656 = tpu.vector_load %arg11[%swap3A_654, %swap3A_655] {strides = array<i32>} : memref<10x128xf32, #tpu.memory_space<vmem>>, vector<16xf32>,
      tpu.vector_store %arg11[%swap3A_654, %swap3A_655], %div3A_639 {strides = array<i32>} : memref<10x128xf32, #tpu.memory_space<vmem>>, vector<16xf32>,
      %get3A_657 = arith.constant 0 : i32
      %get3A_658 = arith.index_cast %get3A_657 : i32 to index
      %get3A_659 = arith.constant 224 : index
      %get3A_660 = tpu.vector_load %arg7[%get3A_658, %get3A_659] {strides = array<i32>} : memref<2x640xf32, #tpu.memory_space<vmem>>, vector<16xf32>,
      %get3A_661 = arith.constant 0 : i32
      %get3A_662 = arith.index_cast %get3A_661 : i32 to index
      %get3A_663 = arith.constant 224 : index
      %get3A_664 = tpu.vector_load %arg8[%get3A_662, %get3A_663] {strides = array<i32>} : memref<2x640xf32, #tpu.memory_space<vmem>>, vector<16xf32>,
      %get3A_665 = arith.constant 0 : i32
      %get3A_666 = arith.index_cast %get3A_665 : i32 to index
      %get3A_667 = arith.constant 224 : index
      %get3A_668 = tpu.vector_load %arg9[%get3A_666, %get3A_667] {strides = array<i32>} : memref<2x640xf32, #tpu.memory_space<vmem>>, vector<16xf32>,
      %sub3A_669 = arith.subf %get3A_660, %get3A_17 : vector<16xf32>
      %mul3A_670 = arith.mulf %broadcast_in_dim3A_29, %sub3A_669 : vector<16xf32>
      %div3A_671 = arith.divf %mul3A_670, %get3A_19 : vector<16xf32>
      %sub3A_672 = arith.subf %get3A_664, %get3A_21 : vector<16xf32>
      %mul3A_673 = arith.mulf %broadcast_in_dim3A_31, %sub3A_672 : vector<16xf32>
      %div3A_674 = arith.divf %mul3A_673, %get3A_23 : vector<16xf32>
      %sub3A_675 = arith.subf %get3A_668, %get3A_25 : vector<16xf32>
      %mul3A_676 = arith.mulf %broadcast_in_dim3A_33, %sub3A_675 : vector<16xf32>
      %div3A_677 = arith.divf %mul3A_676, %get3A_27 : vector<16xf32>
      %convert_element_type3A_678 = arith.fptosi %div3A_671 : vector<16xf32> to vector<16xi32>
      %min3A_679 = arith.minsi %convert_element_type3A_678, %broadcast_in_dim3A_35 : vector<16xi32>
      %convert_element_type3A_680 = arith.fptosi %div3A_674 : vector<16xf32> to vector<16xi32>
      %min3A_681 = arith.minsi %convert_element_type3A_680, %broadcast_in_dim3A_35 : vector<16xi32>
      %sub3A_682 = arith.subi %broadcast_in_dim3A_35, %min3A_681 : vector<16xi32>
      %mul3A_683 = arith.constant 512 : i32
      %mul3A_684 = vector.broadcast %mul3A_683 : i32 to vector<16xi32>
      %mul3A_685 = arith.muli %sub3A_682, %mul3A_684 : vector<16xi32>
      %add3A_686 = arith.addi %mul3A_685, %min3A_679 : vector<16xi32>
      %swap3A_687 = arith.constant 1 : i32
      %swap3A_688 = arith.index_cast %swap3A_687 : i32 to index
      %swap3A_689 = arith.constant 96 : index
      %swap3A_690 = tpu.vector_load %arg10[%swap3A_688, %swap3A_689] {strides = array<i32>} : memref<10x128xi32, #tpu.memory_space<vmem>>, vector<16xi32>,
      tpu.vector_store %arg10[%swap3A_688, %swap3A_689], %add3A_686 {strides = array<i32>} : memref<10x128xi32, #tpu.memory_space<vmem>>, vector<16xi32>,
      %swap3A_691 = arith.constant 1 : i32
      %swap3A_692 = arith.index_cast %swap3A_691 : i32 to index
      %swap3A_693 = arith.constant 96 : index
      %swap3A_694 = tpu.vector_load %arg11[%swap3A_692, %swap3A_693] {strides = array<i32>} : memref<10x128xf32, #tpu.memory_space<vmem>>, vector<16xf32>,
      tpu.vector_store %arg11[%swap3A_692, %swap3A_693], %div3A_677 {strides = array<i32>} : memref<10x128xf32, #tpu.memory_space<vmem>>, vector<16xf32>,
      %get3A_695 = arith.constant 0 : i32
      %get3A_696 = arith.index_cast %get3A_695 : i32 to index
      %get3A_697 = arith.constant 240 : index
      %get3A_698 = tpu.vector_load %arg7[%get3A_696, %get3A_697] {strides = array<i32>} : memref<2x640xf32, #tpu.memory_space<vmem>>, vector<16xf32>,
      %get3A_699 = arith.constant 0 : i32
      %get3A_700 = arith.index_cast %get3A_699 : i32 to index
      %get3A_701 = arith.constant 240 : index
      %get3A_702 = tpu.vector_load %arg8[%get3A_700, %get3A_701] {strides = array<i32>} : memref<2x640xf32, #tpu.memory_space<vmem>>, vector<16xf32>,
      %get3A_703 = arith.constant 0 : i32
      %get3A_704 = arith.index_cast %get3A_703 : i32 to index
      %get3A_705 = arith.constant 240 : index
      %get3A_706 = tpu.vector_load %arg9[%get3A_704, %get3A_705] {strides = array<i32>} : memref<2x640xf32, #tpu.memory_space<vmem>>, vector<16xf32>,
      %sub3A_707 = arith.subf %get3A_698, %get3A_17 : vector<16xf32>
      %mul3A_708 = arith.mulf %broadcast_in_dim3A_29, %sub3A_707 : vector<16xf32>
      %div3A_709 = arith.divf %mul3A_708, %get3A_19 : vector<16xf32>
      %sub3A_710 = arith.subf %get3A_702, %get3A_21 : vector<16xf32>
      %mul3A_711 = arith.mulf %broadcast_in_dim3A_31, %sub3A_710 : vector<16xf32>
      %div3A_712 = arith.divf %mul3A_711, %get3A_23 : vector<16xf32>
      %sub3A_713 = arith.subf %get3A_706, %get3A_25 : vector<16xf32>
      %mul3A_714 = arith.mulf %broadcast_in_dim3A_33, %sub3A_713 : vector<16xf32>
      %div3A_715 = arith.divf %mul3A_714, %get3A_27 : vector<16xf32>
      %convert_element_type3A_716 = arith.fptosi %div3A_709 : vector<16xf32> to vector<16xi32>
      %min3A_717 = arith.minsi %convert_element_type3A_716, %broadcast_in_dim3A_35 : vector<16xi32>
      %convert_element_type3A_718 = arith.fptosi %div3A_712 : vector<16xf32> to vector<16xi32>
      %min3A_719 = arith.minsi %convert_element_type3A_718, %broadcast_in_dim3A_35 : vector<16xi32>
      %sub3A_720 = arith.subi %broadcast_in_dim3A_35, %min3A_719 : vector<16xi32>
      %mul3A_721 = arith.constant 512 : i32
      %mul3A_722 = vector.broadcast %mul3A_721 : i32 to vector<16xi32>
      %mul3A_723 = arith.muli %sub3A_720, %mul3A_722 : vector<16xi32>
      %add3A_724 = arith.addi %mul3A_723, %min3A_717 : vector<16xi32>
      %swap3A_725 = arith.constant 1 : i32
      %swap3A_726 = arith.index_cast %swap3A_725 : i32 to index
      %swap3A_727 = arith.constant 112 : index
      %swap3A_728 = tpu.vector_load %arg10[%swap3A_726, %swap3A_727] {strides = array<i32>} : memref<10x128xi32, #tpu.memory_space<vmem>>, vector<16xi32>,
      tpu.vector_store %arg10[%swap3A_726, %swap3A_727], %add3A_724 {strides = array<i32>} : memref<10x128xi32, #tpu.memory_space<vmem>>, vector<16xi32>,
      %swap3A_729 = arith.constant 1 : i32
      %swap3A_730 = arith.index_cast %swap3A_729 : i32 to index
      %swap3A_731 = arith.constant 112 : index
      %swap3A_732 = tpu.vector_load %arg11[%swap3A_730, %swap3A_731] {strides = array<i32>} : memref<10x128xf32, #tpu.memory_space<vmem>>, vector<16xf32>,
      tpu.vector_store %arg11[%swap3A_730, %swap3A_731], %div3A_715 {strides = array<i32>} : memref<10x128xf32, #tpu.memory_space<vmem>>, vector<16xf32>,
      %dma_start3A_733 = arith.constant 1 : i32
      %dma_start3A_734 = arith.constant 1 : i32
      %dma_start3A_735 = arith.constant 0 : i32
      %dma_start3A_736 = tpu.memref_slice %arg11[%dma_start3A_733, %dma_start3A_735] : memref<10x128xf32, #tpu.memory_space<vmem>> -> memref<1x128xf32, #tpu.memory_space<vmem>>
      %dma_start3A_737 = tpu.memref_squeeze %dma_start3A_736 : memref<1x128xf32, #tpu.memory_space<vmem>> -> memref<128xf32, #tpu.memory_space<vmem>>
      %dma_start3A_738 = arith.constant 0 : i32
      %dma_start3A_739 = tpu.memref_slice %arg10[%dma_start3A_734, %dma_start3A_738] : memref<10x128xi32, #tpu.memory_space<vmem>> -> memref<1x128xi32, #tpu.memory_space<vmem>>
      %dma_start3A_740 = tpu.memref_squeeze %dma_start3A_739 : memref<1x128xi32, #tpu.memory_space<vmem>> -> memref<128xi32, #tpu.memory_space<vmem>>
      %dma_start3A_741 = arith.constant 0 : i32
      %dma_start3A_742 = tpu.memref_slice %arg15[%dma_start3A_741] : memref<262144xf32, #tpu.memory_space<vmem_shared>> -> memref<262144xf32, #tpu.memory_space<vmem_shared>>
      tpu.enqueue_indirect_dma source(%dma_start3A_737 : memref<128xf32, #tpu.memory_space<vmem>>) target(%dma_start3A_742 : memref<262144xf32, #tpu.memory_space<vmem_shared>>) offsets(%dma_start3A_740 : memref<128xi32, #tpu.memory_space<vmem>>) semaphore(%arg19 : memref<!tpu.dma_semaphore, #tpu.memory_space<semaphore_mem>>) {add = true}
      %dma_start3A_743 = arith.constant 1 : i32
      %dma_start3A_744 = arith.constant 0 : i32
      %dma_start3A_745 = tpu.memref_slice %arg10[%dma_start3A_743, %dma_start3A_744] : memref<10x128xi32, #tpu.memory_space<vmem>> -> memref<1x128xi32, #tpu.memory_space<vmem>>
      %dma_start3A_746 = tpu.memref_squeeze %dma_start3A_745 : memref<1x128xi32, #tpu.memory_space<vmem>> -> memref<128xi32, #tpu.memory_space<vmem>>
      %dma_start3A_747 = arith.constant 0 : i32
      %dma_start3A_748 = tpu.memref_slice %arg16[%dma_start3A_747] : memref<262144xf32, #tpu.memory_space<vmem_shared>> -> memref<262144xf32, #tpu.memory_space<vmem_shared>>
      tpu.enqueue_indirect_dma source(%arg12 : memref<128xf32, #tpu.memory_space<vmem>>) target(%dma_start3A_748 : memref<262144xf32, #tpu.memory_space<vmem_shared>>) offsets(%dma_start3A_746 : memref<128xi32, #tpu.memory_space<vmem>>) semaphore(%arg19 : memref<!tpu.dma_semaphore, #tpu.memory_space<semaphore_mem>>) {add = true}
      %get3A_749 = arith.constant 0 : i32
      %get3A_750 = arith.index_cast %get3A_749 : i32 to index
      %get3A_751 = arith.constant 256 : index
      %get3A_752 = tpu.vector_load %arg7[%get3A_750, %get3A_751] {strides = array<i32>} : memref<2x640xf32, #tpu.memory_space<vmem>>, vector<16xf32>,
      %get3A_753 = arith.constant 0 : i32
      %get3A_754 = arith.index_cast %get3A_753 : i32 to index
      %get3A_755 = arith.constant 256 : index
      %get3A_756 = tpu.vector_load %arg8[%get3A_754, %get3A_755] {strides = array<i32>} : memref<2x640xf32, #tpu.memory_space<vmem>>, vector<16xf32>,
      %get3A_757 = arith.constant 0 : i32
      %get3A_758 = arith.index_cast %get3A_757 : i32 to index
      %get3A_759 = arith.constant 256 : index
      %get3A_760 = tpu.vector_load %arg9[%get3A_758, %get3A_759] {strides = array<i32>} : memref<2x640xf32, #tpu.memory_space<vmem>>, vector<16xf32>,
      %sub3A_761 = arith.subf %get3A_752, %get3A_17 : vector<16xf32>
      %mul3A_762 = arith.mulf %broadcast_in_dim3A_29, %sub3A_761 : vector<16xf32>
      %div3A_763 = arith.divf %mul3A_762, %get3A_19 : vector<16xf32>
      %sub3A_764 = arith.subf %get3A_756, %get3A_21 : vector<16xf32>
      %mul3A_765 = arith.mulf %broadcast_in_dim3A_31, %sub3A_764 : vector<16xf32>
      %div3A_766 = arith.divf %mul3A_765, %get3A_23 : vector<16xf32>
      %sub3A_767 = arith.subf %get3A_760, %get3A_25 : vector<16xf32>
      %mul3A_768 = arith.mulf %broadcast_in_dim3A_33, %sub3A_767 : vector<16xf32>
      %div3A_769 = arith.divf %mul3A_768, %get3A_27 : vector<16xf32>
      %convert_element_type3A_770 = arith.fptosi %div3A_763 : vector<16xf32> to vector<16xi32>
      %min3A_771 = arith.minsi %convert_element_type3A_770, %broadcast_in_dim3A_35 : vector<16xi32>
      %convert_element_type3A_772 = arith.fptosi %div3A_766 : vector<16xf32> to vector<16xi32>
      %min3A_773 = arith.minsi %convert_element_type3A_772, %broadcast_in_dim3A_35 : vector<16xi32>
      %sub3A_774 = arith.subi %broadcast_in_dim3A_35, %min3A_773 : vector<16xi32>
      %mul3A_775 = arith.constant 512 : i32
      %mul3A_776 = vector.broadcast %mul3A_775 : i32 to vector<16xi32>
      %mul3A_777 = arith.muli %sub3A_774, %mul3A_776 : vector<16xi32>
      %add3A_778 = arith.addi %mul3A_777, %min3A_771 : vector<16xi32>
      %swap3A_779 = arith.constant 2 : i32
      %swap3A_780 = arith.index_cast %swap3A_779 : i32 to index
      %swap3A_781 = arith.constant 0 : index
      %swap3A_782 = tpu.vector_load %arg10[%swap3A_780, %swap3A_781] {strides = array<i32>} : memref<10x128xi32, #tpu.memory_space<vmem>>, vector<16xi32>,
      tpu.vector_store %arg10[%swap3A_780, %swap3A_781], %add3A_778 {strides = array<i32>} : memref<10x128xi32, #tpu.memory_space<vmem>>, vector<16xi32>,
      %swap3A_783 = arith.constant 2 : i32
      %swap3A_784 = arith.index_cast %swap3A_783 : i32 to index
      %swap3A_785 = arith.constant 0 : index
      %swap3A_786 = tpu.vector_load %arg11[%swap3A_784, %swap3A_785] {strides = array<i32>} : memref<10x128xf32, #tpu.memory_space<vmem>>, vector<16xf32>,
      tpu.vector_store %arg11[%swap3A_784, %swap3A_785], %div3A_769 {strides = array<i32>} : memref<10x128xf32, #tpu.memory_space<vmem>>, vector<16xf32>,
      %get3A_787 = arith.constant 0 : i32
      %get3A_788 = arith.index_cast %get3A_787 : i32 to index
      %get3A_789 = arith.constant 272 : index
      %get3A_790 = tpu.vector_load %arg7[%get3A_788, %get3A_789] {strides = array<i32>} : memref<2x640xf32, #tpu.memory_space<vmem>>, vector<16xf32>,
      %get3A_791 = arith.constant 0 : i32
      %get3A_792 = arith.index_cast %get3A_791 : i32 to index
      %get3A_793 = arith.constant 272 : index
      %get3A_794 = tpu.vector_load %arg8[%get3A_792, %get3A_793] {strides = array<i32>} : memref<2x640xf32, #tpu.memory_space<vmem>>, vector<16xf32>,
      %get3A_795 = arith.constant 0 : i32
      %get3A_796 = arith.index_cast %get3A_795 : i32 to index
      %get3A_797 = arith.constant 272 : index
      %get3A_798 = tpu.vector_load %arg9[%get3A_796, %get3A_797] {strides = array<i32>} : memref<2x640xf32, #tpu.memory_space<vmem>>, vector<16xf32>,
      %sub3A_799 = arith.subf %get3A_790, %get3A_17 : vector<16xf32>
      %mul3A_800 = arith.mulf %broadcast_in_dim3A_29, %sub3A_799 : vector<16xf32>
      %div3A_801 = arith.divf %mul3A_800, %get3A_19 : vector<16xf32>
      %sub3A_802 = arith.subf %get3A_794, %get3A_21 : vector<16xf32>
      %mul3A_803 = arith.mulf %broadcast_in_dim3A_31, %sub3A_802 : vector<16xf32>
      %div3A_804 = arith.divf %mul3A_803, %get3A_23 : vector<16xf32>
      %sub3A_805 = arith.subf %get3A_798, %get3A_25 : vector<16xf32>
      %mul3A_806 = arith.mulf %broadcast_in_dim3A_33, %sub3A_805 : vector<16xf32>
      %div3A_807 = arith.divf %mul3A_806, %get3A_27 : vector<16xf32>
      %convert_element_type3A_808 = arith.fptosi %div3A_801 : vector<16xf32> to vector<16xi32>
      %min3A_809 = arith.minsi %convert_element_type3A_808, %broadcast_in_dim3A_35 : vector<16xi32>
      %convert_element_type3A_810 = arith.fptosi %div3A_804 : vector<16xf32> to vector<16xi32>
      %min3A_811 = arith.minsi %convert_element_type3A_810, %broadcast_in_dim3A_35 : vector<16xi32>
      %sub3A_812 = arith.subi %broadcast_in_dim3A_35, %min3A_811 : vector<16xi32>
      %mul3A_813 = arith.constant 512 : i32
      %mul3A_814 = vector.broadcast %mul3A_813 : i32 to vector<16xi32>
      %mul3A_815 = arith.muli %sub3A_812, %mul3A_814 : vector<16xi32>
      %add3A_816 = arith.addi %mul3A_815, %min3A_809 : vector<16xi32>
      %swap3A_817 = arith.constant 2 : i32
      %swap3A_818 = arith.index_cast %swap3A_817 : i32 to index
      %swap3A_819 = arith.constant 16 : index
      %swap3A_820 = tpu.vector_load %arg10[%swap3A_818, %swap3A_819] {strides = array<i32>} : memref<10x128xi32, #tpu.memory_space<vmem>>, vector<16xi32>,
      tpu.vector_store %arg10[%swap3A_818, %swap3A_819], %add3A_816 {strides = array<i32>} : memref<10x128xi32, #tpu.memory_space<vmem>>, vector<16xi32>,
      %swap3A_821 = arith.constant 2 : i32
      %swap3A_822 = arith.index_cast %swap3A_821 : i32 to index
      %swap3A_823 = arith.constant 16 : index
      %swap3A_824 = tpu.vector_load %arg11[%swap3A_822, %swap3A_823] {strides = array<i32>} : memref<10x128xf32, #tpu.memory_space<vmem>>, vector<16xf32>,
      tpu.vector_store %arg11[%swap3A_822, %swap3A_823], %div3A_807 {strides = array<i32>} : memref<10x128xf32, #tpu.memory_space<vmem>>, vector<16xf32>,
      %get3A_825 = arith.constant 0 : i32
      %get3A_826 = arith.index_cast %get3A_825 : i32 to index
      %get3A_827 = arith.constant 288 : index
      %get3A_828 = tpu.vector_load %arg7[%get3A_826, %get3A_827] {strides = array<i32>} : memref<2x640xf32, #tpu.memory_space<vmem>>, vector<16xf32>,
      %get3A_829 = arith.constant 0 : i32
      %get3A_830 = arith.index_cast %get3A_829 : i32 to index
      %get3A_831 = arith.constant 288 : index
      %get3A_832 = tpu.vector_load %arg8[%get3A_830, %get3A_831] {strides = array<i32>} : memref<2x640xf32, #tpu.memory_space<vmem>>, vector<16xf32>,
      %get3A_833 = arith.constant 0 : i32
      %get3A_834 = arith.index_cast %get3A_833 : i32 to index
      %get3A_835 = arith.constant 288 : index
      %get3A_836 = tpu.vector_load %arg9[%get3A_834, %get3A_835] {strides = array<i32>} : memref<2x640xf32, #tpu.memory_space<vmem>>, vector<16xf32>,
      %sub3A_837 = arith.subf %get3A_828, %get3A_17 : vector<16xf32>
      %mul3A_838 = arith.mulf %broadcast_in_dim3A_29, %sub3A_837 : vector<16xf32>
      %div3A_839 = arith.divf %mul3A_838, %get3A_19 : vector<16xf32>
      %sub3A_840 = arith.subf %get3A_832, %get3A_21 : vector<16xf32>
      %mul3A_841 = arith.mulf %broadcast_in_dim3A_31, %sub3A_840 : vector<16xf32>
      %div3A_842 = arith.divf %mul3A_841, %get3A_23 : vector<16xf32>
      %sub3A_843 = arith.subf %get3A_836, %get3A_25 : vector<16xf32>
      %mul3A_844 = arith.mulf %broadcast_in_dim3A_33, %sub3A_843 : vector<16xf32>
      %div3A_845 = arith.divf %mul3A_844, %get3A_27 : vector<16xf32>
      %convert_element_type3A_846 = arith.fptosi %div3A_839 : vector<16xf32> to vector<16xi32>
      %min3A_847 = arith.minsi %convert_element_type3A_846, %broadcast_in_dim3A_35 : vector<16xi32>
      %convert_element_type3A_848 = arith.fptosi %div3A_842 : vector<16xf32> to vector<16xi32>
      %min3A_849 = arith.minsi %convert_element_type3A_848, %broadcast_in_dim3A_35 : vector<16xi32>
      %sub3A_850 = arith.subi %broadcast_in_dim3A_35, %min3A_849 : vector<16xi32>
      %mul3A_851 = arith.constant 512 : i32
      %mul3A_852 = vector.broadcast %mul3A_851 : i32 to vector<16xi32>
      %mul3A_853 = arith.muli %sub3A_850, %mul3A_852 : vector<16xi32>
      %add3A_854 = arith.addi %mul3A_853, %min3A_847 : vector<16xi32>
      %swap3A_855 = arith.constant 2 : i32
      %swap3A_856 = arith.index_cast %swap3A_855 : i32 to index
      %swap3A_857 = arith.constant 32 : index
      %swap3A_858 = tpu.vector_load %arg10[%swap3A_856, %swap3A_857] {strides = array<i32>} : memref<10x128xi32, #tpu.memory_space<vmem>>, vector<16xi32>,
      tpu.vector_store %arg10[%swap3A_856, %swap3A_857], %add3A_854 {strides = array<i32>} : memref<10x128xi32, #tpu.memory_space<vmem>>, vector<16xi32>,
      %swap3A_859 = arith.constant 2 : i32
      %swap3A_860 = arith.index_cast %swap3A_859 : i32 to index
      %swap3A_861 = arith.constant 32 : index
      %swap3A_862 = tpu.vector_load %arg11[%swap3A_860, %swap3A_861] {strides = array<i32>} : memref<10x128xf32, #tpu.memory_space<vmem>>, vector<16xf32>,
      tpu.vector_store %arg11[%swap3A_860, %swap3A_861], %div3A_845 {strides = array<i32>} : memref<10x128xf32, #tpu.memory_space<vmem>>, vector<16xf32>,
      %get3A_863 = arith.constant 0 : i32
      %get3A_864 = arith.index_cast %get3A_863 : i32 to index
      %get3A_865 = arith.constant 304 : index
      %get3A_866 = tpu.vector_load %arg7[%get3A_864, %get3A_865] {strides = array<i32>} : memref<2x640xf32, #tpu.memory_space<vmem>>, vector<16xf32>,
      %get3A_867 = arith.constant 0 : i32
      %get3A_868 = arith.index_cast %get3A_867 : i32 to index
      %get3A_869 = arith.constant 304 : index
      %get3A_870 = tpu.vector_load %arg8[%get3A_868, %get3A_869] {strides = array<i32>} : memref<2x640xf32, #tpu.memory_space<vmem>>, vector<16xf32>,
      %get3A_871 = arith.constant 0 : i32
      %get3A_872 = arith.index_cast %get3A_871 : i32 to index
      %get3A_873 = arith.constant 304 : index
      %get3A_874 = tpu.vector_load %arg9[%get3A_872, %get3A_873] {strides = array<i32>} : memref<2x640xf32, #tpu.memory_space<vmem>>, vector<16xf32>,
      %sub3A_875 = arith.subf %get3A_866, %get3A_17 : vector<16xf32>
      %mul3A_876 = arith.mulf %broadcast_in_dim3A_29, %sub3A_875 : vector<16xf32>
      %div3A_877 = arith.divf %mul3A_876, %get3A_19 : vector<16xf32>
      %sub3A_878 = arith.subf %get3A_870, %get3A_21 : vector<16xf32>
      %mul3A_879 = arith.mulf %broadcast_in_dim3A_31, %sub3A_878 : vector<16xf32>
      %div3A_880 = arith.divf %mul3A_879, %get3A_23 : vector<16xf32>
      %sub3A_881 = arith.subf %get3A_874, %get3A_25 : vector<16xf32>
      %mul3A_882 = arith.mulf %broadcast_in_dim3A_33, %sub3A_881 : vector<16xf32>
      %div3A_883 = arith.divf %mul3A_882, %get3A_27 : vector<16xf32>
      %convert_element_type3A_884 = arith.fptosi %div3A_877 : vector<16xf32> to vector<16xi32>
      %min3A_885 = arith.minsi %convert_element_type3A_884, %broadcast_in_dim3A_35 : vector<16xi32>
      %convert_element_type3A_886 = arith.fptosi %div3A_880 : vector<16xf32> to vector<16xi32>
      %min3A_887 = arith.minsi %convert_element_type3A_886, %broadcast_in_dim3A_35 : vector<16xi32>
      %sub3A_888 = arith.subi %broadcast_in_dim3A_35, %min3A_887 : vector<16xi32>
      %mul3A_889 = arith.constant 512 : i32
      %mul3A_890 = vector.broadcast %mul3A_889 : i32 to vector<16xi32>
      %mul3A_891 = arith.muli %sub3A_888, %mul3A_890 : vector<16xi32>
      %add3A_892 = arith.addi %mul3A_891, %min3A_885 : vector<16xi32>
      %swap3A_893 = arith.constant 2 : i32
      %swap3A_894 = arith.index_cast %swap3A_893 : i32 to index
      %swap3A_895 = arith.constant 48 : index
      %swap3A_896 = tpu.vector_load %arg10[%swap3A_894, %swap3A_895] {strides = array<i32>} : memref<10x128xi32, #tpu.memory_space<vmem>>, vector<16xi32>,
      tpu.vector_store %arg10[%swap3A_894, %swap3A_895], %add3A_892 {strides = array<i32>} : memref<10x128xi32, #tpu.memory_space<vmem>>, vector<16xi32>,
      %swap3A_897 = arith.constant 2 : i32
      %swap3A_898 = arith.index_cast %swap3A_897 : i32 to index
      %swap3A_899 = arith.constant 48 : index
      %swap3A_900 = tpu.vector_load %arg11[%swap3A_898, %swap3A_899] {strides = array<i32>} : memref<10x128xf32, #tpu.memory_space<vmem>>, vector<16xf32>,
      tpu.vector_store %arg11[%swap3A_898, %swap3A_899], %div3A_883 {strides = array<i32>} : memref<10x128xf32, #tpu.memory_space<vmem>>, vector<16xf32>,
      %get3A_901 = arith.constant 0 : i32
      %get3A_902 = arith.index_cast %get3A_901 : i32 to index
      %get3A_903 = arith.constant 320 : index
      %get3A_904 = tpu.vector_load %arg7[%get3A_902, %get3A_903] {strides = array<i32>} : memref<2x640xf32, #tpu.memory_space<vmem>>, vector<16xf32>,
      %get3A_905 = arith.constant 0 : i32
      %get3A_906 = arith.index_cast %get3A_905 : i32 to index
      %get3A_907 = arith.constant 320 : index
      %get3A_908 = tpu.vector_load %arg8[%get3A_906, %get3A_907] {strides = array<i32>} : memref<2x640xf32, #tpu.memory_space<vmem>>, vector<16xf32>,
      %get3A_909 = arith.constant 0 : i32
      %get3A_910 = arith.index_cast %get3A_909 : i32 to index
      %get3A_911 = arith.constant 320 : index
      %get3A_912 = tpu.vector_load %arg9[%get3A_910, %get3A_911] {strides = array<i32>} : memref<2x640xf32, #tpu.memory_space<vmem>>, vector<16xf32>,
      %sub3A_913 = arith.subf %get3A_904, %get3A_17 : vector<16xf32>
      %mul3A_914 = arith.mulf %broadcast_in_dim3A_29, %sub3A_913 : vector<16xf32>
      %div3A_915 = arith.divf %mul3A_914, %get3A_19 : vector<16xf32>
      %sub3A_916 = arith.subf %get3A_908, %get3A_21 : vector<16xf32>
      %mul3A_917 = arith.mulf %broadcast_in_dim3A_31, %sub3A_916 : vector<16xf32>
      %div3A_918 = arith.divf %mul3A_917, %get3A_23 : vector<16xf32>
      %sub3A_919 = arith.subf %get3A_912, %get3A_25 : vector<16xf32>
      %mul3A_920 = arith.mulf %broadcast_in_dim3A_33, %sub3A_919 : vector<16xf32>
      %div3A_921 = arith.divf %mul3A_920, %get3A_27 : vector<16xf32>
      %convert_element_type3A_922 = arith.fptosi %div3A_915 : vector<16xf32> to vector<16xi32>
      %min3A_923 = arith.minsi %convert_element_type3A_922, %broadcast_in_dim3A_35 : vector<16xi32>
      %convert_element_type3A_924 = arith.fptosi %div3A_918 : vector<16xf32> to vector<16xi32>
      %min3A_925 = arith.minsi %convert_element_type3A_924, %broadcast_in_dim3A_35 : vector<16xi32>
      %sub3A_926 = arith.subi %broadcast_in_dim3A_35, %min3A_925 : vector<16xi32>
      %mul3A_927 = arith.constant 512 : i32
      %mul3A_928 = vector.broadcast %mul3A_927 : i32 to vector<16xi32>
      %mul3A_929 = arith.muli %sub3A_926, %mul3A_928 : vector<16xi32>
      %add3A_930 = arith.addi %mul3A_929, %min3A_923 : vector<16xi32>
      %swap3A_931 = arith.constant 2 : i32
      %swap3A_932 = arith.index_cast %swap3A_931 : i32 to index
      %swap3A_933 = arith.constant 64 : index
      %swap3A_934 = tpu.vector_load %arg10[%swap3A_932, %swap3A_933] {strides = array<i32>} : memref<10x128xi32, #tpu.memory_space<vmem>>, vector<16xi32>,
      tpu.vector_store %arg10[%swap3A_932, %swap3A_933], %add3A_930 {strides = array<i32>} : memref<10x128xi32, #tpu.memory_space<vmem>>, vector<16xi32>,
      %swap3A_935 = arith.constant 2 : i32
      %swap3A_936 = arith.index_cast %swap3A_935 : i32 to index
      %swap3A_937 = arith.constant 64 : index
      %swap3A_938 = tpu.vector_load %arg11[%swap3A_936, %swap3A_937] {strides = array<i32>} : memref<10x128xf32, #tpu.memory_space<vmem>>, vector<16xf32>,
      tpu.vector_store %arg11[%swap3A_936, %swap3A_937], %div3A_921 {strides = array<i32>} : memref<10x128xf32, #tpu.memory_space<vmem>>, vector<16xf32>,
      %get3A_939 = arith.constant 0 : i32
      %get3A_940 = arith.index_cast %get3A_939 : i32 to index
      %get3A_941 = arith.constant 336 : index
      %get3A_942 = tpu.vector_load %arg7[%get3A_940, %get3A_941] {strides = array<i32>} : memref<2x640xf32, #tpu.memory_space<vmem>>, vector<16xf32>,
      %get3A_943 = arith.constant 0 : i32
      %get3A_944 = arith.index_cast %get3A_943 : i32 to index
      %get3A_945 = arith.constant 336 : index
      %get3A_946 = tpu.vector_load %arg8[%get3A_944, %get3A_945] {strides = array<i32>} : memref<2x640xf32, #tpu.memory_space<vmem>>, vector<16xf32>,
      %get3A_947 = arith.constant 0 : i32
      %get3A_948 = arith.index_cast %get3A_947 : i32 to index
      %get3A_949 = arith.constant 336 : index
      %get3A_950 = tpu.vector_load %arg9[%get3A_948, %get3A_949] {strides = array<i32>} : memref<2x640xf32, #tpu.memory_space<vmem>>, vector<16xf32>,
      %sub3A_951 = arith.subf %get3A_942, %get3A_17 : vector<16xf32>
      %mul3A_952 = arith.mulf %broadcast_in_dim3A_29, %sub3A_951 : vector<16xf32>
      %div3A_953 = arith.divf %mul3A_952, %get3A_19 : vector<16xf32>
      %sub3A_954 = arith.subf %get3A_946, %get3A_21 : vector<16xf32>
      %mul3A_955 = arith.mulf %broadcast_in_dim3A_31, %sub3A_954 : vector<16xf32>
      %div3A_956 = arith.divf %mul3A_955, %get3A_23 : vector<16xf32>
      %sub3A_957 = arith.subf %get3A_950, %get3A_25 : vector<16xf32>
      %mul3A_958 = arith.mulf %broadcast_in_dim3A_33, %sub3A_957 : vector<16xf32>
      %div3A_959 = arith.divf %mul3A_958, %get3A_27 : vector<16xf32>
      %convert_element_type3A_960 = arith.fptosi %div3A_953 : vector<16xf32> to vector<16xi32>
      %min3A_961 = arith.minsi %convert_element_type3A_960, %broadcast_in_dim3A_35 : vector<16xi32>
      %convert_element_type3A_962 = arith.fptosi %div3A_956 : vector<16xf32> to vector<16xi32>
      %min3A_963 = arith.minsi %convert_element_type3A_962, %broadcast_in_dim3A_35 : vector<16xi32>
      %sub3A_964 = arith.subi %broadcast_in_dim3A_35, %min3A_963 : vector<16xi32>
      %mul3A_965 = arith.constant 512 : i32
      %mul3A_966 = vector.broadcast %mul3A_965 : i32 to vector<16xi32>
      %mul3A_967 = arith.muli %sub3A_964, %mul3A_966 : vector<16xi32>
      %add3A_968 = arith.addi %mul3A_967, %min3A_961 : vector<16xi32>
      %swap3A_969 = arith.constant 2 : i32
      %swap3A_970 = arith.index_cast %swap3A_969 : i32 to index
      %swap3A_971 = arith.constant 80 : index
      %swap3A_972 = tpu.vector_load %arg10[%swap3A_970, %swap3A_971] {strides = array<i32>} : memref<10x128xi32, #tpu.memory_space<vmem>>, vector<16xi32>,
      tpu.vector_store %arg10[%swap3A_970, %swap3A_971], %add3A_968 {strides = array<i32>} : memref<10x128xi32, #tpu.memory_space<vmem>>, vector<16xi32>,
      %swap3A_973 = arith.constant 2 : i32
      %swap3A_974 = arith.index_cast %swap3A_973 : i32 to index
      %swap3A_975 = arith.constant 80 : index
      %swap3A_976 = tpu.vector_load %arg11[%swap3A_974, %swap3A_975] {strides = array<i32>} : memref<10x128xf32, #tpu.memory_space<vmem>>, vector<16xf32>,
      tpu.vector_store %arg11[%swap3A_974, %swap3A_975], %div3A_959 {strides = array<i32>} : memref<10x128xf32, #tpu.memory_space<vmem>>, vector<16xf32>,
      %get3A_977 = arith.constant 0 : i32
      %get3A_978 = arith.index_cast %get3A_977 : i32 to index
      %get3A_979 = arith.constant 352 : index
      %get3A_980 = tpu.vector_load %arg7[%get3A_978, %get3A_979] {strides = array<i32>} : memref<2x640xf32, #tpu.memory_space<vmem>>, vector<16xf32>,
      %get3A_981 = arith.constant 0 : i32
      %get3A_982 = arith.index_cast %get3A_981 : i32 to index
      %get3A_983 = arith.constant 352 : index
      %get3A_984 = tpu.vector_load %arg8[%get3A_982, %get3A_983] {strides = array<i32>} : memref<2x640xf32, #tpu.memory_space<vmem>>, vector<16xf32>,
      %get3A_985 = arith.constant 0 : i32
      %get3A_986 = arith.index_cast %get3A_985 : i32 to index
      %get3A_987 = arith.constant 352 : index
      %get3A_988 = tpu.vector_load %arg9[%get3A_986, %get3A_987] {strides = array<i32>} : memref<2x640xf32, #tpu.memory_space<vmem>>, vector<16xf32>,
      %sub3A_989 = arith.subf %get3A_980, %get3A_17 : vector<16xf32>
      %mul3A_990 = arith.mulf %broadcast_in_dim3A_29, %sub3A_989 : vector<16xf32>
      %div3A_991 = arith.divf %mul3A_990, %get3A_19 : vector<16xf32>
      %sub3A_992 = arith.subf %get3A_984, %get3A_21 : vector<16xf32>
      %mul3A_993 = arith.mulf %broadcast_in_dim3A_31, %sub3A_992 : vector<16xf32>
      %div3A_994 = arith.divf %mul3A_993, %get3A_23 : vector<16xf32>
      %sub3A_995 = arith.subf %get3A_988, %get3A_25 : vector<16xf32>
      %mul3A_996 = arith.mulf %broadcast_in_dim3A_33, %sub3A_995 : vector<16xf32>
      %div3A_997 = arith.divf %mul3A_996, %get3A_27 : vector<16xf32>
      %convert_element_type3A_998 = arith.fptosi %div3A_991 : vector<16xf32> to vector<16xi32>
      %min3A_999 = arith.minsi %convert_element_type3A_998, %broadcast_in_dim3A_35 : vector<16xi32>
      %convert_element_type3A_1000 = arith.fptosi %div3A_994 : vector<16xf32> to vector<16xi32>
      %min3A_1001 = arith.minsi %convert_element_type3A_1000, %broadcast_in_dim3A_35 : vector<16xi32>
      %sub3A_1002 = arith.subi %broadcast_in_dim3A_35, %min3A_1001 : vector<16xi32>
      %mul3A_1003 = arith.constant 512 : i32
      %mul3A_1004 = vector.broadcast %mul3A_1003 : i32 to vector<16xi32>
      %mul3A_1005 = arith.muli %sub3A_1002, %mul3A_1004 : vector<16xi32>
      %add3A_1006 = arith.addi %mul3A_1005, %min3A_999 : vector<16xi32>
      %swap3A_1007 = arith.constant 2 : i32
      %swap3A_1008 = arith.index_cast %swap3A_1007 : i32 to index
      %swap3A_1009 = arith.constant 96 : index
      %swap3A_1010 = tpu.vector_load %arg10[%swap3A_1008, %swap3A_1009] {strides = array<i32>} : memref<10x128xi32, #tpu.memory_space<vmem>>, vector<16xi32>,
      tpu.vector_store %arg10[%swap3A_1008, %swap3A_1009], %add3A_1006 {strides = array<i32>} : memref<10x128xi32, #tpu.memory_space<vmem>>, vector<16xi32>,
      %swap3A_1011 = arith.constant 2 : i32
      %swap3A_1012 = arith.index_cast %swap3A_1011 : i32 to index
      %swap3A_1013 = arith.constant 96 : index
      %swap3A_1014 = tpu.vector_load %arg11[%swap3A_1012, %swap3A_1013] {strides = array<i32>} : memref<10x128xf32, #tpu.memory_space<vmem>>, vector<16xf32>,
      tpu.vector_store %arg11[%swap3A_1012, %swap3A_1013], %div3A_997 {strides = array<i32>} : memref<10x128xf32, #tpu.memory_space<vmem>>, vector<16xf32>,
      %get3A_1015 = arith.constant 0 : i32
      %get3A_1016 = arith.index_cast %get3A_1015 : i32 to index
      %get3A_1017 = arith.constant 368 : index
      %get3A_1018 = tpu.vector_load %arg7[%get3A_1016, %get3A_1017] {strides = array<i32>} : memref<2x640xf32, #tpu.memory_space<vmem>>, vector<16xf32>,
      %get3A_1019 = arith.constant 0 : i32
      %get3A_1020 = arith.index_cast %get3A_1019 : i32 to index
      %get3A_1021 = arith.constant 368 : index
      %get3A_1022 = tpu.vector_load %arg8[%get3A_1020, %get3A_1021] {strides = array<i32>} : memref<2x640xf32, #tpu.memory_space<vmem>>, vector<16xf32>,
      %get3A_1023 = arith.constant 0 : i32
      %get3A_1024 = arith.index_cast %get3A_1023 : i32 to index
      %get3A_1025 = arith.constant 368 : index
      %get3A_1026 = tpu.vector_load %arg9[%get3A_1024, %get3A_1025] {strides = array<i32>} : memref<2x640xf32, #tpu.memory_space<vmem>>, vector<16xf32>,
      %sub3A_1027 = arith.subf %get3A_1018, %get3A_17 : vector<16xf32>
      %mul3A_1028 = arith.mulf %broadcast_in_dim3A_29, %sub3A_1027 : vector<16xf32>
      %div3A_1029 = arith.divf %mul3A_1028, %get3A_19 : vector<16xf32>
      %sub3A_1030 = arith.subf %get3A_1022, %get3A_21 : vector<16xf32>
      %mul3A_1031 = arith.mulf %broadcast_in_dim3A_31, %sub3A_1030 : vector<16xf32>
      %div3A_1032 = arith.divf %mul3A_1031, %get3A_23 : vector<16xf32>
      %sub3A_1033 = arith.subf %get3A_1026, %get3A_25 : vector<16xf32>
      %mul3A_1034 = arith.mulf %broadcast_in_dim3A_33, %sub3A_1033 : vector<16xf32>
      %div3A_1035 = arith.divf %mul3A_1034, %get3A_27 : vector<16xf32>
      %convert_element_type3A_1036 = arith.fptosi %div3A_1029 : vector<16xf32> to vector<16xi32>
      %min3A_1037 = arith.minsi %convert_element_type3A_1036, %broadcast_in_dim3A_35 : vector<16xi32>
      %convert_element_type3A_1038 = arith.fptosi %div3A_1032 : vector<16xf32> to vector<16xi32>
      %min3A_1039 = arith.minsi %convert_element_type3A_1038, %broadcast_in_dim3A_35 : vector<16xi32>
      %sub3A_1040 = arith.subi %broadcast_in_dim3A_35, %min3A_1039 : vector<16xi32>
      %mul3A_1041 = arith.constant 512 : i32
      %mul3A_1042 = vector.broadcast %mul3A_1041 : i32 to vector<16xi32>
      %mul3A_1043 = arith.muli %sub3A_1040, %mul3A_1042 : vector<16xi32>
      %add3A_1044 = arith.addi %mul3A_1043, %min3A_1037 : vector<16xi32>
      %swap3A_1045 = arith.constant 2 : i32
      %swap3A_1046 = arith.index_cast %swap3A_1045 : i32 to index
      %swap3A_1047 = arith.constant 112 : index
      %swap3A_1048 = tpu.vector_load %arg10[%swap3A_1046, %swap3A_1047] {strides = array<i32>} : memref<10x128xi32, #tpu.memory_space<vmem>>, vector<16xi32>,
      tpu.vector_store %arg10[%swap3A_1046, %swap3A_1047], %add3A_1044 {strides = array<i32>} : memref<10x128xi32, #tpu.memory_space<vmem>>, vector<16xi32>,
      %swap3A_1049 = arith.constant 2 : i32
      %swap3A_1050 = arith.index_cast %swap3A_1049 : i32 to index
      %swap3A_1051 = arith.constant 112 : index
      %swap3A_1052 = tpu.vector_load %arg11[%swap3A_1050, %swap3A_1051] {strides = array<i32>} : memref<10x128xf32, #tpu.memory_space<vmem>>, vector<16xf32>,
      tpu.vector_store %arg11[%swap3A_1050, %swap3A_1051], %div3A_1035 {strides = array<i32>} : memref<10x128xf32, #tpu.memory_space<vmem>>, vector<16xf32>,
      %dma_start3A_1053 = arith.constant 2 : i32
      %dma_start3A_1054 = arith.constant 2 : i32
      %dma_start3A_1055 = arith.constant 0 : i32
      %dma_start3A_1056 = tpu.memref_slice %arg11[%dma_start3A_1053, %dma_start3A_1055] : memref<10x128xf32, #tpu.memory_space<vmem>> -> memref<1x128xf32, #tpu.memory_space<vmem>>
      %dma_start3A_1057 = tpu.memref_squeeze %dma_start3A_1056 : memref<1x128xf32, #tpu.memory_space<vmem>> -> memref<128xf32, #tpu.memory_space<vmem>>
      %dma_start3A_1058 = arith.constant 0 : i32
      %dma_start3A_1059 = tpu.memref_slice %arg10[%dma_start3A_1054, %dma_start3A_1058] : memref<10x128xi32, #tpu.memory_space<vmem>> -> memref<1x128xi32, #tpu.memory_space<vmem>>
      %dma_start3A_1060 = tpu.memref_squeeze %dma_start3A_1059 : memref<1x128xi32, #tpu.memory_space<vmem>> -> memref<128xi32, #tpu.memory_space<vmem>>
      %dma_start3A_1061 = arith.constant 0 : i32
      %dma_start3A_1062 = tpu.memref_slice %arg15[%dma_start3A_1061] : memref<262144xf32, #tpu.memory_space<vmem_shared>> -> memref<262144xf32, #tpu.memory_space<vmem_shared>>
      tpu.enqueue_indirect_dma source(%dma_start3A_1057 : memref<128xf32, #tpu.memory_space<vmem>>) target(%dma_start3A_1062 : memref<262144xf32, #tpu.memory_space<vmem_shared>>) offsets(%dma_start3A_1060 : memref<128xi32, #tpu.memory_space<vmem>>) semaphore(%arg19 : memref<!tpu.dma_semaphore, #tpu.memory_space<semaphore_mem>>) {add = true}
      %dma_start3A_1063 = arith.constant 2 : i32
      %dma_start3A_1064 = arith.constant 0 : i32
      %dma_start3A_1065 = tpu.memref_slice %arg10[%dma_start3A_1063, %dma_start3A_1064] : memref<10x128xi32, #tpu.memory_space<vmem>> -> memref<1x128xi32, #tpu.memory_space<vmem>>
      %dma_start3A_1066 = tpu.memref_squeeze %dma_start3A_1065 : memref<1x128xi32, #tpu.memory_space<vmem>> -> memref<128xi32, #tpu.memory_space<vmem>>
      %dma_start3A_1067 = arith.constant 0 : i32
      %dma_start3A_1068 = tpu.memref_slice %arg16[%dma_start3A_1067] : memref<262144xf32, #tpu.memory_space<vmem_shared>> -> memref<262144xf32, #tpu.memory_space<vmem_shared>>
      tpu.enqueue_indirect_dma source(%arg12 : memref<128xf32, #tpu.memory_space<vmem>>) target(%dma_start3A_1068 : memref<262144xf32, #tpu.memory_space<vmem_shared>>) offsets(%dma_start3A_1066 : memref<128xi32, #tpu.memory_space<vmem>>) semaphore(%arg19 : memref<!tpu.dma_semaphore, #tpu.memory_space<semaphore_mem>>) {add = true}
      %get3A_1069 = arith.constant 0 : i32
      %get3A_1070 = arith.index_cast %get3A_1069 : i32 to index
      %get3A_1071 = arith.constant 384 : index
      %get3A_1072 = tpu.vector_load %arg7[%get3A_1070, %get3A_1071] {strides = array<i32>} : memref<2x640xf32, #tpu.memory_space<vmem>>, vector<16xf32>,
      %get3A_1073 = arith.constant 0 : i32
      %get3A_1074 = arith.index_cast %get3A_1073 : i32 to index
      %get3A_1075 = arith.constant 384 : index
      %get3A_1076 = tpu.vector_load %arg8[%get3A_1074, %get3A_1075] {strides = array<i32>} : memref<2x640xf32, #tpu.memory_space<vmem>>, vector<16xf32>,
      %get3A_1077 = arith.constant 0 : i32
      %get3A_1078 = arith.index_cast %get3A_1077 : i32 to index
      %get3A_1079 = arith.constant 384 : index
      %get3A_1080 = tpu.vector_load %arg9[%get3A_1078, %get3A_1079] {strides = array<i32>} : memref<2x640xf32, #tpu.memory_space<vmem>>, vector<16xf32>,
      %sub3A_1081 = arith.subf %get3A_1072, %get3A_17 : vector<16xf32>
      %mul3A_1082 = arith.mulf %broadcast_in_dim3A_29, %sub3A_1081 : vector<16xf32>
      %div3A_1083 = arith.divf %mul3A_1082, %get3A_19 : vector<16xf32>
      %sub3A_1084 = arith.subf %get3A_1076, %get3A_21 : vector<16xf32>
      %mul3A_1085 = arith.mulf %broadcast_in_dim3A_31, %sub3A_1084 : vector<16xf32>
      %div3A_1086 = arith.divf %mul3A_1085, %get3A_23 : vector<16xf32>
      %sub3A_1087 = arith.subf %get3A_1080, %get3A_25 : vector<16xf32>
      %mul3A_1088 = arith.mulf %broadcast_in_dim3A_33, %sub3A_1087 : vector<16xf32>
      %div3A_1089 = arith.divf %mul3A_1088, %get3A_27 : vector<16xf32>
      %convert_element_type3A_1090 = arith.fptosi %div3A_1083 : vector<16xf32> to vector<16xi32>
      %min3A_1091 = arith.minsi %convert_element_type3A_1090, %broadcast_in_dim3A_35 : vector<16xi32>
      %convert_element_type3A_1092 = arith.fptosi %div3A_1086 : vector<16xf32> to vector<16xi32>
      %min3A_1093 = arith.minsi %convert_element_type3A_1092, %broadcast_in_dim3A_35 : vector<16xi32>
      %sub3A_1094 = arith.subi %broadcast_in_dim3A_35, %min3A_1093 : vector<16xi32>
      %mul3A_1095 = arith.constant 512 : i32
      %mul3A_1096 = vector.broadcast %mul3A_1095 : i32 to vector<16xi32>
      %mul3A_1097 = arith.muli %sub3A_1094, %mul3A_1096 : vector<16xi32>
      %add3A_1098 = arith.addi %mul3A_1097, %min3A_1091 : vector<16xi32>
      %swap3A_1099 = arith.constant 3 : i32
      %swap3A_1100 = arith.index_cast %swap3A_1099 : i32 to index
      %swap3A_1101 = arith.constant 0 : index
      %swap3A_1102 = tpu.vector_load %arg10[%swap3A_1100, %swap3A_1101] {strides = array<i32>} : memref<10x128xi32, #tpu.memory_space<vmem>>, vector<16xi32>,
      tpu.vector_store %arg10[%swap3A_1100, %swap3A_1101], %add3A_1098 {strides = array<i32>} : memref<10x128xi32, #tpu.memory_space<vmem>>, vector<16xi32>,
      %swap3A_1103 = arith.constant 3 : i32
      %swap3A_1104 = arith.index_cast %swap3A_1103 : i32 to index
      %swap3A_1105 = arith.constant 0 : index
      %swap3A_1106 = tpu.vector_load %arg11[%swap3A_1104, %swap3A_1105] {strides = array<i32>} : memref<10x128xf32, #tpu.memory_space<vmem>>, vector<16xf32>,
      tpu.vector_store %arg11[%swap3A_1104, %swap3A_1105], %div3A_1089 {strides = array<i32>} : memref<10x128xf32, #tpu.memory_space<vmem>>, vector<16xf32>,
      %get3A_1107 = arith.constant 0 : i32
      %get3A_1108 = arith.index_cast %get3A_1107 : i32 to index
      %get3A_1109 = arith.constant 400 : index
      %get3A_1110 = tpu.vector_load %arg7[%get3A_1108, %get3A_1109] {strides = array<i32>} : memref<2x640xf32, #tpu.memory_space<vmem>>, vector<16xf32>,
      %get3A_1111 = arith.constant 0 : i32
      %get3A_1112 = arith.index_cast %get3A_1111 : i32 to index
      %get3A_1113 = arith.constant 400 : index
      %get3A_1114 = tpu.vector_load %arg8[%get3A_1112, %get3A_1113] {strides = array<i32>} : memref<2x640xf32, #tpu.memory_space<vmem>>, vector<16xf32>,
      %get3A_1115 = arith.constant 0 : i32
      %get3A_1116 = arith.index_cast %get3A_1115 : i32 to index
      %get3A_1117 = arith.constant 400 : index
      %get3A_1118 = tpu.vector_load %arg9[%get3A_1116, %get3A_1117] {strides = array<i32>} : memref<2x640xf32, #tpu.memory_space<vmem>>, vector<16xf32>,
      %sub3A_1119 = arith.subf %get3A_1110, %get3A_17 : vector<16xf32>
      %mul3A_1120 = arith.mulf %broadcast_in_dim3A_29, %sub3A_1119 : vector<16xf32>
      %div3A_1121 = arith.divf %mul3A_1120, %get3A_19 : vector<16xf32>
      %sub3A_1122 = arith.subf %get3A_1114, %get3A_21 : vector<16xf32>
      %mul3A_1123 = arith.mulf %broadcast_in_dim3A_31, %sub3A_1122 : vector<16xf32>
      %div3A_1124 = arith.divf %mul3A_1123, %get3A_23 : vector<16xf32>
      %sub3A_1125 = arith.subf %get3A_1118, %get3A_25 : vector<16xf32>
      %mul3A_1126 = arith.mulf %broadcast_in_dim3A_33, %sub3A_1125 : vector<16xf32>
      %div3A_1127 = arith.divf %mul3A_1126, %get3A_27 : vector<16xf32>
      %convert_element_type3A_1128 = arith.fptosi %div3A_1121 : vector<16xf32> to vector<16xi32>
      %min3A_1129 = arith.minsi %convert_element_type3A_1128, %broadcast_in_dim3A_35 : vector<16xi32>
      %convert_element_type3A_1130 = arith.fptosi %div3A_1124 : vector<16xf32> to vector<16xi32>
      %min3A_1131 = arith.minsi %convert_element_type3A_1130, %broadcast_in_dim3A_35 : vector<16xi32>
      %sub3A_1132 = arith.subi %broadcast_in_dim3A_35, %min3A_1131 : vector<16xi32>
      %mul3A_1133 = arith.constant 512 : i32
      %mul3A_1134 = vector.broadcast %mul3A_1133 : i32 to vector<16xi32>
      %mul3A_1135 = arith.muli %sub3A_1132, %mul3A_1134 : vector<16xi32>
      %add3A_1136 = arith.addi %mul3A_1135, %min3A_1129 : vector<16xi32>
      %swap3A_1137 = arith.constant 3 : i32
      %swap3A_1138 = arith.index_cast %swap3A_1137 : i32 to index
      %swap3A_1139 = arith.constant 16 : index
      %swap3A_1140 = tpu.vector_load %arg10[%swap3A_1138, %swap3A_1139] {strides = array<i32>} : memref<10x128xi32, #tpu.memory_space<vmem>>, vector<16xi32>,
      tpu.vector_store %arg10[%swap3A_1138, %swap3A_1139], %add3A_1136 {strides = array<i32>} : memref<10x128xi32, #tpu.memory_space<vmem>>, vector<16xi32>,
      %swap3A_1141 = arith.constant 3 : i32
      %swap3A_1142 = arith.index_cast %swap3A_1141 : i32 to index
      %swap3A_1143 = arith.constant 16 : index
      %swap3A_1144 = tpu.vector_load %arg11[%swap3A_1142, %swap3A_1143] {strides = array<i32>} : memref<10x128xf32, #tpu.memory_space<vmem>>, vector<16xf32>,
      tpu.vector_store %arg11[%swap3A_1142, %swap3A_1143], %div3A_1127 {strides = array<i32>} : memref<10x128xf32, #tpu.memory_space<vmem>>, vector<16xf32>,
      %get3A_1145 = arith.constant 0 : i32
      %get3A_1146 = arith.index_cast %get3A_1145 : i32 to index
      %get3A_1147 = arith.constant 416 : index
      %get3A_1148 = tpu.vector_load %arg7[%get3A_1146, %get3A_1147] {strides = array<i32>} : memref<2x640xf32, #tpu.memory_space<vmem>>, vector<16xf32>,
      %get3A_1149 = arith.constant 0 : i32
      %get3A_1150 = arith.index_cast %get3A_1149 : i32 to index
      %get3A_1151 = arith.constant 416 : index
      %get3A_1152 = tpu.vector_load %arg8[%get3A_1150, %get3A_1151] {strides = array<i32>} : memref<2x640xf32, #tpu.memory_space<vmem>>, vector<16xf32>,
      %get3A_1153 = arith.constant 0 : i32
      %get3A_1154 = arith.index_cast %get3A_1153 : i32 to index
      %get3A_1155 = arith.constant 416 : index
      %get3A_1156 = tpu.vector_load %arg9[%get3A_1154, %get3A_1155] {strides = array<i32>} : memref<2x640xf32, #tpu.memory_space<vmem>>, vector<16xf32>,
      %sub3A_1157 = arith.subf %get3A_1148, %get3A_17 : vector<16xf32>
      %mul3A_1158 = arith.mulf %broadcast_in_dim3A_29, %sub3A_1157 : vector<16xf32>
      %div3A_1159 = arith.divf %mul3A_1158, %get3A_19 : vector<16xf32>
      %sub3A_1160 = arith.subf %get3A_1152, %get3A_21 : vector<16xf32>
      %mul3A_1161 = arith.mulf %broadcast_in_dim3A_31, %sub3A_1160 : vector<16xf32>
      %div3A_1162 = arith.divf %mul3A_1161, %get3A_23 : vector<16xf32>
      %sub3A_1163 = arith.subf %get3A_1156, %get3A_25 : vector<16xf32>
      %mul3A_1164 = arith.mulf %broadcast_in_dim3A_33, %sub3A_1163 : vector<16xf32>
      %div3A_1165 = arith.divf %mul3A_1164, %get3A_27 : vector<16xf32>
      %convert_element_type3A_1166 = arith.fptosi %div3A_1159 : vector<16xf32> to vector<16xi32>
      %min3A_1167 = arith.minsi %convert_element_type3A_1166, %broadcast_in_dim3A_35 : vector<16xi32>
      %convert_element_type3A_1168 = arith.fptosi %div3A_1162 : vector<16xf32> to vector<16xi32>
      %min3A_1169 = arith.minsi %convert_element_type3A_1168, %broadcast_in_dim3A_35 : vector<16xi32>
      %sub3A_1170 = arith.subi %broadcast_in_dim3A_35, %min3A_1169 : vector<16xi32>
      %mul3A_1171 = arith.constant 512 : i32
      %mul3A_1172 = vector.broadcast %mul3A_1171 : i32 to vector<16xi32>
      %mul3A_1173 = arith.muli %sub3A_1170, %mul3A_1172 : vector<16xi32>
      %add3A_1174 = arith.addi %mul3A_1173, %min3A_1167 : vector<16xi32>
      %swap3A_1175 = arith.constant 3 : i32
      %swap3A_1176 = arith.index_cast %swap3A_1175 : i32 to index
      %swap3A_1177 = arith.constant 32 : index
      %swap3A_1178 = tpu.vector_load %arg10[%swap3A_1176, %swap3A_1177] {strides = array<i32>} : memref<10x128xi32, #tpu.memory_space<vmem>>, vector<16xi32>,
      tpu.vector_store %arg10[%swap3A_1176, %swap3A_1177], %add3A_1174 {strides = array<i32>} : memref<10x128xi32, #tpu.memory_space<vmem>>, vector<16xi32>,
      %swap3A_1179 = arith.constant 3 : i32
      %swap3A_1180 = arith.index_cast %swap3A_1179 : i32 to index
      %swap3A_1181 = arith.constant 32 : index
      %swap3A_1182 = tpu.vector_load %arg11[%swap3A_1180, %swap3A_1181] {strides = array<i32>} : memref<10x128xf32, #tpu.memory_space<vmem>>, vector<16xf32>,
      tpu.vector_store %arg11[%swap3A_1180, %swap3A_1181], %div3A_1165 {strides = array<i32>} : memref<10x128xf32, #tpu.memory_space<vmem>>, vector<16xf32>,
      %get3A_1183 = arith.constant 0 : i32
      %get3A_1184 = arith.index_cast %get3A_1183 : i32 to index
      %get3A_1185 = arith.constant 432 : index
      %get3A_1186 = tpu.vector_load %arg7[%get3A_1184, %get3A_1185] {strides = array<i32>} : memref<2x640xf32, #tpu.memory_space<vmem>>, vector<16xf32>,
      %get3A_1187 = arith.constant 0 : i32
      %get3A_1188 = arith.index_cast %get3A_1187 : i32 to index
      %get3A_1189 = arith.constant 432 : index
      %get3A_1190 = tpu.vector_load %arg8[%get3A_1188, %get3A_1189] {strides = array<i32>} : memref<2x640xf32, #tpu.memory_space<vmem>>, vector<16xf32>,
      %get3A_1191 = arith.constant 0 : i32
      %get3A_1192 = arith.index_cast %get3A_1191 : i32 to index
      %get3A_1193 = arith.constant 432 : index
      %get3A_1194 = tpu.vector_load %arg9[%get3A_1192, %get3A_1193] {strides = array<i32>} : memref<2x640xf32, #tpu.memory_space<vmem>>, vector<16xf32>,
      %sub3A_1195 = arith.subf %get3A_1186, %get3A_17 : vector<16xf32>
      %mul3A_1196 = arith.mulf %broadcast_in_dim3A_29, %sub3A_1195 : vector<16xf32>
      %div3A_1197 = arith.divf %mul3A_1196, %get3A_19 : vector<16xf32>
      %sub3A_1198 = arith.subf %get3A_1190, %get3A_21 : vector<16xf32>
      %mul3A_1199 = arith.mulf %broadcast_in_dim3A_31, %sub3A_1198 : vector<16xf32>
      %div3A_1200 = arith.divf %mul3A_1199, %get3A_23 : vector<16xf32>
      %sub3A_1201 = arith.subf %get3A_1194, %get3A_25 : vector<16xf32>
      %mul3A_1202 = arith.mulf %broadcast_in_dim3A_33, %sub3A_1201 : vector<16xf32>
      %div3A_1203 = arith.divf %mul3A_1202, %get3A_27 : vector<16xf32>
      %convert_element_type3A_1204 = arith.fptosi %div3A_1197 : vector<16xf32> to vector<16xi32>
      %min3A_1205 = arith.minsi %convert_element_type3A_1204, %broadcast_in_dim3A_35 : vector<16xi32>
      %convert_element_type3A_1206 = arith.fptosi %div3A_1200 : vector<16xf32> to vector<16xi32>
      %min3A_1207 = arith.minsi %convert_element_type3A_1206, %broadcast_in_dim3A_35 : vector<16xi32>
      %sub3A_1208 = arith.subi %broadcast_in_dim3A_35, %min3A_1207 : vector<16xi32>
      %mul3A_1209 = arith.constant 512 : i32
      %mul3A_1210 = vector.broadcast %mul3A_1209 : i32 to vector<16xi32>
      %mul3A_1211 = arith.muli %sub3A_1208, %mul3A_1210 : vector<16xi32>
      %add3A_1212 = arith.addi %mul3A_1211, %min3A_1205 : vector<16xi32>
      %swap3A_1213 = arith.constant 3 : i32
      %swap3A_1214 = arith.index_cast %swap3A_1213 : i32 to index
      %swap3A_1215 = arith.constant 48 : index
      %swap3A_1216 = tpu.vector_load %arg10[%swap3A_1214, %swap3A_1215] {strides = array<i32>} : memref<10x128xi32, #tpu.memory_space<vmem>>, vector<16xi32>,
      tpu.vector_store %arg10[%swap3A_1214, %swap3A_1215], %add3A_1212 {strides = array<i32>} : memref<10x128xi32, #tpu.memory_space<vmem>>, vector<16xi32>,
      %swap3A_1217 = arith.constant 3 : i32
      %swap3A_1218 = arith.index_cast %swap3A_1217 : i32 to index
      %swap3A_1219 = arith.constant 48 : index
      %swap3A_1220 = tpu.vector_load %arg11[%swap3A_1218, %swap3A_1219] {strides = array<i32>} : memref<10x128xf32, #tpu.memory_space<vmem>>, vector<16xf32>,
      tpu.vector_store %arg11[%swap3A_1218, %swap3A_1219], %div3A_1203 {strides = array<i32>} : memref<10x128xf32, #tpu.memory_space<vmem>>, vector<16xf32>,
      %get3A_1221 = arith.constant 0 : i32
      %get3A_1222 = arith.index_cast %get3A_1221 : i32 to index
      %get3A_1223 = arith.constant 448 : index
      %get3A_1224 = tpu.vector_load %arg7[%get3A_1222, %get3A_1223] {strides = array<i32>} : memref<2x640xf32, #tpu.memory_space<vmem>>, vector<16xf32>,
      %get3A_1225 = arith.constant 0 : i32
      %get3A_1226 = arith.index_cast %get3A_1225 : i32 to index
      %get3A_1227 = arith.constant 448 : index
      %get3A_1228 = tpu.vector_load %arg8[%get3A_1226, %get3A_1227] {strides = array<i32>} : memref<2x640xf32, #tpu.memory_space<vmem>>, vector<16xf32>,
      %get3A_1229 = arith.constant 0 : i32
      %get3A_1230 = arith.index_cast %get3A_1229 : i32 to index
      %get3A_1231 = arith.constant 448 : index
      %get3A_1232 = tpu.vector_load %arg9[%get3A_1230, %get3A_1231] {strides = array<i32>} : memref<2x640xf32, #tpu.memory_space<vmem>>, vector<16xf32>,
      %sub3A_1233 = arith.subf %get3A_1224, %get3A_17 : vector<16xf32>
      %mul3A_1234 = arith.mulf %broadcast_in_dim3A_29, %sub3A_1233 : vector<16xf32>
      %div3A_1235 = arith.divf %mul3A_1234, %get3A_19 : vector<16xf32>
      %sub3A_1236 = arith.subf %get3A_1228, %get3A_21 : vector<16xf32>
      %mul3A_1237 = arith.mulf %broadcast_in_dim3A_31, %sub3A_1236 : vector<16xf32>
      %div3A_1238 = arith.divf %mul3A_1237, %get3A_23 : vector<16xf32>
      %sub3A_1239 = arith.subf %get3A_1232, %get3A_25 : vector<16xf32>
      %mul3A_1240 = arith.mulf %broadcast_in_dim3A_33, %sub3A_1239 : vector<16xf32>
      %div3A_1241 = arith.divf %mul3A_1240, %get3A_27 : vector<16xf32>
      %convert_element_type3A_1242 = arith.fptosi %div3A_1235 : vector<16xf32> to vector<16xi32>
      %min3A_1243 = arith.minsi %convert_element_type3A_1242, %broadcast_in_dim3A_35 : vector<16xi32>
      %convert_element_type3A_1244 = arith.fptosi %div3A_1238 : vector<16xf32> to vector<16xi32>
      %min3A_1245 = arith.minsi %convert_element_type3A_1244, %broadcast_in_dim3A_35 : vector<16xi32>
      %sub3A_1246 = arith.subi %broadcast_in_dim3A_35, %min3A_1245 : vector<16xi32>
      %mul3A_1247 = arith.constant 512 : i32
      %mul3A_1248 = vector.broadcast %mul3A_1247 : i32 to vector<16xi32>
      %mul3A_1249 = arith.muli %sub3A_1246, %mul3A_1248 : vector<16xi32>
      %add3A_1250 = arith.addi %mul3A_1249, %min3A_1243 : vector<16xi32>
      %swap3A_1251 = arith.constant 3 : i32
      %swap3A_1252 = arith.index_cast %swap3A_1251 : i32 to index
      %swap3A_1253 = arith.constant 64 : index
      %swap3A_1254 = tpu.vector_load %arg10[%swap3A_1252, %swap3A_1253] {strides = array<i32>} : memref<10x128xi32, #tpu.memory_space<vmem>>, vector<16xi32>,
      tpu.vector_store %arg10[%swap3A_1252, %swap3A_1253], %add3A_1250 {strides = array<i32>} : memref<10x128xi32, #tpu.memory_space<vmem>>, vector<16xi32>,
      %swap3A_1255 = arith.constant 3 : i32
      %swap3A_1256 = arith.index_cast %swap3A_1255 : i32 to index
      %swap3A_1257 = arith.constant 64 : index
      %swap3A_1258 = tpu.vector_load %arg11[%swap3A_1256, %swap3A_1257] {strides = array<i32>} : memref<10x128xf32, #tpu.memory_space<vmem>>, vector<16xf32>,
      tpu.vector_store %arg11[%swap3A_1256, %swap3A_1257], %div3A_1241 {strides = array<i32>} : memref<10x128xf32, #tpu.memory_space<vmem>>, vector<16xf32>,
      %get3A_1259 = arith.constant 0 : i32
      %get3A_1260 = arith.index_cast %get3A_1259 : i32 to index
      %get3A_1261 = arith.constant 464 : index
      %get3A_1262 = tpu.vector_load %arg7[%get3A_1260, %get3A_1261] {strides = array<i32>} : memref<2x640xf32, #tpu.memory_space<vmem>>, vector<16xf32>,
      %get3A_1263 = arith.constant 0 : i32
      %get3A_1264 = arith.index_cast %get3A_1263 : i32 to index
      %get3A_1265 = arith.constant 464 : index
      %get3A_1266 = tpu.vector_load %arg8[%get3A_1264, %get3A_1265] {strides = array<i32>} : memref<2x640xf32, #tpu.memory_space<vmem>>, vector<16xf32>,
      %get3A_1267 = arith.constant 0 : i32
      %get3A_1268 = arith.index_cast %get3A_1267 : i32 to index
      %get3A_1269 = arith.constant 464 : index
      %get3A_1270 = tpu.vector_load %arg9[%get3A_1268, %get3A_1269] {strides = array<i32>} : memref<2x640xf32, #tpu.memory_space<vmem>>, vector<16xf32>,
      %sub3A_1271 = arith.subf %get3A_1262, %get3A_17 : vector<16xf32>
      %mul3A_1272 = arith.mulf %broadcast_in_dim3A_29, %sub3A_1271 : vector<16xf32>
      %div3A_1273 = arith.divf %mul3A_1272, %get3A_19 : vector<16xf32>
      %sub3A_1274 = arith.subf %get3A_1266, %get3A_21 : vector<16xf32>
      %mul3A_1275 = arith.mulf %broadcast_in_dim3A_31, %sub3A_1274 : vector<16xf32>
      %div3A_1276 = arith.divf %mul3A_1275, %get3A_23 : vector<16xf32>
      %sub3A_1277 = arith.subf %get3A_1270, %get3A_25 : vector<16xf32>
      %mul3A_1278 = arith.mulf %broadcast_in_dim3A_33, %sub3A_1277 : vector<16xf32>
      %div3A_1279 = arith.divf %mul3A_1278, %get3A_27 : vector<16xf32>
      %convert_element_type3A_1280 = arith.fptosi %div3A_1273 : vector<16xf32> to vector<16xi32>
      %min3A_1281 = arith.minsi %convert_element_type3A_1280, %broadcast_in_dim3A_35 : vector<16xi32>
      %convert_element_type3A_1282 = arith.fptosi %div3A_1276 : vector<16xf32> to vector<16xi32>
      %min3A_1283 = arith.minsi %convert_element_type3A_1282, %broadcast_in_dim3A_35 : vector<16xi32>
      %sub3A_1284 = arith.subi %broadcast_in_dim3A_35, %min3A_1283 : vector<16xi32>
      %mul3A_1285 = arith.constant 512 : i32
      %mul3A_1286 = vector.broadcast %mul3A_1285 : i32 to vector<16xi32>
      %mul3A_1287 = arith.muli %sub3A_1284, %mul3A_1286 : vector<16xi32>
      %add3A_1288 = arith.addi %mul3A_1287, %min3A_1281 : vector<16xi32>
      %swap3A_1289 = arith.constant 3 : i32
      %swap3A_1290 = arith.index_cast %swap3A_1289 : i32 to index
      %swap3A_1291 = arith.constant 80 : index
      %swap3A_1292 = tpu.vector_load %arg10[%swap3A_1290, %swap3A_1291] {strides = array<i32>} : memref<10x128xi32, #tpu.memory_space<vmem>>, vector<16xi32>,
      tpu.vector_store %arg10[%swap3A_1290, %swap3A_1291], %add3A_1288 {strides = array<i32>} : memref<10x128xi32, #tpu.memory_space<vmem>>, vector<16xi32>,
      %swap3A_1293 = arith.constant 3 : i32
      %swap3A_1294 = arith.index_cast %swap3A_1293 : i32 to index
      %swap3A_1295 = arith.constant 80 : index
      %swap3A_1296 = tpu.vector_load %arg11[%swap3A_1294, %swap3A_1295] {strides = array<i32>} : memref<10x128xf32, #tpu.memory_space<vmem>>, vector<16xf32>,
      tpu.vector_store %arg11[%swap3A_1294, %swap3A_1295], %div3A_1279 {strides = array<i32>} : memref<10x128xf32, #tpu.memory_space<vmem>>, vector<16xf32>,
      %get3A_1297 = arith.constant 0 : i32
      %get3A_1298 = arith.index_cast %get3A_1297 : i32 to index
      %get3A_1299 = arith.constant 480 : index
      %get3A_1300 = tpu.vector_load %arg7[%get3A_1298, %get3A_1299] {strides = array<i32>} : memref<2x640xf32, #tpu.memory_space<vmem>>, vector<16xf32>,
      %get3A_1301 = arith.constant 0 : i32
      %get3A_1302 = arith.index_cast %get3A_1301 : i32 to index
      %get3A_1303 = arith.constant 480 : index
      %get3A_1304 = tpu.vector_load %arg8[%get3A_1302, %get3A_1303] {strides = array<i32>} : memref<2x640xf32, #tpu.memory_space<vmem>>, vector<16xf32>,
      %get3A_1305 = arith.constant 0 : i32
      %get3A_1306 = arith.index_cast %get3A_1305 : i32 to index
      %get3A_1307 = arith.constant 480 : index
      %get3A_1308 = tpu.vector_load %arg9[%get3A_1306, %get3A_1307] {strides = array<i32>} : memref<2x640xf32, #tpu.memory_space<vmem>>, vector<16xf32>,
      %sub3A_1309 = arith.subf %get3A_1300, %get3A_17 : vector<16xf32>
      %mul3A_1310 = arith.mulf %broadcast_in_dim3A_29, %sub3A_1309 : vector<16xf32>
      %div3A_1311 = arith.divf %mul3A_1310, %get3A_19 : vector<16xf32>
      %sub3A_1312 = arith.subf %get3A_1304, %get3A_21 : vector<16xf32>
      %mul3A_1313 = arith.mulf %broadcast_in_dim3A_31, %sub3A_1312 : vector<16xf32>
      %div3A_1314 = arith.divf %mul3A_1313, %get3A_23 : vector<16xf32>
      %sub3A_1315 = arith.subf %get3A_1308, %get3A_25 : vector<16xf32>
      %mul3A_1316 = arith.mulf %broadcast_in_dim3A_33, %sub3A_1315 : vector<16xf32>
      %div3A_1317 = arith.divf %mul3A_1316, %get3A_27 : vector<16xf32>
      %convert_element_type3A_1318 = arith.fptosi %div3A_1311 : vector<16xf32> to vector<16xi32>
      %min3A_1319 = arith.minsi %convert_element_type3A_1318, %broadcast_in_dim3A_35 : vector<16xi32>
      %convert_element_type3A_1320 = arith.fptosi %div3A_1314 : vector<16xf32> to vector<16xi32>
      %min3A_1321 = arith.minsi %convert_element_type3A_1320, %broadcast_in_dim3A_35 : vector<16xi32>
      %sub3A_1322 = arith.subi %broadcast_in_dim3A_35, %min3A_1321 : vector<16xi32>
      %mul3A_1323 = arith.constant 512 : i32
      %mul3A_1324 = vector.broadcast %mul3A_1323 : i32 to vector<16xi32>
      %mul3A_1325 = arith.muli %sub3A_1322, %mul3A_1324 : vector<16xi32>
      %add3A_1326 = arith.addi %mul3A_1325, %min3A_1319 : vector<16xi32>
      %swap3A_1327 = arith.constant 3 : i32
      %swap3A_1328 = arith.index_cast %swap3A_1327 : i32 to index
      %swap3A_1329 = arith.constant 96 : index
      %swap3A_1330 = tpu.vector_load %arg10[%swap3A_1328, %swap3A_1329] {strides = array<i32>} : memref<10x128xi32, #tpu.memory_space<vmem>>, vector<16xi32>,
      tpu.vector_store %arg10[%swap3A_1328, %swap3A_1329], %add3A_1326 {strides = array<i32>} : memref<10x128xi32, #tpu.memory_space<vmem>>, vector<16xi32>,
      %swap3A_1331 = arith.constant 3 : i32
      %swap3A_1332 = arith.index_cast %swap3A_1331 : i32 to index
      %swap3A_1333 = arith.constant 96 : index
      %swap3A_1334 = tpu.vector_load %arg11[%swap3A_1332, %swap3A_1333] {strides = array<i32>} : memref<10x128xf32, #tpu.memory_space<vmem>>, vector<16xf32>,
      tpu.vector_store %arg11[%swap3A_1332, %swap3A_1333], %div3A_1317 {strides = array<i32>} : memref<10x128xf32, #tpu.memory_space<vmem>>, vector<16xf32>,
      %get3A_1335 = arith.constant 0 : i32
      %get3A_1336 = arith.index_cast %get3A_1335 : i32 to index
      %get3A_1337 = arith.constant 496 : index
      %get3A_1338 = tpu.vector_load %arg7[%get3A_1336, %get3A_1337] {strides = array<i32>} : memref<2x640xf32, #tpu.memory_space<vmem>>, vector<16xf32>,
      %get3A_1339 = arith.constant 0 : i32
      %get3A_1340 = arith.index_cast %get3A_1339 : i32 to index
      %get3A_1341 = arith.constant 496 : index
      %get3A_1342 = tpu.vector_load %arg8[%get3A_1340, %get3A_1341] {strides = array<i32>} : memref<2x640xf32, #tpu.memory_space<vmem>>, vector<16xf32>,
      %get3A_1343 = arith.constant 0 : i32
      %get3A_1344 = arith.index_cast %get3A_1343 : i32 to index
      %get3A_1345 = arith.constant 496 : index
      %get3A_1346 = tpu.vector_load %arg9[%get3A_1344, %get3A_1345] {strides = array<i32>} : memref<2x640xf32, #tpu.memory_space<vmem>>, vector<16xf32>,
      %sub3A_1347 = arith.subf %get3A_1338, %get3A_17 : vector<16xf32>
      %mul3A_1348 = arith.mulf %broadcast_in_dim3A_29, %sub3A_1347 : vector<16xf32>
      %div3A_1349 = arith.divf %mul3A_1348, %get3A_19 : vector<16xf32>
      %sub3A_1350 = arith.subf %get3A_1342, %get3A_21 : vector<16xf32>
      %mul3A_1351 = arith.mulf %broadcast_in_dim3A_31, %sub3A_1350 : vector<16xf32>
      %div3A_1352 = arith.divf %mul3A_1351, %get3A_23 : vector<16xf32>
      %sub3A_1353 = arith.subf %get3A_1346, %get3A_25 : vector<16xf32>
      %mul3A_1354 = arith.mulf %broadcast_in_dim3A_33, %sub3A_1353 : vector<16xf32>
      %div3A_1355 = arith.divf %mul3A_1354, %get3A_27 : vector<16xf32>
      %convert_element_type3A_1356 = arith.fptosi %div3A_1349 : vector<16xf32> to vector<16xi32>
      %min3A_1357 = arith.minsi %convert_element_type3A_1356, %broadcast_in_dim3A_35 : vector<16xi32>
      %convert_element_type3A_1358 = arith.fptosi %div3A_1352 : vector<16xf32> to vector<16xi32>
      %min3A_1359 = arith.minsi %convert_element_type3A_1358, %broadcast_in_dim3A_35 : vector<16xi32>
      %sub3A_1360 = arith.subi %broadcast_in_dim3A_35, %min3A_1359 : vector<16xi32>
      %mul3A_1361 = arith.constant 512 : i32
      %mul3A_1362 = vector.broadcast %mul3A_1361 : i32 to vector<16xi32>
      %mul3A_1363 = arith.muli %sub3A_1360, %mul3A_1362 : vector<16xi32>
      %add3A_1364 = arith.addi %mul3A_1363, %min3A_1357 : vector<16xi32>
      %swap3A_1365 = arith.constant 3 : i32
      %swap3A_1366 = arith.index_cast %swap3A_1365 : i32 to index
      %swap3A_1367 = arith.constant 112 : index
      %swap3A_1368 = tpu.vector_load %arg10[%swap3A_1366, %swap3A_1367] {strides = array<i32>} : memref<10x128xi32, #tpu.memory_space<vmem>>, vector<16xi32>,
      tpu.vector_store %arg10[%swap3A_1366, %swap3A_1367], %add3A_1364 {strides = array<i32>} : memref<10x128xi32, #tpu.memory_space<vmem>>, vector<16xi32>,
      %swap3A_1369 = arith.constant 3 : i32
      %swap3A_1370 = arith.index_cast %swap3A_1369 : i32 to index
      %swap3A_1371 = arith.constant 112 : index
      %swap3A_1372 = tpu.vector_load %arg11[%swap3A_1370, %swap3A_1371] {strides = array<i32>} : memref<10x128xf32, #tpu.memory_space<vmem>>, vector<16xf32>,
      tpu.vector_store %arg11[%swap3A_1370, %swap3A_1371], %div3A_1355 {strides = array<i32>} : memref<10x128xf32, #tpu.memory_space<vmem>>, vector<16xf32>,
      %dma_start3A_1373 = arith.constant 3 : i32
      %dma_start3A_1374 = arith.constant 3 : i32
      %dma_start3A_1375 = arith.constant 0 : i32
      %dma_start3A_1376 = tpu.memref_slice %arg11[%dma_start3A_1373, %dma_start3A_1375] : memref<10x128xf32, #tpu.memory_space<vmem>> -> memref<1x128xf32, #tpu.memory_space<vmem>>
      %dma_start3A_1377 = tpu.memref_squeeze %dma_start3A_1376 : memref<1x128xf32, #tpu.memory_space<vmem>> -> memref<128xf32, #tpu.memory_space<vmem>>
      %dma_start3A_1378 = arith.constant 0 : i32
      %dma_start3A_1379 = tpu.memref_slice %arg10[%dma_start3A_1374, %dma_start3A_1378] : memref<10x128xi32, #tpu.memory_space<vmem>> -> memref<1x128xi32, #tpu.memory_space<vmem>>
      %dma_start3A_1380 = tpu.memref_squeeze %dma_start3A_1379 : memref<1x128xi32, #tpu.memory_space<vmem>> -> memref<128xi32, #tpu.memory_space<vmem>>
      %dma_start3A_1381 = arith.constant 0 : i32
      %dma_start3A_1382 = tpu.memref_slice %arg15[%dma_start3A_1381] : memref<262144xf32, #tpu.memory_space<vmem_shared>> -> memref<262144xf32, #tpu.memory_space<vmem_shared>>
      tpu.enqueue_indirect_dma source(%dma_start3A_1377 : memref<128xf32, #tpu.memory_space<vmem>>) target(%dma_start3A_1382 : memref<262144xf32, #tpu.memory_space<vmem_shared>>) offsets(%dma_start3A_1380 : memref<128xi32, #tpu.memory_space<vmem>>) semaphore(%arg19 : memref<!tpu.dma_semaphore, #tpu.memory_space<semaphore_mem>>) {add = true}
      %dma_start3A_1383 = arith.constant 3 : i32
      %dma_start3A_1384 = arith.constant 0 : i32
      %dma_start3A_1385 = tpu.memref_slice %arg10[%dma_start3A_1383, %dma_start3A_1384] : memref<10x128xi32, #tpu.memory_space<vmem>> -> memref<1x128xi32, #tpu.memory_space<vmem>>
      %dma_start3A_1386 = tpu.memref_squeeze %dma_start3A_1385 : memref<1x128xi32, #tpu.memory_space<vmem>> -> memref<128xi32, #tpu.memory_space<vmem>>
      %dma_start3A_1387 = arith.constant 0 : i32
      %dma_start3A_1388 = tpu.memref_slice %arg16[%dma_start3A_1387] : memref<262144xf32, #tpu.memory_space<vmem_shared>> -> memref<262144xf32, #tpu.memory_space<vmem_shared>>
      tpu.enqueue_indirect_dma source(%arg12 : memref<128xf32, #tpu.memory_space<vmem>>) target(%dma_start3A_1388 : memref<262144xf32, #tpu.memory_space<vmem_shared>>) offsets(%dma_start3A_1386 : memref<128xi32, #tpu.memory_space<vmem>>) semaphore(%arg19 : memref<!tpu.dma_semaphore, #tpu.memory_space<semaphore_mem>>) {add = true}
      %get3A_1389 = arith.constant 0 : i32
      %get3A_1390 = arith.index_cast %get3A_1389 : i32 to index
      %get3A_1391 = arith.constant 512 : index
      %get3A_1392 = tpu.vector_load %arg7[%get3A_1390, %get3A_1391] {strides = array<i32>} : memref<2x640xf32, #tpu.memory_space<vmem>>, vector<16xf32>,
      %get3A_1393 = arith.constant 0 : i32
      %get3A_1394 = arith.index_cast %get3A_1393 : i32 to index
      %get3A_1395 = arith.constant 512 : index
      %get3A_1396 = tpu.vector_load %arg8[%get3A_1394, %get3A_1395] {strides = array<i32>} : memref<2x640xf32, #tpu.memory_space<vmem>>, vector<16xf32>,
      %get3A_1397 = arith.constant 0 : i32
      %get3A_1398 = arith.index_cast %get3A_1397 : i32 to index
      %get3A_1399 = arith.constant 512 : index
      %get3A_1400 = tpu.vector_load %arg9[%get3A_1398, %get3A_1399] {strides = array<i32>} : memref<2x640xf32, #tpu.memory_space<vmem>>, vector<16xf32>,
      %sub3A_1401 = arith.subf %get3A_1392, %get3A_17 : vector<16xf32>
      %mul3A_1402 = arith.mulf %broadcast_in_dim3A_29, %sub3A_1401 : vector<16xf32>
      %div3A_1403 = arith.divf %mul3A_1402, %get3A_19 : vector<16xf32>
      %sub3A_1404 = arith.subf %get3A_1396, %get3A_21 : vector<16xf32>
      %mul3A_1405 = arith.mulf %broadcast_in_dim3A_31, %sub3A_1404 : vector<16xf32>
      %div3A_1406 = arith.divf %mul3A_1405, %get3A_23 : vector<16xf32>
      %sub3A_1407 = arith.subf %get3A_1400, %get3A_25 : vector<16xf32>
      %mul3A_1408 = arith.mulf %broadcast_in_dim3A_33, %sub3A_1407 : vector<16xf32>
      %div3A_1409 = arith.divf %mul3A_1408, %get3A_27 : vector<16xf32>
      %convert_element_type3A_1410 = arith.fptosi %div3A_1403 : vector<16xf32> to vector<16xi32>
      %min3A_1411 = arith.minsi %convert_element_type3A_1410, %broadcast_in_dim3A_35 : vector<16xi32>
      %convert_element_type3A_1412 = arith.fptosi %div3A_1406 : vector<16xf32> to vector<16xi32>
      %min3A_1413 = arith.minsi %convert_element_type3A_1412, %broadcast_in_dim3A_35 : vector<16xi32>
      %sub3A_1414 = arith.subi %broadcast_in_dim3A_35, %min3A_1413 : vector<16xi32>
      %mul3A_1415 = arith.constant 512 : i32
      %mul3A_1416 = vector.broadcast %mul3A_1415 : i32 to vector<16xi32>
      %mul3A_1417 = arith.muli %sub3A_1414, %mul3A_1416 : vector<16xi32>
      %add3A_1418 = arith.addi %mul3A_1417, %min3A_1411 : vector<16xi32>
      %swap3A_1419 = arith.constant 4 : i32
      %swap3A_1420 = arith.index_cast %swap3A_1419 : i32 to index
      %swap3A_1421 = arith.constant 0 : index
      %swap3A_1422 = tpu.vector_load %arg10[%swap3A_1420, %swap3A_1421] {strides = array<i32>} : memref<10x128xi32, #tpu.memory_space<vmem>>, vector<16xi32>,
      tpu.vector_store %arg10[%swap3A_1420, %swap3A_1421], %add3A_1418 {strides = array<i32>} : memref<10x128xi32, #tpu.memory_space<vmem>>, vector<16xi32>,
      %swap3A_1423 = arith.constant 4 : i32
      %swap3A_1424 = arith.index_cast %swap3A_1423 : i32 to index
      %swap3A_1425 = arith.constant 0 : index
      %swap3A_1426 = tpu.vector_load %arg11[%swap3A_1424, %swap3A_1425] {strides = array<i32>} : memref<10x128xf32, #tpu.memory_space<vmem>>, vector<16xf32>,
      tpu.vector_store %arg11[%swap3A_1424, %swap3A_1425], %div3A_1409 {strides = array<i32>} : memref<10x128xf32, #tpu.memory_space<vmem>>, vector<16xf32>,
      %get3A_1427 = arith.constant 0 : i32
      %get3A_1428 = arith.index_cast %get3A_1427 : i32 to index
      %get3A_1429 = arith.constant 528 : index
      %get3A_1430 = tpu.vector_load %arg7[%get3A_1428, %get3A_1429] {strides = array<i32>} : memref<2x640xf32, #tpu.memory_space<vmem>>, vector<16xf32>,
      %get3A_1431 = arith.constant 0 : i32
      %get3A_1432 = arith.index_cast %get3A_1431 : i32 to index
      %get3A_1433 = arith.constant 528 : index
      %get3A_1434 = tpu.vector_load %arg8[%get3A_1432, %get3A_1433] {strides = array<i32>} : memref<2x640xf32, #tpu.memory_space<vmem>>, vector<16xf32>,
      %get3A_1435 = arith.constant 0 : i32
      %get3A_1436 = arith.index_cast %get3A_1435 : i32 to index
      %get3A_1437 = arith.constant 528 : index
      %get3A_1438 = tpu.vector_load %arg9[%get3A_1436, %get3A_1437] {strides = array<i32>} : memref<2x640xf32, #tpu.memory_space<vmem>>, vector<16xf32>,
      %sub3A_1439 = arith.subf %get3A_1430, %get3A_17 : vector<16xf32>
      %mul3A_1440 = arith.mulf %broadcast_in_dim3A_29, %sub3A_1439 : vector<16xf32>
      %div3A_1441 = arith.divf %mul3A_1440, %get3A_19 : vector<16xf32>
      %sub3A_1442 = arith.subf %get3A_1434, %get3A_21 : vector<16xf32>
      %mul3A_1443 = arith.mulf %broadcast_in_dim3A_31, %sub3A_1442 : vector<16xf32>
      %div3A_1444 = arith.divf %mul3A_1443, %get3A_23 : vector<16xf32>
      %sub3A_1445 = arith.subf %get3A_1438, %get3A_25 : vector<16xf32>
      %mul3A_1446 = arith.mulf %broadcast_in_dim3A_33, %sub3A_1445 : vector<16xf32>
      %div3A_1447 = arith.divf %mul3A_1446, %get3A_27 : vector<16xf32>
      %convert_element_type3A_1448 = arith.fptosi %div3A_1441 : vector<16xf32> to vector<16xi32>
      %min3A_1449 = arith.minsi %convert_element_type3A_1448, %broadcast_in_dim3A_35 : vector<16xi32>
      %convert_element_type3A_1450 = arith.fptosi %div3A_1444 : vector<16xf32> to vector<16xi32>
      %min3A_1451 = arith.minsi %convert_element_type3A_1450, %broadcast_in_dim3A_35 : vector<16xi32>
      %sub3A_1452 = arith.subi %broadcast_in_dim3A_35, %min3A_1451 : vector<16xi32>
      %mul3A_1453 = arith.constant 512 : i32
      %mul3A_1454 = vector.broadcast %mul3A_1453 : i32 to vector<16xi32>
      %mul3A_1455 = arith.muli %sub3A_1452, %mul3A_1454 : vector<16xi32>
      %add3A_1456 = arith.addi %mul3A_1455, %min3A_1449 : vector<16xi32>
      %swap3A_1457 = arith.constant 4 : i32
      %swap3A_1458 = arith.index_cast %swap3A_1457 : i32 to index
      %swap3A_1459 = arith.constant 16 : index
      %swap3A_1460 = tpu.vector_load %arg10[%swap3A_1458, %swap3A_1459] {strides = array<i32>} : memref<10x128xi32, #tpu.memory_space<vmem>>, vector<16xi32>,
      tpu.vector_store %arg10[%swap3A_1458, %swap3A_1459], %add3A_1456 {strides = array<i32>} : memref<10x128xi32, #tpu.memory_space<vmem>>, vector<16xi32>,
      %swap3A_1461 = arith.constant 4 : i32
      %swap3A_1462 = arith.index_cast %swap3A_1461 : i32 to index
      %swap3A_1463 = arith.constant 16 : index
      %swap3A_1464 = tpu.vector_load %arg11[%swap3A_1462, %swap3A_1463] {strides = array<i32>} : memref<10x128xf32, #tpu.memory_space<vmem>>, vector<16xf32>,
      tpu.vector_store %arg11[%swap3A_1462, %swap3A_1463], %div3A_1447 {strides = array<i32>} : memref<10x128xf32, #tpu.memory_space<vmem>>, vector<16xf32>,
      %get3A_1465 = arith.constant 0 : i32
      %get3A_1466 = arith.index_cast %get3A_1465 : i32 to index
      %get3A_1467 = arith.constant 544 : index
      %get3A_1468 = tpu.vector_load %arg7[%get3A_1466, %get3A_1467] {strides = array<i32>} : memref<2x640xf32, #tpu.memory_space<vmem>>, vector<16xf32>,
      %get3A_1469 = arith.constant 0 : i32
      %get3A_1470 = arith.index_cast %get3A_1469 : i32 to index
      %get3A_1471 = arith.constant 544 : index
      %get3A_1472 = tpu.vector_load %arg8[%get3A_1470, %get3A_1471] {strides = array<i32>} : memref<2x640xf32, #tpu.memory_space<vmem>>, vector<16xf32>,
      %get3A_1473 = arith.constant 0 : i32
      %get3A_1474 = arith.index_cast %get3A_1473 : i32 to index
      %get3A_1475 = arith.constant 544 : index
      %get3A_1476 = tpu.vector_load %arg9[%get3A_1474, %get3A_1475] {strides = array<i32>} : memref<2x640xf32, #tpu.memory_space<vmem>>, vector<16xf32>,
      %sub3A_1477 = arith.subf %get3A_1468, %get3A_17 : vector<16xf32>
      %mul3A_1478 = arith.mulf %broadcast_in_dim3A_29, %sub3A_1477 : vector<16xf32>
      %div3A_1479 = arith.divf %mul3A_1478, %get3A_19 : vector<16xf32>
      %sub3A_1480 = arith.subf %get3A_1472, %get3A_21 : vector<16xf32>
      %mul3A_1481 = arith.mulf %broadcast_in_dim3A_31, %sub3A_1480 : vector<16xf32>
      %div3A_1482 = arith.divf %mul3A_1481, %get3A_23 : vector<16xf32>
      %sub3A_1483 = arith.subf %get3A_1476, %get3A_25 : vector<16xf32>
      %mul3A_1484 = arith.mulf %broadcast_in_dim3A_33, %sub3A_1483 : vector<16xf32>
      %div3A_1485 = arith.divf %mul3A_1484, %get3A_27 : vector<16xf32>
      %convert_element_type3A_1486 = arith.fptosi %div3A_1479 : vector<16xf32> to vector<16xi32>
      %min3A_1487 = arith.minsi %convert_element_type3A_1486, %broadcast_in_dim3A_35 : vector<16xi32>
      %convert_element_type3A_1488 = arith.fptosi %div3A_1482 : vector<16xf32> to vector<16xi32>
      %min3A_1489 = arith.minsi %convert_element_type3A_1488, %broadcast_in_dim3A_35 : vector<16xi32>
      %sub3A_1490 = arith.subi %broadcast_in_dim3A_35, %min3A_1489 : vector<16xi32>
      %mul3A_1491 = arith.constant 512 : i32
      %mul3A_1492 = vector.broadcast %mul3A_1491 : i32 to vector<16xi32>
      %mul3A_1493 = arith.muli %sub3A_1490, %mul3A_1492 : vector<16xi32>
      %add3A_1494 = arith.addi %mul3A_1493, %min3A_1487 : vector<16xi32>
      %swap3A_1495 = arith.constant 4 : i32
      %swap3A_1496 = arith.index_cast %swap3A_1495 : i32 to index
      %swap3A_1497 = arith.constant 32 : index
      %swap3A_1498 = tpu.vector_load %arg10[%swap3A_1496, %swap3A_1497] {strides = array<i32>} : memref<10x128xi32, #tpu.memory_space<vmem>>, vector<16xi32>,
      tpu.vector_store %arg10[%swap3A_1496, %swap3A_1497], %add3A_1494 {strides = array<i32>} : memref<10x128xi32, #tpu.memory_space<vmem>>, vector<16xi32>,
      %swap3A_1499 = arith.constant 4 : i32
      %swap3A_1500 = arith.index_cast %swap3A_1499 : i32 to index
      %swap3A_1501 = arith.constant 32 : index
      %swap3A_1502 = tpu.vector_load %arg11[%swap3A_1500, %swap3A_1501] {strides = array<i32>} : memref<10x128xf32, #tpu.memory_space<vmem>>, vector<16xf32>,
      tpu.vector_store %arg11[%swap3A_1500, %swap3A_1501], %div3A_1485 {strides = array<i32>} : memref<10x128xf32, #tpu.memory_space<vmem>>, vector<16xf32>,
      %get3A_1503 = arith.constant 0 : i32
      %get3A_1504 = arith.index_cast %get3A_1503 : i32 to index
      %get3A_1505 = arith.constant 560 : index
      %get3A_1506 = tpu.vector_load %arg7[%get3A_1504, %get3A_1505] {strides = array<i32>} : memref<2x640xf32, #tpu.memory_space<vmem>>, vector<16xf32>,
      %get3A_1507 = arith.constant 0 : i32
      %get3A_1508 = arith.index_cast %get3A_1507 : i32 to index
      %get3A_1509 = arith.constant 560 : index
      %get3A_1510 = tpu.vector_load %arg8[%get3A_1508, %get3A_1509] {strides = array<i32>} : memref<2x640xf32, #tpu.memory_space<vmem>>, vector<16xf32>,
      %get3A_1511 = arith.constant 0 : i32
      %get3A_1512 = arith.index_cast %get3A_1511 : i32 to index
      %get3A_1513 = arith.constant 560 : index
      %get3A_1514 = tpu.vector_load %arg9[%get3A_1512, %get3A_1513] {strides = array<i32>} : memref<2x640xf32, #tpu.memory_space<vmem>>, vector<16xf32>,
      %sub3A_1515 = arith.subf %get3A_1506, %get3A_17 : vector<16xf32>
      %mul3A_1516 = arith.mulf %broadcast_in_dim3A_29, %sub3A_1515 : vector<16xf32>
      %div3A_1517 = arith.divf %mul3A_1516, %get3A_19 : vector<16xf32>
      %sub3A_1518 = arith.subf %get3A_1510, %get3A_21 : vector<16xf32>
      %mul3A_1519 = arith.mulf %broadcast_in_dim3A_31, %sub3A_1518 : vector<16xf32>
      %div3A_1520 = arith.divf %mul3A_1519, %get3A_23 : vector<16xf32>
      %sub3A_1521 = arith.subf %get3A_1514, %get3A_25 : vector<16xf32>
      %mul3A_1522 = arith.mulf %broadcast_in_dim3A_33, %sub3A_1521 : vector<16xf32>
      %div3A_1523 = arith.divf %mul3A_1522, %get3A_27 : vector<16xf32>
      %convert_element_type3A_1524 = arith.fptosi %div3A_1517 : vector<16xf32> to vector<16xi32>
      %min3A_1525 = arith.minsi %convert_element_type3A_1524, %broadcast_in_dim3A_35 : vector<16xi32>
      %convert_element_type3A_1526 = arith.fptosi %div3A_1520 : vector<16xf32> to vector<16xi32>
      %min3A_1527 = arith.minsi %convert_element_type3A_1526, %broadcast_in_dim3A_35 : vector<16xi32>
      %sub3A_1528 = arith.subi %broadcast_in_dim3A_35, %min3A_1527 : vector<16xi32>
      %mul3A_1529 = arith.constant 512 : i32
      %mul3A_1530 = vector.broadcast %mul3A_1529 : i32 to vector<16xi32>
      %mul3A_1531 = arith.muli %sub3A_1528, %mul3A_1530 : vector<16xi32>
      %add3A_1532 = arith.addi %mul3A_1531, %min3A_1525 : vector<16xi32>
      %swap3A_1533 = arith.constant 4 : i32
      %swap3A_1534 = arith.index_cast %swap3A_1533 : i32 to index
      %swap3A_1535 = arith.constant 48 : index
      %swap3A_1536 = tpu.vector_load %arg10[%swap3A_1534, %swap3A_1535] {strides = array<i32>} : memref<10x128xi32, #tpu.memory_space<vmem>>, vector<16xi32>,
      tpu.vector_store %arg10[%swap3A_1534, %swap3A_1535], %add3A_1532 {strides = array<i32>} : memref<10x128xi32, #tpu.memory_space<vmem>>, vector<16xi32>,
      %swap3A_1537 = arith.constant 4 : i32
      %swap3A_1538 = arith.index_cast %swap3A_1537 : i32 to index
      %swap3A_1539 = arith.constant 48 : index
      %swap3A_1540 = tpu.vector_load %arg11[%swap3A_1538, %swap3A_1539] {strides = array<i32>} : memref<10x128xf32, #tpu.memory_space<vmem>>, vector<16xf32>,
      tpu.vector_store %arg11[%swap3A_1538, %swap3A_1539], %div3A_1523 {strides = array<i32>} : memref<10x128xf32, #tpu.memory_space<vmem>>, vector<16xf32>,
      %get3A_1541 = arith.constant 0 : i32
      %get3A_1542 = arith.index_cast %get3A_1541 : i32 to index
      %get3A_1543 = arith.constant 576 : index
      %get3A_1544 = tpu.vector_load %arg7[%get3A_1542, %get3A_1543] {strides = array<i32>} : memref<2x640xf32, #tpu.memory_space<vmem>>, vector<16xf32>,
      %get3A_1545 = arith.constant 0 : i32
      %get3A_1546 = arith.index_cast %get3A_1545 : i32 to index
      %get3A_1547 = arith.constant 576 : index
      %get3A_1548 = tpu.vector_load %arg8[%get3A_1546, %get3A_1547] {strides = array<i32>} : memref<2x640xf32, #tpu.memory_space<vmem>>, vector<16xf32>,
      %get3A_1549 = arith.constant 0 : i32
      %get3A_1550 = arith.index_cast %get3A_1549 : i32 to index
      %get3A_1551 = arith.constant 576 : index
      %get3A_1552 = tpu.vector_load %arg9[%get3A_1550, %get3A_1551] {strides = array<i32>} : memref<2x640xf32, #tpu.memory_space<vmem>>, vector<16xf32>,
      %sub3A_1553 = arith.subf %get3A_1544, %get3A_17 : vector<16xf32>
      %mul3A_1554 = arith.mulf %broadcast_in_dim3A_29, %sub3A_1553 : vector<16xf32>
      %div3A_1555 = arith.divf %mul3A_1554, %get3A_19 : vector<16xf32>
      %sub3A_1556 = arith.subf %get3A_1548, %get3A_21 : vector<16xf32>
      %mul3A_1557 = arith.mulf %broadcast_in_dim3A_31, %sub3A_1556 : vector<16xf32>
      %div3A_1558 = arith.divf %mul3A_1557, %get3A_23 : vector<16xf32>
      %sub3A_1559 = arith.subf %get3A_1552, %get3A_25 : vector<16xf32>
      %mul3A_1560 = arith.mulf %broadcast_in_dim3A_33, %sub3A_1559 : vector<16xf32>
      %div3A_1561 = arith.divf %mul3A_1560, %get3A_27 : vector<16xf32>
      %convert_element_type3A_1562 = arith.fptosi %div3A_1555 : vector<16xf32> to vector<16xi32>
      %min3A_1563 = arith.minsi %convert_element_type3A_1562, %broadcast_in_dim3A_35 : vector<16xi32>
      %convert_element_type3A_1564 = arith.fptosi %div3A_1558 : vector<16xf32> to vector<16xi32>
      %min3A_1565 = arith.minsi %convert_element_type3A_1564, %broadcast_in_dim3A_35 : vector<16xi32>
      %sub3A_1566 = arith.subi %broadcast_in_dim3A_35, %min3A_1565 : vector<16xi32>
      %mul3A_1567 = arith.constant 512 : i32
      %mul3A_1568 = vector.broadcast %mul3A_1567 : i32 to vector<16xi32>
      %mul3A_1569 = arith.muli %sub3A_1566, %mul3A_1568 : vector<16xi32>
      %add3A_1570 = arith.addi %mul3A_1569, %min3A_1563 : vector<16xi32>
      %swap3A_1571 = arith.constant 4 : i32
      %swap3A_1572 = arith.index_cast %swap3A_1571 : i32 to index
      %swap3A_1573 = arith.constant 64 : index
      %swap3A_1574 = tpu.vector_load %arg10[%swap3A_1572, %swap3A_1573] {strides = array<i32>} : memref<10x128xi32, #tpu.memory_space<vmem>>, vector<16xi32>,
      tpu.vector_store %arg10[%swap3A_1572, %swap3A_1573], %add3A_1570 {strides = array<i32>} : memref<10x128xi32, #tpu.memory_space<vmem>>, vector<16xi32>,
      %swap3A_1575 = arith.constant 4 : i32
      %swap3A_1576 = arith.index_cast %swap3A_1575 : i32 to index
      %swap3A_1577 = arith.constant 64 : index
      %swap3A_1578 = tpu.vector_load %arg11[%swap3A_1576, %swap3A_1577] {strides = array<i32>} : memref<10x128xf32, #tpu.memory_space<vmem>>, vector<16xf32>,
      tpu.vector_store %arg11[%swap3A_1576, %swap3A_1577], %div3A_1561 {strides = array<i32>} : memref<10x128xf32, #tpu.memory_space<vmem>>, vector<16xf32>,
      %get3A_1579 = arith.constant 0 : i32
      %get3A_1580 = arith.index_cast %get3A_1579 : i32 to index
      %get3A_1581 = arith.constant 592 : index
      %get3A_1582 = tpu.vector_load %arg7[%get3A_1580, %get3A_1581] {strides = array<i32>} : memref<2x640xf32, #tpu.memory_space<vmem>>, vector<16xf32>,
      %get3A_1583 = arith.constant 0 : i32
      %get3A_1584 = arith.index_cast %get3A_1583 : i32 to index
      %get3A_1585 = arith.constant 592 : index
      %get3A_1586 = tpu.vector_load %arg8[%get3A_1584, %get3A_1585] {strides = array<i32>} : memref<2x640xf32, #tpu.memory_space<vmem>>, vector<16xf32>,
      %get3A_1587 = arith.constant 0 : i32
      %get3A_1588 = arith.index_cast %get3A_1587 : i32 to index
      %get3A_1589 = arith.constant 592 : index
      %get3A_1590 = tpu.vector_load %arg9[%get3A_1588, %get3A_1589] {strides = array<i32>} : memref<2x640xf32, #tpu.memory_space<vmem>>, vector<16xf32>,
      %sub3A_1591 = arith.subf %get3A_1582, %get3A_17 : vector<16xf32>
      %mul3A_1592 = arith.mulf %broadcast_in_dim3A_29, %sub3A_1591 : vector<16xf32>
      %div3A_1593 = arith.divf %mul3A_1592, %get3A_19 : vector<16xf32>
      %sub3A_1594 = arith.subf %get3A_1586, %get3A_21 : vector<16xf32>
      %mul3A_1595 = arith.mulf %broadcast_in_dim3A_31, %sub3A_1594 : vector<16xf32>
      %div3A_1596 = arith.divf %mul3A_1595, %get3A_23 : vector<16xf32>
      %sub3A_1597 = arith.subf %get3A_1590, %get3A_25 : vector<16xf32>
      %mul3A_1598 = arith.mulf %broadcast_in_dim3A_33, %sub3A_1597 : vector<16xf32>
      %div3A_1599 = arith.divf %mul3A_1598, %get3A_27 : vector<16xf32>
      %convert_element_type3A_1600 = arith.fptosi %div3A_1593 : vector<16xf32> to vector<16xi32>
      %min3A_1601 = arith.minsi %convert_element_type3A_1600, %broadcast_in_dim3A_35 : vector<16xi32>
      %convert_element_type3A_1602 = arith.fptosi %div3A_1596 : vector<16xf32> to vector<16xi32>
      %min3A_1603 = arith.minsi %convert_element_type3A_1602, %broadcast_in_dim3A_35 : vector<16xi32>
      %sub3A_1604 = arith.subi %broadcast_in_dim3A_35, %min3A_1603 : vector<16xi32>
      %mul3A_1605 = arith.constant 512 : i32
      %mul3A_1606 = vector.broadcast %mul3A_1605 : i32 to vector<16xi32>
      %mul3A_1607 = arith.muli %sub3A_1604, %mul3A_1606 : vector<16xi32>
      %add3A_1608 = arith.addi %mul3A_1607, %min3A_1601 : vector<16xi32>
      %swap3A_1609 = arith.constant 4 : i32
      %swap3A_1610 = arith.index_cast %swap3A_1609 : i32 to index
      %swap3A_1611 = arith.constant 80 : index
      %swap3A_1612 = tpu.vector_load %arg10[%swap3A_1610, %swap3A_1611] {strides = array<i32>} : memref<10x128xi32, #tpu.memory_space<vmem>>, vector<16xi32>,
      tpu.vector_store %arg10[%swap3A_1610, %swap3A_1611], %add3A_1608 {strides = array<i32>} : memref<10x128xi32, #tpu.memory_space<vmem>>, vector<16xi32>,
      %swap3A_1613 = arith.constant 4 : i32
      %swap3A_1614 = arith.index_cast %swap3A_1613 : i32 to index
      %swap3A_1615 = arith.constant 80 : index
      %swap3A_1616 = tpu.vector_load %arg11[%swap3A_1614, %swap3A_1615] {strides = array<i32>} : memref<10x128xf32, #tpu.memory_space<vmem>>, vector<16xf32>,
      tpu.vector_store %arg11[%swap3A_1614, %swap3A_1615], %div3A_1599 {strides = array<i32>} : memref<10x128xf32, #tpu.memory_space<vmem>>, vector<16xf32>,
      %get3A_1617 = arith.constant 0 : i32
      %get3A_1618 = arith.index_cast %get3A_1617 : i32 to index
      %get3A_1619 = arith.constant 608 : index
      %get3A_1620 = tpu.vector_load %arg7[%get3A_1618, %get3A_1619] {strides = array<i32>} : memref<2x640xf32, #tpu.memory_space<vmem>>, vector<16xf32>,
      %get3A_1621 = arith.constant 0 : i32
      %get3A_1622 = arith.index_cast %get3A_1621 : i32 to index
      %get3A_1623 = arith.constant 608 : index
      %get3A_1624 = tpu.vector_load %arg8[%get3A_1622, %get3A_1623] {strides = array<i32>} : memref<2x640xf32, #tpu.memory_space<vmem>>, vector<16xf32>,
      %get3A_1625 = arith.constant 0 : i32
      %get3A_1626 = arith.index_cast %get3A_1625 : i32 to index
      %get3A_1627 = arith.constant 608 : index
      %get3A_1628 = tpu.vector_load %arg9[%get3A_1626, %get3A_1627] {strides = array<i32>} : memref<2x640xf32, #tpu.memory_space<vmem>>, vector<16xf32>,
      %sub3A_1629 = arith.subf %get3A_1620, %get3A_17 : vector<16xf32>
      %mul3A_1630 = arith.mulf %broadcast_in_dim3A_29, %sub3A_1629 : vector<16xf32>
      %div3A_1631 = arith.divf %mul3A_1630, %get3A_19 : vector<16xf32>
      %sub3A_1632 = arith.subf %get3A_1624, %get3A_21 : vector<16xf32>
      %mul3A_1633 = arith.mulf %broadcast_in_dim3A_31, %sub3A_1632 : vector<16xf32>
      %div3A_1634 = arith.divf %mul3A_1633, %get3A_23 : vector<16xf32>
      %sub3A_1635 = arith.subf %get3A_1628, %get3A_25 : vector<16xf32>
      %mul3A_1636 = arith.mulf %broadcast_in_dim3A_33, %sub3A_1635 : vector<16xf32>
      %div3A_1637 = arith.divf %mul3A_1636, %get3A_27 : vector<16xf32>
      %convert_element_type3A_1638 = arith.fptosi %div3A_1631 : vector<16xf32> to vector<16xi32>
      %min3A_1639 = arith.minsi %convert_element_type3A_1638, %broadcast_in_dim3A_35 : vector<16xi32>
      %convert_element_type3A_1640 = arith.fptosi %div3A_1634 : vector<16xf32> to vector<16xi32>
      %min3A_1641 = arith.minsi %convert_element_type3A_1640, %broadcast_in_dim3A_35 : vector<16xi32>
      %sub3A_1642 = arith.subi %broadcast_in_dim3A_35, %min3A_1641 : vector<16xi32>
      %mul3A_1643 = arith.constant 512 : i32
      %mul3A_1644 = vector.broadcast %mul3A_1643 : i32 to vector<16xi32>
      %mul3A_1645 = arith.muli %sub3A_1642, %mul3A_1644 : vector<16xi32>
      %add3A_1646 = arith.addi %mul3A_1645, %min3A_1639 : vector<16xi32>
      %swap3A_1647 = arith.constant 4 : i32
      %swap3A_1648 = arith.index_cast %swap3A_1647 : i32 to index
      %swap3A_1649 = arith.constant 96 : index
      %swap3A_1650 = tpu.vector_load %arg10[%swap3A_1648, %swap3A_1649] {strides = array<i32>} : memref<10x128xi32, #tpu.memory_space<vmem>>, vector<16xi32>,
      tpu.vector_store %arg10[%swap3A_1648, %swap3A_1649], %add3A_1646 {strides = array<i32>} : memref<10x128xi32, #tpu.memory_space<vmem>>, vector<16xi32>,
      %swap3A_1651 = arith.constant 4 : i32
      %swap3A_1652 = arith.index_cast %swap3A_1651 : i32 to index
      %swap3A_1653 = arith.constant 96 : index
      %swap3A_1654 = tpu.vector_load %arg11[%swap3A_1652, %swap3A_1653] {strides = array<i32>} : memref<10x128xf32, #tpu.memory_space<vmem>>, vector<16xf32>,
      tpu.vector_store %arg11[%swap3A_1652, %swap3A_1653], %div3A_1637 {strides = array<i32>} : memref<10x128xf32, #tpu.memory_space<vmem>>, vector<16xf32>,
      %get3A_1655 = arith.constant 0 : i32
      %get3A_1656 = arith.index_cast %get3A_1655 : i32 to index
      %get3A_1657 = arith.constant 624 : index
      %get3A_1658 = tpu.vector_load %arg7[%get3A_1656, %get3A_1657] {strides = array<i32>} : memref<2x640xf32, #tpu.memory_space<vmem>>, vector<16xf32>,
      %get3A_1659 = arith.constant 0 : i32
      %get3A_1660 = arith.index_cast %get3A_1659 : i32 to index
      %get3A_1661 = arith.constant 624 : index
      %get3A_1662 = tpu.vector_load %arg8[%get3A_1660, %get3A_1661] {strides = array<i32>} : memref<2x640xf32, #tpu.memory_space<vmem>>, vector<16xf32>,
      %get3A_1663 = arith.constant 0 : i32
      %get3A_1664 = arith.index_cast %get3A_1663 : i32 to index
      %get3A_1665 = arith.constant 624 : index
      %get3A_1666 = tpu.vector_load %arg9[%get3A_1664, %get3A_1665] {strides = array<i32>} : memref<2x640xf32, #tpu.memory_space<vmem>>, vector<16xf32>,
      %sub3A_1667 = arith.subf %get3A_1658, %get3A_17 : vector<16xf32>
      %mul3A_1668 = arith.mulf %broadcast_in_dim3A_29, %sub3A_1667 : vector<16xf32>
      %div3A_1669 = arith.divf %mul3A_1668, %get3A_19 : vector<16xf32>
      %sub3A_1670 = arith.subf %get3A_1662, %get3A_21 : vector<16xf32>
      %mul3A_1671 = arith.mulf %broadcast_in_dim3A_31, %sub3A_1670 : vector<16xf32>
      %div3A_1672 = arith.divf %mul3A_1671, %get3A_23 : vector<16xf32>
      %sub3A_1673 = arith.subf %get3A_1666, %get3A_25 : vector<16xf32>
      %mul3A_1674 = arith.mulf %broadcast_in_dim3A_33, %sub3A_1673 : vector<16xf32>
      %div3A_1675 = arith.divf %mul3A_1674, %get3A_27 : vector<16xf32>
      %convert_element_type3A_1676 = arith.fptosi %div3A_1669 : vector<16xf32> to vector<16xi32>
      %min3A_1677 = arith.minsi %convert_element_type3A_1676, %broadcast_in_dim3A_35 : vector<16xi32>
      %convert_element_type3A_1678 = arith.fptosi %div3A_1672 : vector<16xf32> to vector<16xi32>
      %min3A_1679 = arith.minsi %convert_element_type3A_1678, %broadcast_in_dim3A_35 : vector<16xi32>
      %sub3A_1680 = arith.subi %broadcast_in_dim3A_35, %min3A_1679 : vector<16xi32>
      %mul3A_1681 = arith.constant 512 : i32
      %mul3A_1682 = vector.broadcast %mul3A_1681 : i32 to vector<16xi32>
      %mul3A_1683 = arith.muli %sub3A_1680, %mul3A_1682 : vector<16xi32>
      %add3A_1684 = arith.addi %mul3A_1683, %min3A_1677 : vector<16xi32>
      %swap3A_1685 = arith.constant 4 : i32
      %swap3A_1686 = arith.index_cast %swap3A_1685 : i32 to index
      %swap3A_1687 = arith.constant 112 : index
      %swap3A_1688 = tpu.vector_load %arg10[%swap3A_1686, %swap3A_1687] {strides = array<i32>} : memref<10x128xi32, #tpu.memory_space<vmem>>, vector<16xi32>,
      tpu.vector_store %arg10[%swap3A_1686, %swap3A_1687], %add3A_1684 {strides = array<i32>} : memref<10x128xi32, #tpu.memory_space<vmem>>, vector<16xi32>,
      %swap3A_1689 = arith.constant 4 : i32
      %swap3A_1690 = arith.index_cast %swap3A_1689 : i32 to index
      %swap3A_1691 = arith.constant 112 : index
      %swap3A_1692 = tpu.vector_load %arg11[%swap3A_1690, %swap3A_1691] {strides = array<i32>} : memref<10x128xf32, #tpu.memory_space<vmem>>, vector<16xf32>,
      tpu.vector_store %arg11[%swap3A_1690, %swap3A_1691], %div3A_1675 {strides = array<i32>} : memref<10x128xf32, #tpu.memory_space<vmem>>, vector<16xf32>,
      %dma_start3A_1693 = arith.constant 4 : i32
      %dma_start3A_1694 = arith.constant 4 : i32
      %dma_start3A_1695 = arith.constant 0 : i32
      %dma_start3A_1696 = tpu.memref_slice %arg11[%dma_start3A_1693, %dma_start3A_1695] : memref<10x128xf32, #tpu.memory_space<vmem>> -> memref<1x128xf32, #tpu.memory_space<vmem>>
      %dma_start3A_1697 = tpu.memref_squeeze %dma_start3A_1696 : memref<1x128xf32, #tpu.memory_space<vmem>> -> memref<128xf32, #tpu.memory_space<vmem>>
      %dma_start3A_1698 = arith.constant 0 : i32
      %dma_start3A_1699 = tpu.memref_slice %arg10[%dma_start3A_1694, %dma_start3A_1698] : memref<10x128xi32, #tpu.memory_space<vmem>> -> memref<1x128xi32, #tpu.memory_space<vmem>>
      %dma_start3A_1700 = tpu.memref_squeeze %dma_start3A_1699 : memref<1x128xi32, #tpu.memory_space<vmem>> -> memref<128xi32, #tpu.memory_space<vmem>>
      %dma_start3A_1701 = arith.constant 0 : i32
      %dma_start3A_1702 = tpu.memref_slice %arg15[%dma_start3A_1701] : memref<262144xf32, #tpu.memory_space<vmem_shared>> -> memref<262144xf32, #tpu.memory_space<vmem_shared>>
      tpu.enqueue_indirect_dma source(%dma_start3A_1697 : memref<128xf32, #tpu.memory_space<vmem>>) target(%dma_start3A_1702 : memref<262144xf32, #tpu.memory_space<vmem_shared>>) offsets(%dma_start3A_1700 : memref<128xi32, #tpu.memory_space<vmem>>) semaphore(%arg19 : memref<!tpu.dma_semaphore, #tpu.memory_space<semaphore_mem>>) {add = true}
      %dma_start3A_1703 = arith.constant 4 : i32
      %dma_start3A_1704 = arith.constant 0 : i32
      %dma_start3A_1705 = tpu.memref_slice %arg10[%dma_start3A_1703, %dma_start3A_1704] : memref<10x128xi32, #tpu.memory_space<vmem>> -> memref<1x128xi32, #tpu.memory_space<vmem>>
      %dma_start3A_1706 = tpu.memref_squeeze %dma_start3A_1705 : memref<1x128xi32, #tpu.memory_space<vmem>> -> memref<128xi32, #tpu.memory_space<vmem>>
      %dma_start3A_1707 = arith.constant 0 : i32
      %dma_start3A_1708 = tpu.memref_slice %arg16[%dma_start3A_1707] : memref<262144xf32, #tpu.memory_space<vmem_shared>> -> memref<262144xf32, #tpu.memory_space<vmem_shared>>
      tpu.enqueue_indirect_dma source(%arg12 : memref<128xf32, #tpu.memory_space<vmem>>) target(%dma_start3A_1708 : memref<262144xf32, #tpu.memory_space<vmem_shared>>) offsets(%dma_start3A_1706 : memref<128xi32, #tpu.memory_space<vmem>>) semaphore(%arg19 : memref<!tpu.dma_semaphore, #tpu.memory_space<semaphore_mem>>) {add = true}
      %add3A_1709 = arith.constant 1 : i32
      %add3A_1710 = arith.addi %add3A_77, %add3A_1709 : i32
      %lt3A_1711 = arith.constant 49 : i32
      %lt3A_1712 = arith.cmpi slt, %add3A_1710, %lt3A_1711 : i32
      %convert_element_type3A_1713 = arith.extui %lt3A_1712 : i1 to i32
      %cond3A_1714 = arith.constant 0 : i32
      %cond3A_1715 = arith.cmpi ne, %convert_element_type3A_1713, %cond3A_1714 : i32
      scf.if %cond3A_1715 {
        %add3A_1799 = arith.constant 64 : i32
        %add3A_1800 = arith.addi %add3A_80, %add3A_1799 : i32
        %mul3A_1801 = arith.constant 640 : i32
        %mul3A_1802 = arith.muli %add3A_1800, %mul3A_1801 : i32
        %dma_start3A_1803 = arith.constant 0 : i32
        %dma_start3A_1804 = arith.constant 0 : i32
        %dma_start3A_1805 = tpu.memref_slice %arg7[%dma_start3A_1803, %dma_start3A_1804] : memref<2x640xf32, #tpu.memory_space<vmem>> -> memref<1x640xf32, #tpu.memory_space<vmem>>
        %dma_start3A_1806 = tpu.memref_squeeze %dma_start3A_1805 : memref<1x640xf32, #tpu.memory_space<vmem>> -> memref<640xf32, #tpu.memory_space<vmem>>
        %dma_start3A_1807 = tpu.memref_slice %arg2[%mul3A_1802] : memref<2000000xf32, #tpu.memory_space<hbm>> -> memref<640xf32, #tpu.memory_space<hbm>>
        %dma_start3A_1808 = arith.constant 0 : i32
        %dma_start3A_1809 = tpu.memref_slice %arg7[%dma_start3A_1803, %dma_start3A_1808] : memref<2x640xf32, #tpu.memory_space<vmem>> -> memref<1x640xf32, #tpu.memory_space<vmem>>
        %dma_start3A_1810 = tpu.memref_squeeze %dma_start3A_1809 : memref<1x640xf32, #tpu.memory_space<vmem>> -> memref<640xf32, #tpu.memory_space<vmem>>
        %dma_start3A_1811 = tpu.memref_slice %arg2[%mul3A_1802] : memref<2000000xf32, #tpu.memory_space<hbm>> -> memref<640xf32, #tpu.memory_space<hbm>>
        tpu.enqueue_dma source(%dma_start3A_1811 : memref<640xf32, #tpu.memory_space<hbm>>) target(%dma_start3A_1810 : memref<640xf32, #tpu.memory_space<vmem>>) target_semaphore(%arg17 : memref<!tpu.dma_semaphore, #tpu.memory_space<semaphore_mem>>)
        %dma_start3A_1812 = arith.constant 0 : i32
        %dma_start3A_1813 = arith.constant 0 : i32
        %dma_start3A_1814 = tpu.memref_slice %arg8[%dma_start3A_1812, %dma_start3A_1813] : memref<2x640xf32, #tpu.memory_space<vmem>> -> memref<1x640xf32, #tpu.memory_space<vmem>>
        %dma_start3A_1815 = tpu.memref_squeeze %dma_start3A_1814 : memref<1x640xf32, #tpu.memory_space<vmem>> -> memref<640xf32, #tpu.memory_space<vmem>>
        %dma_start3A_1816 = tpu.memref_slice %arg3[%mul3A_1802] : memref<2000000xf32, #tpu.memory_space<hbm>> -> memref<640xf32, #tpu.memory_space<hbm>>
        %dma_start3A_1817 = arith.constant 0 : i32
        %dma_start3A_1818 = tpu.memref_slice %arg8[%dma_start3A_1812, %dma_start3A_1817] : memref<2x640xf32, #tpu.memory_space<vmem>> -> memref<1x640xf32, #tpu.memory_space<vmem>>
        %dma_start3A_1819 = tpu.memref_squeeze %dma_start3A_1818 : memref<1x640xf32, #tpu.memory_space<vmem>> -> memref<640xf32, #tpu.memory_space<vmem>>
        %dma_start3A_1820 = tpu.memref_slice %arg3[%mul3A_1802] : memref<2000000xf32, #tpu.memory_space<hbm>> -> memref<640xf32, #tpu.memory_space<hbm>>
        tpu.enqueue_dma source(%dma_start3A_1820 : memref<640xf32, #tpu.memory_space<hbm>>) target(%dma_start3A_1819 : memref<640xf32, #tpu.memory_space<vmem>>) target_semaphore(%arg17 : memref<!tpu.dma_semaphore, #tpu.memory_space<semaphore_mem>>)
        %dma_start3A_1821 = arith.constant 0 : i32
        %dma_start3A_1822 = arith.constant 0 : i32
        %dma_start3A_1823 = tpu.memref_slice %arg9[%dma_start3A_1821, %dma_start3A_1822] : memref<2x640xf32, #tpu.memory_space<vmem>> -> memref<1x640xf32, #tpu.memory_space<vmem>>
        %dma_start3A_1824 = tpu.memref_squeeze %dma_start3A_1823 : memref<1x640xf32, #tpu.memory_space<vmem>> -> memref<640xf32, #tpu.memory_space<vmem>>
        %dma_start3A_1825 = tpu.memref_slice %arg4[%mul3A_1802] : memref<2000000xf32, #tpu.memory_space<hbm>> -> memref<640xf32, #tpu.memory_space<hbm>>
        %dma_start3A_1826 = arith.constant 0 : i32
        %dma_start3A_1827 = tpu.memref_slice %arg9[%dma_start3A_1821, %dma_start3A_1826] : memref<2x640xf32, #tpu.memory_space<vmem>> -> memref<1x640xf32, #tpu.memory_space<vmem>>
        %dma_start3A_1828 = tpu.memref_squeeze %dma_start3A_1827 : memref<1x640xf32, #tpu.memory_space<vmem>> -> memref<640xf32, #tpu.memory_space<vmem>>
        %dma_start3A_1829 = tpu.memref_slice %arg4[%mul3A_1802] : memref<2000000xf32, #tpu.memory_space<hbm>> -> memref<640xf32, #tpu.memory_space<hbm>>
        tpu.enqueue_dma source(%dma_start3A_1829 : memref<640xf32, #tpu.memory_space<hbm>>) target(%dma_start3A_1828 : memref<640xf32, #tpu.memory_space<vmem>>) target_semaphore(%arg17 : memref<!tpu.dma_semaphore, #tpu.memory_space<semaphore_mem>>)
      } else {
      }
      %convert_element_type3A_1716 = arith.extui %lt3A_83 : i1 to i32
      %cond3A_1717 = arith.constant 0 : i32
      %cond3A_1718 = arith.cmpi ne, %convert_element_type3A_1716, %cond3A_1717 : i32
      scf.if %cond3A_1718 {
        %mul3A_1799 = arith.constant 640 : i32
        %mul3A_1800 = arith.muli %add3A_82, %mul3A_1799 : i32
        %dma_wait3A_1801 = arith.constant 1 : i32
        %dma_wait3A_1802 = arith.constant 0 : i32
        %dma_wait3A_1803 = tpu.memref_slice %arg7[%dma_wait3A_1801, %dma_wait3A_1802] : memref<2x640xf32, #tpu.memory_space<vmem>> -> memref<1x640xf32, #tpu.memory_space<vmem>>
        %dma_wait3A_1804 = tpu.memref_squeeze %dma_wait3A_1803 : memref<1x640xf32, #tpu.memory_space<vmem>> -> memref<640xf32, #tpu.memory_space<vmem>>
        %dma_wait3A_1805 = tpu.memref_slice %arg2[%mul3A_1800] : memref<2000000xf32, #tpu.memory_space<hbm>> -> memref<640xf32, #tpu.memory_space<hbm>>
        %dma_wait3A_1806 = arith.constant 0 : i32
        %dma_wait3A_1807 = tpu.memref_slice %arg7[%dma_wait3A_1801, %dma_wait3A_1806] : memref<2x640xf32, #tpu.memory_space<vmem>> -> memref<1x640xf32, #tpu.memory_space<vmem>>
        %dma_wait3A_1808 = tpu.memref_squeeze %dma_wait3A_1807 : memref<1x640xf32, #tpu.memory_space<vmem>> -> memref<640xf32, #tpu.memory_space<vmem>>
        %dma_wait3A_1809 = tpu.memref_slice %arg2[%mul3A_1800] : memref<2000000xf32, #tpu.memory_space<hbm>> -> memref<640xf32, #tpu.memory_space<hbm>>
        tpu.wait_dma2 semaphore(%arg18 : memref<!tpu.dma_semaphore, #tpu.memory_space<semaphore_mem>>) src(%dma_wait3A_1809 : memref<640xf32, #tpu.memory_space<hbm>>) dst(%dma_wait3A_1808 : memref<640xf32, #tpu.memory_space<vmem>>)
        %dma_wait3A_1810 = arith.constant 1 : i32
        %dma_wait3A_1811 = arith.constant 0 : i32
        %dma_wait3A_1812 = tpu.memref_slice %arg8[%dma_wait3A_1810, %dma_wait3A_1811] : memref<2x640xf32, #tpu.memory_space<vmem>> -> memref<1x640xf32, #tpu.memory_space<vmem>>
        %dma_wait3A_1813 = tpu.memref_squeeze %dma_wait3A_1812 : memref<1x640xf32, #tpu.memory_space<vmem>> -> memref<640xf32, #tpu.memory_space<vmem>>
        %dma_wait3A_1814 = tpu.memref_slice %arg3[%mul3A_1800] : memref<2000000xf32, #tpu.memory_space<hbm>> -> memref<640xf32, #tpu.memory_space<hbm>>
        %dma_wait3A_1815 = arith.constant 0 : i32
        %dma_wait3A_1816 = tpu.memref_slice %arg8[%dma_wait3A_1810, %dma_wait3A_1815] : memref<2x640xf32, #tpu.memory_space<vmem>> -> memref<1x640xf32, #tpu.memory_space<vmem>>
        %dma_wait3A_1817 = tpu.memref_squeeze %dma_wait3A_1816 : memref<1x640xf32, #tpu.memory_space<vmem>> -> memref<640xf32, #tpu.memory_space<vmem>>
        %dma_wait3A_1818 = tpu.memref_slice %arg3[%mul3A_1800] : memref<2000000xf32, #tpu.memory_space<hbm>> -> memref<640xf32, #tpu.memory_space<hbm>>
        tpu.wait_dma2 semaphore(%arg18 : memref<!tpu.dma_semaphore, #tpu.memory_space<semaphore_mem>>) src(%dma_wait3A_1818 : memref<640xf32, #tpu.memory_space<hbm>>) dst(%dma_wait3A_1817 : memref<640xf32, #tpu.memory_space<vmem>>)
        %dma_wait3A_1819 = arith.constant 1 : i32
        %dma_wait3A_1820 = arith.constant 0 : i32
        %dma_wait3A_1821 = tpu.memref_slice %arg9[%dma_wait3A_1819, %dma_wait3A_1820] : memref<2x640xf32, #tpu.memory_space<vmem>> -> memref<1x640xf32, #tpu.memory_space<vmem>>
        %dma_wait3A_1822 = tpu.memref_squeeze %dma_wait3A_1821 : memref<1x640xf32, #tpu.memory_space<vmem>> -> memref<640xf32, #tpu.memory_space<vmem>>
        %dma_wait3A_1823 = tpu.memref_slice %arg4[%mul3A_1800] : memref<2000000xf32, #tpu.memory_space<hbm>> -> memref<640xf32, #tpu.memory_space<hbm>>
        %dma_wait3A_1824 = arith.constant 0 : i32
        %dma_wait3A_1825 = tpu.memref_slice %arg9[%dma_wait3A_1819, %dma_wait3A_1824] : memref<2x640xf32, #tpu.memory_space<vmem>> -> memref<1x640xf32, #tpu.memory_space<vmem>>
        %dma_wait3A_1826 = tpu.memref_squeeze %dma_wait3A_1825 : memref<1x640xf32, #tpu.memory_space<vmem>> -> memref<640xf32, #tpu.memory_space<vmem>>
        %dma_wait3A_1827 = tpu.memref_slice %arg4[%mul3A_1800] : memref<2000000xf32, #tpu.memory_space<hbm>> -> memref<640xf32, #tpu.memory_space<hbm>>
        tpu.wait_dma2 semaphore(%arg18 : memref<!tpu.dma_semaphore, #tpu.memory_space<semaphore_mem>>) src(%dma_wait3A_1827 : memref<640xf32, #tpu.memory_space<hbm>>) dst(%dma_wait3A_1826 : memref<640xf32, #tpu.memory_space<vmem>>)
        %get3A_1828 = arith.constant 1 : i32
        %get3A_1829 = arith.index_cast %get3A_1828 : i32 to index
        %get3A_1830 = arith.constant 0 : index
        %get3A_1831 = tpu.vector_load %arg7[%get3A_1829, %get3A_1830] {strides = array<i32>} : memref<2x640xf32, #tpu.memory_space<vmem>>, vector<16xf32>,
        %get3A_1832 = arith.constant 1 : i32
        %get3A_1833 = arith.index_cast %get3A_1832 : i32 to index
        %get3A_1834 = arith.constant 0 : index
        %get3A_1835 = tpu.vector_load %arg8[%get3A_1833, %get3A_1834] {strides = array<i32>} : memref<2x640xf32, #tpu.memory_space<vmem>>, vector<16xf32>,
        %get3A_1836 = arith.constant 1 : i32
        %get3A_1837 = arith.index_cast %get3A_1836 : i32 to index
        %get3A_1838 = arith.constant 0 : index
        %get3A_1839 = tpu.vector_load %arg9[%get3A_1837, %get3A_1838] {strides = array<i32>} : memref<2x640xf32, #tpu.memory_space<vmem>>, vector<16xf32>,
        %sub3A_1840 = arith.subf %get3A_1831, %get3A_17 : vector<16xf32>
        %mul3A_1841 = arith.mulf %broadcast_in_dim3A_29, %sub3A_1840 : vector<16xf32>
        %div3A_1842 = arith.divf %mul3A_1841, %get3A_19 : vector<16xf32>
        %sub3A_1843 = arith.subf %get3A_1835, %get3A_21 : vector<16xf32>
        %mul3A_1844 = arith.mulf %broadcast_in_dim3A_31, %sub3A_1843 : vector<16xf32>
        %div3A_1845 = arith.divf %mul3A_1844, %get3A_23 : vector<16xf32>
        %sub3A_1846 = arith.subf %get3A_1839, %get3A_25 : vector<16xf32>
        %mul3A_1847 = arith.mulf %broadcast_in_dim3A_33, %sub3A_1846 : vector<16xf32>
        %div3A_1848 = arith.divf %mul3A_1847, %get3A_27 : vector<16xf32>
        %convert_element_type3A_1849 = arith.fptosi %div3A_1842 : vector<16xf32> to vector<16xi32>
        %min3A_1850 = arith.minsi %convert_element_type3A_1849, %broadcast_in_dim3A_35 : vector<16xi32>
        %convert_element_type3A_1851 = arith.fptosi %div3A_1845 : vector<16xf32> to vector<16xi32>
        %min3A_1852 = arith.minsi %convert_element_type3A_1851, %broadcast_in_dim3A_35 : vector<16xi32>
        %sub3A_1853 = arith.subi %broadcast_in_dim3A_35, %min3A_1852 : vector<16xi32>
        %mul3A_1854 = arith.constant 512 : i32
        %mul3A_1855 = vector.broadcast %mul3A_1854 : i32 to vector<16xi32>
        %mul3A_1856 = arith.muli %sub3A_1853, %mul3A_1855 : vector<16xi32>
        %add3A_1857 = arith.addi %mul3A_1856, %min3A_1850 : vector<16xi32>
        %swap3A_1858 = arith.constant 5 : i32
        %swap3A_1859 = arith.index_cast %swap3A_1858 : i32 to index
        %swap3A_1860 = arith.constant 0 : index
        %swap3A_1861 = tpu.vector_load %arg10[%swap3A_1859, %swap3A_1860] {strides = array<i32>} : memref<10x128xi32, #tpu.memory_space<vmem>>, vector<16xi32>,
        tpu.vector_store %arg10[%swap3A_1859, %swap3A_1860], %add3A_1857 {strides = array<i32>} : memref<10x128xi32, #tpu.memory_space<vmem>>, vector<16xi32>,
        %swap3A_1862 = arith.constant 5 : i32
        %swap3A_1863 = arith.index_cast %swap3A_1862 : i32 to index
        %swap3A_1864 = arith.constant 0 : index
        %swap3A_1865 = tpu.vector_load %arg11[%swap3A_1863, %swap3A_1864] {strides = array<i32>} : memref<10x128xf32, #tpu.memory_space<vmem>>, vector<16xf32>,
        tpu.vector_store %arg11[%swap3A_1863, %swap3A_1864], %div3A_1848 {strides = array<i32>} : memref<10x128xf32, #tpu.memory_space<vmem>>, vector<16xf32>,
        %get3A_1866 = arith.constant 1 : i32
        %get3A_1867 = arith.index_cast %get3A_1866 : i32 to index
        %get3A_1868 = arith.constant 16 : index
        %get3A_1869 = tpu.vector_load %arg7[%get3A_1867, %get3A_1868] {strides = array<i32>} : memref<2x640xf32, #tpu.memory_space<vmem>>, vector<16xf32>,
        %get3A_1870 = arith.constant 1 : i32
        %get3A_1871 = arith.index_cast %get3A_1870 : i32 to index
        %get3A_1872 = arith.constant 16 : index
        %get3A_1873 = tpu.vector_load %arg8[%get3A_1871, %get3A_1872] {strides = array<i32>} : memref<2x640xf32, #tpu.memory_space<vmem>>, vector<16xf32>,
        %get3A_1874 = arith.constant 1 : i32
        %get3A_1875 = arith.index_cast %get3A_1874 : i32 to index
        %get3A_1876 = arith.constant 16 : index
        %get3A_1877 = tpu.vector_load %arg9[%get3A_1875, %get3A_1876] {strides = array<i32>} : memref<2x640xf32, #tpu.memory_space<vmem>>, vector<16xf32>,
        %sub3A_1878 = arith.subf %get3A_1869, %get3A_17 : vector<16xf32>
        %mul3A_1879 = arith.mulf %broadcast_in_dim3A_29, %sub3A_1878 : vector<16xf32>
        %div3A_1880 = arith.divf %mul3A_1879, %get3A_19 : vector<16xf32>
        %sub3A_1881 = arith.subf %get3A_1873, %get3A_21 : vector<16xf32>
        %mul3A_1882 = arith.mulf %broadcast_in_dim3A_31, %sub3A_1881 : vector<16xf32>
        %div3A_1883 = arith.divf %mul3A_1882, %get3A_23 : vector<16xf32>
        %sub3A_1884 = arith.subf %get3A_1877, %get3A_25 : vector<16xf32>
        %mul3A_1885 = arith.mulf %broadcast_in_dim3A_33, %sub3A_1884 : vector<16xf32>
        %div3A_1886 = arith.divf %mul3A_1885, %get3A_27 : vector<16xf32>
        %convert_element_type3A_1887 = arith.fptosi %div3A_1880 : vector<16xf32> to vector<16xi32>
        %min3A_1888 = arith.minsi %convert_element_type3A_1887, %broadcast_in_dim3A_35 : vector<16xi32>
        %convert_element_type3A_1889 = arith.fptosi %div3A_1883 : vector<16xf32> to vector<16xi32>
        %min3A_1890 = arith.minsi %convert_element_type3A_1889, %broadcast_in_dim3A_35 : vector<16xi32>
        %sub3A_1891 = arith.subi %broadcast_in_dim3A_35, %min3A_1890 : vector<16xi32>
        %mul3A_1892 = arith.constant 512 : i32
        %mul3A_1893 = vector.broadcast %mul3A_1892 : i32 to vector<16xi32>
        %mul3A_1894 = arith.muli %sub3A_1891, %mul3A_1893 : vector<16xi32>
        %add3A_1895 = arith.addi %mul3A_1894, %min3A_1888 : vector<16xi32>
        %swap3A_1896 = arith.constant 5 : i32
        %swap3A_1897 = arith.index_cast %swap3A_1896 : i32 to index
        %swap3A_1898 = arith.constant 16 : index
        %swap3A_1899 = tpu.vector_load %arg10[%swap3A_1897, %swap3A_1898] {strides = array<i32>} : memref<10x128xi32, #tpu.memory_space<vmem>>, vector<16xi32>,
        tpu.vector_store %arg10[%swap3A_1897, %swap3A_1898], %add3A_1895 {strides = array<i32>} : memref<10x128xi32, #tpu.memory_space<vmem>>, vector<16xi32>,
        %swap3A_1900 = arith.constant 5 : i32
        %swap3A_1901 = arith.index_cast %swap3A_1900 : i32 to index
        %swap3A_1902 = arith.constant 16 : index
        %swap3A_1903 = tpu.vector_load %arg11[%swap3A_1901, %swap3A_1902] {strides = array<i32>} : memref<10x128xf32, #tpu.memory_space<vmem>>, vector<16xf32>,
        tpu.vector_store %arg11[%swap3A_1901, %swap3A_1902], %div3A_1886 {strides = array<i32>} : memref<10x128xf32, #tpu.memory_space<vmem>>, vector<16xf32>,
        %get3A_1904 = arith.constant 1 : i32
        %get3A_1905 = arith.index_cast %get3A_1904 : i32 to index
        %get3A_1906 = arith.constant 32 : index
        %get3A_1907 = tpu.vector_load %arg7[%get3A_1905, %get3A_1906] {strides = array<i32>} : memref<2x640xf32, #tpu.memory_space<vmem>>, vector<16xf32>,
        %get3A_1908 = arith.constant 1 : i32
        %get3A_1909 = arith.index_cast %get3A_1908 : i32 to index
        %get3A_1910 = arith.constant 32 : index
        %get3A_1911 = tpu.vector_load %arg8[%get3A_1909, %get3A_1910] {strides = array<i32>} : memref<2x640xf32, #tpu.memory_space<vmem>>, vector<16xf32>,
        %get3A_1912 = arith.constant 1 : i32
        %get3A_1913 = arith.index_cast %get3A_1912 : i32 to index
        %get3A_1914 = arith.constant 32 : index
        %get3A_1915 = tpu.vector_load %arg9[%get3A_1913, %get3A_1914] {strides = array<i32>} : memref<2x640xf32, #tpu.memory_space<vmem>>, vector<16xf32>,
        %sub3A_1916 = arith.subf %get3A_1907, %get3A_17 : vector<16xf32>
        %mul3A_1917 = arith.mulf %broadcast_in_dim3A_29, %sub3A_1916 : vector<16xf32>
        %div3A_1918 = arith.divf %mul3A_1917, %get3A_19 : vector<16xf32>
        %sub3A_1919 = arith.subf %get3A_1911, %get3A_21 : vector<16xf32>
        %mul3A_1920 = arith.mulf %broadcast_in_dim3A_31, %sub3A_1919 : vector<16xf32>
        %div3A_1921 = arith.divf %mul3A_1920, %get3A_23 : vector<16xf32>
        %sub3A_1922 = arith.subf %get3A_1915, %get3A_25 : vector<16xf32>
        %mul3A_1923 = arith.mulf %broadcast_in_dim3A_33, %sub3A_1922 : vector<16xf32>
        %div3A_1924 = arith.divf %mul3A_1923, %get3A_27 : vector<16xf32>
        %convert_element_type3A_1925 = arith.fptosi %div3A_1918 : vector<16xf32> to vector<16xi32>
        %min3A_1926 = arith.minsi %convert_element_type3A_1925, %broadcast_in_dim3A_35 : vector<16xi32>
        %convert_element_type3A_1927 = arith.fptosi %div3A_1921 : vector<16xf32> to vector<16xi32>
        %min3A_1928 = arith.minsi %convert_element_type3A_1927, %broadcast_in_dim3A_35 : vector<16xi32>
        %sub3A_1929 = arith.subi %broadcast_in_dim3A_35, %min3A_1928 : vector<16xi32>
        %mul3A_1930 = arith.constant 512 : i32
        %mul3A_1931 = vector.broadcast %mul3A_1930 : i32 to vector<16xi32>
        %mul3A_1932 = arith.muli %sub3A_1929, %mul3A_1931 : vector<16xi32>
        %add3A_1933 = arith.addi %mul3A_1932, %min3A_1926 : vector<16xi32>
        %swap3A_1934 = arith.constant 5 : i32
        %swap3A_1935 = arith.index_cast %swap3A_1934 : i32 to index
        %swap3A_1936 = arith.constant 32 : index
        %swap3A_1937 = tpu.vector_load %arg10[%swap3A_1935, %swap3A_1936] {strides = array<i32>} : memref<10x128xi32, #tpu.memory_space<vmem>>, vector<16xi32>,
        tpu.vector_store %arg10[%swap3A_1935, %swap3A_1936], %add3A_1933 {strides = array<i32>} : memref<10x128xi32, #tpu.memory_space<vmem>>, vector<16xi32>,
        %swap3A_1938 = arith.constant 5 : i32
        %swap3A_1939 = arith.index_cast %swap3A_1938 : i32 to index
        %swap3A_1940 = arith.constant 32 : index
        %swap3A_1941 = tpu.vector_load %arg11[%swap3A_1939, %swap3A_1940] {strides = array<i32>} : memref<10x128xf32, #tpu.memory_space<vmem>>, vector<16xf32>,
        tpu.vector_store %arg11[%swap3A_1939, %swap3A_1940], %div3A_1924 {strides = array<i32>} : memref<10x128xf32, #tpu.memory_space<vmem>>, vector<16xf32>,
        %get3A_1942 = arith.constant 1 : i32
        %get3A_1943 = arith.index_cast %get3A_1942 : i32 to index
        %get3A_1944 = arith.constant 48 : index
        %get3A_1945 = tpu.vector_load %arg7[%get3A_1943, %get3A_1944] {strides = array<i32>} : memref<2x640xf32, #tpu.memory_space<vmem>>, vector<16xf32>,
        %get3A_1946 = arith.constant 1 : i32
        %get3A_1947 = arith.index_cast %get3A_1946 : i32 to index
        %get3A_1948 = arith.constant 48 : index
        %get3A_1949 = tpu.vector_load %arg8[%get3A_1947, %get3A_1948] {strides = array<i32>} : memref<2x640xf32, #tpu.memory_space<vmem>>, vector<16xf32>,
        %get3A_1950 = arith.constant 1 : i32
        %get3A_1951 = arith.index_cast %get3A_1950 : i32 to index
        %get3A_1952 = arith.constant 48 : index
        %get3A_1953 = tpu.vector_load %arg9[%get3A_1951, %get3A_1952] {strides = array<i32>} : memref<2x640xf32, #tpu.memory_space<vmem>>, vector<16xf32>,
        %sub3A_1954 = arith.subf %get3A_1945, %get3A_17 : vector<16xf32>
        %mul3A_1955 = arith.mulf %broadcast_in_dim3A_29, %sub3A_1954 : vector<16xf32>
        %div3A_1956 = arith.divf %mul3A_1955, %get3A_19 : vector<16xf32>
        %sub3A_1957 = arith.subf %get3A_1949, %get3A_21 : vector<16xf32>
        %mul3A_1958 = arith.mulf %broadcast_in_dim3A_31, %sub3A_1957 : vector<16xf32>
        %div3A_1959 = arith.divf %mul3A_1958, %get3A_23 : vector<16xf32>
        %sub3A_1960 = arith.subf %get3A_1953, %get3A_25 : vector<16xf32>
        %mul3A_1961 = arith.mulf %broadcast_in_dim3A_33, %sub3A_1960 : vector<16xf32>
        %div3A_1962 = arith.divf %mul3A_1961, %get3A_27 : vector<16xf32>
        %convert_element_type3A_1963 = arith.fptosi %div3A_1956 : vector<16xf32> to vector<16xi32>
        %min3A_1964 = arith.minsi %convert_element_type3A_1963, %broadcast_in_dim3A_35 : vector<16xi32>
        %convert_element_type3A_1965 = arith.fptosi %div3A_1959 : vector<16xf32> to vector<16xi32>
        %min3A_1966 = arith.minsi %convert_element_type3A_1965, %broadcast_in_dim3A_35 : vector<16xi32>
        %sub3A_1967 = arith.subi %broadcast_in_dim3A_35, %min3A_1966 : vector<16xi32>
        %mul3A_1968 = arith.constant 512 : i32
        %mul3A_1969 = vector.broadcast %mul3A_1968 : i32 to vector<16xi32>
        %mul3A_1970 = arith.muli %sub3A_1967, %mul3A_1969 : vector<16xi32>
        %add3A_1971 = arith.addi %mul3A_1970, %min3A_1964 : vector<16xi32>
        %swap3A_1972 = arith.constant 5 : i32
        %swap3A_1973 = arith.index_cast %swap3A_1972 : i32 to index
        %swap3A_1974 = arith.constant 48 : index
        %swap3A_1975 = tpu.vector_load %arg10[%swap3A_1973, %swap3A_1974] {strides = array<i32>} : memref<10x128xi32, #tpu.memory_space<vmem>>, vector<16xi32>,
        tpu.vector_store %arg10[%swap3A_1973, %swap3A_1974], %add3A_1971 {strides = array<i32>} : memref<10x128xi32, #tpu.memory_space<vmem>>, vector<16xi32>,
        %swap3A_1976 = arith.constant 5 : i32
        %swap3A_1977 = arith.index_cast %swap3A_1976 : i32 to index
        %swap3A_1978 = arith.constant 48 : index
        %swap3A_1979 = tpu.vector_load %arg11[%swap3A_1977, %swap3A_1978] {strides = array<i32>} : memref<10x128xf32, #tpu.memory_space<vmem>>, vector<16xf32>,
        tpu.vector_store %arg11[%swap3A_1977, %swap3A_1978], %div3A_1962 {strides = array<i32>} : memref<10x128xf32, #tpu.memory_space<vmem>>, vector<16xf32>,
        %get3A_1980 = arith.constant 1 : i32
        %get3A_1981 = arith.index_cast %get3A_1980 : i32 to index
        %get3A_1982 = arith.constant 64 : index
        %get3A_1983 = tpu.vector_load %arg7[%get3A_1981, %get3A_1982] {strides = array<i32>} : memref<2x640xf32, #tpu.memory_space<vmem>>, vector<16xf32>,
        %get3A_1984 = arith.constant 1 : i32
        %get3A_1985 = arith.index_cast %get3A_1984 : i32 to index
        %get3A_1986 = arith.constant 64 : index
        %get3A_1987 = tpu.vector_load %arg8[%get3A_1985, %get3A_1986] {strides = array<i32>} : memref<2x640xf32, #tpu.memory_space<vmem>>, vector<16xf32>,
        %get3A_1988 = arith.constant 1 : i32
        %get3A_1989 = arith.index_cast %get3A_1988 : i32 to index
        %get3A_1990 = arith.constant 64 : index
        %get3A_1991 = tpu.vector_load %arg9[%get3A_1989, %get3A_1990] {strides = array<i32>} : memref<2x640xf32, #tpu.memory_space<vmem>>, vector<16xf32>,
        %sub3A_1992 = arith.subf %get3A_1983, %get3A_17 : vector<16xf32>
        %mul3A_1993 = arith.mulf %broadcast_in_dim3A_29, %sub3A_1992 : vector<16xf32>
        %div3A_1994 = arith.divf %mul3A_1993, %get3A_19 : vector<16xf32>
        %sub3A_1995 = arith.subf %get3A_1987, %get3A_21 : vector<16xf32>
        %mul3A_1996 = arith.mulf %broadcast_in_dim3A_31, %sub3A_1995 : vector<16xf32>
        %div3A_1997 = arith.divf %mul3A_1996, %get3A_23 : vector<16xf32>
        %sub3A_1998 = arith.subf %get3A_1991, %get3A_25 : vector<16xf32>
        %mul3A_1999 = arith.mulf %broadcast_in_dim3A_33, %sub3A_1998 : vector<16xf32>
        %div3A_2000 = arith.divf %mul3A_1999, %get3A_27 : vector<16xf32>
        %convert_element_type3A_2001 = arith.fptosi %div3A_1994 : vector<16xf32> to vector<16xi32>
        %min3A_2002 = arith.minsi %convert_element_type3A_2001, %broadcast_in_dim3A_35 : vector<16xi32>
        %convert_element_type3A_2003 = arith.fptosi %div3A_1997 : vector<16xf32> to vector<16xi32>
        %min3A_2004 = arith.minsi %convert_element_type3A_2003, %broadcast_in_dim3A_35 : vector<16xi32>
        %sub3A_2005 = arith.subi %broadcast_in_dim3A_35, %min3A_2004 : vector<16xi32>
        %mul3A_2006 = arith.constant 512 : i32
        %mul3A_2007 = vector.broadcast %mul3A_2006 : i32 to vector<16xi32>
        %mul3A_2008 = arith.muli %sub3A_2005, %mul3A_2007 : vector<16xi32>
        %add3A_2009 = arith.addi %mul3A_2008, %min3A_2002 : vector<16xi32>
        %swap3A_2010 = arith.constant 5 : i32
        %swap3A_2011 = arith.index_cast %swap3A_2010 : i32 to index
        %swap3A_2012 = arith.constant 64 : index
        %swap3A_2013 = tpu.vector_load %arg10[%swap3A_2011, %swap3A_2012] {strides = array<i32>} : memref<10x128xi32, #tpu.memory_space<vmem>>, vector<16xi32>,
        tpu.vector_store %arg10[%swap3A_2011, %swap3A_2012], %add3A_2009 {strides = array<i32>} : memref<10x128xi32, #tpu.memory_space<vmem>>, vector<16xi32>,
        %swap3A_2014 = arith.constant 5 : i32
        %swap3A_2015 = arith.index_cast %swap3A_2014 : i32 to index
        %swap3A_2016 = arith.constant 64 : index
        %swap3A_2017 = tpu.vector_load %arg11[%swap3A_2015, %swap3A_2016] {strides = array<i32>} : memref<10x128xf32, #tpu.memory_space<vmem>>, vector<16xf32>,
        tpu.vector_store %arg11[%swap3A_2015, %swap3A_2016], %div3A_2000 {strides = array<i32>} : memref<10x128xf32, #tpu.memory_space<vmem>>, vector<16xf32>,
        %get3A_2018 = arith.constant 1 : i32
        %get3A_2019 = arith.index_cast %get3A_2018 : i32 to index
        %get3A_2020 = arith.constant 80 : index
        %get3A_2021 = tpu.vector_load %arg7[%get3A_2019, %get3A_2020] {strides = array<i32>} : memref<2x640xf32, #tpu.memory_space<vmem>>, vector<16xf32>,
        %get3A_2022 = arith.constant 1 : i32
        %get3A_2023 = arith.index_cast %get3A_2022 : i32 to index
        %get3A_2024 = arith.constant 80 : index
        %get3A_2025 = tpu.vector_load %arg8[%get3A_2023, %get3A_2024] {strides = array<i32>} : memref<2x640xf32, #tpu.memory_space<vmem>>, vector<16xf32>,
        %get3A_2026 = arith.constant 1 : i32
        %get3A_2027 = arith.index_cast %get3A_2026 : i32 to index
        %get3A_2028 = arith.constant 80 : index
        %get3A_2029 = tpu.vector_load %arg9[%get3A_2027, %get3A_2028] {strides = array<i32>} : memref<2x640xf32, #tpu.memory_space<vmem>>, vector<16xf32>,
        %sub3A_2030 = arith.subf %get3A_2021, %get3A_17 : vector<16xf32>
        %mul3A_2031 = arith.mulf %broadcast_in_dim3A_29, %sub3A_2030 : vector<16xf32>
        %div3A_2032 = arith.divf %mul3A_2031, %get3A_19 : vector<16xf32>
        %sub3A_2033 = arith.subf %get3A_2025, %get3A_21 : vector<16xf32>
        %mul3A_2034 = arith.mulf %broadcast_in_dim3A_31, %sub3A_2033 : vector<16xf32>
        %div3A_2035 = arith.divf %mul3A_2034, %get3A_23 : vector<16xf32>
        %sub3A_2036 = arith.subf %get3A_2029, %get3A_25 : vector<16xf32>
        %mul3A_2037 = arith.mulf %broadcast_in_dim3A_33, %sub3A_2036 : vector<16xf32>
        %div3A_2038 = arith.divf %mul3A_2037, %get3A_27 : vector<16xf32>
        %convert_element_type3A_2039 = arith.fptosi %div3A_2032 : vector<16xf32> to vector<16xi32>
        %min3A_2040 = arith.minsi %convert_element_type3A_2039, %broadcast_in_dim3A_35 : vector<16xi32>
        %convert_element_type3A_2041 = arith.fptosi %div3A_2035 : vector<16xf32> to vector<16xi32>
        %min3A_2042 = arith.minsi %convert_element_type3A_2041, %broadcast_in_dim3A_35 : vector<16xi32>
        %sub3A_2043 = arith.subi %broadcast_in_dim3A_35, %min3A_2042 : vector<16xi32>
        %mul3A_2044 = arith.constant 512 : i32
        %mul3A_2045 = vector.broadcast %mul3A_2044 : i32 to vector<16xi32>
        %mul3A_2046 = arith.muli %sub3A_2043, %mul3A_2045 : vector<16xi32>
        %add3A_2047 = arith.addi %mul3A_2046, %min3A_2040 : vector<16xi32>
        %swap3A_2048 = arith.constant 5 : i32
        %swap3A_2049 = arith.index_cast %swap3A_2048 : i32 to index
        %swap3A_2050 = arith.constant 80 : index
        %swap3A_2051 = tpu.vector_load %arg10[%swap3A_2049, %swap3A_2050] {strides = array<i32>} : memref<10x128xi32, #tpu.memory_space<vmem>>, vector<16xi32>,
        tpu.vector_store %arg10[%swap3A_2049, %swap3A_2050], %add3A_2047 {strides = array<i32>} : memref<10x128xi32, #tpu.memory_space<vmem>>, vector<16xi32>,
        %swap3A_2052 = arith.constant 5 : i32
        %swap3A_2053 = arith.index_cast %swap3A_2052 : i32 to index
        %swap3A_2054 = arith.constant 80 : index
        %swap3A_2055 = tpu.vector_load %arg11[%swap3A_2053, %swap3A_2054] {strides = array<i32>} : memref<10x128xf32, #tpu.memory_space<vmem>>, vector<16xf32>,
        tpu.vector_store %arg11[%swap3A_2053, %swap3A_2054], %div3A_2038 {strides = array<i32>} : memref<10x128xf32, #tpu.memory_space<vmem>>, vector<16xf32>,
        %get3A_2056 = arith.constant 1 : i32
        %get3A_2057 = arith.index_cast %get3A_2056 : i32 to index
        %get3A_2058 = arith.constant 96 : index
        %get3A_2059 = tpu.vector_load %arg7[%get3A_2057, %get3A_2058] {strides = array<i32>} : memref<2x640xf32, #tpu.memory_space<vmem>>, vector<16xf32>,
        %get3A_2060 = arith.constant 1 : i32
        %get3A_2061 = arith.index_cast %get3A_2060 : i32 to index
        %get3A_2062 = arith.constant 96 : index
        %get3A_2063 = tpu.vector_load %arg8[%get3A_2061, %get3A_2062] {strides = array<i32>} : memref<2x640xf32, #tpu.memory_space<vmem>>, vector<16xf32>,
        %get3A_2064 = arith.constant 1 : i32
        %get3A_2065 = arith.index_cast %get3A_2064 : i32 to index
        %get3A_2066 = arith.constant 96 : index
        %get3A_2067 = tpu.vector_load %arg9[%get3A_2065, %get3A_2066] {strides = array<i32>} : memref<2x640xf32, #tpu.memory_space<vmem>>, vector<16xf32>,
        %sub3A_2068 = arith.subf %get3A_2059, %get3A_17 : vector<16xf32>
        %mul3A_2069 = arith.mulf %broadcast_in_dim3A_29, %sub3A_2068 : vector<16xf32>
        %div3A_2070 = arith.divf %mul3A_2069, %get3A_19 : vector<16xf32>
        %sub3A_2071 = arith.subf %get3A_2063, %get3A_21 : vector<16xf32>
        %mul3A_2072 = arith.mulf %broadcast_in_dim3A_31, %sub3A_2071 : vector<16xf32>
        %div3A_2073 = arith.divf %mul3A_2072, %get3A_23 : vector<16xf32>
        %sub3A_2074 = arith.subf %get3A_2067, %get3A_25 : vector<16xf32>
        %mul3A_2075 = arith.mulf %broadcast_in_dim3A_33, %sub3A_2074 : vector<16xf32>
        %div3A_2076 = arith.divf %mul3A_2075, %get3A_27 : vector<16xf32>
        %convert_element_type3A_2077 = arith.fptosi %div3A_2070 : vector<16xf32> to vector<16xi32>
        %min3A_2078 = arith.minsi %convert_element_type3A_2077, %broadcast_in_dim3A_35 : vector<16xi32>
        %convert_element_type3A_2079 = arith.fptosi %div3A_2073 : vector<16xf32> to vector<16xi32>
        %min3A_2080 = arith.minsi %convert_element_type3A_2079, %broadcast_in_dim3A_35 : vector<16xi32>
        %sub3A_2081 = arith.subi %broadcast_in_dim3A_35, %min3A_2080 : vector<16xi32>
        %mul3A_2082 = arith.constant 512 : i32
        %mul3A_2083 = vector.broadcast %mul3A_2082 : i32 to vector<16xi32>
        %mul3A_2084 = arith.muli %sub3A_2081, %mul3A_2083 : vector<16xi32>
        %add3A_2085 = arith.addi %mul3A_2084, %min3A_2078 : vector<16xi32>
        %swap3A_2086 = arith.constant 5 : i32
        %swap3A_2087 = arith.index_cast %swap3A_2086 : i32 to index
        %swap3A_2088 = arith.constant 96 : index
        %swap3A_2089 = tpu.vector_load %arg10[%swap3A_2087, %swap3A_2088] {strides = array<i32>} : memref<10x128xi32, #tpu.memory_space<vmem>>, vector<16xi32>,
        tpu.vector_store %arg10[%swap3A_2087, %swap3A_2088], %add3A_2085 {strides = array<i32>} : memref<10x128xi32, #tpu.memory_space<vmem>>, vector<16xi32>,
        %swap3A_2090 = arith.constant 5 : i32
        %swap3A_2091 = arith.index_cast %swap3A_2090 : i32 to index
        %swap3A_2092 = arith.constant 96 : index
        %swap3A_2093 = tpu.vector_load %arg11[%swap3A_2091, %swap3A_2092] {strides = array<i32>} : memref<10x128xf32, #tpu.memory_space<vmem>>, vector<16xf32>,
        tpu.vector_store %arg11[%swap3A_2091, %swap3A_2092], %div3A_2076 {strides = array<i32>} : memref<10x128xf32, #tpu.memory_space<vmem>>, vector<16xf32>,
        %get3A_2094 = arith.constant 1 : i32
        %get3A_2095 = arith.index_cast %get3A_2094 : i32 to index
        %get3A_2096 = arith.constant 112 : index
        %get3A_2097 = tpu.vector_load %arg7[%get3A_2095, %get3A_2096] {strides = array<i32>} : memref<2x640xf32, #tpu.memory_space<vmem>>, vector<16xf32>,
        %get3A_2098 = arith.constant 1 : i32
        %get3A_2099 = arith.index_cast %get3A_2098 : i32 to index
        %get3A_2100 = arith.constant 112 : index
        %get3A_2101 = tpu.vector_load %arg8[%get3A_2099, %get3A_2100] {strides = array<i32>} : memref<2x640xf32, #tpu.memory_space<vmem>>, vector<16xf32>,
        %get3A_2102 = arith.constant 1 : i32
        %get3A_2103 = arith.index_cast %get3A_2102 : i32 to index
        %get3A_2104 = arith.constant 112 : index
        %get3A_2105 = tpu.vector_load %arg9[%get3A_2103, %get3A_2104] {strides = array<i32>} : memref<2x640xf32, #tpu.memory_space<vmem>>, vector<16xf32>,
        %sub3A_2106 = arith.subf %get3A_2097, %get3A_17 : vector<16xf32>
        %mul3A_2107 = arith.mulf %broadcast_in_dim3A_29, %sub3A_2106 : vector<16xf32>
        %div3A_2108 = arith.divf %mul3A_2107, %get3A_19 : vector<16xf32>
        %sub3A_2109 = arith.subf %get3A_2101, %get3A_21 : vector<16xf32>
        %mul3A_2110 = arith.mulf %broadcast_in_dim3A_31, %sub3A_2109 : vector<16xf32>
        %div3A_2111 = arith.divf %mul3A_2110, %get3A_23 : vector<16xf32>
        %sub3A_2112 = arith.subf %get3A_2105, %get3A_25 : vector<16xf32>
        %mul3A_2113 = arith.mulf %broadcast_in_dim3A_33, %sub3A_2112 : vector<16xf32>
        %div3A_2114 = arith.divf %mul3A_2113, %get3A_27 : vector<16xf32>
        %convert_element_type3A_2115 = arith.fptosi %div3A_2108 : vector<16xf32> to vector<16xi32>
        %min3A_2116 = arith.minsi %convert_element_type3A_2115, %broadcast_in_dim3A_35 : vector<16xi32>
        %convert_element_type3A_2117 = arith.fptosi %div3A_2111 : vector<16xf32> to vector<16xi32>
        %min3A_2118 = arith.minsi %convert_element_type3A_2117, %broadcast_in_dim3A_35 : vector<16xi32>
        %sub3A_2119 = arith.subi %broadcast_in_dim3A_35, %min3A_2118 : vector<16xi32>
        %mul3A_2120 = arith.constant 512 : i32
        %mul3A_2121 = vector.broadcast %mul3A_2120 : i32 to vector<16xi32>
        %mul3A_2122 = arith.muli %sub3A_2119, %mul3A_2121 : vector<16xi32>
        %add3A_2123 = arith.addi %mul3A_2122, %min3A_2116 : vector<16xi32>
        %swap3A_2124 = arith.constant 5 : i32
        %swap3A_2125 = arith.index_cast %swap3A_2124 : i32 to index
        %swap3A_2126 = arith.constant 112 : index
        %swap3A_2127 = tpu.vector_load %arg10[%swap3A_2125, %swap3A_2126] {strides = array<i32>} : memref<10x128xi32, #tpu.memory_space<vmem>>, vector<16xi32>,
        tpu.vector_store %arg10[%swap3A_2125, %swap3A_2126], %add3A_2123 {strides = array<i32>} : memref<10x128xi32, #tpu.memory_space<vmem>>, vector<16xi32>,
        %swap3A_2128 = arith.constant 5 : i32
        %swap3A_2129 = arith.index_cast %swap3A_2128 : i32 to index
        %swap3A_2130 = arith.constant 112 : index
        %swap3A_2131 = tpu.vector_load %arg11[%swap3A_2129, %swap3A_2130] {strides = array<i32>} : memref<10x128xf32, #tpu.memory_space<vmem>>, vector<16xf32>,
        tpu.vector_store %arg11[%swap3A_2129, %swap3A_2130], %div3A_2114 {strides = array<i32>} : memref<10x128xf32, #tpu.memory_space<vmem>>, vector<16xf32>,
        %dma_start3A_2132 = arith.constant 5 : i32
        %dma_start3A_2133 = arith.constant 5 : i32
        %dma_start3A_2134 = arith.constant 0 : i32
        %dma_start3A_2135 = tpu.memref_slice %arg11[%dma_start3A_2132, %dma_start3A_2134] : memref<10x128xf32, #tpu.memory_space<vmem>> -> memref<1x128xf32, #tpu.memory_space<vmem>>
        %dma_start3A_2136 = tpu.memref_squeeze %dma_start3A_2135 : memref<1x128xf32, #tpu.memory_space<vmem>> -> memref<128xf32, #tpu.memory_space<vmem>>
        %dma_start3A_2137 = arith.constant 0 : i32
        %dma_start3A_2138 = tpu.memref_slice %arg10[%dma_start3A_2133, %dma_start3A_2137] : memref<10x128xi32, #tpu.memory_space<vmem>> -> memref<1x128xi32, #tpu.memory_space<vmem>>
        %dma_start3A_2139 = tpu.memref_squeeze %dma_start3A_2138 : memref<1x128xi32, #tpu.memory_space<vmem>> -> memref<128xi32, #tpu.memory_space<vmem>>
        %dma_start3A_2140 = arith.constant 0 : i32
        %dma_start3A_2141 = tpu.memref_slice %arg15[%dma_start3A_2140] : memref<262144xf32, #tpu.memory_space<vmem_shared>> -> memref<262144xf32, #tpu.memory_space<vmem_shared>>
        tpu.enqueue_indirect_dma source(%dma_start3A_2136 : memref<128xf32, #tpu.memory_space<vmem>>) target(%dma_start3A_2141 : memref<262144xf32, #tpu.memory_space<vmem_shared>>) offsets(%dma_start3A_2139 : memref<128xi32, #tpu.memory_space<vmem>>) semaphore(%arg19 : memref<!tpu.dma_semaphore, #tpu.memory_space<semaphore_mem>>) {add = true}
        %dma_start3A_2142 = arith.constant 5 : i32
        %dma_start3A_2143 = arith.constant 0 : i32
        %dma_start3A_2144 = tpu.memref_slice %arg10[%dma_start3A_2142, %dma_start3A_2143] : memref<10x128xi32, #tpu.memory_space<vmem>> -> memref<1x128xi32, #tpu.memory_space<vmem>>
        %dma_start3A_2145 = tpu.memref_squeeze %dma_start3A_2144 : memref<1x128xi32, #tpu.memory_space<vmem>> -> memref<128xi32, #tpu.memory_space<vmem>>
        %dma_start3A_2146 = arith.constant 0 : i32
        %dma_start3A_2147 = tpu.memref_slice %arg16[%dma_start3A_2146] : memref<262144xf32, #tpu.memory_space<vmem_shared>> -> memref<262144xf32, #tpu.memory_space<vmem_shared>>
        tpu.enqueue_indirect_dma source(%arg12 : memref<128xf32, #tpu.memory_space<vmem>>) target(%dma_start3A_2147 : memref<262144xf32, #tpu.memory_space<vmem_shared>>) offsets(%dma_start3A_2145 : memref<128xi32, #tpu.memory_space<vmem>>) semaphore(%arg19 : memref<!tpu.dma_semaphore, #tpu.memory_space<semaphore_mem>>) {add = true}
        %get3A_2148 = arith.constant 1 : i32
        %get3A_2149 = arith.index_cast %get3A_2148 : i32 to index
        %get3A_2150 = arith.constant 128 : index
        %get3A_2151 = tpu.vector_load %arg7[%get3A_2149, %get3A_2150] {strides = array<i32>} : memref<2x640xf32, #tpu.memory_space<vmem>>, vector<16xf32>,
        %get3A_2152 = arith.constant 1 : i32
        %get3A_2153 = arith.index_cast %get3A_2152 : i32 to index
        %get3A_2154 = arith.constant 128 : index
        %get3A_2155 = tpu.vector_load %arg8[%get3A_2153, %get3A_2154] {strides = array<i32>} : memref<2x640xf32, #tpu.memory_space<vmem>>, vector<16xf32>,
        %get3A_2156 = arith.constant 1 : i32
        %get3A_2157 = arith.index_cast %get3A_2156 : i32 to index
        %get3A_2158 = arith.constant 128 : index
        %get3A_2159 = tpu.vector_load %arg9[%get3A_2157, %get3A_2158] {strides = array<i32>} : memref<2x640xf32, #tpu.memory_space<vmem>>, vector<16xf32>,
        %sub3A_2160 = arith.subf %get3A_2151, %get3A_17 : vector<16xf32>
        %mul3A_2161 = arith.mulf %broadcast_in_dim3A_29, %sub3A_2160 : vector<16xf32>
        %div3A_2162 = arith.divf %mul3A_2161, %get3A_19 : vector<16xf32>
        %sub3A_2163 = arith.subf %get3A_2155, %get3A_21 : vector<16xf32>
        %mul3A_2164 = arith.mulf %broadcast_in_dim3A_31, %sub3A_2163 : vector<16xf32>
        %div3A_2165 = arith.divf %mul3A_2164, %get3A_23 : vector<16xf32>
        %sub3A_2166 = arith.subf %get3A_2159, %get3A_25 : vector<16xf32>
        %mul3A_2167 = arith.mulf %broadcast_in_dim3A_33, %sub3A_2166 : vector<16xf32>
        %div3A_2168 = arith.divf %mul3A_2167, %get3A_27 : vector<16xf32>
        %convert_element_type3A_2169 = arith.fptosi %div3A_2162 : vector<16xf32> to vector<16xi32>
        %min3A_2170 = arith.minsi %convert_element_type3A_2169, %broadcast_in_dim3A_35 : vector<16xi32>
        %convert_element_type3A_2171 = arith.fptosi %div3A_2165 : vector<16xf32> to vector<16xi32>
        %min3A_2172 = arith.minsi %convert_element_type3A_2171, %broadcast_in_dim3A_35 : vector<16xi32>
        %sub3A_2173 = arith.subi %broadcast_in_dim3A_35, %min3A_2172 : vector<16xi32>
        %mul3A_2174 = arith.constant 512 : i32
        %mul3A_2175 = vector.broadcast %mul3A_2174 : i32 to vector<16xi32>
        %mul3A_2176 = arith.muli %sub3A_2173, %mul3A_2175 : vector<16xi32>
        %add3A_2177 = arith.addi %mul3A_2176, %min3A_2170 : vector<16xi32>
        %swap3A_2178 = arith.constant 6 : i32
        %swap3A_2179 = arith.index_cast %swap3A_2178 : i32 to index
        %swap3A_2180 = arith.constant 0 : index
        %swap3A_2181 = tpu.vector_load %arg10[%swap3A_2179, %swap3A_2180] {strides = array<i32>} : memref<10x128xi32, #tpu.memory_space<vmem>>, vector<16xi32>,
        tpu.vector_store %arg10[%swap3A_2179, %swap3A_2180], %add3A_2177 {strides = array<i32>} : memref<10x128xi32, #tpu.memory_space<vmem>>, vector<16xi32>,
        %swap3A_2182 = arith.constant 6 : i32
        %swap3A_2183 = arith.index_cast %swap3A_2182 : i32 to index
        %swap3A_2184 = arith.constant 0 : index
        %swap3A_2185 = tpu.vector_load %arg11[%swap3A_2183, %swap3A_2184] {strides = array<i32>} : memref<10x128xf32, #tpu.memory_space<vmem>>, vector<16xf32>,
        tpu.vector_store %arg11[%swap3A_2183, %swap3A_2184], %div3A_2168 {strides = array<i32>} : memref<10x128xf32, #tpu.memory_space<vmem>>, vector<16xf32>,
        %get3A_2186 = arith.constant 1 : i32
        %get3A_2187 = arith.index_cast %get3A_2186 : i32 to index
        %get3A_2188 = arith.constant 144 : index
        %get3A_2189 = tpu.vector_load %arg7[%get3A_2187, %get3A_2188] {strides = array<i32>} : memref<2x640xf32, #tpu.memory_space<vmem>>, vector<16xf32>,
        %get3A_2190 = arith.constant 1 : i32
        %get3A_2191 = arith.index_cast %get3A_2190 : i32 to index
        %get3A_2192 = arith.constant 144 : index
        %get3A_2193 = tpu.vector_load %arg8[%get3A_2191, %get3A_2192] {strides = array<i32>} : memref<2x640xf32, #tpu.memory_space<vmem>>, vector<16xf32>,
        %get3A_2194 = arith.constant 1 : i32
        %get3A_2195 = arith.index_cast %get3A_2194 : i32 to index
        %get3A_2196 = arith.constant 144 : index
        %get3A_2197 = tpu.vector_load %arg9[%get3A_2195, %get3A_2196] {strides = array<i32>} : memref<2x640xf32, #tpu.memory_space<vmem>>, vector<16xf32>,
        %sub3A_2198 = arith.subf %get3A_2189, %get3A_17 : vector<16xf32>
        %mul3A_2199 = arith.mulf %broadcast_in_dim3A_29, %sub3A_2198 : vector<16xf32>
        %div3A_2200 = arith.divf %mul3A_2199, %get3A_19 : vector<16xf32>
        %sub3A_2201 = arith.subf %get3A_2193, %get3A_21 : vector<16xf32>
        %mul3A_2202 = arith.mulf %broadcast_in_dim3A_31, %sub3A_2201 : vector<16xf32>
        %div3A_2203 = arith.divf %mul3A_2202, %get3A_23 : vector<16xf32>
        %sub3A_2204 = arith.subf %get3A_2197, %get3A_25 : vector<16xf32>
        %mul3A_2205 = arith.mulf %broadcast_in_dim3A_33, %sub3A_2204 : vector<16xf32>
        %div3A_2206 = arith.divf %mul3A_2205, %get3A_27 : vector<16xf32>
        %convert_element_type3A_2207 = arith.fptosi %div3A_2200 : vector<16xf32> to vector<16xi32>
        %min3A_2208 = arith.minsi %convert_element_type3A_2207, %broadcast_in_dim3A_35 : vector<16xi32>
        %convert_element_type3A_2209 = arith.fptosi %div3A_2203 : vector<16xf32> to vector<16xi32>
        %min3A_2210 = arith.minsi %convert_element_type3A_2209, %broadcast_in_dim3A_35 : vector<16xi32>
        %sub3A_2211 = arith.subi %broadcast_in_dim3A_35, %min3A_2210 : vector<16xi32>
        %mul3A_2212 = arith.constant 512 : i32
        %mul3A_2213 = vector.broadcast %mul3A_2212 : i32 to vector<16xi32>
        %mul3A_2214 = arith.muli %sub3A_2211, %mul3A_2213 : vector<16xi32>
        %add3A_2215 = arith.addi %mul3A_2214, %min3A_2208 : vector<16xi32>
        %swap3A_2216 = arith.constant 6 : i32
        %swap3A_2217 = arith.index_cast %swap3A_2216 : i32 to index
        %swap3A_2218 = arith.constant 16 : index
        %swap3A_2219 = tpu.vector_load %arg10[%swap3A_2217, %swap3A_2218] {strides = array<i32>} : memref<10x128xi32, #tpu.memory_space<vmem>>, vector<16xi32>,
        tpu.vector_store %arg10[%swap3A_2217, %swap3A_2218], %add3A_2215 {strides = array<i32>} : memref<10x128xi32, #tpu.memory_space<vmem>>, vector<16xi32>,
        %swap3A_2220 = arith.constant 6 : i32
        %swap3A_2221 = arith.index_cast %swap3A_2220 : i32 to index
        %swap3A_2222 = arith.constant 16 : index
        %swap3A_2223 = tpu.vector_load %arg11[%swap3A_2221, %swap3A_2222] {strides = array<i32>} : memref<10x128xf32, #tpu.memory_space<vmem>>, vector<16xf32>,
        tpu.vector_store %arg11[%swap3A_2221, %swap3A_2222], %div3A_2206 {strides = array<i32>} : memref<10x128xf32, #tpu.memory_space<vmem>>, vector<16xf32>,
        %get3A_2224 = arith.constant 1 : i32
        %get3A_2225 = arith.index_cast %get3A_2224 : i32 to index
        %get3A_2226 = arith.constant 160 : index
        %get3A_2227 = tpu.vector_load %arg7[%get3A_2225, %get3A_2226] {strides = array<i32>} : memref<2x640xf32, #tpu.memory_space<vmem>>, vector<16xf32>,
        %get3A_2228 = arith.constant 1 : i32
        %get3A_2229 = arith.index_cast %get3A_2228 : i32 to index
        %get3A_2230 = arith.constant 160 : index
        %get3A_2231 = tpu.vector_load %arg8[%get3A_2229, %get3A_2230] {strides = array<i32>} : memref<2x640xf32, #tpu.memory_space<vmem>>, vector<16xf32>,
        %get3A_2232 = arith.constant 1 : i32
        %get3A_2233 = arith.index_cast %get3A_2232 : i32 to index
        %get3A_2234 = arith.constant 160 : index
        %get3A_2235 = tpu.vector_load %arg9[%get3A_2233, %get3A_2234] {strides = array<i32>} : memref<2x640xf32, #tpu.memory_space<vmem>>, vector<16xf32>,
        %sub3A_2236 = arith.subf %get3A_2227, %get3A_17 : vector<16xf32>
        %mul3A_2237 = arith.mulf %broadcast_in_dim3A_29, %sub3A_2236 : vector<16xf32>
        %div3A_2238 = arith.divf %mul3A_2237, %get3A_19 : vector<16xf32>
        %sub3A_2239 = arith.subf %get3A_2231, %get3A_21 : vector<16xf32>
        %mul3A_2240 = arith.mulf %broadcast_in_dim3A_31, %sub3A_2239 : vector<16xf32>
        %div3A_2241 = arith.divf %mul3A_2240, %get3A_23 : vector<16xf32>
        %sub3A_2242 = arith.subf %get3A_2235, %get3A_25 : vector<16xf32>
        %mul3A_2243 = arith.mulf %broadcast_in_dim3A_33, %sub3A_2242 : vector<16xf32>
        %div3A_2244 = arith.divf %mul3A_2243, %get3A_27 : vector<16xf32>
        %convert_element_type3A_2245 = arith.fptosi %div3A_2238 : vector<16xf32> to vector<16xi32>
        %min3A_2246 = arith.minsi %convert_element_type3A_2245, %broadcast_in_dim3A_35 : vector<16xi32>
        %convert_element_type3A_2247 = arith.fptosi %div3A_2241 : vector<16xf32> to vector<16xi32>
        %min3A_2248 = arith.minsi %convert_element_type3A_2247, %broadcast_in_dim3A_35 : vector<16xi32>
        %sub3A_2249 = arith.subi %broadcast_in_dim3A_35, %min3A_2248 : vector<16xi32>
        %mul3A_2250 = arith.constant 512 : i32
        %mul3A_2251 = vector.broadcast %mul3A_2250 : i32 to vector<16xi32>
        %mul3A_2252 = arith.muli %sub3A_2249, %mul3A_2251 : vector<16xi32>
        %add3A_2253 = arith.addi %mul3A_2252, %min3A_2246 : vector<16xi32>
        %swap3A_2254 = arith.constant 6 : i32
        %swap3A_2255 = arith.index_cast %swap3A_2254 : i32 to index
        %swap3A_2256 = arith.constant 32 : index
        %swap3A_2257 = tpu.vector_load %arg10[%swap3A_2255, %swap3A_2256] {strides = array<i32>} : memref<10x128xi32, #tpu.memory_space<vmem>>, vector<16xi32>,
        tpu.vector_store %arg10[%swap3A_2255, %swap3A_2256], %add3A_2253 {strides = array<i32>} : memref<10x128xi32, #tpu.memory_space<vmem>>, vector<16xi32>,
        %swap3A_2258 = arith.constant 6 : i32
        %swap3A_2259 = arith.index_cast %swap3A_2258 : i32 to index
        %swap3A_2260 = arith.constant 32 : index
        %swap3A_2261 = tpu.vector_load %arg11[%swap3A_2259, %swap3A_2260] {strides = array<i32>} : memref<10x128xf32, #tpu.memory_space<vmem>>, vector<16xf32>,
        tpu.vector_store %arg11[%swap3A_2259, %swap3A_2260], %div3A_2244 {strides = array<i32>} : memref<10x128xf32, #tpu.memory_space<vmem>>, vector<16xf32>,
        %get3A_2262 = arith.constant 1 : i32
        %get3A_2263 = arith.index_cast %get3A_2262 : i32 to index
        %get3A_2264 = arith.constant 176 : index
        %get3A_2265 = tpu.vector_load %arg7[%get3A_2263, %get3A_2264] {strides = array<i32>} : memref<2x640xf32, #tpu.memory_space<vmem>>, vector<16xf32>,
        %get3A_2266 = arith.constant 1 : i32
        %get3A_2267 = arith.index_cast %get3A_2266 : i32 to index
        %get3A_2268 = arith.constant 176 : index
        %get3A_2269 = tpu.vector_load %arg8[%get3A_2267, %get3A_2268] {strides = array<i32>} : memref<2x640xf32, #tpu.memory_space<vmem>>, vector<16xf32>,
        %get3A_2270 = arith.constant 1 : i32
        %get3A_2271 = arith.index_cast %get3A_2270 : i32 to index
        %get3A_2272 = arith.constant 176 : index
        %get3A_2273 = tpu.vector_load %arg9[%get3A_2271, %get3A_2272] {strides = array<i32>} : memref<2x640xf32, #tpu.memory_space<vmem>>, vector<16xf32>,
        %sub3A_2274 = arith.subf %get3A_2265, %get3A_17 : vector<16xf32>
        %mul3A_2275 = arith.mulf %broadcast_in_dim3A_29, %sub3A_2274 : vector<16xf32>
        %div3A_2276 = arith.divf %mul3A_2275, %get3A_19 : vector<16xf32>
        %sub3A_2277 = arith.subf %get3A_2269, %get3A_21 : vector<16xf32>
        %mul3A_2278 = arith.mulf %broadcast_in_dim3A_31, %sub3A_2277 : vector<16xf32>
        %div3A_2279 = arith.divf %mul3A_2278, %get3A_23 : vector<16xf32>
        %sub3A_2280 = arith.subf %get3A_2273, %get3A_25 : vector<16xf32>
        %mul3A_2281 = arith.mulf %broadcast_in_dim3A_33, %sub3A_2280 : vector<16xf32>
        %div3A_2282 = arith.divf %mul3A_2281, %get3A_27 : vector<16xf32>
        %convert_element_type3A_2283 = arith.fptosi %div3A_2276 : vector<16xf32> to vector<16xi32>
        %min3A_2284 = arith.minsi %convert_element_type3A_2283, %broadcast_in_dim3A_35 : vector<16xi32>
        %convert_element_type3A_2285 = arith.fptosi %div3A_2279 : vector<16xf32> to vector<16xi32>
        %min3A_2286 = arith.minsi %convert_element_type3A_2285, %broadcast_in_dim3A_35 : vector<16xi32>
        %sub3A_2287 = arith.subi %broadcast_in_dim3A_35, %min3A_2286 : vector<16xi32>
        %mul3A_2288 = arith.constant 512 : i32
        %mul3A_2289 = vector.broadcast %mul3A_2288 : i32 to vector<16xi32>
        %mul3A_2290 = arith.muli %sub3A_2287, %mul3A_2289 : vector<16xi32>
        %add3A_2291 = arith.addi %mul3A_2290, %min3A_2284 : vector<16xi32>
        %swap3A_2292 = arith.constant 6 : i32
        %swap3A_2293 = arith.index_cast %swap3A_2292 : i32 to index
        %swap3A_2294 = arith.constant 48 : index
        %swap3A_2295 = tpu.vector_load %arg10[%swap3A_2293, %swap3A_2294] {strides = array<i32>} : memref<10x128xi32, #tpu.memory_space<vmem>>, vector<16xi32>,
        tpu.vector_store %arg10[%swap3A_2293, %swap3A_2294], %add3A_2291 {strides = array<i32>} : memref<10x128xi32, #tpu.memory_space<vmem>>, vector<16xi32>,
        %swap3A_2296 = arith.constant 6 : i32
        %swap3A_2297 = arith.index_cast %swap3A_2296 : i32 to index
        %swap3A_2298 = arith.constant 48 : index
        %swap3A_2299 = tpu.vector_load %arg11[%swap3A_2297, %swap3A_2298] {strides = array<i32>} : memref<10x128xf32, #tpu.memory_space<vmem>>, vector<16xf32>,
        tpu.vector_store %arg11[%swap3A_2297, %swap3A_2298], %div3A_2282 {strides = array<i32>} : memref<10x128xf32, #tpu.memory_space<vmem>>, vector<16xf32>,
        %get3A_2300 = arith.constant 1 : i32
        %get3A_2301 = arith.index_cast %get3A_2300 : i32 to index
        %get3A_2302 = arith.constant 192 : index
        %get3A_2303 = tpu.vector_load %arg7[%get3A_2301, %get3A_2302] {strides = array<i32>} : memref<2x640xf32, #tpu.memory_space<vmem>>, vector<16xf32>,
        %get3A_2304 = arith.constant 1 : i32
        %get3A_2305 = arith.index_cast %get3A_2304 : i32 to index
        %get3A_2306 = arith.constant 192 : index
        %get3A_2307 = tpu.vector_load %arg8[%get3A_2305, %get3A_2306] {strides = array<i32>} : memref<2x640xf32, #tpu.memory_space<vmem>>, vector<16xf32>,
        %get3A_2308 = arith.constant 1 : i32
        %get3A_2309 = arith.index_cast %get3A_2308 : i32 to index
        %get3A_2310 = arith.constant 192 : index
        %get3A_2311 = tpu.vector_load %arg9[%get3A_2309, %get3A_2310] {strides = array<i32>} : memref<2x640xf32, #tpu.memory_space<vmem>>, vector<16xf32>,
        %sub3A_2312 = arith.subf %get3A_2303, %get3A_17 : vector<16xf32>
        %mul3A_2313 = arith.mulf %broadcast_in_dim3A_29, %sub3A_2312 : vector<16xf32>
        %div3A_2314 = arith.divf %mul3A_2313, %get3A_19 : vector<16xf32>
        %sub3A_2315 = arith.subf %get3A_2307, %get3A_21 : vector<16xf32>
        %mul3A_2316 = arith.mulf %broadcast_in_dim3A_31, %sub3A_2315 : vector<16xf32>
        %div3A_2317 = arith.divf %mul3A_2316, %get3A_23 : vector<16xf32>
        %sub3A_2318 = arith.subf %get3A_2311, %get3A_25 : vector<16xf32>
        %mul3A_2319 = arith.mulf %broadcast_in_dim3A_33, %sub3A_2318 : vector<16xf32>
        %div3A_2320 = arith.divf %mul3A_2319, %get3A_27 : vector<16xf32>
        %convert_element_type3A_2321 = arith.fptosi %div3A_2314 : vector<16xf32> to vector<16xi32>
        %min3A_2322 = arith.minsi %convert_element_type3A_2321, %broadcast_in_dim3A_35 : vector<16xi32>
        %convert_element_type3A_2323 = arith.fptosi %div3A_2317 : vector<16xf32> to vector<16xi32>
        %min3A_2324 = arith.minsi %convert_element_type3A_2323, %broadcast_in_dim3A_35 : vector<16xi32>
        %sub3A_2325 = arith.subi %broadcast_in_dim3A_35, %min3A_2324 : vector<16xi32>
        %mul3A_2326 = arith.constant 512 : i32
        %mul3A_2327 = vector.broadcast %mul3A_2326 : i32 to vector<16xi32>
        %mul3A_2328 = arith.muli %sub3A_2325, %mul3A_2327 : vector<16xi32>
        %add3A_2329 = arith.addi %mul3A_2328, %min3A_2322 : vector<16xi32>
        %swap3A_2330 = arith.constant 6 : i32
        %swap3A_2331 = arith.index_cast %swap3A_2330 : i32 to index
        %swap3A_2332 = arith.constant 64 : index
        %swap3A_2333 = tpu.vector_load %arg10[%swap3A_2331, %swap3A_2332] {strides = array<i32>} : memref<10x128xi32, #tpu.memory_space<vmem>>, vector<16xi32>,
        tpu.vector_store %arg10[%swap3A_2331, %swap3A_2332], %add3A_2329 {strides = array<i32>} : memref<10x128xi32, #tpu.memory_space<vmem>>, vector<16xi32>,
        %swap3A_2334 = arith.constant 6 : i32
        %swap3A_2335 = arith.index_cast %swap3A_2334 : i32 to index
        %swap3A_2336 = arith.constant 64 : index
        %swap3A_2337 = tpu.vector_load %arg11[%swap3A_2335, %swap3A_2336] {strides = array<i32>} : memref<10x128xf32, #tpu.memory_space<vmem>>, vector<16xf32>,
        tpu.vector_store %arg11[%swap3A_2335, %swap3A_2336], %div3A_2320 {strides = array<i32>} : memref<10x128xf32, #tpu.memory_space<vmem>>, vector<16xf32>,
        %get3A_2338 = arith.constant 1 : i32
        %get3A_2339 = arith.index_cast %get3A_2338 : i32 to index
        %get3A_2340 = arith.constant 208 : index
        %get3A_2341 = tpu.vector_load %arg7[%get3A_2339, %get3A_2340] {strides = array<i32>} : memref<2x640xf32, #tpu.memory_space<vmem>>, vector<16xf32>,
        %get3A_2342 = arith.constant 1 : i32
        %get3A_2343 = arith.index_cast %get3A_2342 : i32 to index
        %get3A_2344 = arith.constant 208 : index
        %get3A_2345 = tpu.vector_load %arg8[%get3A_2343, %get3A_2344] {strides = array<i32>} : memref<2x640xf32, #tpu.memory_space<vmem>>, vector<16xf32>,
        %get3A_2346 = arith.constant 1 : i32
        %get3A_2347 = arith.index_cast %get3A_2346 : i32 to index
        %get3A_2348 = arith.constant 208 : index
        %get3A_2349 = tpu.vector_load %arg9[%get3A_2347, %get3A_2348] {strides = array<i32>} : memref<2x640xf32, #tpu.memory_space<vmem>>, vector<16xf32>,
        %sub3A_2350 = arith.subf %get3A_2341, %get3A_17 : vector<16xf32>
        %mul3A_2351 = arith.mulf %broadcast_in_dim3A_29, %sub3A_2350 : vector<16xf32>
        %div3A_2352 = arith.divf %mul3A_2351, %get3A_19 : vector<16xf32>
        %sub3A_2353 = arith.subf %get3A_2345, %get3A_21 : vector<16xf32>
        %mul3A_2354 = arith.mulf %broadcast_in_dim3A_31, %sub3A_2353 : vector<16xf32>
        %div3A_2355 = arith.divf %mul3A_2354, %get3A_23 : vector<16xf32>
        %sub3A_2356 = arith.subf %get3A_2349, %get3A_25 : vector<16xf32>
        %mul3A_2357 = arith.mulf %broadcast_in_dim3A_33, %sub3A_2356 : vector<16xf32>
        %div3A_2358 = arith.divf %mul3A_2357, %get3A_27 : vector<16xf32>
        %convert_element_type3A_2359 = arith.fptosi %div3A_2352 : vector<16xf32> to vector<16xi32>
        %min3A_2360 = arith.minsi %convert_element_type3A_2359, %broadcast_in_dim3A_35 : vector<16xi32>
        %convert_element_type3A_2361 = arith.fptosi %div3A_2355 : vector<16xf32> to vector<16xi32>
        %min3A_2362 = arith.minsi %convert_element_type3A_2361, %broadcast_in_dim3A_35 : vector<16xi32>
        %sub3A_2363 = arith.subi %broadcast_in_dim3A_35, %min3A_2362 : vector<16xi32>
        %mul3A_2364 = arith.constant 512 : i32
        %mul3A_2365 = vector.broadcast %mul3A_2364 : i32 to vector<16xi32>
        %mul3A_2366 = arith.muli %sub3A_2363, %mul3A_2365 : vector<16xi32>
        %add3A_2367 = arith.addi %mul3A_2366, %min3A_2360 : vector<16xi32>
        %swap3A_2368 = arith.constant 6 : i32
        %swap3A_2369 = arith.index_cast %swap3A_2368 : i32 to index
        %swap3A_2370 = arith.constant 80 : index
        %swap3A_2371 = tpu.vector_load %arg10[%swap3A_2369, %swap3A_2370] {strides = array<i32>} : memref<10x128xi32, #tpu.memory_space<vmem>>, vector<16xi32>,
        tpu.vector_store %arg10[%swap3A_2369, %swap3A_2370], %add3A_2367 {strides = array<i32>} : memref<10x128xi32, #tpu.memory_space<vmem>>, vector<16xi32>,
        %swap3A_2372 = arith.constant 6 : i32
        %swap3A_2373 = arith.index_cast %swap3A_2372 : i32 to index
        %swap3A_2374 = arith.constant 80 : index
        %swap3A_2375 = tpu.vector_load %arg11[%swap3A_2373, %swap3A_2374] {strides = array<i32>} : memref<10x128xf32, #tpu.memory_space<vmem>>, vector<16xf32>,
        tpu.vector_store %arg11[%swap3A_2373, %swap3A_2374], %div3A_2358 {strides = array<i32>} : memref<10x128xf32, #tpu.memory_space<vmem>>, vector<16xf32>,
        %get3A_2376 = arith.constant 1 : i32
        %get3A_2377 = arith.index_cast %get3A_2376 : i32 to index
        %get3A_2378 = arith.constant 224 : index
        %get3A_2379 = tpu.vector_load %arg7[%get3A_2377, %get3A_2378] {strides = array<i32>} : memref<2x640xf32, #tpu.memory_space<vmem>>, vector<16xf32>,
        %get3A_2380 = arith.constant 1 : i32
        %get3A_2381 = arith.index_cast %get3A_2380 : i32 to index
        %get3A_2382 = arith.constant 224 : index
        %get3A_2383 = tpu.vector_load %arg8[%get3A_2381, %get3A_2382] {strides = array<i32>} : memref<2x640xf32, #tpu.memory_space<vmem>>, vector<16xf32>,
        %get3A_2384 = arith.constant 1 : i32
        %get3A_2385 = arith.index_cast %get3A_2384 : i32 to index
        %get3A_2386 = arith.constant 224 : index
        %get3A_2387 = tpu.vector_load %arg9[%get3A_2385, %get3A_2386] {strides = array<i32>} : memref<2x640xf32, #tpu.memory_space<vmem>>, vector<16xf32>,
        %sub3A_2388 = arith.subf %get3A_2379, %get3A_17 : vector<16xf32>
        %mul3A_2389 = arith.mulf %broadcast_in_dim3A_29, %sub3A_2388 : vector<16xf32>
        %div3A_2390 = arith.divf %mul3A_2389, %get3A_19 : vector<16xf32>
        %sub3A_2391 = arith.subf %get3A_2383, %get3A_21 : vector<16xf32>
        %mul3A_2392 = arith.mulf %broadcast_in_dim3A_31, %sub3A_2391 : vector<16xf32>
        %div3A_2393 = arith.divf %mul3A_2392, %get3A_23 : vector<16xf32>
        %sub3A_2394 = arith.subf %get3A_2387, %get3A_25 : vector<16xf32>
        %mul3A_2395 = arith.mulf %broadcast_in_dim3A_33, %sub3A_2394 : vector<16xf32>
        %div3A_2396 = arith.divf %mul3A_2395, %get3A_27 : vector<16xf32>
        %convert_element_type3A_2397 = arith.fptosi %div3A_2390 : vector<16xf32> to vector<16xi32>
        %min3A_2398 = arith.minsi %convert_element_type3A_2397, %broadcast_in_dim3A_35 : vector<16xi32>
        %convert_element_type3A_2399 = arith.fptosi %div3A_2393 : vector<16xf32> to vector<16xi32>
        %min3A_2400 = arith.minsi %convert_element_type3A_2399, %broadcast_in_dim3A_35 : vector<16xi32>
        %sub3A_2401 = arith.subi %broadcast_in_dim3A_35, %min3A_2400 : vector<16xi32>
        %mul3A_2402 = arith.constant 512 : i32
        %mul3A_2403 = vector.broadcast %mul3A_2402 : i32 to vector<16xi32>
        %mul3A_2404 = arith.muli %sub3A_2401, %mul3A_2403 : vector<16xi32>
        %add3A_2405 = arith.addi %mul3A_2404, %min3A_2398 : vector<16xi32>
        %swap3A_2406 = arith.constant 6 : i32
        %swap3A_2407 = arith.index_cast %swap3A_2406 : i32 to index
        %swap3A_2408 = arith.constant 96 : index
        %swap3A_2409 = tpu.vector_load %arg10[%swap3A_2407, %swap3A_2408] {strides = array<i32>} : memref<10x128xi32, #tpu.memory_space<vmem>>, vector<16xi32>,
        tpu.vector_store %arg10[%swap3A_2407, %swap3A_2408], %add3A_2405 {strides = array<i32>} : memref<10x128xi32, #tpu.memory_space<vmem>>, vector<16xi32>,
        %swap3A_2410 = arith.constant 6 : i32
        %swap3A_2411 = arith.index_cast %swap3A_2410 : i32 to index
        %swap3A_2412 = arith.constant 96 : index
        %swap3A_2413 = tpu.vector_load %arg11[%swap3A_2411, %swap3A_2412] {strides = array<i32>} : memref<10x128xf32, #tpu.memory_space<vmem>>, vector<16xf32>,
        tpu.vector_store %arg11[%swap3A_2411, %swap3A_2412], %div3A_2396 {strides = array<i32>} : memref<10x128xf32, #tpu.memory_space<vmem>>, vector<16xf32>,
        %get3A_2414 = arith.constant 1 : i32
        %get3A_2415 = arith.index_cast %get3A_2414 : i32 to index
        %get3A_2416 = arith.constant 240 : index
        %get3A_2417 = tpu.vector_load %arg7[%get3A_2415, %get3A_2416] {strides = array<i32>} : memref<2x640xf32, #tpu.memory_space<vmem>>, vector<16xf32>,
        %get3A_2418 = arith.constant 1 : i32
        %get3A_2419 = arith.index_cast %get3A_2418 : i32 to index
        %get3A_2420 = arith.constant 240 : index
        %get3A_2421 = tpu.vector_load %arg8[%get3A_2419, %get3A_2420] {strides = array<i32>} : memref<2x640xf32, #tpu.memory_space<vmem>>, vector<16xf32>,
        %get3A_2422 = arith.constant 1 : i32
        %get3A_2423 = arith.index_cast %get3A_2422 : i32 to index
        %get3A_2424 = arith.constant 240 : index
        %get3A_2425 = tpu.vector_load %arg9[%get3A_2423, %get3A_2424] {strides = array<i32>} : memref<2x640xf32, #tpu.memory_space<vmem>>, vector<16xf32>,
        %sub3A_2426 = arith.subf %get3A_2417, %get3A_17 : vector<16xf32>
        %mul3A_2427 = arith.mulf %broadcast_in_dim3A_29, %sub3A_2426 : vector<16xf32>
        %div3A_2428 = arith.divf %mul3A_2427, %get3A_19 : vector<16xf32>
        %sub3A_2429 = arith.subf %get3A_2421, %get3A_21 : vector<16xf32>
        %mul3A_2430 = arith.mulf %broadcast_in_dim3A_31, %sub3A_2429 : vector<16xf32>
        %div3A_2431 = arith.divf %mul3A_2430, %get3A_23 : vector<16xf32>
        %sub3A_2432 = arith.subf %get3A_2425, %get3A_25 : vector<16xf32>
        %mul3A_2433 = arith.mulf %broadcast_in_dim3A_33, %sub3A_2432 : vector<16xf32>
        %div3A_2434 = arith.divf %mul3A_2433, %get3A_27 : vector<16xf32>
        %convert_element_type3A_2435 = arith.fptosi %div3A_2428 : vector<16xf32> to vector<16xi32>
        %min3A_2436 = arith.minsi %convert_element_type3A_2435, %broadcast_in_dim3A_35 : vector<16xi32>
        %convert_element_type3A_2437 = arith.fptosi %div3A_2431 : vector<16xf32> to vector<16xi32>
        %min3A_2438 = arith.minsi %convert_element_type3A_2437, %broadcast_in_dim3A_35 : vector<16xi32>
        %sub3A_2439 = arith.subi %broadcast_in_dim3A_35, %min3A_2438 : vector<16xi32>
        %mul3A_2440 = arith.constant 512 : i32
        %mul3A_2441 = vector.broadcast %mul3A_2440 : i32 to vector<16xi32>
        %mul3A_2442 = arith.muli %sub3A_2439, %mul3A_2441 : vector<16xi32>
        %add3A_2443 = arith.addi %mul3A_2442, %min3A_2436 : vector<16xi32>
        %swap3A_2444 = arith.constant 6 : i32
        %swap3A_2445 = arith.index_cast %swap3A_2444 : i32 to index
        %swap3A_2446 = arith.constant 112 : index
        %swap3A_2447 = tpu.vector_load %arg10[%swap3A_2445, %swap3A_2446] {strides = array<i32>} : memref<10x128xi32, #tpu.memory_space<vmem>>, vector<16xi32>,
        tpu.vector_store %arg10[%swap3A_2445, %swap3A_2446], %add3A_2443 {strides = array<i32>} : memref<10x128xi32, #tpu.memory_space<vmem>>, vector<16xi32>,
        %swap3A_2448 = arith.constant 6 : i32
        %swap3A_2449 = arith.index_cast %swap3A_2448 : i32 to index
        %swap3A_2450 = arith.constant 112 : index
        %swap3A_2451 = tpu.vector_load %arg11[%swap3A_2449, %swap3A_2450] {strides = array<i32>} : memref<10x128xf32, #tpu.memory_space<vmem>>, vector<16xf32>,
        tpu.vector_store %arg11[%swap3A_2449, %swap3A_2450], %div3A_2434 {strides = array<i32>} : memref<10x128xf32, #tpu.memory_space<vmem>>, vector<16xf32>,
        %dma_start3A_2452 = arith.constant 6 : i32
        %dma_start3A_2453 = arith.constant 6 : i32
        %dma_start3A_2454 = arith.constant 0 : i32
        %dma_start3A_2455 = tpu.memref_slice %arg11[%dma_start3A_2452, %dma_start3A_2454] : memref<10x128xf32, #tpu.memory_space<vmem>> -> memref<1x128xf32, #tpu.memory_space<vmem>>
        %dma_start3A_2456 = tpu.memref_squeeze %dma_start3A_2455 : memref<1x128xf32, #tpu.memory_space<vmem>> -> memref<128xf32, #tpu.memory_space<vmem>>
        %dma_start3A_2457 = arith.constant 0 : i32
        %dma_start3A_2458 = tpu.memref_slice %arg10[%dma_start3A_2453, %dma_start3A_2457] : memref<10x128xi32, #tpu.memory_space<vmem>> -> memref<1x128xi32, #tpu.memory_space<vmem>>
        %dma_start3A_2459 = tpu.memref_squeeze %dma_start3A_2458 : memref<1x128xi32, #tpu.memory_space<vmem>> -> memref<128xi32, #tpu.memory_space<vmem>>
        %dma_start3A_2460 = arith.constant 0 : i32
        %dma_start3A_2461 = tpu.memref_slice %arg15[%dma_start3A_2460] : memref<262144xf32, #tpu.memory_space<vmem_shared>> -> memref<262144xf32, #tpu.memory_space<vmem_shared>>
        tpu.enqueue_indirect_dma source(%dma_start3A_2456 : memref<128xf32, #tpu.memory_space<vmem>>) target(%dma_start3A_2461 : memref<262144xf32, #tpu.memory_space<vmem_shared>>) offsets(%dma_start3A_2459 : memref<128xi32, #tpu.memory_space<vmem>>) semaphore(%arg19 : memref<!tpu.dma_semaphore, #tpu.memory_space<semaphore_mem>>) {add = true}
        %dma_start3A_2462 = arith.constant 6 : i32
        %dma_start3A_2463 = arith.constant 0 : i32
        %dma_start3A_2464 = tpu.memref_slice %arg10[%dma_start3A_2462, %dma_start3A_2463] : memref<10x128xi32, #tpu.memory_space<vmem>> -> memref<1x128xi32, #tpu.memory_space<vmem>>
        %dma_start3A_2465 = tpu.memref_squeeze %dma_start3A_2464 : memref<1x128xi32, #tpu.memory_space<vmem>> -> memref<128xi32, #tpu.memory_space<vmem>>
        %dma_start3A_2466 = arith.constant 0 : i32
        %dma_start3A_2467 = tpu.memref_slice %arg16[%dma_start3A_2466] : memref<262144xf32, #tpu.memory_space<vmem_shared>> -> memref<262144xf32, #tpu.memory_space<vmem_shared>>
        tpu.enqueue_indirect_dma source(%arg12 : memref<128xf32, #tpu.memory_space<vmem>>) target(%dma_start3A_2467 : memref<262144xf32, #tpu.memory_space<vmem_shared>>) offsets(%dma_start3A_2465 : memref<128xi32, #tpu.memory_space<vmem>>) semaphore(%arg19 : memref<!tpu.dma_semaphore, #tpu.memory_space<semaphore_mem>>) {add = true}
        %get3A_2468 = arith.constant 1 : i32
        %get3A_2469 = arith.index_cast %get3A_2468 : i32 to index
        %get3A_2470 = arith.constant 256 : index
        %get3A_2471 = tpu.vector_load %arg7[%get3A_2469, %get3A_2470] {strides = array<i32>} : memref<2x640xf32, #tpu.memory_space<vmem>>, vector<16xf32>,
        %get3A_2472 = arith.constant 1 : i32
        %get3A_2473 = arith.index_cast %get3A_2472 : i32 to index
        %get3A_2474 = arith.constant 256 : index
        %get3A_2475 = tpu.vector_load %arg8[%get3A_2473, %get3A_2474] {strides = array<i32>} : memref<2x640xf32, #tpu.memory_space<vmem>>, vector<16xf32>,
        %get3A_2476 = arith.constant 1 : i32
        %get3A_2477 = arith.index_cast %get3A_2476 : i32 to index
        %get3A_2478 = arith.constant 256 : index
        %get3A_2479 = tpu.vector_load %arg9[%get3A_2477, %get3A_2478] {strides = array<i32>} : memref<2x640xf32, #tpu.memory_space<vmem>>, vector<16xf32>,
        %sub3A_2480 = arith.subf %get3A_2471, %get3A_17 : vector<16xf32>
        %mul3A_2481 = arith.mulf %broadcast_in_dim3A_29, %sub3A_2480 : vector<16xf32>
        %div3A_2482 = arith.divf %mul3A_2481, %get3A_19 : vector<16xf32>
        %sub3A_2483 = arith.subf %get3A_2475, %get3A_21 : vector<16xf32>
        %mul3A_2484 = arith.mulf %broadcast_in_dim3A_31, %sub3A_2483 : vector<16xf32>
        %div3A_2485 = arith.divf %mul3A_2484, %get3A_23 : vector<16xf32>
        %sub3A_2486 = arith.subf %get3A_2479, %get3A_25 : vector<16xf32>
        %mul3A_2487 = arith.mulf %broadcast_in_dim3A_33, %sub3A_2486 : vector<16xf32>
        %div3A_2488 = arith.divf %mul3A_2487, %get3A_27 : vector<16xf32>
        %convert_element_type3A_2489 = arith.fptosi %div3A_2482 : vector<16xf32> to vector<16xi32>
        %min3A_2490 = arith.minsi %convert_element_type3A_2489, %broadcast_in_dim3A_35 : vector<16xi32>
        %convert_element_type3A_2491 = arith.fptosi %div3A_2485 : vector<16xf32> to vector<16xi32>
        %min3A_2492 = arith.minsi %convert_element_type3A_2491, %broadcast_in_dim3A_35 : vector<16xi32>
        %sub3A_2493 = arith.subi %broadcast_in_dim3A_35, %min3A_2492 : vector<16xi32>
        %mul3A_2494 = arith.constant 512 : i32
        %mul3A_2495 = vector.broadcast %mul3A_2494 : i32 to vector<16xi32>
        %mul3A_2496 = arith.muli %sub3A_2493, %mul3A_2495 : vector<16xi32>
        %add3A_2497 = arith.addi %mul3A_2496, %min3A_2490 : vector<16xi32>
        %swap3A_2498 = arith.constant 7 : i32
        %swap3A_2499 = arith.index_cast %swap3A_2498 : i32 to index
        %swap3A_2500 = arith.constant 0 : index
        %swap3A_2501 = tpu.vector_load %arg10[%swap3A_2499, %swap3A_2500] {strides = array<i32>} : memref<10x128xi32, #tpu.memory_space<vmem>>, vector<16xi32>,
        tpu.vector_store %arg10[%swap3A_2499, %swap3A_2500], %add3A_2497 {strides = array<i32>} : memref<10x128xi32, #tpu.memory_space<vmem>>, vector<16xi32>,
        %swap3A_2502 = arith.constant 7 : i32
        %swap3A_2503 = arith.index_cast %swap3A_2502 : i32 to index
        %swap3A_2504 = arith.constant 0 : index
        %swap3A_2505 = tpu.vector_load %arg11[%swap3A_2503, %swap3A_2504] {strides = array<i32>} : memref<10x128xf32, #tpu.memory_space<vmem>>, vector<16xf32>,
        tpu.vector_store %arg11[%swap3A_2503, %swap3A_2504], %div3A_2488 {strides = array<i32>} : memref<10x128xf32, #tpu.memory_space<vmem>>, vector<16xf32>,
        %get3A_2506 = arith.constant 1 : i32
        %get3A_2507 = arith.index_cast %get3A_2506 : i32 to index
        %get3A_2508 = arith.constant 272 : index
        %get3A_2509 = tpu.vector_load %arg7[%get3A_2507, %get3A_2508] {strides = array<i32>} : memref<2x640xf32, #tpu.memory_space<vmem>>, vector<16xf32>,
        %get3A_2510 = arith.constant 1 : i32
        %get3A_2511 = arith.index_cast %get3A_2510 : i32 to index
        %get3A_2512 = arith.constant 272 : index
        %get3A_2513 = tpu.vector_load %arg8[%get3A_2511, %get3A_2512] {strides = array<i32>} : memref<2x640xf32, #tpu.memory_space<vmem>>, vector<16xf32>,
        %get3A_2514 = arith.constant 1 : i32
        %get3A_2515 = arith.index_cast %get3A_2514 : i32 to index
        %get3A_2516 = arith.constant 272 : index
        %get3A_2517 = tpu.vector_load %arg9[%get3A_2515, %get3A_2516] {strides = array<i32>} : memref<2x640xf32, #tpu.memory_space<vmem>>, vector<16xf32>,
        %sub3A_2518 = arith.subf %get3A_2509, %get3A_17 : vector<16xf32>
        %mul3A_2519 = arith.mulf %broadcast_in_dim3A_29, %sub3A_2518 : vector<16xf32>
        %div3A_2520 = arith.divf %mul3A_2519, %get3A_19 : vector<16xf32>
        %sub3A_2521 = arith.subf %get3A_2513, %get3A_21 : vector<16xf32>
        %mul3A_2522 = arith.mulf %broadcast_in_dim3A_31, %sub3A_2521 : vector<16xf32>
        %div3A_2523 = arith.divf %mul3A_2522, %get3A_23 : vector<16xf32>
        %sub3A_2524 = arith.subf %get3A_2517, %get3A_25 : vector<16xf32>
        %mul3A_2525 = arith.mulf %broadcast_in_dim3A_33, %sub3A_2524 : vector<16xf32>
        %div3A_2526 = arith.divf %mul3A_2525, %get3A_27 : vector<16xf32>
        %convert_element_type3A_2527 = arith.fptosi %div3A_2520 : vector<16xf32> to vector<16xi32>
        %min3A_2528 = arith.minsi %convert_element_type3A_2527, %broadcast_in_dim3A_35 : vector<16xi32>
        %convert_element_type3A_2529 = arith.fptosi %div3A_2523 : vector<16xf32> to vector<16xi32>
        %min3A_2530 = arith.minsi %convert_element_type3A_2529, %broadcast_in_dim3A_35 : vector<16xi32>
        %sub3A_2531 = arith.subi %broadcast_in_dim3A_35, %min3A_2530 : vector<16xi32>
        %mul3A_2532 = arith.constant 512 : i32
        %mul3A_2533 = vector.broadcast %mul3A_2532 : i32 to vector<16xi32>
        %mul3A_2534 = arith.muli %sub3A_2531, %mul3A_2533 : vector<16xi32>
        %add3A_2535 = arith.addi %mul3A_2534, %min3A_2528 : vector<16xi32>
        %swap3A_2536 = arith.constant 7 : i32
        %swap3A_2537 = arith.index_cast %swap3A_2536 : i32 to index
        %swap3A_2538 = arith.constant 16 : index
        %swap3A_2539 = tpu.vector_load %arg10[%swap3A_2537, %swap3A_2538] {strides = array<i32>} : memref<10x128xi32, #tpu.memory_space<vmem>>, vector<16xi32>,
        tpu.vector_store %arg10[%swap3A_2537, %swap3A_2538], %add3A_2535 {strides = array<i32>} : memref<10x128xi32, #tpu.memory_space<vmem>>, vector<16xi32>,
        %swap3A_2540 = arith.constant 7 : i32
        %swap3A_2541 = arith.index_cast %swap3A_2540 : i32 to index
        %swap3A_2542 = arith.constant 16 : index
        %swap3A_2543 = tpu.vector_load %arg11[%swap3A_2541, %swap3A_2542] {strides = array<i32>} : memref<10x128xf32, #tpu.memory_space<vmem>>, vector<16xf32>,
        tpu.vector_store %arg11[%swap3A_2541, %swap3A_2542], %div3A_2526 {strides = array<i32>} : memref<10x128xf32, #tpu.memory_space<vmem>>, vector<16xf32>,
        %get3A_2544 = arith.constant 1 : i32
        %get3A_2545 = arith.index_cast %get3A_2544 : i32 to index
        %get3A_2546 = arith.constant 288 : index
        %get3A_2547 = tpu.vector_load %arg7[%get3A_2545, %get3A_2546] {strides = array<i32>} : memref<2x640xf32, #tpu.memory_space<vmem>>, vector<16xf32>,
        %get3A_2548 = arith.constant 1 : i32
        %get3A_2549 = arith.index_cast %get3A_2548 : i32 to index
        %get3A_2550 = arith.constant 288 : index
        %get3A_2551 = tpu.vector_load %arg8[%get3A_2549, %get3A_2550] {strides = array<i32>} : memref<2x640xf32, #tpu.memory_space<vmem>>, vector<16xf32>,
        %get3A_2552 = arith.constant 1 : i32
        %get3A_2553 = arith.index_cast %get3A_2552 : i32 to index
        %get3A_2554 = arith.constant 288 : index
        %get3A_2555 = tpu.vector_load %arg9[%get3A_2553, %get3A_2554] {strides = array<i32>} : memref<2x640xf32, #tpu.memory_space<vmem>>, vector<16xf32>,
        %sub3A_2556 = arith.subf %get3A_2547, %get3A_17 : vector<16xf32>
        %mul3A_2557 = arith.mulf %broadcast_in_dim3A_29, %sub3A_2556 : vector<16xf32>
        %div3A_2558 = arith.divf %mul3A_2557, %get3A_19 : vector<16xf32>
        %sub3A_2559 = arith.subf %get3A_2551, %get3A_21 : vector<16xf32>
        %mul3A_2560 = arith.mulf %broadcast_in_dim3A_31, %sub3A_2559 : vector<16xf32>
        %div3A_2561 = arith.divf %mul3A_2560, %get3A_23 : vector<16xf32>
        %sub3A_2562 = arith.subf %get3A_2555, %get3A_25 : vector<16xf32>
        %mul3A_2563 = arith.mulf %broadcast_in_dim3A_33, %sub3A_2562 : vector<16xf32>
        %div3A_2564 = arith.divf %mul3A_2563, %get3A_27 : vector<16xf32>
        %convert_element_type3A_2565 = arith.fptosi %div3A_2558 : vector<16xf32> to vector<16xi32>
        %min3A_2566 = arith.minsi %convert_element_type3A_2565, %broadcast_in_dim3A_35 : vector<16xi32>
        %convert_element_type3A_2567 = arith.fptosi %div3A_2561 : vector<16xf32> to vector<16xi32>
        %min3A_2568 = arith.minsi %convert_element_type3A_2567, %broadcast_in_dim3A_35 : vector<16xi32>
        %sub3A_2569 = arith.subi %broadcast_in_dim3A_35, %min3A_2568 : vector<16xi32>
        %mul3A_2570 = arith.constant 512 : i32
        %mul3A_2571 = vector.broadcast %mul3A_2570 : i32 to vector<16xi32>
        %mul3A_2572 = arith.muli %sub3A_2569, %mul3A_2571 : vector<16xi32>
        %add3A_2573 = arith.addi %mul3A_2572, %min3A_2566 : vector<16xi32>
        %swap3A_2574 = arith.constant 7 : i32
        %swap3A_2575 = arith.index_cast %swap3A_2574 : i32 to index
        %swap3A_2576 = arith.constant 32 : index
        %swap3A_2577 = tpu.vector_load %arg10[%swap3A_2575, %swap3A_2576] {strides = array<i32>} : memref<10x128xi32, #tpu.memory_space<vmem>>, vector<16xi32>,
        tpu.vector_store %arg10[%swap3A_2575, %swap3A_2576], %add3A_2573 {strides = array<i32>} : memref<10x128xi32, #tpu.memory_space<vmem>>, vector<16xi32>,
        %swap3A_2578 = arith.constant 7 : i32
        %swap3A_2579 = arith.index_cast %swap3A_2578 : i32 to index
        %swap3A_2580 = arith.constant 32 : index
        %swap3A_2581 = tpu.vector_load %arg11[%swap3A_2579, %swap3A_2580] {strides = array<i32>} : memref<10x128xf32, #tpu.memory_space<vmem>>, vector<16xf32>,
        tpu.vector_store %arg11[%swap3A_2579, %swap3A_2580], %div3A_2564 {strides = array<i32>} : memref<10x128xf32, #tpu.memory_space<vmem>>, vector<16xf32>,
        %get3A_2582 = arith.constant 1 : i32
        %get3A_2583 = arith.index_cast %get3A_2582 : i32 to index
        %get3A_2584 = arith.constant 304 : index
        %get3A_2585 = tpu.vector_load %arg7[%get3A_2583, %get3A_2584] {strides = array<i32>} : memref<2x640xf32, #tpu.memory_space<vmem>>, vector<16xf32>,
        %get3A_2586 = arith.constant 1 : i32
        %get3A_2587 = arith.index_cast %get3A_2586 : i32 to index
        %get3A_2588 = arith.constant 304 : index
        %get3A_2589 = tpu.vector_load %arg8[%get3A_2587, %get3A_2588] {strides = array<i32>} : memref<2x640xf32, #tpu.memory_space<vmem>>, vector<16xf32>,
        %get3A_2590 = arith.constant 1 : i32
        %get3A_2591 = arith.index_cast %get3A_2590 : i32 to index
        %get3A_2592 = arith.constant 304 : index
        %get3A_2593 = tpu.vector_load %arg9[%get3A_2591, %get3A_2592] {strides = array<i32>} : memref<2x640xf32, #tpu.memory_space<vmem>>, vector<16xf32>,
        %sub3A_2594 = arith.subf %get3A_2585, %get3A_17 : vector<16xf32>
        %mul3A_2595 = arith.mulf %broadcast_in_dim3A_29, %sub3A_2594 : vector<16xf32>
        %div3A_2596 = arith.divf %mul3A_2595, %get3A_19 : vector<16xf32>
        %sub3A_2597 = arith.subf %get3A_2589, %get3A_21 : vector<16xf32>
        %mul3A_2598 = arith.mulf %broadcast_in_dim3A_31, %sub3A_2597 : vector<16xf32>
        %div3A_2599 = arith.divf %mul3A_2598, %get3A_23 : vector<16xf32>
        %sub3A_2600 = arith.subf %get3A_2593, %get3A_25 : vector<16xf32>
        %mul3A_2601 = arith.mulf %broadcast_in_dim3A_33, %sub3A_2600 : vector<16xf32>
        %div3A_2602 = arith.divf %mul3A_2601, %get3A_27 : vector<16xf32>
        %convert_element_type3A_2603 = arith.fptosi %div3A_2596 : vector<16xf32> to vector<16xi32>
        %min3A_2604 = arith.minsi %convert_element_type3A_2603, %broadcast_in_dim3A_35 : vector<16xi32>
        %convert_element_type3A_2605 = arith.fptosi %div3A_2599 : vector<16xf32> to vector<16xi32>
        %min3A_2606 = arith.minsi %convert_element_type3A_2605, %broadcast_in_dim3A_35 : vector<16xi32>
        %sub3A_2607 = arith.subi %broadcast_in_dim3A_35, %min3A_2606 : vector<16xi32>
        %mul3A_2608 = arith.constant 512 : i32
        %mul3A_2609 = vector.broadcast %mul3A_2608 : i32 to vector<16xi32>
        %mul3A_2610 = arith.muli %sub3A_2607, %mul3A_2609 : vector<16xi32>
        %add3A_2611 = arith.addi %mul3A_2610, %min3A_2604 : vector<16xi32>
        %swap3A_2612 = arith.constant 7 : i32
        %swap3A_2613 = arith.index_cast %swap3A_2612 : i32 to index
        %swap3A_2614 = arith.constant 48 : index
        %swap3A_2615 = tpu.vector_load %arg10[%swap3A_2613, %swap3A_2614] {strides = array<i32>} : memref<10x128xi32, #tpu.memory_space<vmem>>, vector<16xi32>,
        tpu.vector_store %arg10[%swap3A_2613, %swap3A_2614], %add3A_2611 {strides = array<i32>} : memref<10x128xi32, #tpu.memory_space<vmem>>, vector<16xi32>,
        %swap3A_2616 = arith.constant 7 : i32
        %swap3A_2617 = arith.index_cast %swap3A_2616 : i32 to index
        %swap3A_2618 = arith.constant 48 : index
        %swap3A_2619 = tpu.vector_load %arg11[%swap3A_2617, %swap3A_2618] {strides = array<i32>} : memref<10x128xf32, #tpu.memory_space<vmem>>, vector<16xf32>,
        tpu.vector_store %arg11[%swap3A_2617, %swap3A_2618], %div3A_2602 {strides = array<i32>} : memref<10x128xf32, #tpu.memory_space<vmem>>, vector<16xf32>,
        %get3A_2620 = arith.constant 1 : i32
        %get3A_2621 = arith.index_cast %get3A_2620 : i32 to index
        %get3A_2622 = arith.constant 320 : index
        %get3A_2623 = tpu.vector_load %arg7[%get3A_2621, %get3A_2622] {strides = array<i32>} : memref<2x640xf32, #tpu.memory_space<vmem>>, vector<16xf32>,
        %get3A_2624 = arith.constant 1 : i32
        %get3A_2625 = arith.index_cast %get3A_2624 : i32 to index
        %get3A_2626 = arith.constant 320 : index
        %get3A_2627 = tpu.vector_load %arg8[%get3A_2625, %get3A_2626] {strides = array<i32>} : memref<2x640xf32, #tpu.memory_space<vmem>>, vector<16xf32>,
        %get3A_2628 = arith.constant 1 : i32
        %get3A_2629 = arith.index_cast %get3A_2628 : i32 to index
        %get3A_2630 = arith.constant 320 : index
        %get3A_2631 = tpu.vector_load %arg9[%get3A_2629, %get3A_2630] {strides = array<i32>} : memref<2x640xf32, #tpu.memory_space<vmem>>, vector<16xf32>,
        %sub3A_2632 = arith.subf %get3A_2623, %get3A_17 : vector<16xf32>
        %mul3A_2633 = arith.mulf %broadcast_in_dim3A_29, %sub3A_2632 : vector<16xf32>
        %div3A_2634 = arith.divf %mul3A_2633, %get3A_19 : vector<16xf32>
        %sub3A_2635 = arith.subf %get3A_2627, %get3A_21 : vector<16xf32>
        %mul3A_2636 = arith.mulf %broadcast_in_dim3A_31, %sub3A_2635 : vector<16xf32>
        %div3A_2637 = arith.divf %mul3A_2636, %get3A_23 : vector<16xf32>
        %sub3A_2638 = arith.subf %get3A_2631, %get3A_25 : vector<16xf32>
        %mul3A_2639 = arith.mulf %broadcast_in_dim3A_33, %sub3A_2638 : vector<16xf32>
        %div3A_2640 = arith.divf %mul3A_2639, %get3A_27 : vector<16xf32>
        %convert_element_type3A_2641 = arith.fptosi %div3A_2634 : vector<16xf32> to vector<16xi32>
        %min3A_2642 = arith.minsi %convert_element_type3A_2641, %broadcast_in_dim3A_35 : vector<16xi32>
        %convert_element_type3A_2643 = arith.fptosi %div3A_2637 : vector<16xf32> to vector<16xi32>
        %min3A_2644 = arith.minsi %convert_element_type3A_2643, %broadcast_in_dim3A_35 : vector<16xi32>
        %sub3A_2645 = arith.subi %broadcast_in_dim3A_35, %min3A_2644 : vector<16xi32>
        %mul3A_2646 = arith.constant 512 : i32
        %mul3A_2647 = vector.broadcast %mul3A_2646 : i32 to vector<16xi32>
        %mul3A_2648 = arith.muli %sub3A_2645, %mul3A_2647 : vector<16xi32>
        %add3A_2649 = arith.addi %mul3A_2648, %min3A_2642 : vector<16xi32>
        %swap3A_2650 = arith.constant 7 : i32
        %swap3A_2651 = arith.index_cast %swap3A_2650 : i32 to index
        %swap3A_2652 = arith.constant 64 : index
        %swap3A_2653 = tpu.vector_load %arg10[%swap3A_2651, %swap3A_2652] {strides = array<i32>} : memref<10x128xi32, #tpu.memory_space<vmem>>, vector<16xi32>,
        tpu.vector_store %arg10[%swap3A_2651, %swap3A_2652], %add3A_2649 {strides = array<i32>} : memref<10x128xi32, #tpu.memory_space<vmem>>, vector<16xi32>,
        %swap3A_2654 = arith.constant 7 : i32
        %swap3A_2655 = arith.index_cast %swap3A_2654 : i32 to index
        %swap3A_2656 = arith.constant 64 : index
        %swap3A_2657 = tpu.vector_load %arg11[%swap3A_2655, %swap3A_2656] {strides = array<i32>} : memref<10x128xf32, #tpu.memory_space<vmem>>, vector<16xf32>,
        tpu.vector_store %arg11[%swap3A_2655, %swap3A_2656], %div3A_2640 {strides = array<i32>} : memref<10x128xf32, #tpu.memory_space<vmem>>, vector<16xf32>,
        %get3A_2658 = arith.constant 1 : i32
        %get3A_2659 = arith.index_cast %get3A_2658 : i32 to index
        %get3A_2660 = arith.constant 336 : index
        %get3A_2661 = tpu.vector_load %arg7[%get3A_2659, %get3A_2660] {strides = array<i32>} : memref<2x640xf32, #tpu.memory_space<vmem>>, vector<16xf32>,
        %get3A_2662 = arith.constant 1 : i32
        %get3A_2663 = arith.index_cast %get3A_2662 : i32 to index
        %get3A_2664 = arith.constant 336 : index
        %get3A_2665 = tpu.vector_load %arg8[%get3A_2663, %get3A_2664] {strides = array<i32>} : memref<2x640xf32, #tpu.memory_space<vmem>>, vector<16xf32>,
        %get3A_2666 = arith.constant 1 : i32
        %get3A_2667 = arith.index_cast %get3A_2666 : i32 to index
        %get3A_2668 = arith.constant 336 : index
        %get3A_2669 = tpu.vector_load %arg9[%get3A_2667, %get3A_2668] {strides = array<i32>} : memref<2x640xf32, #tpu.memory_space<vmem>>, vector<16xf32>,
        %sub3A_2670 = arith.subf %get3A_2661, %get3A_17 : vector<16xf32>
        %mul3A_2671 = arith.mulf %broadcast_in_dim3A_29, %sub3A_2670 : vector<16xf32>
        %div3A_2672 = arith.divf %mul3A_2671, %get3A_19 : vector<16xf32>
        %sub3A_2673 = arith.subf %get3A_2665, %get3A_21 : vector<16xf32>
        %mul3A_2674 = arith.mulf %broadcast_in_dim3A_31, %sub3A_2673 : vector<16xf32>
        %div3A_2675 = arith.divf %mul3A_2674, %get3A_23 : vector<16xf32>
        %sub3A_2676 = arith.subf %get3A_2669, %get3A_25 : vector<16xf32>
        %mul3A_2677 = arith.mulf %broadcast_in_dim3A_33, %sub3A_2676 : vector<16xf32>
        %div3A_2678 = arith.divf %mul3A_2677, %get3A_27 : vector<16xf32>
        %convert_element_type3A_2679 = arith.fptosi %div3A_2672 : vector<16xf32> to vector<16xi32>
        %min3A_2680 = arith.minsi %convert_element_type3A_2679, %broadcast_in_dim3A_35 : vector<16xi32>
        %convert_element_type3A_2681 = arith.fptosi %div3A_2675 : vector<16xf32> to vector<16xi32>
        %min3A_2682 = arith.minsi %convert_element_type3A_2681, %broadcast_in_dim3A_35 : vector<16xi32>
        %sub3A_2683 = arith.subi %broadcast_in_dim3A_35, %min3A_2682 : vector<16xi32>
        %mul3A_2684 = arith.constant 512 : i32
        %mul3A_2685 = vector.broadcast %mul3A_2684 : i32 to vector<16xi32>
        %mul3A_2686 = arith.muli %sub3A_2683, %mul3A_2685 : vector<16xi32>
        %add3A_2687 = arith.addi %mul3A_2686, %min3A_2680 : vector<16xi32>
        %swap3A_2688 = arith.constant 7 : i32
        %swap3A_2689 = arith.index_cast %swap3A_2688 : i32 to index
        %swap3A_2690 = arith.constant 80 : index
        %swap3A_2691 = tpu.vector_load %arg10[%swap3A_2689, %swap3A_2690] {strides = array<i32>} : memref<10x128xi32, #tpu.memory_space<vmem>>, vector<16xi32>,
        tpu.vector_store %arg10[%swap3A_2689, %swap3A_2690], %add3A_2687 {strides = array<i32>} : memref<10x128xi32, #tpu.memory_space<vmem>>, vector<16xi32>,
        %swap3A_2692 = arith.constant 7 : i32
        %swap3A_2693 = arith.index_cast %swap3A_2692 : i32 to index
        %swap3A_2694 = arith.constant 80 : index
        %swap3A_2695 = tpu.vector_load %arg11[%swap3A_2693, %swap3A_2694] {strides = array<i32>} : memref<10x128xf32, #tpu.memory_space<vmem>>, vector<16xf32>,
        tpu.vector_store %arg11[%swap3A_2693, %swap3A_2694], %div3A_2678 {strides = array<i32>} : memref<10x128xf32, #tpu.memory_space<vmem>>, vector<16xf32>,
        %get3A_2696 = arith.constant 1 : i32
        %get3A_2697 = arith.index_cast %get3A_2696 : i32 to index
        %get3A_2698 = arith.constant 352 : index
        %get3A_2699 = tpu.vector_load %arg7[%get3A_2697, %get3A_2698] {strides = array<i32>} : memref<2x640xf32, #tpu.memory_space<vmem>>, vector<16xf32>,
        %get3A_2700 = arith.constant 1 : i32
        %get3A_2701 = arith.index_cast %get3A_2700 : i32 to index
        %get3A_2702 = arith.constant 352 : index
        %get3A_2703 = tpu.vector_load %arg8[%get3A_2701, %get3A_2702] {strides = array<i32>} : memref<2x640xf32, #tpu.memory_space<vmem>>, vector<16xf32>,
        %get3A_2704 = arith.constant 1 : i32
        %get3A_2705 = arith.index_cast %get3A_2704 : i32 to index
        %get3A_2706 = arith.constant 352 : index
        %get3A_2707 = tpu.vector_load %arg9[%get3A_2705, %get3A_2706] {strides = array<i32>} : memref<2x640xf32, #tpu.memory_space<vmem>>, vector<16xf32>,
        %sub3A_2708 = arith.subf %get3A_2699, %get3A_17 : vector<16xf32>
        %mul3A_2709 = arith.mulf %broadcast_in_dim3A_29, %sub3A_2708 : vector<16xf32>
        %div3A_2710 = arith.divf %mul3A_2709, %get3A_19 : vector<16xf32>
        %sub3A_2711 = arith.subf %get3A_2703, %get3A_21 : vector<16xf32>
        %mul3A_2712 = arith.mulf %broadcast_in_dim3A_31, %sub3A_2711 : vector<16xf32>
        %div3A_2713 = arith.divf %mul3A_2712, %get3A_23 : vector<16xf32>
        %sub3A_2714 = arith.subf %get3A_2707, %get3A_25 : vector<16xf32>
        %mul3A_2715 = arith.mulf %broadcast_in_dim3A_33, %sub3A_2714 : vector<16xf32>
        %div3A_2716 = arith.divf %mul3A_2715, %get3A_27 : vector<16xf32>
        %convert_element_type3A_2717 = arith.fptosi %div3A_2710 : vector<16xf32> to vector<16xi32>
        %min3A_2718 = arith.minsi %convert_element_type3A_2717, %broadcast_in_dim3A_35 : vector<16xi32>
        %convert_element_type3A_2719 = arith.fptosi %div3A_2713 : vector<16xf32> to vector<16xi32>
        %min3A_2720 = arith.minsi %convert_element_type3A_2719, %broadcast_in_dim3A_35 : vector<16xi32>
        %sub3A_2721 = arith.subi %broadcast_in_dim3A_35, %min3A_2720 : vector<16xi32>
        %mul3A_2722 = arith.constant 512 : i32
        %mul3A_2723 = vector.broadcast %mul3A_2722 : i32 to vector<16xi32>
        %mul3A_2724 = arith.muli %sub3A_2721, %mul3A_2723 : vector<16xi32>
        %add3A_2725 = arith.addi %mul3A_2724, %min3A_2718 : vector<16xi32>
        %swap3A_2726 = arith.constant 7 : i32
        %swap3A_2727 = arith.index_cast %swap3A_2726 : i32 to index
        %swap3A_2728 = arith.constant 96 : index
        %swap3A_2729 = tpu.vector_load %arg10[%swap3A_2727, %swap3A_2728] {strides = array<i32>} : memref<10x128xi32, #tpu.memory_space<vmem>>, vector<16xi32>,
        tpu.vector_store %arg10[%swap3A_2727, %swap3A_2728], %add3A_2725 {strides = array<i32>} : memref<10x128xi32, #tpu.memory_space<vmem>>, vector<16xi32>,
        %swap3A_2730 = arith.constant 7 : i32
        %swap3A_2731 = arith.index_cast %swap3A_2730 : i32 to index
        %swap3A_2732 = arith.constant 96 : index
        %swap3A_2733 = tpu.vector_load %arg11[%swap3A_2731, %swap3A_2732] {strides = array<i32>} : memref<10x128xf32, #tpu.memory_space<vmem>>, vector<16xf32>,
        tpu.vector_store %arg11[%swap3A_2731, %swap3A_2732], %div3A_2716 {strides = array<i32>} : memref<10x128xf32, #tpu.memory_space<vmem>>, vector<16xf32>,
        %get3A_2734 = arith.constant 1 : i32
        %get3A_2735 = arith.index_cast %get3A_2734 : i32 to index
        %get3A_2736 = arith.constant 368 : index
        %get3A_2737 = tpu.vector_load %arg7[%get3A_2735, %get3A_2736] {strides = array<i32>} : memref<2x640xf32, #tpu.memory_space<vmem>>, vector<16xf32>,
        %get3A_2738 = arith.constant 1 : i32
        %get3A_2739 = arith.index_cast %get3A_2738 : i32 to index
        %get3A_2740 = arith.constant 368 : index
        %get3A_2741 = tpu.vector_load %arg8[%get3A_2739, %get3A_2740] {strides = array<i32>} : memref<2x640xf32, #tpu.memory_space<vmem>>, vector<16xf32>,
        %get3A_2742 = arith.constant 1 : i32
        %get3A_2743 = arith.index_cast %get3A_2742 : i32 to index
        %get3A_2744 = arith.constant 368 : index
        %get3A_2745 = tpu.vector_load %arg9[%get3A_2743, %get3A_2744] {strides = array<i32>} : memref<2x640xf32, #tpu.memory_space<vmem>>, vector<16xf32>,
        %sub3A_2746 = arith.subf %get3A_2737, %get3A_17 : vector<16xf32>
        %mul3A_2747 = arith.mulf %broadcast_in_dim3A_29, %sub3A_2746 : vector<16xf32>
        %div3A_2748 = arith.divf %mul3A_2747, %get3A_19 : vector<16xf32>
        %sub3A_2749 = arith.subf %get3A_2741, %get3A_21 : vector<16xf32>
        %mul3A_2750 = arith.mulf %broadcast_in_dim3A_31, %sub3A_2749 : vector<16xf32>
        %div3A_2751 = arith.divf %mul3A_2750, %get3A_23 : vector<16xf32>
        %sub3A_2752 = arith.subf %get3A_2745, %get3A_25 : vector<16xf32>
        %mul3A_2753 = arith.mulf %broadcast_in_dim3A_33, %sub3A_2752 : vector<16xf32>
        %div3A_2754 = arith.divf %mul3A_2753, %get3A_27 : vector<16xf32>
        %convert_element_type3A_2755 = arith.fptosi %div3A_2748 : vector<16xf32> to vector<16xi32>
        %min3A_2756 = arith.minsi %convert_element_type3A_2755, %broadcast_in_dim3A_35 : vector<16xi32>
        %convert_element_type3A_2757 = arith.fptosi %div3A_2751 : vector<16xf32> to vector<16xi32>
        %min3A_2758 = arith.minsi %convert_element_type3A_2757, %broadcast_in_dim3A_35 : vector<16xi32>
        %sub3A_2759 = arith.subi %broadcast_in_dim3A_35, %min3A_2758 : vector<16xi32>
        %mul3A_2760 = arith.constant 512 : i32
        %mul3A_2761 = vector.broadcast %mul3A_2760 : i32 to vector<16xi32>
        %mul3A_2762 = arith.muli %sub3A_2759, %mul3A_2761 : vector<16xi32>
        %add3A_2763 = arith.addi %mul3A_2762, %min3A_2756 : vector<16xi32>
        %swap3A_2764 = arith.constant 7 : i32
        %swap3A_2765 = arith.index_cast %swap3A_2764 : i32 to index
        %swap3A_2766 = arith.constant 112 : index
        %swap3A_2767 = tpu.vector_load %arg10[%swap3A_2765, %swap3A_2766] {strides = array<i32>} : memref<10x128xi32, #tpu.memory_space<vmem>>, vector<16xi32>,
        tpu.vector_store %arg10[%swap3A_2765, %swap3A_2766], %add3A_2763 {strides = array<i32>} : memref<10x128xi32, #tpu.memory_space<vmem>>, vector<16xi32>,
        %swap3A_2768 = arith.constant 7 : i32
        %swap3A_2769 = arith.index_cast %swap3A_2768 : i32 to index
        %swap3A_2770 = arith.constant 112 : index
        %swap3A_2771 = tpu.vector_load %arg11[%swap3A_2769, %swap3A_2770] {strides = array<i32>} : memref<10x128xf32, #tpu.memory_space<vmem>>, vector<16xf32>,
        tpu.vector_store %arg11[%swap3A_2769, %swap3A_2770], %div3A_2754 {strides = array<i32>} : memref<10x128xf32, #tpu.memory_space<vmem>>, vector<16xf32>,
        %dma_start3A_2772 = arith.constant 7 : i32
        %dma_start3A_2773 = arith.constant 7 : i32
        %dma_start3A_2774 = arith.constant 0 : i32
        %dma_start3A_2775 = tpu.memref_slice %arg11[%dma_start3A_2772, %dma_start3A_2774] : memref<10x128xf32, #tpu.memory_space<vmem>> -> memref<1x128xf32, #tpu.memory_space<vmem>>
        %dma_start3A_2776 = tpu.memref_squeeze %dma_start3A_2775 : memref<1x128xf32, #tpu.memory_space<vmem>> -> memref<128xf32, #tpu.memory_space<vmem>>
        %dma_start3A_2777 = arith.constant 0 : i32
        %dma_start3A_2778 = tpu.memref_slice %arg10[%dma_start3A_2773, %dma_start3A_2777] : memref<10x128xi32, #tpu.memory_space<vmem>> -> memref<1x128xi32, #tpu.memory_space<vmem>>
        %dma_start3A_2779 = tpu.memref_squeeze %dma_start3A_2778 : memref<1x128xi32, #tpu.memory_space<vmem>> -> memref<128xi32, #tpu.memory_space<vmem>>
        %dma_start3A_2780 = arith.constant 0 : i32
        %dma_start3A_2781 = tpu.memref_slice %arg15[%dma_start3A_2780] : memref<262144xf32, #tpu.memory_space<vmem_shared>> -> memref<262144xf32, #tpu.memory_space<vmem_shared>>
        tpu.enqueue_indirect_dma source(%dma_start3A_2776 : memref<128xf32, #tpu.memory_space<vmem>>) target(%dma_start3A_2781 : memref<262144xf32, #tpu.memory_space<vmem_shared>>) offsets(%dma_start3A_2779 : memref<128xi32, #tpu.memory_space<vmem>>) semaphore(%arg19 : memref<!tpu.dma_semaphore, #tpu.memory_space<semaphore_mem>>) {add = true}
        %dma_start3A_2782 = arith.constant 7 : i32
        %dma_start3A_2783 = arith.constant 0 : i32
        %dma_start3A_2784 = tpu.memref_slice %arg10[%dma_start3A_2782, %dma_start3A_2783] : memref<10x128xi32, #tpu.memory_space<vmem>> -> memref<1x128xi32, #tpu.memory_space<vmem>>
        %dma_start3A_2785 = tpu.memref_squeeze %dma_start3A_2784 : memref<1x128xi32, #tpu.memory_space<vmem>> -> memref<128xi32, #tpu.memory_space<vmem>>
        %dma_start3A_2786 = arith.constant 0 : i32
        %dma_start3A_2787 = tpu.memref_slice %arg16[%dma_start3A_2786] : memref<262144xf32, #tpu.memory_space<vmem_shared>> -> memref<262144xf32, #tpu.memory_space<vmem_shared>>
        tpu.enqueue_indirect_dma source(%arg12 : memref<128xf32, #tpu.memory_space<vmem>>) target(%dma_start3A_2787 : memref<262144xf32, #tpu.memory_space<vmem_shared>>) offsets(%dma_start3A_2785 : memref<128xi32, #tpu.memory_space<vmem>>) semaphore(%arg19 : memref<!tpu.dma_semaphore, #tpu.memory_space<semaphore_mem>>) {add = true}
        %get3A_2788 = arith.constant 1 : i32
        %get3A_2789 = arith.index_cast %get3A_2788 : i32 to index
        %get3A_2790 = arith.constant 384 : index
        %get3A_2791 = tpu.vector_load %arg7[%get3A_2789, %get3A_2790] {strides = array<i32>} : memref<2x640xf32, #tpu.memory_space<vmem>>, vector<16xf32>,
        %get3A_2792 = arith.constant 1 : i32
        %get3A_2793 = arith.index_cast %get3A_2792 : i32 to index
        %get3A_2794 = arith.constant 384 : index
        %get3A_2795 = tpu.vector_load %arg8[%get3A_2793, %get3A_2794] {strides = array<i32>} : memref<2x640xf32, #tpu.memory_space<vmem>>, vector<16xf32>,
        %get3A_2796 = arith.constant 1 : i32
        %get3A_2797 = arith.index_cast %get3A_2796 : i32 to index
        %get3A_2798 = arith.constant 384 : index
        %get3A_2799 = tpu.vector_load %arg9[%get3A_2797, %get3A_2798] {strides = array<i32>} : memref<2x640xf32, #tpu.memory_space<vmem>>, vector<16xf32>,
        %sub3A_2800 = arith.subf %get3A_2791, %get3A_17 : vector<16xf32>
        %mul3A_2801 = arith.mulf %broadcast_in_dim3A_29, %sub3A_2800 : vector<16xf32>
        %div3A_2802 = arith.divf %mul3A_2801, %get3A_19 : vector<16xf32>
        %sub3A_2803 = arith.subf %get3A_2795, %get3A_21 : vector<16xf32>
        %mul3A_2804 = arith.mulf %broadcast_in_dim3A_31, %sub3A_2803 : vector<16xf32>
        %div3A_2805 = arith.divf %mul3A_2804, %get3A_23 : vector<16xf32>
        %sub3A_2806 = arith.subf %get3A_2799, %get3A_25 : vector<16xf32>
        %mul3A_2807 = arith.mulf %broadcast_in_dim3A_33, %sub3A_2806 : vector<16xf32>
        %div3A_2808 = arith.divf %mul3A_2807, %get3A_27 : vector<16xf32>
        %convert_element_type3A_2809 = arith.fptosi %div3A_2802 : vector<16xf32> to vector<16xi32>
        %min3A_2810 = arith.minsi %convert_element_type3A_2809, %broadcast_in_dim3A_35 : vector<16xi32>
        %convert_element_type3A_2811 = arith.fptosi %div3A_2805 : vector<16xf32> to vector<16xi32>
        %min3A_2812 = arith.minsi %convert_element_type3A_2811, %broadcast_in_dim3A_35 : vector<16xi32>
        %sub3A_2813 = arith.subi %broadcast_in_dim3A_35, %min3A_2812 : vector<16xi32>
        %mul3A_2814 = arith.constant 512 : i32
        %mul3A_2815 = vector.broadcast %mul3A_2814 : i32 to vector<16xi32>
        %mul3A_2816 = arith.muli %sub3A_2813, %mul3A_2815 : vector<16xi32>
        %add3A_2817 = arith.addi %mul3A_2816, %min3A_2810 : vector<16xi32>
        %swap3A_2818 = arith.constant 8 : i32
        %swap3A_2819 = arith.index_cast %swap3A_2818 : i32 to index
        %swap3A_2820 = arith.constant 0 : index
        %swap3A_2821 = tpu.vector_load %arg10[%swap3A_2819, %swap3A_2820] {strides = array<i32>} : memref<10x128xi32, #tpu.memory_space<vmem>>, vector<16xi32>,
        tpu.vector_store %arg10[%swap3A_2819, %swap3A_2820], %add3A_2817 {strides = array<i32>} : memref<10x128xi32, #tpu.memory_space<vmem>>, vector<16xi32>,
        %swap3A_2822 = arith.constant 8 : i32
        %swap3A_2823 = arith.index_cast %swap3A_2822 : i32 to index
        %swap3A_2824 = arith.constant 0 : index
        %swap3A_2825 = tpu.vector_load %arg11[%swap3A_2823, %swap3A_2824] {strides = array<i32>} : memref<10x128xf32, #tpu.memory_space<vmem>>, vector<16xf32>,
        tpu.vector_store %arg11[%swap3A_2823, %swap3A_2824], %div3A_2808 {strides = array<i32>} : memref<10x128xf32, #tpu.memory_space<vmem>>, vector<16xf32>,
        %get3A_2826 = arith.constant 1 : i32
        %get3A_2827 = arith.index_cast %get3A_2826 : i32 to index
        %get3A_2828 = arith.constant 400 : index
        %get3A_2829 = tpu.vector_load %arg7[%get3A_2827, %get3A_2828] {strides = array<i32>} : memref<2x640xf32, #tpu.memory_space<vmem>>, vector<16xf32>,
        %get3A_2830 = arith.constant 1 : i32
        %get3A_2831 = arith.index_cast %get3A_2830 : i32 to index
        %get3A_2832 = arith.constant 400 : index
        %get3A_2833 = tpu.vector_load %arg8[%get3A_2831, %get3A_2832] {strides = array<i32>} : memref<2x640xf32, #tpu.memory_space<vmem>>, vector<16xf32>,
        %get3A_2834 = arith.constant 1 : i32
        %get3A_2835 = arith.index_cast %get3A_2834 : i32 to index
        %get3A_2836 = arith.constant 400 : index
        %get3A_2837 = tpu.vector_load %arg9[%get3A_2835, %get3A_2836] {strides = array<i32>} : memref<2x640xf32, #tpu.memory_space<vmem>>, vector<16xf32>,
        %sub3A_2838 = arith.subf %get3A_2829, %get3A_17 : vector<16xf32>
        %mul3A_2839 = arith.mulf %broadcast_in_dim3A_29, %sub3A_2838 : vector<16xf32>
        %div3A_2840 = arith.divf %mul3A_2839, %get3A_19 : vector<16xf32>
        %sub3A_2841 = arith.subf %get3A_2833, %get3A_21 : vector<16xf32>
        %mul3A_2842 = arith.mulf %broadcast_in_dim3A_31, %sub3A_2841 : vector<16xf32>
        %div3A_2843 = arith.divf %mul3A_2842, %get3A_23 : vector<16xf32>
        %sub3A_2844 = arith.subf %get3A_2837, %get3A_25 : vector<16xf32>
        %mul3A_2845 = arith.mulf %broadcast_in_dim3A_33, %sub3A_2844 : vector<16xf32>
        %div3A_2846 = arith.divf %mul3A_2845, %get3A_27 : vector<16xf32>
        %convert_element_type3A_2847 = arith.fptosi %div3A_2840 : vector<16xf32> to vector<16xi32>
        %min3A_2848 = arith.minsi %convert_element_type3A_2847, %broadcast_in_dim3A_35 : vector<16xi32>
        %convert_element_type3A_2849 = arith.fptosi %div3A_2843 : vector<16xf32> to vector<16xi32>
        %min3A_2850 = arith.minsi %convert_element_type3A_2849, %broadcast_in_dim3A_35 : vector<16xi32>
        %sub3A_2851 = arith.subi %broadcast_in_dim3A_35, %min3A_2850 : vector<16xi32>
        %mul3A_2852 = arith.constant 512 : i32
        %mul3A_2853 = vector.broadcast %mul3A_2852 : i32 to vector<16xi32>
        %mul3A_2854 = arith.muli %sub3A_2851, %mul3A_2853 : vector<16xi32>
        %add3A_2855 = arith.addi %mul3A_2854, %min3A_2848 : vector<16xi32>
        %swap3A_2856 = arith.constant 8 : i32
        %swap3A_2857 = arith.index_cast %swap3A_2856 : i32 to index
        %swap3A_2858 = arith.constant 16 : index
        %swap3A_2859 = tpu.vector_load %arg10[%swap3A_2857, %swap3A_2858] {strides = array<i32>} : memref<10x128xi32, #tpu.memory_space<vmem>>, vector<16xi32>,
        tpu.vector_store %arg10[%swap3A_2857, %swap3A_2858], %add3A_2855 {strides = array<i32>} : memref<10x128xi32, #tpu.memory_space<vmem>>, vector<16xi32>,
        %swap3A_2860 = arith.constant 8 : i32
        %swap3A_2861 = arith.index_cast %swap3A_2860 : i32 to index
        %swap3A_2862 = arith.constant 16 : index
        %swap3A_2863 = tpu.vector_load %arg11[%swap3A_2861, %swap3A_2862] {strides = array<i32>} : memref<10x128xf32, #tpu.memory_space<vmem>>, vector<16xf32>,
        tpu.vector_store %arg11[%swap3A_2861, %swap3A_2862], %div3A_2846 {strides = array<i32>} : memref<10x128xf32, #tpu.memory_space<vmem>>, vector<16xf32>,
        %get3A_2864 = arith.constant 1 : i32
        %get3A_2865 = arith.index_cast %get3A_2864 : i32 to index
        %get3A_2866 = arith.constant 416 : index
        %get3A_2867 = tpu.vector_load %arg7[%get3A_2865, %get3A_2866] {strides = array<i32>} : memref<2x640xf32, #tpu.memory_space<vmem>>, vector<16xf32>,
        %get3A_2868 = arith.constant 1 : i32
        %get3A_2869 = arith.index_cast %get3A_2868 : i32 to index
        %get3A_2870 = arith.constant 416 : index
        %get3A_2871 = tpu.vector_load %arg8[%get3A_2869, %get3A_2870] {strides = array<i32>} : memref<2x640xf32, #tpu.memory_space<vmem>>, vector<16xf32>,
        %get3A_2872 = arith.constant 1 : i32
        %get3A_2873 = arith.index_cast %get3A_2872 : i32 to index
        %get3A_2874 = arith.constant 416 : index
        %get3A_2875 = tpu.vector_load %arg9[%get3A_2873, %get3A_2874] {strides = array<i32>} : memref<2x640xf32, #tpu.memory_space<vmem>>, vector<16xf32>,
        %sub3A_2876 = arith.subf %get3A_2867, %get3A_17 : vector<16xf32>
        %mul3A_2877 = arith.mulf %broadcast_in_dim3A_29, %sub3A_2876 : vector<16xf32>
        %div3A_2878 = arith.divf %mul3A_2877, %get3A_19 : vector<16xf32>
        %sub3A_2879 = arith.subf %get3A_2871, %get3A_21 : vector<16xf32>
        %mul3A_2880 = arith.mulf %broadcast_in_dim3A_31, %sub3A_2879 : vector<16xf32>
        %div3A_2881 = arith.divf %mul3A_2880, %get3A_23 : vector<16xf32>
        %sub3A_2882 = arith.subf %get3A_2875, %get3A_25 : vector<16xf32>
        %mul3A_2883 = arith.mulf %broadcast_in_dim3A_33, %sub3A_2882 : vector<16xf32>
        %div3A_2884 = arith.divf %mul3A_2883, %get3A_27 : vector<16xf32>
        %convert_element_type3A_2885 = arith.fptosi %div3A_2878 : vector<16xf32> to vector<16xi32>
        %min3A_2886 = arith.minsi %convert_element_type3A_2885, %broadcast_in_dim3A_35 : vector<16xi32>
        %convert_element_type3A_2887 = arith.fptosi %div3A_2881 : vector<16xf32> to vector<16xi32>
        %min3A_2888 = arith.minsi %convert_element_type3A_2887, %broadcast_in_dim3A_35 : vector<16xi32>
        %sub3A_2889 = arith.subi %broadcast_in_dim3A_35, %min3A_2888 : vector<16xi32>
        %mul3A_2890 = arith.constant 512 : i32
        %mul3A_2891 = vector.broadcast %mul3A_2890 : i32 to vector<16xi32>
        %mul3A_2892 = arith.muli %sub3A_2889, %mul3A_2891 : vector<16xi32>
        %add3A_2893 = arith.addi %mul3A_2892, %min3A_2886 : vector<16xi32>
        %swap3A_2894 = arith.constant 8 : i32
        %swap3A_2895 = arith.index_cast %swap3A_2894 : i32 to index
        %swap3A_2896 = arith.constant 32 : index
        %swap3A_2897 = tpu.vector_load %arg10[%swap3A_2895, %swap3A_2896] {strides = array<i32>} : memref<10x128xi32, #tpu.memory_space<vmem>>, vector<16xi32>,
        tpu.vector_store %arg10[%swap3A_2895, %swap3A_2896], %add3A_2893 {strides = array<i32>} : memref<10x128xi32, #tpu.memory_space<vmem>>, vector<16xi32>,
        %swap3A_2898 = arith.constant 8 : i32
        %swap3A_2899 = arith.index_cast %swap3A_2898 : i32 to index
        %swap3A_2900 = arith.constant 32 : index
        %swap3A_2901 = tpu.vector_load %arg11[%swap3A_2899, %swap3A_2900] {strides = array<i32>} : memref<10x128xf32, #tpu.memory_space<vmem>>, vector<16xf32>,
        tpu.vector_store %arg11[%swap3A_2899, %swap3A_2900], %div3A_2884 {strides = array<i32>} : memref<10x128xf32, #tpu.memory_space<vmem>>, vector<16xf32>,
        %get3A_2902 = arith.constant 1 : i32
        %get3A_2903 = arith.index_cast %get3A_2902 : i32 to index
        %get3A_2904 = arith.constant 432 : index
        %get3A_2905 = tpu.vector_load %arg7[%get3A_2903, %get3A_2904] {strides = array<i32>} : memref<2x640xf32, #tpu.memory_space<vmem>>, vector<16xf32>,
        %get3A_2906 = arith.constant 1 : i32
        %get3A_2907 = arith.index_cast %get3A_2906 : i32 to index
        %get3A_2908 = arith.constant 432 : index
        %get3A_2909 = tpu.vector_load %arg8[%get3A_2907, %get3A_2908] {strides = array<i32>} : memref<2x640xf32, #tpu.memory_space<vmem>>, vector<16xf32>,
        %get3A_2910 = arith.constant 1 : i32
        %get3A_2911 = arith.index_cast %get3A_2910 : i32 to index
        %get3A_2912 = arith.constant 432 : index
        %get3A_2913 = tpu.vector_load %arg9[%get3A_2911, %get3A_2912] {strides = array<i32>} : memref<2x640xf32, #tpu.memory_space<vmem>>, vector<16xf32>,
        %sub3A_2914 = arith.subf %get3A_2905, %get3A_17 : vector<16xf32>
        %mul3A_2915 = arith.mulf %broadcast_in_dim3A_29, %sub3A_2914 : vector<16xf32>
        %div3A_2916 = arith.divf %mul3A_2915, %get3A_19 : vector<16xf32>
        %sub3A_2917 = arith.subf %get3A_2909, %get3A_21 : vector<16xf32>
        %mul3A_2918 = arith.mulf %broadcast_in_dim3A_31, %sub3A_2917 : vector<16xf32>
        %div3A_2919 = arith.divf %mul3A_2918, %get3A_23 : vector<16xf32>
        %sub3A_2920 = arith.subf %get3A_2913, %get3A_25 : vector<16xf32>
        %mul3A_2921 = arith.mulf %broadcast_in_dim3A_33, %sub3A_2920 : vector<16xf32>
        %div3A_2922 = arith.divf %mul3A_2921, %get3A_27 : vector<16xf32>
        %convert_element_type3A_2923 = arith.fptosi %div3A_2916 : vector<16xf32> to vector<16xi32>
        %min3A_2924 = arith.minsi %convert_element_type3A_2923, %broadcast_in_dim3A_35 : vector<16xi32>
        %convert_element_type3A_2925 = arith.fptosi %div3A_2919 : vector<16xf32> to vector<16xi32>
        %min3A_2926 = arith.minsi %convert_element_type3A_2925, %broadcast_in_dim3A_35 : vector<16xi32>
        %sub3A_2927 = arith.subi %broadcast_in_dim3A_35, %min3A_2926 : vector<16xi32>
        %mul3A_2928 = arith.constant 512 : i32
        %mul3A_2929 = vector.broadcast %mul3A_2928 : i32 to vector<16xi32>
        %mul3A_2930 = arith.muli %sub3A_2927, %mul3A_2929 : vector<16xi32>
        %add3A_2931 = arith.addi %mul3A_2930, %min3A_2924 : vector<16xi32>
        %swap3A_2932 = arith.constant 8 : i32
        %swap3A_2933 = arith.index_cast %swap3A_2932 : i32 to index
        %swap3A_2934 = arith.constant 48 : index
        %swap3A_2935 = tpu.vector_load %arg10[%swap3A_2933, %swap3A_2934] {strides = array<i32>} : memref<10x128xi32, #tpu.memory_space<vmem>>, vector<16xi32>,
        tpu.vector_store %arg10[%swap3A_2933, %swap3A_2934], %add3A_2931 {strides = array<i32>} : memref<10x128xi32, #tpu.memory_space<vmem>>, vector<16xi32>,
        %swap3A_2936 = arith.constant 8 : i32
        %swap3A_2937 = arith.index_cast %swap3A_2936 : i32 to index
        %swap3A_2938 = arith.constant 48 : index
        %swap3A_2939 = tpu.vector_load %arg11[%swap3A_2937, %swap3A_2938] {strides = array<i32>} : memref<10x128xf32, #tpu.memory_space<vmem>>, vector<16xf32>,
        tpu.vector_store %arg11[%swap3A_2937, %swap3A_2938], %div3A_2922 {strides = array<i32>} : memref<10x128xf32, #tpu.memory_space<vmem>>, vector<16xf32>,
        %get3A_2940 = arith.constant 1 : i32
        %get3A_2941 = arith.index_cast %get3A_2940 : i32 to index
        %get3A_2942 = arith.constant 448 : index
        %get3A_2943 = tpu.vector_load %arg7[%get3A_2941, %get3A_2942] {strides = array<i32>} : memref<2x640xf32, #tpu.memory_space<vmem>>, vector<16xf32>,
        %get3A_2944 = arith.constant 1 : i32
        %get3A_2945 = arith.index_cast %get3A_2944 : i32 to index
        %get3A_2946 = arith.constant 448 : index
        %get3A_2947 = tpu.vector_load %arg8[%get3A_2945, %get3A_2946] {strides = array<i32>} : memref<2x640xf32, #tpu.memory_space<vmem>>, vector<16xf32>,
        %get3A_2948 = arith.constant 1 : i32
        %get3A_2949 = arith.index_cast %get3A_2948 : i32 to index
        %get3A_2950 = arith.constant 448 : index
        %get3A_2951 = tpu.vector_load %arg9[%get3A_2949, %get3A_2950] {strides = array<i32>} : memref<2x640xf32, #tpu.memory_space<vmem>>, vector<16xf32>,
        %sub3A_2952 = arith.subf %get3A_2943, %get3A_17 : vector<16xf32>
        %mul3A_2953 = arith.mulf %broadcast_in_dim3A_29, %sub3A_2952 : vector<16xf32>
        %div3A_2954 = arith.divf %mul3A_2953, %get3A_19 : vector<16xf32>
        %sub3A_2955 = arith.subf %get3A_2947, %get3A_21 : vector<16xf32>
        %mul3A_2956 = arith.mulf %broadcast_in_dim3A_31, %sub3A_2955 : vector<16xf32>
        %div3A_2957 = arith.divf %mul3A_2956, %get3A_23 : vector<16xf32>
        %sub3A_2958 = arith.subf %get3A_2951, %get3A_25 : vector<16xf32>
        %mul3A_2959 = arith.mulf %broadcast_in_dim3A_33, %sub3A_2958 : vector<16xf32>
        %div3A_2960 = arith.divf %mul3A_2959, %get3A_27 : vector<16xf32>
        %convert_element_type3A_2961 = arith.fptosi %div3A_2954 : vector<16xf32> to vector<16xi32>
        %min3A_2962 = arith.minsi %convert_element_type3A_2961, %broadcast_in_dim3A_35 : vector<16xi32>
        %convert_element_type3A_2963 = arith.fptosi %div3A_2957 : vector<16xf32> to vector<16xi32>
        %min3A_2964 = arith.minsi %convert_element_type3A_2963, %broadcast_in_dim3A_35 : vector<16xi32>
        %sub3A_2965 = arith.subi %broadcast_in_dim3A_35, %min3A_2964 : vector<16xi32>
        %mul3A_2966 = arith.constant 512 : i32
        %mul3A_2967 = vector.broadcast %mul3A_2966 : i32 to vector<16xi32>
        %mul3A_2968 = arith.muli %sub3A_2965, %mul3A_2967 : vector<16xi32>
        %add3A_2969 = arith.addi %mul3A_2968, %min3A_2962 : vector<16xi32>
        %swap3A_2970 = arith.constant 8 : i32
        %swap3A_2971 = arith.index_cast %swap3A_2970 : i32 to index
        %swap3A_2972 = arith.constant 64 : index
        %swap3A_2973 = tpu.vector_load %arg10[%swap3A_2971, %swap3A_2972] {strides = array<i32>} : memref<10x128xi32, #tpu.memory_space<vmem>>, vector<16xi32>,
        tpu.vector_store %arg10[%swap3A_2971, %swap3A_2972], %add3A_2969 {strides = array<i32>} : memref<10x128xi32, #tpu.memory_space<vmem>>, vector<16xi32>,
        %swap3A_2974 = arith.constant 8 : i32
        %swap3A_2975 = arith.index_cast %swap3A_2974 : i32 to index
        %swap3A_2976 = arith.constant 64 : index
        %swap3A_2977 = tpu.vector_load %arg11[%swap3A_2975, %swap3A_2976] {strides = array<i32>} : memref<10x128xf32, #tpu.memory_space<vmem>>, vector<16xf32>,
        tpu.vector_store %arg11[%swap3A_2975, %swap3A_2976], %div3A_2960 {strides = array<i32>} : memref<10x128xf32, #tpu.memory_space<vmem>>, vector<16xf32>,
        %get3A_2978 = arith.constant 1 : i32
        %get3A_2979 = arith.index_cast %get3A_2978 : i32 to index
        %get3A_2980 = arith.constant 464 : index
        %get3A_2981 = tpu.vector_load %arg7[%get3A_2979, %get3A_2980] {strides = array<i32>} : memref<2x640xf32, #tpu.memory_space<vmem>>, vector<16xf32>,
        %get3A_2982 = arith.constant 1 : i32
        %get3A_2983 = arith.index_cast %get3A_2982 : i32 to index
        %get3A_2984 = arith.constant 464 : index
        %get3A_2985 = tpu.vector_load %arg8[%get3A_2983, %get3A_2984] {strides = array<i32>} : memref<2x640xf32, #tpu.memory_space<vmem>>, vector<16xf32>,
        %get3A_2986 = arith.constant 1 : i32
        %get3A_2987 = arith.index_cast %get3A_2986 : i32 to index
        %get3A_2988 = arith.constant 464 : index
        %get3A_2989 = tpu.vector_load %arg9[%get3A_2987, %get3A_2988] {strides = array<i32>} : memref<2x640xf32, #tpu.memory_space<vmem>>, vector<16xf32>,
        %sub3A_2990 = arith.subf %get3A_2981, %get3A_17 : vector<16xf32>
        %mul3A_2991 = arith.mulf %broadcast_in_dim3A_29, %sub3A_2990 : vector<16xf32>
        %div3A_2992 = arith.divf %mul3A_2991, %get3A_19 : vector<16xf32>
        %sub3A_2993 = arith.subf %get3A_2985, %get3A_21 : vector<16xf32>
        %mul3A_2994 = arith.mulf %broadcast_in_dim3A_31, %sub3A_2993 : vector<16xf32>
        %div3A_2995 = arith.divf %mul3A_2994, %get3A_23 : vector<16xf32>
        %sub3A_2996 = arith.subf %get3A_2989, %get3A_25 : vector<16xf32>
        %mul3A_2997 = arith.mulf %broadcast_in_dim3A_33, %sub3A_2996 : vector<16xf32>
        %div3A_2998 = arith.divf %mul3A_2997, %get3A_27 : vector<16xf32>
        %convert_element_type3A_2999 = arith.fptosi %div3A_2992 : vector<16xf32> to vector<16xi32>
        %min3A_3000 = arith.minsi %convert_element_type3A_2999, %broadcast_in_dim3A_35 : vector<16xi32>
        %convert_element_type3A_3001 = arith.fptosi %div3A_2995 : vector<16xf32> to vector<16xi32>
        %min3A_3002 = arith.minsi %convert_element_type3A_3001, %broadcast_in_dim3A_35 : vector<16xi32>
        %sub3A_3003 = arith.subi %broadcast_in_dim3A_35, %min3A_3002 : vector<16xi32>
        %mul3A_3004 = arith.constant 512 : i32
        %mul3A_3005 = vector.broadcast %mul3A_3004 : i32 to vector<16xi32>
        %mul3A_3006 = arith.muli %sub3A_3003, %mul3A_3005 : vector<16xi32>
        %add3A_3007 = arith.addi %mul3A_3006, %min3A_3000 : vector<16xi32>
        %swap3A_3008 = arith.constant 8 : i32
        %swap3A_3009 = arith.index_cast %swap3A_3008 : i32 to index
        %swap3A_3010 = arith.constant 80 : index
        %swap3A_3011 = tpu.vector_load %arg10[%swap3A_3009, %swap3A_3010] {strides = array<i32>} : memref<10x128xi32, #tpu.memory_space<vmem>>, vector<16xi32>,
        tpu.vector_store %arg10[%swap3A_3009, %swap3A_3010], %add3A_3007 {strides = array<i32>} : memref<10x128xi32, #tpu.memory_space<vmem>>, vector<16xi32>,
        %swap3A_3012 = arith.constant 8 : i32
        %swap3A_3013 = arith.index_cast %swap3A_3012 : i32 to index
        %swap3A_3014 = arith.constant 80 : index
        %swap3A_3015 = tpu.vector_load %arg11[%swap3A_3013, %swap3A_3014] {strides = array<i32>} : memref<10x128xf32, #tpu.memory_space<vmem>>, vector<16xf32>,
        tpu.vector_store %arg11[%swap3A_3013, %swap3A_3014], %div3A_2998 {strides = array<i32>} : memref<10x128xf32, #tpu.memory_space<vmem>>, vector<16xf32>,
        %get3A_3016 = arith.constant 1 : i32
        %get3A_3017 = arith.index_cast %get3A_3016 : i32 to index
        %get3A_3018 = arith.constant 480 : index
        %get3A_3019 = tpu.vector_load %arg7[%get3A_3017, %get3A_3018] {strides = array<i32>} : memref<2x640xf32, #tpu.memory_space<vmem>>, vector<16xf32>,
        %get3A_3020 = arith.constant 1 : i32
        %get3A_3021 = arith.index_cast %get3A_3020 : i32 to index
        %get3A_3022 = arith.constant 480 : index
        %get3A_3023 = tpu.vector_load %arg8[%get3A_3021, %get3A_3022] {strides = array<i32>} : memref<2x640xf32, #tpu.memory_space<vmem>>, vector<16xf32>,
        %get3A_3024 = arith.constant 1 : i32
        %get3A_3025 = arith.index_cast %get3A_3024 : i32 to index
        %get3A_3026 = arith.constant 480 : index
        %get3A_3027 = tpu.vector_load %arg9[%get3A_3025, %get3A_3026] {strides = array<i32>} : memref<2x640xf32, #tpu.memory_space<vmem>>, vector<16xf32>,
        %sub3A_3028 = arith.subf %get3A_3019, %get3A_17 : vector<16xf32>
        %mul3A_3029 = arith.mulf %broadcast_in_dim3A_29, %sub3A_3028 : vector<16xf32>
        %div3A_3030 = arith.divf %mul3A_3029, %get3A_19 : vector<16xf32>
        %sub3A_3031 = arith.subf %get3A_3023, %get3A_21 : vector<16xf32>
        %mul3A_3032 = arith.mulf %broadcast_in_dim3A_31, %sub3A_3031 : vector<16xf32>
        %div3A_3033 = arith.divf %mul3A_3032, %get3A_23 : vector<16xf32>
        %sub3A_3034 = arith.subf %get3A_3027, %get3A_25 : vector<16xf32>
        %mul3A_3035 = arith.mulf %broadcast_in_dim3A_33, %sub3A_3034 : vector<16xf32>
        %div3A_3036 = arith.divf %mul3A_3035, %get3A_27 : vector<16xf32>
        %convert_element_type3A_3037 = arith.fptosi %div3A_3030 : vector<16xf32> to vector<16xi32>
        %min3A_3038 = arith.minsi %convert_element_type3A_3037, %broadcast_in_dim3A_35 : vector<16xi32>
        %convert_element_type3A_3039 = arith.fptosi %div3A_3033 : vector<16xf32> to vector<16xi32>
        %min3A_3040 = arith.minsi %convert_element_type3A_3039, %broadcast_in_dim3A_35 : vector<16xi32>
        %sub3A_3041 = arith.subi %broadcast_in_dim3A_35, %min3A_3040 : vector<16xi32>
        %mul3A_3042 = arith.constant 512 : i32
        %mul3A_3043 = vector.broadcast %mul3A_3042 : i32 to vector<16xi32>
        %mul3A_3044 = arith.muli %sub3A_3041, %mul3A_3043 : vector<16xi32>
        %add3A_3045 = arith.addi %mul3A_3044, %min3A_3038 : vector<16xi32>
        %swap3A_3046 = arith.constant 8 : i32
        %swap3A_3047 = arith.index_cast %swap3A_3046 : i32 to index
        %swap3A_3048 = arith.constant 96 : index
        %swap3A_3049 = tpu.vector_load %arg10[%swap3A_3047, %swap3A_3048] {strides = array<i32>} : memref<10x128xi32, #tpu.memory_space<vmem>>, vector<16xi32>,
        tpu.vector_store %arg10[%swap3A_3047, %swap3A_3048], %add3A_3045 {strides = array<i32>} : memref<10x128xi32, #tpu.memory_space<vmem>>, vector<16xi32>,
        %swap3A_3050 = arith.constant 8 : i32
        %swap3A_3051 = arith.index_cast %swap3A_3050 : i32 to index
        %swap3A_3052 = arith.constant 96 : index
        %swap3A_3053 = tpu.vector_load %arg11[%swap3A_3051, %swap3A_3052] {strides = array<i32>} : memref<10x128xf32, #tpu.memory_space<vmem>>, vector<16xf32>,
        tpu.vector_store %arg11[%swap3A_3051, %swap3A_3052], %div3A_3036 {strides = array<i32>} : memref<10x128xf32, #tpu.memory_space<vmem>>, vector<16xf32>,
        %get3A_3054 = arith.constant 1 : i32
        %get3A_3055 = arith.index_cast %get3A_3054 : i32 to index
        %get3A_3056 = arith.constant 496 : index
        %get3A_3057 = tpu.vector_load %arg7[%get3A_3055, %get3A_3056] {strides = array<i32>} : memref<2x640xf32, #tpu.memory_space<vmem>>, vector<16xf32>,
        %get3A_3058 = arith.constant 1 : i32
        %get3A_3059 = arith.index_cast %get3A_3058 : i32 to index
        %get3A_3060 = arith.constant 496 : index
        %get3A_3061 = tpu.vector_load %arg8[%get3A_3059, %get3A_3060] {strides = array<i32>} : memref<2x640xf32, #tpu.memory_space<vmem>>, vector<16xf32>,
        %get3A_3062 = arith.constant 1 : i32
        %get3A_3063 = arith.index_cast %get3A_3062 : i32 to index
        %get3A_3064 = arith.constant 496 : index
        %get3A_3065 = tpu.vector_load %arg9[%get3A_3063, %get3A_3064] {strides = array<i32>} : memref<2x640xf32, #tpu.memory_space<vmem>>, vector<16xf32>,
        %sub3A_3066 = arith.subf %get3A_3057, %get3A_17 : vector<16xf32>
        %mul3A_3067 = arith.mulf %broadcast_in_dim3A_29, %sub3A_3066 : vector<16xf32>
        %div3A_3068 = arith.divf %mul3A_3067, %get3A_19 : vector<16xf32>
        %sub3A_3069 = arith.subf %get3A_3061, %get3A_21 : vector<16xf32>
        %mul3A_3070 = arith.mulf %broadcast_in_dim3A_31, %sub3A_3069 : vector<16xf32>
        %div3A_3071 = arith.divf %mul3A_3070, %get3A_23 : vector<16xf32>
        %sub3A_3072 = arith.subf %get3A_3065, %get3A_25 : vector<16xf32>
        %mul3A_3073 = arith.mulf %broadcast_in_dim3A_33, %sub3A_3072 : vector<16xf32>
        %div3A_3074 = arith.divf %mul3A_3073, %get3A_27 : vector<16xf32>
        %convert_element_type3A_3075 = arith.fptosi %div3A_3068 : vector<16xf32> to vector<16xi32>
        %min3A_3076 = arith.minsi %convert_element_type3A_3075, %broadcast_in_dim3A_35 : vector<16xi32>
        %convert_element_type3A_3077 = arith.fptosi %div3A_3071 : vector<16xf32> to vector<16xi32>
        %min3A_3078 = arith.minsi %convert_element_type3A_3077, %broadcast_in_dim3A_35 : vector<16xi32>
        %sub3A_3079 = arith.subi %broadcast_in_dim3A_35, %min3A_3078 : vector<16xi32>
        %mul3A_3080 = arith.constant 512 : i32
        %mul3A_3081 = vector.broadcast %mul3A_3080 : i32 to vector<16xi32>
        %mul3A_3082 = arith.muli %sub3A_3079, %mul3A_3081 : vector<16xi32>
        %add3A_3083 = arith.addi %mul3A_3082, %min3A_3076 : vector<16xi32>
        %swap3A_3084 = arith.constant 8 : i32
        %swap3A_3085 = arith.index_cast %swap3A_3084 : i32 to index
        %swap3A_3086 = arith.constant 112 : index
        %swap3A_3087 = tpu.vector_load %arg10[%swap3A_3085, %swap3A_3086] {strides = array<i32>} : memref<10x128xi32, #tpu.memory_space<vmem>>, vector<16xi32>,
        tpu.vector_store %arg10[%swap3A_3085, %swap3A_3086], %add3A_3083 {strides = array<i32>} : memref<10x128xi32, #tpu.memory_space<vmem>>, vector<16xi32>,
        %swap3A_3088 = arith.constant 8 : i32
        %swap3A_3089 = arith.index_cast %swap3A_3088 : i32 to index
        %swap3A_3090 = arith.constant 112 : index
        %swap3A_3091 = tpu.vector_load %arg11[%swap3A_3089, %swap3A_3090] {strides = array<i32>} : memref<10x128xf32, #tpu.memory_space<vmem>>, vector<16xf32>,
        tpu.vector_store %arg11[%swap3A_3089, %swap3A_3090], %div3A_3074 {strides = array<i32>} : memref<10x128xf32, #tpu.memory_space<vmem>>, vector<16xf32>,
        %dma_start3A_3092 = arith.constant 8 : i32
        %dma_start3A_3093 = arith.constant 8 : i32
        %dma_start3A_3094 = arith.constant 0 : i32
        %dma_start3A_3095 = tpu.memref_slice %arg11[%dma_start3A_3092, %dma_start3A_3094] : memref<10x128xf32, #tpu.memory_space<vmem>> -> memref<1x128xf32, #tpu.memory_space<vmem>>
        %dma_start3A_3096 = tpu.memref_squeeze %dma_start3A_3095 : memref<1x128xf32, #tpu.memory_space<vmem>> -> memref<128xf32, #tpu.memory_space<vmem>>
        %dma_start3A_3097 = arith.constant 0 : i32
        %dma_start3A_3098 = tpu.memref_slice %arg10[%dma_start3A_3093, %dma_start3A_3097] : memref<10x128xi32, #tpu.memory_space<vmem>> -> memref<1x128xi32, #tpu.memory_space<vmem>>
        %dma_start3A_3099 = tpu.memref_squeeze %dma_start3A_3098 : memref<1x128xi32, #tpu.memory_space<vmem>> -> memref<128xi32, #tpu.memory_space<vmem>>
        %dma_start3A_3100 = arith.constant 0 : i32
        %dma_start3A_3101 = tpu.memref_slice %arg15[%dma_start3A_3100] : memref<262144xf32, #tpu.memory_space<vmem_shared>> -> memref<262144xf32, #tpu.memory_space<vmem_shared>>
        tpu.enqueue_indirect_dma source(%dma_start3A_3096 : memref<128xf32, #tpu.memory_space<vmem>>) target(%dma_start3A_3101 : memref<262144xf32, #tpu.memory_space<vmem_shared>>) offsets(%dma_start3A_3099 : memref<128xi32, #tpu.memory_space<vmem>>) semaphore(%arg19 : memref<!tpu.dma_semaphore, #tpu.memory_space<semaphore_mem>>) {add = true}
        %dma_start3A_3102 = arith.constant 8 : i32
        %dma_start3A_3103 = arith.constant 0 : i32
        %dma_start3A_3104 = tpu.memref_slice %arg10[%dma_start3A_3102, %dma_start3A_3103] : memref<10x128xi32, #tpu.memory_space<vmem>> -> memref<1x128xi32, #tpu.memory_space<vmem>>
        %dma_start3A_3105 = tpu.memref_squeeze %dma_start3A_3104 : memref<1x128xi32, #tpu.memory_space<vmem>> -> memref<128xi32, #tpu.memory_space<vmem>>
        %dma_start3A_3106 = arith.constant 0 : i32
        %dma_start3A_3107 = tpu.memref_slice %arg16[%dma_start3A_3106] : memref<262144xf32, #tpu.memory_space<vmem_shared>> -> memref<262144xf32, #tpu.memory_space<vmem_shared>>
        tpu.enqueue_indirect_dma source(%arg12 : memref<128xf32, #tpu.memory_space<vmem>>) target(%dma_start3A_3107 : memref<262144xf32, #tpu.memory_space<vmem_shared>>) offsets(%dma_start3A_3105 : memref<128xi32, #tpu.memory_space<vmem>>) semaphore(%arg19 : memref<!tpu.dma_semaphore, #tpu.memory_space<semaphore_mem>>) {add = true}
        %get3A_3108 = arith.constant 1 : i32
        %get3A_3109 = arith.index_cast %get3A_3108 : i32 to index
        %get3A_3110 = arith.constant 512 : index
        %get3A_3111 = tpu.vector_load %arg7[%get3A_3109, %get3A_3110] {strides = array<i32>} : memref<2x640xf32, #tpu.memory_space<vmem>>, vector<16xf32>,
        %get3A_3112 = arith.constant 1 : i32
        %get3A_3113 = arith.index_cast %get3A_3112 : i32 to index
        %get3A_3114 = arith.constant 512 : index
        %get3A_3115 = tpu.vector_load %arg8[%get3A_3113, %get3A_3114] {strides = array<i32>} : memref<2x640xf32, #tpu.memory_space<vmem>>, vector<16xf32>,
        %get3A_3116 = arith.constant 1 : i32
        %get3A_3117 = arith.index_cast %get3A_3116 : i32 to index
        %get3A_3118 = arith.constant 512 : index
        %get3A_3119 = tpu.vector_load %arg9[%get3A_3117, %get3A_3118] {strides = array<i32>} : memref<2x640xf32, #tpu.memory_space<vmem>>, vector<16xf32>,
        %sub3A_3120 = arith.subf %get3A_3111, %get3A_17 : vector<16xf32>
        %mul3A_3121 = arith.mulf %broadcast_in_dim3A_29, %sub3A_3120 : vector<16xf32>
        %div3A_3122 = arith.divf %mul3A_3121, %get3A_19 : vector<16xf32>
        %sub3A_3123 = arith.subf %get3A_3115, %get3A_21 : vector<16xf32>
        %mul3A_3124 = arith.mulf %broadcast_in_dim3A_31, %sub3A_3123 : vector<16xf32>
        %div3A_3125 = arith.divf %mul3A_3124, %get3A_23 : vector<16xf32>
        %sub3A_3126 = arith.subf %get3A_3119, %get3A_25 : vector<16xf32>
        %mul3A_3127 = arith.mulf %broadcast_in_dim3A_33, %sub3A_3126 : vector<16xf32>
        %div3A_3128 = arith.divf %mul3A_3127, %get3A_27 : vector<16xf32>
        %convert_element_type3A_3129 = arith.fptosi %div3A_3122 : vector<16xf32> to vector<16xi32>
        %min3A_3130 = arith.minsi %convert_element_type3A_3129, %broadcast_in_dim3A_35 : vector<16xi32>
        %convert_element_type3A_3131 = arith.fptosi %div3A_3125 : vector<16xf32> to vector<16xi32>
        %min3A_3132 = arith.minsi %convert_element_type3A_3131, %broadcast_in_dim3A_35 : vector<16xi32>
        %sub3A_3133 = arith.subi %broadcast_in_dim3A_35, %min3A_3132 : vector<16xi32>
        %mul3A_3134 = arith.constant 512 : i32
        %mul3A_3135 = vector.broadcast %mul3A_3134 : i32 to vector<16xi32>
        %mul3A_3136 = arith.muli %sub3A_3133, %mul3A_3135 : vector<16xi32>
        %add3A_3137 = arith.addi %mul3A_3136, %min3A_3130 : vector<16xi32>
        %swap3A_3138 = arith.constant 9 : i32
        %swap3A_3139 = arith.index_cast %swap3A_3138 : i32 to index
        %swap3A_3140 = arith.constant 0 : index
        %swap3A_3141 = tpu.vector_load %arg10[%swap3A_3139, %swap3A_3140] {strides = array<i32>} : memref<10x128xi32, #tpu.memory_space<vmem>>, vector<16xi32>,
        tpu.vector_store %arg10[%swap3A_3139, %swap3A_3140], %add3A_3137 {strides = array<i32>} : memref<10x128xi32, #tpu.memory_space<vmem>>, vector<16xi32>,
        %swap3A_3142 = arith.constant 9 : i32
        %swap3A_3143 = arith.index_cast %swap3A_3142 : i32 to index
        %swap3A_3144 = arith.constant 0 : index
        %swap3A_3145 = tpu.vector_load %arg11[%swap3A_3143, %swap3A_3144] {strides = array<i32>} : memref<10x128xf32, #tpu.memory_space<vmem>>, vector<16xf32>,
        tpu.vector_store %arg11[%swap3A_3143, %swap3A_3144], %div3A_3128 {strides = array<i32>} : memref<10x128xf32, #tpu.memory_space<vmem>>, vector<16xf32>,
        %get3A_3146 = arith.constant 1 : i32
        %get3A_3147 = arith.index_cast %get3A_3146 : i32 to index
        %get3A_3148 = arith.constant 528 : index
        %get3A_3149 = tpu.vector_load %arg7[%get3A_3147, %get3A_3148] {strides = array<i32>} : memref<2x640xf32, #tpu.memory_space<vmem>>, vector<16xf32>,
        %get3A_3150 = arith.constant 1 : i32
        %get3A_3151 = arith.index_cast %get3A_3150 : i32 to index
        %get3A_3152 = arith.constant 528 : index
        %get3A_3153 = tpu.vector_load %arg8[%get3A_3151, %get3A_3152] {strides = array<i32>} : memref<2x640xf32, #tpu.memory_space<vmem>>, vector<16xf32>,
        %get3A_3154 = arith.constant 1 : i32
        %get3A_3155 = arith.index_cast %get3A_3154 : i32 to index
        %get3A_3156 = arith.constant 528 : index
        %get3A_3157 = tpu.vector_load %arg9[%get3A_3155, %get3A_3156] {strides = array<i32>} : memref<2x640xf32, #tpu.memory_space<vmem>>, vector<16xf32>,
        %sub3A_3158 = arith.subf %get3A_3149, %get3A_17 : vector<16xf32>
        %mul3A_3159 = arith.mulf %broadcast_in_dim3A_29, %sub3A_3158 : vector<16xf32>
        %div3A_3160 = arith.divf %mul3A_3159, %get3A_19 : vector<16xf32>
        %sub3A_3161 = arith.subf %get3A_3153, %get3A_21 : vector<16xf32>
        %mul3A_3162 = arith.mulf %broadcast_in_dim3A_31, %sub3A_3161 : vector<16xf32>
        %div3A_3163 = arith.divf %mul3A_3162, %get3A_23 : vector<16xf32>
        %sub3A_3164 = arith.subf %get3A_3157, %get3A_25 : vector<16xf32>
        %mul3A_3165 = arith.mulf %broadcast_in_dim3A_33, %sub3A_3164 : vector<16xf32>
        %div3A_3166 = arith.divf %mul3A_3165, %get3A_27 : vector<16xf32>
        %convert_element_type3A_3167 = arith.fptosi %div3A_3160 : vector<16xf32> to vector<16xi32>
        %min3A_3168 = arith.minsi %convert_element_type3A_3167, %broadcast_in_dim3A_35 : vector<16xi32>
        %convert_element_type3A_3169 = arith.fptosi %div3A_3163 : vector<16xf32> to vector<16xi32>
        %min3A_3170 = arith.minsi %convert_element_type3A_3169, %broadcast_in_dim3A_35 : vector<16xi32>
        %sub3A_3171 = arith.subi %broadcast_in_dim3A_35, %min3A_3170 : vector<16xi32>
        %mul3A_3172 = arith.constant 512 : i32
        %mul3A_3173 = vector.broadcast %mul3A_3172 : i32 to vector<16xi32>
        %mul3A_3174 = arith.muli %sub3A_3171, %mul3A_3173 : vector<16xi32>
        %add3A_3175 = arith.addi %mul3A_3174, %min3A_3168 : vector<16xi32>
        %swap3A_3176 = arith.constant 9 : i32
        %swap3A_3177 = arith.index_cast %swap3A_3176 : i32 to index
        %swap3A_3178 = arith.constant 16 : index
        %swap3A_3179 = tpu.vector_load %arg10[%swap3A_3177, %swap3A_3178] {strides = array<i32>} : memref<10x128xi32, #tpu.memory_space<vmem>>, vector<16xi32>,
        tpu.vector_store %arg10[%swap3A_3177, %swap3A_3178], %add3A_3175 {strides = array<i32>} : memref<10x128xi32, #tpu.memory_space<vmem>>, vector<16xi32>,
        %swap3A_3180 = arith.constant 9 : i32
        %swap3A_3181 = arith.index_cast %swap3A_3180 : i32 to index
        %swap3A_3182 = arith.constant 16 : index
        %swap3A_3183 = tpu.vector_load %arg11[%swap3A_3181, %swap3A_3182] {strides = array<i32>} : memref<10x128xf32, #tpu.memory_space<vmem>>, vector<16xf32>,
        tpu.vector_store %arg11[%swap3A_3181, %swap3A_3182], %div3A_3166 {strides = array<i32>} : memref<10x128xf32, #tpu.memory_space<vmem>>, vector<16xf32>,
        %get3A_3184 = arith.constant 1 : i32
        %get3A_3185 = arith.index_cast %get3A_3184 : i32 to index
        %get3A_3186 = arith.constant 544 : index
        %get3A_3187 = tpu.vector_load %arg7[%get3A_3185, %get3A_3186] {strides = array<i32>} : memref<2x640xf32, #tpu.memory_space<vmem>>, vector<16xf32>,
        %get3A_3188 = arith.constant 1 : i32
        %get3A_3189 = arith.index_cast %get3A_3188 : i32 to index
        %get3A_3190 = arith.constant 544 : index
        %get3A_3191 = tpu.vector_load %arg8[%get3A_3189, %get3A_3190] {strides = array<i32>} : memref<2x640xf32, #tpu.memory_space<vmem>>, vector<16xf32>,
        %get3A_3192 = arith.constant 1 : i32
        %get3A_3193 = arith.index_cast %get3A_3192 : i32 to index
        %get3A_3194 = arith.constant 544 : index
        %get3A_3195 = tpu.vector_load %arg9[%get3A_3193, %get3A_3194] {strides = array<i32>} : memref<2x640xf32, #tpu.memory_space<vmem>>, vector<16xf32>,
        %sub3A_3196 = arith.subf %get3A_3187, %get3A_17 : vector<16xf32>
        %mul3A_3197 = arith.mulf %broadcast_in_dim3A_29, %sub3A_3196 : vector<16xf32>
        %div3A_3198 = arith.divf %mul3A_3197, %get3A_19 : vector<16xf32>
        %sub3A_3199 = arith.subf %get3A_3191, %get3A_21 : vector<16xf32>
        %mul3A_3200 = arith.mulf %broadcast_in_dim3A_31, %sub3A_3199 : vector<16xf32>
        %div3A_3201 = arith.divf %mul3A_3200, %get3A_23 : vector<16xf32>
        %sub3A_3202 = arith.subf %get3A_3195, %get3A_25 : vector<16xf32>
        %mul3A_3203 = arith.mulf %broadcast_in_dim3A_33, %sub3A_3202 : vector<16xf32>
        %div3A_3204 = arith.divf %mul3A_3203, %get3A_27 : vector<16xf32>
        %convert_element_type3A_3205 = arith.fptosi %div3A_3198 : vector<16xf32> to vector<16xi32>
        %min3A_3206 = arith.minsi %convert_element_type3A_3205, %broadcast_in_dim3A_35 : vector<16xi32>
        %convert_element_type3A_3207 = arith.fptosi %div3A_3201 : vector<16xf32> to vector<16xi32>
        %min3A_3208 = arith.minsi %convert_element_type3A_3207, %broadcast_in_dim3A_35 : vector<16xi32>
        %sub3A_3209 = arith.subi %broadcast_in_dim3A_35, %min3A_3208 : vector<16xi32>
        %mul3A_3210 = arith.constant 512 : i32
        %mul3A_3211 = vector.broadcast %mul3A_3210 : i32 to vector<16xi32>
        %mul3A_3212 = arith.muli %sub3A_3209, %mul3A_3211 : vector<16xi32>
        %add3A_3213 = arith.addi %mul3A_3212, %min3A_3206 : vector<16xi32>
        %swap3A_3214 = arith.constant 9 : i32
        %swap3A_3215 = arith.index_cast %swap3A_3214 : i32 to index
        %swap3A_3216 = arith.constant 32 : index
        %swap3A_3217 = tpu.vector_load %arg10[%swap3A_3215, %swap3A_3216] {strides = array<i32>} : memref<10x128xi32, #tpu.memory_space<vmem>>, vector<16xi32>,
        tpu.vector_store %arg10[%swap3A_3215, %swap3A_3216], %add3A_3213 {strides = array<i32>} : memref<10x128xi32, #tpu.memory_space<vmem>>, vector<16xi32>,
        %swap3A_3218 = arith.constant 9 : i32
        %swap3A_3219 = arith.index_cast %swap3A_3218 : i32 to index
        %swap3A_3220 = arith.constant 32 : index
        %swap3A_3221 = tpu.vector_load %arg11[%swap3A_3219, %swap3A_3220] {strides = array<i32>} : memref<10x128xf32, #tpu.memory_space<vmem>>, vector<16xf32>,
        tpu.vector_store %arg11[%swap3A_3219, %swap3A_3220], %div3A_3204 {strides = array<i32>} : memref<10x128xf32, #tpu.memory_space<vmem>>, vector<16xf32>,
        %get3A_3222 = arith.constant 1 : i32
        %get3A_3223 = arith.index_cast %get3A_3222 : i32 to index
        %get3A_3224 = arith.constant 560 : index
        %get3A_3225 = tpu.vector_load %arg7[%get3A_3223, %get3A_3224] {strides = array<i32>} : memref<2x640xf32, #tpu.memory_space<vmem>>, vector<16xf32>,
        %get3A_3226 = arith.constant 1 : i32
        %get3A_3227 = arith.index_cast %get3A_3226 : i32 to index
        %get3A_3228 = arith.constant 560 : index
        %get3A_3229 = tpu.vector_load %arg8[%get3A_3227, %get3A_3228] {strides = array<i32>} : memref<2x640xf32, #tpu.memory_space<vmem>>, vector<16xf32>,
        %get3A_3230 = arith.constant 1 : i32
        %get3A_3231 = arith.index_cast %get3A_3230 : i32 to index
        %get3A_3232 = arith.constant 560 : index
        %get3A_3233 = tpu.vector_load %arg9[%get3A_3231, %get3A_3232] {strides = array<i32>} : memref<2x640xf32, #tpu.memory_space<vmem>>, vector<16xf32>,
        %sub3A_3234 = arith.subf %get3A_3225, %get3A_17 : vector<16xf32>
        %mul3A_3235 = arith.mulf %broadcast_in_dim3A_29, %sub3A_3234 : vector<16xf32>
        %div3A_3236 = arith.divf %mul3A_3235, %get3A_19 : vector<16xf32>
        %sub3A_3237 = arith.subf %get3A_3229, %get3A_21 : vector<16xf32>
        %mul3A_3238 = arith.mulf %broadcast_in_dim3A_31, %sub3A_3237 : vector<16xf32>
        %div3A_3239 = arith.divf %mul3A_3238, %get3A_23 : vector<16xf32>
        %sub3A_3240 = arith.subf %get3A_3233, %get3A_25 : vector<16xf32>
        %mul3A_3241 = arith.mulf %broadcast_in_dim3A_33, %sub3A_3240 : vector<16xf32>
        %div3A_3242 = arith.divf %mul3A_3241, %get3A_27 : vector<16xf32>
        %convert_element_type3A_3243 = arith.fptosi %div3A_3236 : vector<16xf32> to vector<16xi32>
        %min3A_3244 = arith.minsi %convert_element_type3A_3243, %broadcast_in_dim3A_35 : vector<16xi32>
        %convert_element_type3A_3245 = arith.fptosi %div3A_3239 : vector<16xf32> to vector<16xi32>
        %min3A_3246 = arith.minsi %convert_element_type3A_3245, %broadcast_in_dim3A_35 : vector<16xi32>
        %sub3A_3247 = arith.subi %broadcast_in_dim3A_35, %min3A_3246 : vector<16xi32>
        %mul3A_3248 = arith.constant 512 : i32
        %mul3A_3249 = vector.broadcast %mul3A_3248 : i32 to vector<16xi32>
        %mul3A_3250 = arith.muli %sub3A_3247, %mul3A_3249 : vector<16xi32>
        %add3A_3251 = arith.addi %mul3A_3250, %min3A_3244 : vector<16xi32>
        %swap3A_3252 = arith.constant 9 : i32
        %swap3A_3253 = arith.index_cast %swap3A_3252 : i32 to index
        %swap3A_3254 = arith.constant 48 : index
        %swap3A_3255 = tpu.vector_load %arg10[%swap3A_3253, %swap3A_3254] {strides = array<i32>} : memref<10x128xi32, #tpu.memory_space<vmem>>, vector<16xi32>,
        tpu.vector_store %arg10[%swap3A_3253, %swap3A_3254], %add3A_3251 {strides = array<i32>} : memref<10x128xi32, #tpu.memory_space<vmem>>, vector<16xi32>,
        %swap3A_3256 = arith.constant 9 : i32
        %swap3A_3257 = arith.index_cast %swap3A_3256 : i32 to index
        %swap3A_3258 = arith.constant 48 : index
        %swap3A_3259 = tpu.vector_load %arg11[%swap3A_3257, %swap3A_3258] {strides = array<i32>} : memref<10x128xf32, #tpu.memory_space<vmem>>, vector<16xf32>,
        tpu.vector_store %arg11[%swap3A_3257, %swap3A_3258], %div3A_3242 {strides = array<i32>} : memref<10x128xf32, #tpu.memory_space<vmem>>, vector<16xf32>,
        %get3A_3260 = arith.constant 1 : i32
        %get3A_3261 = arith.index_cast %get3A_3260 : i32 to index
        %get3A_3262 = arith.constant 576 : index
        %get3A_3263 = tpu.vector_load %arg7[%get3A_3261, %get3A_3262] {strides = array<i32>} : memref<2x640xf32, #tpu.memory_space<vmem>>, vector<16xf32>,
        %get3A_3264 = arith.constant 1 : i32
        %get3A_3265 = arith.index_cast %get3A_3264 : i32 to index
        %get3A_3266 = arith.constant 576 : index
        %get3A_3267 = tpu.vector_load %arg8[%get3A_3265, %get3A_3266] {strides = array<i32>} : memref<2x640xf32, #tpu.memory_space<vmem>>, vector<16xf32>,
        %get3A_3268 = arith.constant 1 : i32
        %get3A_3269 = arith.index_cast %get3A_3268 : i32 to index
        %get3A_3270 = arith.constant 576 : index
        %get3A_3271 = tpu.vector_load %arg9[%get3A_3269, %get3A_3270] {strides = array<i32>} : memref<2x640xf32, #tpu.memory_space<vmem>>, vector<16xf32>,
        %sub3A_3272 = arith.subf %get3A_3263, %get3A_17 : vector<16xf32>
        %mul3A_3273 = arith.mulf %broadcast_in_dim3A_29, %sub3A_3272 : vector<16xf32>
        %div3A_3274 = arith.divf %mul3A_3273, %get3A_19 : vector<16xf32>
        %sub3A_3275 = arith.subf %get3A_3267, %get3A_21 : vector<16xf32>
        %mul3A_3276 = arith.mulf %broadcast_in_dim3A_31, %sub3A_3275 : vector<16xf32>
        %div3A_3277 = arith.divf %mul3A_3276, %get3A_23 : vector<16xf32>
        %sub3A_3278 = arith.subf %get3A_3271, %get3A_25 : vector<16xf32>
        %mul3A_3279 = arith.mulf %broadcast_in_dim3A_33, %sub3A_3278 : vector<16xf32>
        %div3A_3280 = arith.divf %mul3A_3279, %get3A_27 : vector<16xf32>
        %convert_element_type3A_3281 = arith.fptosi %div3A_3274 : vector<16xf32> to vector<16xi32>
        %min3A_3282 = arith.minsi %convert_element_type3A_3281, %broadcast_in_dim3A_35 : vector<16xi32>
        %convert_element_type3A_3283 = arith.fptosi %div3A_3277 : vector<16xf32> to vector<16xi32>
        %min3A_3284 = arith.minsi %convert_element_type3A_3283, %broadcast_in_dim3A_35 : vector<16xi32>
        %sub3A_3285 = arith.subi %broadcast_in_dim3A_35, %min3A_3284 : vector<16xi32>
        %mul3A_3286 = arith.constant 512 : i32
        %mul3A_3287 = vector.broadcast %mul3A_3286 : i32 to vector<16xi32>
        %mul3A_3288 = arith.muli %sub3A_3285, %mul3A_3287 : vector<16xi32>
        %add3A_3289 = arith.addi %mul3A_3288, %min3A_3282 : vector<16xi32>
        %swap3A_3290 = arith.constant 9 : i32
        %swap3A_3291 = arith.index_cast %swap3A_3290 : i32 to index
        %swap3A_3292 = arith.constant 64 : index
        %swap3A_3293 = tpu.vector_load %arg10[%swap3A_3291, %swap3A_3292] {strides = array<i32>} : memref<10x128xi32, #tpu.memory_space<vmem>>, vector<16xi32>,
        tpu.vector_store %arg10[%swap3A_3291, %swap3A_3292], %add3A_3289 {strides = array<i32>} : memref<10x128xi32, #tpu.memory_space<vmem>>, vector<16xi32>,
        %swap3A_3294 = arith.constant 9 : i32
        %swap3A_3295 = arith.index_cast %swap3A_3294 : i32 to index
        %swap3A_3296 = arith.constant 64 : index
        %swap3A_3297 = tpu.vector_load %arg11[%swap3A_3295, %swap3A_3296] {strides = array<i32>} : memref<10x128xf32, #tpu.memory_space<vmem>>, vector<16xf32>,
        tpu.vector_store %arg11[%swap3A_3295, %swap3A_3296], %div3A_3280 {strides = array<i32>} : memref<10x128xf32, #tpu.memory_space<vmem>>, vector<16xf32>,
        %get3A_3298 = arith.constant 1 : i32
        %get3A_3299 = arith.index_cast %get3A_3298 : i32 to index
        %get3A_3300 = arith.constant 592 : index
        %get3A_3301 = tpu.vector_load %arg7[%get3A_3299, %get3A_3300] {strides = array<i32>} : memref<2x640xf32, #tpu.memory_space<vmem>>, vector<16xf32>,
        %get3A_3302 = arith.constant 1 : i32
        %get3A_3303 = arith.index_cast %get3A_3302 : i32 to index
        %get3A_3304 = arith.constant 592 : index
        %get3A_3305 = tpu.vector_load %arg8[%get3A_3303, %get3A_3304] {strides = array<i32>} : memref<2x640xf32, #tpu.memory_space<vmem>>, vector<16xf32>,
        %get3A_3306 = arith.constant 1 : i32
        %get3A_3307 = arith.index_cast %get3A_3306 : i32 to index
        %get3A_3308 = arith.constant 592 : index
        %get3A_3309 = tpu.vector_load %arg9[%get3A_3307, %get3A_3308] {strides = array<i32>} : memref<2x640xf32, #tpu.memory_space<vmem>>, vector<16xf32>,
        %sub3A_3310 = arith.subf %get3A_3301, %get3A_17 : vector<16xf32>
        %mul3A_3311 = arith.mulf %broadcast_in_dim3A_29, %sub3A_3310 : vector<16xf32>
        %div3A_3312 = arith.divf %mul3A_3311, %get3A_19 : vector<16xf32>
        %sub3A_3313 = arith.subf %get3A_3305, %get3A_21 : vector<16xf32>
        %mul3A_3314 = arith.mulf %broadcast_in_dim3A_31, %sub3A_3313 : vector<16xf32>
        %div3A_3315 = arith.divf %mul3A_3314, %get3A_23 : vector<16xf32>
        %sub3A_3316 = arith.subf %get3A_3309, %get3A_25 : vector<16xf32>
        %mul3A_3317 = arith.mulf %broadcast_in_dim3A_33, %sub3A_3316 : vector<16xf32>
        %div3A_3318 = arith.divf %mul3A_3317, %get3A_27 : vector<16xf32>
        %convert_element_type3A_3319 = arith.fptosi %div3A_3312 : vector<16xf32> to vector<16xi32>
        %min3A_3320 = arith.minsi %convert_element_type3A_3319, %broadcast_in_dim3A_35 : vector<16xi32>
        %convert_element_type3A_3321 = arith.fptosi %div3A_3315 : vector<16xf32> to vector<16xi32>
        %min3A_3322 = arith.minsi %convert_element_type3A_3321, %broadcast_in_dim3A_35 : vector<16xi32>
        %sub3A_3323 = arith.subi %broadcast_in_dim3A_35, %min3A_3322 : vector<16xi32>
        %mul3A_3324 = arith.constant 512 : i32
        %mul3A_3325 = vector.broadcast %mul3A_3324 : i32 to vector<16xi32>
        %mul3A_3326 = arith.muli %sub3A_3323, %mul3A_3325 : vector<16xi32>
        %add3A_3327 = arith.addi %mul3A_3326, %min3A_3320 : vector<16xi32>
        %swap3A_3328 = arith.constant 9 : i32
        %swap3A_3329 = arith.index_cast %swap3A_3328 : i32 to index
        %swap3A_3330 = arith.constant 80 : index
        %swap3A_3331 = tpu.vector_load %arg10[%swap3A_3329, %swap3A_3330] {strides = array<i32>} : memref<10x128xi32, #tpu.memory_space<vmem>>, vector<16xi32>,
        tpu.vector_store %arg10[%swap3A_3329, %swap3A_3330], %add3A_3327 {strides = array<i32>} : memref<10x128xi32, #tpu.memory_space<vmem>>, vector<16xi32>,
        %swap3A_3332 = arith.constant 9 : i32
        %swap3A_3333 = arith.index_cast %swap3A_3332 : i32 to index
        %swap3A_3334 = arith.constant 80 : index
        %swap3A_3335 = tpu.vector_load %arg11[%swap3A_3333, %swap3A_3334] {strides = array<i32>} : memref<10x128xf32, #tpu.memory_space<vmem>>, vector<16xf32>,
        tpu.vector_store %arg11[%swap3A_3333, %swap3A_3334], %div3A_3318 {strides = array<i32>} : memref<10x128xf32, #tpu.memory_space<vmem>>, vector<16xf32>,
        %get3A_3336 = arith.constant 1 : i32
        %get3A_3337 = arith.index_cast %get3A_3336 : i32 to index
        %get3A_3338 = arith.constant 608 : index
        %get3A_3339 = tpu.vector_load %arg7[%get3A_3337, %get3A_3338] {strides = array<i32>} : memref<2x640xf32, #tpu.memory_space<vmem>>, vector<16xf32>,
        %get3A_3340 = arith.constant 1 : i32
        %get3A_3341 = arith.index_cast %get3A_3340 : i32 to index
        %get3A_3342 = arith.constant 608 : index
        %get3A_3343 = tpu.vector_load %arg8[%get3A_3341, %get3A_3342] {strides = array<i32>} : memref<2x640xf32, #tpu.memory_space<vmem>>, vector<16xf32>,
        %get3A_3344 = arith.constant 1 : i32
        %get3A_3345 = arith.index_cast %get3A_3344 : i32 to index
        %get3A_3346 = arith.constant 608 : index
        %get3A_3347 = tpu.vector_load %arg9[%get3A_3345, %get3A_3346] {strides = array<i32>} : memref<2x640xf32, #tpu.memory_space<vmem>>, vector<16xf32>,
        %sub3A_3348 = arith.subf %get3A_3339, %get3A_17 : vector<16xf32>
        %mul3A_3349 = arith.mulf %broadcast_in_dim3A_29, %sub3A_3348 : vector<16xf32>
        %div3A_3350 = arith.divf %mul3A_3349, %get3A_19 : vector<16xf32>
        %sub3A_3351 = arith.subf %get3A_3343, %get3A_21 : vector<16xf32>
        %mul3A_3352 = arith.mulf %broadcast_in_dim3A_31, %sub3A_3351 : vector<16xf32>
        %div3A_3353 = arith.divf %mul3A_3352, %get3A_23 : vector<16xf32>
        %sub3A_3354 = arith.subf %get3A_3347, %get3A_25 : vector<16xf32>
        %mul3A_3355 = arith.mulf %broadcast_in_dim3A_33, %sub3A_3354 : vector<16xf32>
        %div3A_3356 = arith.divf %mul3A_3355, %get3A_27 : vector<16xf32>
        %convert_element_type3A_3357 = arith.fptosi %div3A_3350 : vector<16xf32> to vector<16xi32>
        %min3A_3358 = arith.minsi %convert_element_type3A_3357, %broadcast_in_dim3A_35 : vector<16xi32>
        %convert_element_type3A_3359 = arith.fptosi %div3A_3353 : vector<16xf32> to vector<16xi32>
        %min3A_3360 = arith.minsi %convert_element_type3A_3359, %broadcast_in_dim3A_35 : vector<16xi32>
        %sub3A_3361 = arith.subi %broadcast_in_dim3A_35, %min3A_3360 : vector<16xi32>
        %mul3A_3362 = arith.constant 512 : i32
        %mul3A_3363 = vector.broadcast %mul3A_3362 : i32 to vector<16xi32>
        %mul3A_3364 = arith.muli %sub3A_3361, %mul3A_3363 : vector<16xi32>
        %add3A_3365 = arith.addi %mul3A_3364, %min3A_3358 : vector<16xi32>
        %swap3A_3366 = arith.constant 9 : i32
        %swap3A_3367 = arith.index_cast %swap3A_3366 : i32 to index
        %swap3A_3368 = arith.constant 96 : index
        %swap3A_3369 = tpu.vector_load %arg10[%swap3A_3367, %swap3A_3368] {strides = array<i32>} : memref<10x128xi32, #tpu.memory_space<vmem>>, vector<16xi32>,
        tpu.vector_store %arg10[%swap3A_3367, %swap3A_3368], %add3A_3365 {strides = array<i32>} : memref<10x128xi32, #tpu.memory_space<vmem>>, vector<16xi32>,
        %swap3A_3370 = arith.constant 9 : i32
        %swap3A_3371 = arith.index_cast %swap3A_3370 : i32 to index
        %swap3A_3372 = arith.constant 96 : index
        %swap3A_3373 = tpu.vector_load %arg11[%swap3A_3371, %swap3A_3372] {strides = array<i32>} : memref<10x128xf32, #tpu.memory_space<vmem>>, vector<16xf32>,
        tpu.vector_store %arg11[%swap3A_3371, %swap3A_3372], %div3A_3356 {strides = array<i32>} : memref<10x128xf32, #tpu.memory_space<vmem>>, vector<16xf32>,
        %get3A_3374 = arith.constant 1 : i32
        %get3A_3375 = arith.index_cast %get3A_3374 : i32 to index
        %get3A_3376 = arith.constant 624 : index
        %get3A_3377 = tpu.vector_load %arg7[%get3A_3375, %get3A_3376] {strides = array<i32>} : memref<2x640xf32, #tpu.memory_space<vmem>>, vector<16xf32>,
        %get3A_3378 = arith.constant 1 : i32
        %get3A_3379 = arith.index_cast %get3A_3378 : i32 to index
        %get3A_3380 = arith.constant 624 : index
        %get3A_3381 = tpu.vector_load %arg8[%get3A_3379, %get3A_3380] {strides = array<i32>} : memref<2x640xf32, #tpu.memory_space<vmem>>, vector<16xf32>,
        %get3A_3382 = arith.constant 1 : i32
        %get3A_3383 = arith.index_cast %get3A_3382 : i32 to index
        %get3A_3384 = arith.constant 624 : index
        %get3A_3385 = tpu.vector_load %arg9[%get3A_3383, %get3A_3384] {strides = array<i32>} : memref<2x640xf32, #tpu.memory_space<vmem>>, vector<16xf32>,
        %sub3A_3386 = arith.subf %get3A_3377, %get3A_17 : vector<16xf32>
        %mul3A_3387 = arith.mulf %broadcast_in_dim3A_29, %sub3A_3386 : vector<16xf32>
        %div3A_3388 = arith.divf %mul3A_3387, %get3A_19 : vector<16xf32>
        %sub3A_3389 = arith.subf %get3A_3381, %get3A_21 : vector<16xf32>
        %mul3A_3390 = arith.mulf %broadcast_in_dim3A_31, %sub3A_3389 : vector<16xf32>
        %div3A_3391 = arith.divf %mul3A_3390, %get3A_23 : vector<16xf32>
        %sub3A_3392 = arith.subf %get3A_3385, %get3A_25 : vector<16xf32>
        %mul3A_3393 = arith.mulf %broadcast_in_dim3A_33, %sub3A_3392 : vector<16xf32>
        %div3A_3394 = arith.divf %mul3A_3393, %get3A_27 : vector<16xf32>
        %convert_element_type3A_3395 = arith.fptosi %div3A_3388 : vector<16xf32> to vector<16xi32>
        %min3A_3396 = arith.minsi %convert_element_type3A_3395, %broadcast_in_dim3A_35 : vector<16xi32>
        %convert_element_type3A_3397 = arith.fptosi %div3A_3391 : vector<16xf32> to vector<16xi32>
        %min3A_3398 = arith.minsi %convert_element_type3A_3397, %broadcast_in_dim3A_35 : vector<16xi32>
        %sub3A_3399 = arith.subi %broadcast_in_dim3A_35, %min3A_3398 : vector<16xi32>
        %mul3A_3400 = arith.constant 512 : i32
        %mul3A_3401 = vector.broadcast %mul3A_3400 : i32 to vector<16xi32>
        %mul3A_3402 = arith.muli %sub3A_3399, %mul3A_3401 : vector<16xi32>
        %add3A_3403 = arith.addi %mul3A_3402, %min3A_3396 : vector<16xi32>
        %swap3A_3404 = arith.constant 9 : i32
        %swap3A_3405 = arith.index_cast %swap3A_3404 : i32 to index
        %swap3A_3406 = arith.constant 112 : index
        %swap3A_3407 = tpu.vector_load %arg10[%swap3A_3405, %swap3A_3406] {strides = array<i32>} : memref<10x128xi32, #tpu.memory_space<vmem>>, vector<16xi32>,
        tpu.vector_store %arg10[%swap3A_3405, %swap3A_3406], %add3A_3403 {strides = array<i32>} : memref<10x128xi32, #tpu.memory_space<vmem>>, vector<16xi32>,
        %swap3A_3408 = arith.constant 9 : i32
        %swap3A_3409 = arith.index_cast %swap3A_3408 : i32 to index
        %swap3A_3410 = arith.constant 112 : index
        %swap3A_3411 = tpu.vector_load %arg11[%swap3A_3409, %swap3A_3410] {strides = array<i32>} : memref<10x128xf32, #tpu.memory_space<vmem>>, vector<16xf32>,
        tpu.vector_store %arg11[%swap3A_3409, %swap3A_3410], %div3A_3394 {strides = array<i32>} : memref<10x128xf32, #tpu.memory_space<vmem>>, vector<16xf32>,
        %dma_start3A_3412 = arith.constant 9 : i32
        %dma_start3A_3413 = arith.constant 9 : i32
        %dma_start3A_3414 = arith.constant 0 : i32
        %dma_start3A_3415 = tpu.memref_slice %arg11[%dma_start3A_3412, %dma_start3A_3414] : memref<10x128xf32, #tpu.memory_space<vmem>> -> memref<1x128xf32, #tpu.memory_space<vmem>>
        %dma_start3A_3416 = tpu.memref_squeeze %dma_start3A_3415 : memref<1x128xf32, #tpu.memory_space<vmem>> -> memref<128xf32, #tpu.memory_space<vmem>>
        %dma_start3A_3417 = arith.constant 0 : i32
        %dma_start3A_3418 = tpu.memref_slice %arg10[%dma_start3A_3413, %dma_start3A_3417] : memref<10x128xi32, #tpu.memory_space<vmem>> -> memref<1x128xi32, #tpu.memory_space<vmem>>
        %dma_start3A_3419 = tpu.memref_squeeze %dma_start3A_3418 : memref<1x128xi32, #tpu.memory_space<vmem>> -> memref<128xi32, #tpu.memory_space<vmem>>
        %dma_start3A_3420 = arith.constant 0 : i32
        %dma_start3A_3421 = tpu.memref_slice %arg15[%dma_start3A_3420] : memref<262144xf32, #tpu.memory_space<vmem_shared>> -> memref<262144xf32, #tpu.memory_space<vmem_shared>>
        tpu.enqueue_indirect_dma source(%dma_start3A_3416 : memref<128xf32, #tpu.memory_space<vmem>>) target(%dma_start3A_3421 : memref<262144xf32, #tpu.memory_space<vmem_shared>>) offsets(%dma_start3A_3419 : memref<128xi32, #tpu.memory_space<vmem>>) semaphore(%arg19 : memref<!tpu.dma_semaphore, #tpu.memory_space<semaphore_mem>>) {add = true}
        %dma_start3A_3422 = arith.constant 9 : i32
        %dma_start3A_3423 = arith.constant 0 : i32
        %dma_start3A_3424 = tpu.memref_slice %arg10[%dma_start3A_3422, %dma_start3A_3423] : memref<10x128xi32, #tpu.memory_space<vmem>> -> memref<1x128xi32, #tpu.memory_space<vmem>>
        %dma_start3A_3425 = tpu.memref_squeeze %dma_start3A_3424 : memref<1x128xi32, #tpu.memory_space<vmem>> -> memref<128xi32, #tpu.memory_space<vmem>>
        %dma_start3A_3426 = arith.constant 0 : i32
        %dma_start3A_3427 = tpu.memref_slice %arg16[%dma_start3A_3426] : memref<262144xf32, #tpu.memory_space<vmem_shared>> -> memref<262144xf32, #tpu.memory_space<vmem_shared>>
        tpu.enqueue_indirect_dma source(%arg12 : memref<128xf32, #tpu.memory_space<vmem>>) target(%dma_start3A_3427 : memref<262144xf32, #tpu.memory_space<vmem_shared>>) offsets(%dma_start3A_3425 : memref<128xi32, #tpu.memory_space<vmem>>) semaphore(%arg19 : memref<!tpu.dma_semaphore, #tpu.memory_space<semaphore_mem>>) {add = true}
        %dma_wait3A_3428 = arith.constant 5 : i32
        %dma_wait3A_3429 = arith.constant 5 : i32
        %dma_wait3A_3430 = arith.constant 0 : i32
        %dma_wait3A_3431 = tpu.memref_slice %arg11[%dma_wait3A_3428, %dma_wait3A_3430] : memref<10x128xf32, #tpu.memory_space<vmem>> -> memref<1x128xf32, #tpu.memory_space<vmem>>
        %dma_wait3A_3432 = tpu.memref_squeeze %dma_wait3A_3431 : memref<1x128xf32, #tpu.memory_space<vmem>> -> memref<128xf32, #tpu.memory_space<vmem>>
        %dma_wait3A_3433 = arith.constant 0 : i32
        %dma_wait3A_3434 = tpu.memref_slice %arg10[%dma_wait3A_3429, %dma_wait3A_3433] : memref<10x128xi32, #tpu.memory_space<vmem>> -> memref<1x128xi32, #tpu.memory_space<vmem>>
        %dma_wait3A_3435 = tpu.memref_squeeze %dma_wait3A_3434 : memref<1x128xi32, #tpu.memory_space<vmem>> -> memref<128xi32, #tpu.memory_space<vmem>>
        %dma_wait3A_3436 = arith.constant 0 : i32
        %dma_wait3A_3437 = tpu.memref_slice %arg15[%dma_wait3A_3436] : memref<262144xf32, #tpu.memory_space<vmem_shared>> -> memref<262144xf32, #tpu.memory_space<vmem_shared>>
        tpu.wait_indirect_dma semaphore(%arg19 : memref<!tpu.dma_semaphore, #tpu.memory_space<semaphore_mem>>) src(%dma_wait3A_3432 : memref<128xf32, #tpu.memory_space<vmem>>) dst(%dma_wait3A_3437 : memref<262144xf32, #tpu.memory_space<vmem_shared>>)
        %dma_wait3A_3438 = arith.constant 5 : i32
        %dma_wait3A_3439 = arith.constant 0 : i32
        %dma_wait3A_3440 = tpu.memref_slice %arg10[%dma_wait3A_3438, %dma_wait3A_3439] : memref<10x128xi32, #tpu.memory_space<vmem>> -> memref<1x128xi32, #tpu.memory_space<vmem>>
        %dma_wait3A_3441 = tpu.memref_squeeze %dma_wait3A_3440 : memref<1x128xi32, #tpu.memory_space<vmem>> -> memref<128xi32, #tpu.memory_space<vmem>>
        %dma_wait3A_3442 = arith.constant 0 : i32
        %dma_wait3A_3443 = tpu.memref_slice %arg16[%dma_wait3A_3442] : memref<262144xf32, #tpu.memory_space<vmem_shared>> -> memref<262144xf32, #tpu.memory_space<vmem_shared>>
        tpu.wait_indirect_dma semaphore(%arg19 : memref<!tpu.dma_semaphore, #tpu.memory_space<semaphore_mem>>) src(%arg12 : memref<128xf32, #tpu.memory_space<vmem>>) dst(%dma_wait3A_3443 : memref<262144xf32, #tpu.memory_space<vmem_shared>>)
        %dma_wait3A_3444 = arith.constant 6 : i32
        %dma_wait3A_3445 = arith.constant 6 : i32
        %dma_wait3A_3446 = arith.constant 0 : i32
        %dma_wait3A_3447 = tpu.memref_slice %arg11[%dma_wait3A_3444, %dma_wait3A_3446] : memref<10x128xf32, #tpu.memory_space<vmem>> -> memref<1x128xf32, #tpu.memory_space<vmem>>
        %dma_wait3A_3448 = tpu.memref_squeeze %dma_wait3A_3447 : memref<1x128xf32, #tpu.memory_space<vmem>> -> memref<128xf32, #tpu.memory_space<vmem>>
        %dma_wait3A_3449 = arith.constant 0 : i32
        %dma_wait3A_3450 = tpu.memref_slice %arg10[%dma_wait3A_3445, %dma_wait3A_3449] : memref<10x128xi32, #tpu.memory_space<vmem>> -> memref<1x128xi32, #tpu.memory_space<vmem>>
        %dma_wait3A_3451 = tpu.memref_squeeze %dma_wait3A_3450 : memref<1x128xi32, #tpu.memory_space<vmem>> -> memref<128xi32, #tpu.memory_space<vmem>>
        %dma_wait3A_3452 = arith.constant 0 : i32
        %dma_wait3A_3453 = tpu.memref_slice %arg15[%dma_wait3A_3452] : memref<262144xf32, #tpu.memory_space<vmem_shared>> -> memref<262144xf32, #tpu.memory_space<vmem_shared>>
        tpu.wait_indirect_dma semaphore(%arg19 : memref<!tpu.dma_semaphore, #tpu.memory_space<semaphore_mem>>) src(%dma_wait3A_3448 : memref<128xf32, #tpu.memory_space<vmem>>) dst(%dma_wait3A_3453 : memref<262144xf32, #tpu.memory_space<vmem_shared>>)
        %dma_wait3A_3454 = arith.constant 6 : i32
        %dma_wait3A_3455 = arith.constant 0 : i32
        %dma_wait3A_3456 = tpu.memref_slice %arg10[%dma_wait3A_3454, %dma_wait3A_3455] : memref<10x128xi32, #tpu.memory_space<vmem>> -> memref<1x128xi32, #tpu.memory_space<vmem>>
        %dma_wait3A_3457 = tpu.memref_squeeze %dma_wait3A_3456 : memref<1x128xi32, #tpu.memory_space<vmem>> -> memref<128xi32, #tpu.memory_space<vmem>>
        %dma_wait3A_3458 = arith.constant 0 : i32
        %dma_wait3A_3459 = tpu.memref_slice %arg16[%dma_wait3A_3458] : memref<262144xf32, #tpu.memory_space<vmem_shared>> -> memref<262144xf32, #tpu.memory_space<vmem_shared>>
        tpu.wait_indirect_dma semaphore(%arg19 : memref<!tpu.dma_semaphore, #tpu.memory_space<semaphore_mem>>) src(%arg12 : memref<128xf32, #tpu.memory_space<vmem>>) dst(%dma_wait3A_3459 : memref<262144xf32, #tpu.memory_space<vmem_shared>>)
        %dma_wait3A_3460 = arith.constant 7 : i32
        %dma_wait3A_3461 = arith.constant 7 : i32
        %dma_wait3A_3462 = arith.constant 0 : i32
        %dma_wait3A_3463 = tpu.memref_slice %arg11[%dma_wait3A_3460, %dma_wait3A_3462] : memref<10x128xf32, #tpu.memory_space<vmem>> -> memref<1x128xf32, #tpu.memory_space<vmem>>
        %dma_wait3A_3464 = tpu.memref_squeeze %dma_wait3A_3463 : memref<1x128xf32, #tpu.memory_space<vmem>> -> memref<128xf32, #tpu.memory_space<vmem>>
        %dma_wait3A_3465 = arith.constant 0 : i32
        %dma_wait3A_3466 = tpu.memref_slice %arg10[%dma_wait3A_3461, %dma_wait3A_3465] : memref<10x128xi32, #tpu.memory_space<vmem>> -> memref<1x128xi32, #tpu.memory_space<vmem>>
        %dma_wait3A_3467 = tpu.memref_squeeze %dma_wait3A_3466 : memref<1x128xi32, #tpu.memory_space<vmem>> -> memref<128xi32, #tpu.memory_space<vmem>>
        %dma_wait3A_3468 = arith.constant 0 : i32
        %dma_wait3A_3469 = tpu.memref_slice %arg15[%dma_wait3A_3468] : memref<262144xf32, #tpu.memory_space<vmem_shared>> -> memref<262144xf32, #tpu.memory_space<vmem_shared>>
        tpu.wait_indirect_dma semaphore(%arg19 : memref<!tpu.dma_semaphore, #tpu.memory_space<semaphore_mem>>) src(%dma_wait3A_3464 : memref<128xf32, #tpu.memory_space<vmem>>) dst(%dma_wait3A_3469 : memref<262144xf32, #tpu.memory_space<vmem_shared>>)
        %dma_wait3A_3470 = arith.constant 7 : i32
        %dma_wait3A_3471 = arith.constant 0 : i32
        %dma_wait3A_3472 = tpu.memref_slice %arg10[%dma_wait3A_3470, %dma_wait3A_3471] : memref<10x128xi32, #tpu.memory_space<vmem>> -> memref<1x128xi32, #tpu.memory_space<vmem>>
        %dma_wait3A_3473 = tpu.memref_squeeze %dma_wait3A_3472 : memref<1x128xi32, #tpu.memory_space<vmem>> -> memref<128xi32, #tpu.memory_space<vmem>>
        %dma_wait3A_3474 = arith.constant 0 : i32
        %dma_wait3A_3475 = tpu.memref_slice %arg16[%dma_wait3A_3474] : memref<262144xf32, #tpu.memory_space<vmem_shared>> -> memref<262144xf32, #tpu.memory_space<vmem_shared>>
        tpu.wait_indirect_dma semaphore(%arg19 : memref<!tpu.dma_semaphore, #tpu.memory_space<semaphore_mem>>) src(%arg12 : memref<128xf32, #tpu.memory_space<vmem>>) dst(%dma_wait3A_3475 : memref<262144xf32, #tpu.memory_space<vmem_shared>>)
        %dma_wait3A_3476 = arith.constant 8 : i32
        %dma_wait3A_3477 = arith.constant 8 : i32
        %dma_wait3A_3478 = arith.constant 0 : i32
        %dma_wait3A_3479 = tpu.memref_slice %arg11[%dma_wait3A_3476, %dma_wait3A_3478] : memref<10x128xf32, #tpu.memory_space<vmem>> -> memref<1x128xf32, #tpu.memory_space<vmem>>
        %dma_wait3A_3480 = tpu.memref_squeeze %dma_wait3A_3479 : memref<1x128xf32, #tpu.memory_space<vmem>> -> memref<128xf32, #tpu.memory_space<vmem>>
        %dma_wait3A_3481 = arith.constant 0 : i32
        %dma_wait3A_3482 = tpu.memref_slice %arg10[%dma_wait3A_3477, %dma_wait3A_3481] : memref<10x128xi32, #tpu.memory_space<vmem>> -> memref<1x128xi32, #tpu.memory_space<vmem>>
        %dma_wait3A_3483 = tpu.memref_squeeze %dma_wait3A_3482 : memref<1x128xi32, #tpu.memory_space<vmem>> -> memref<128xi32, #tpu.memory_space<vmem>>
        %dma_wait3A_3484 = arith.constant 0 : i32
        %dma_wait3A_3485 = tpu.memref_slice %arg15[%dma_wait3A_3484] : memref<262144xf32, #tpu.memory_space<vmem_shared>> -> memref<262144xf32, #tpu.memory_space<vmem_shared>>
        tpu.wait_indirect_dma semaphore(%arg19 : memref<!tpu.dma_semaphore, #tpu.memory_space<semaphore_mem>>) src(%dma_wait3A_3480 : memref<128xf32, #tpu.memory_space<vmem>>) dst(%dma_wait3A_3485 : memref<262144xf32, #tpu.memory_space<vmem_shared>>)
        %dma_wait3A_3486 = arith.constant 8 : i32
        %dma_wait3A_3487 = arith.constant 0 : i32
        %dma_wait3A_3488 = tpu.memref_slice %arg10[%dma_wait3A_3486, %dma_wait3A_3487] : memref<10x128xi32, #tpu.memory_space<vmem>> -> memref<1x128xi32, #tpu.memory_space<vmem>>
        %dma_wait3A_3489 = tpu.memref_squeeze %dma_wait3A_3488 : memref<1x128xi32, #tpu.memory_space<vmem>> -> memref<128xi32, #tpu.memory_space<vmem>>
        %dma_wait3A_3490 = arith.constant 0 : i32
        %dma_wait3A_3491 = tpu.memref_slice %arg16[%dma_wait3A_3490] : memref<262144xf32, #tpu.memory_space<vmem_shared>> -> memref<262144xf32, #tpu.memory_space<vmem_shared>>
        tpu.wait_indirect_dma semaphore(%arg19 : memref<!tpu.dma_semaphore, #tpu.memory_space<semaphore_mem>>) src(%arg12 : memref<128xf32, #tpu.memory_space<vmem>>) dst(%dma_wait3A_3491 : memref<262144xf32, #tpu.memory_space<vmem_shared>>)
        %dma_wait3A_3492 = arith.constant 9 : i32
        %dma_wait3A_3493 = arith.constant 9 : i32
        %dma_wait3A_3494 = arith.constant 0 : i32
        %dma_wait3A_3495 = tpu.memref_slice %arg11[%dma_wait3A_3492, %dma_wait3A_3494] : memref<10x128xf32, #tpu.memory_space<vmem>> -> memref<1x128xf32, #tpu.memory_space<vmem>>
        %dma_wait3A_3496 = tpu.memref_squeeze %dma_wait3A_3495 : memref<1x128xf32, #tpu.memory_space<vmem>> -> memref<128xf32, #tpu.memory_space<vmem>>
        %dma_wait3A_3497 = arith.constant 0 : i32
        %dma_wait3A_3498 = tpu.memref_slice %arg10[%dma_wait3A_3493, %dma_wait3A_3497] : memref<10x128xi32, #tpu.memory_space<vmem>> -> memref<1x128xi32, #tpu.memory_space<vmem>>
        %dma_wait3A_3499 = tpu.memref_squeeze %dma_wait3A_3498 : memref<1x128xi32, #tpu.memory_space<vmem>> -> memref<128xi32, #tpu.memory_space<vmem>>
        %dma_wait3A_3500 = arith.constant 0 : i32
        %dma_wait3A_3501 = tpu.memref_slice %arg15[%dma_wait3A_3500] : memref<262144xf32, #tpu.memory_space<vmem_shared>> -> memref<262144xf32, #tpu.memory_space<vmem_shared>>
        tpu.wait_indirect_dma semaphore(%arg19 : memref<!tpu.dma_semaphore, #tpu.memory_space<semaphore_mem>>) src(%dma_wait3A_3496 : memref<128xf32, #tpu.memory_space<vmem>>) dst(%dma_wait3A_3501 : memref<262144xf32, #tpu.memory_space<vmem_shared>>)
        %dma_wait3A_3502 = arith.constant 9 : i32
        %dma_wait3A_3503 = arith.constant 0 : i32
        %dma_wait3A_3504 = tpu.memref_slice %arg10[%dma_wait3A_3502, %dma_wait3A_3503] : memref<10x128xi32, #tpu.memory_space<vmem>> -> memref<1x128xi32, #tpu.memory_space<vmem>>
        %dma_wait3A_3505 = tpu.memref_squeeze %dma_wait3A_3504 : memref<1x128xi32, #tpu.memory_space<vmem>> -> memref<128xi32, #tpu.memory_space<vmem>>
        %dma_wait3A_3506 = arith.constant 0 : i32
        %dma_wait3A_3507 = tpu.memref_slice %arg16[%dma_wait3A_3506] : memref<262144xf32, #tpu.memory_space<vmem_shared>> -> memref<262144xf32, #tpu.memory_space<vmem_shared>>
        tpu.wait_indirect_dma semaphore(%arg19 : memref<!tpu.dma_semaphore, #tpu.memory_space<semaphore_mem>>) src(%arg12 : memref<128xf32, #tpu.memory_space<vmem>>) dst(%dma_wait3A_3507 : memref<262144xf32, #tpu.memory_space<vmem_shared>>)
      } else {
      }
      %dma_wait3A_1719 = arith.constant 0 : i32
      %dma_wait3A_1720 = arith.constant 0 : i32
      %dma_wait3A_1721 = arith.constant 0 : i32
      %dma_wait3A_1722 = tpu.memref_slice %arg11[%dma_wait3A_1719, %dma_wait3A_1721] : memref<10x128xf32, #tpu.memory_space<vmem>> -> memref<1x128xf32, #tpu.memory_space<vmem>>
      %dma_wait3A_1723 = tpu.memref_squeeze %dma_wait3A_1722 : memref<1x128xf32, #tpu.memory_space<vmem>> -> memref<128xf32, #tpu.memory_space<vmem>>
      %dma_wait3A_1724 = arith.constant 0 : i32
      %dma_wait3A_1725 = tpu.memref_slice %arg10[%dma_wait3A_1720, %dma_wait3A_1724] : memref<10x128xi32, #tpu.memory_space<vmem>> -> memref<1x128xi32, #tpu.memory_space<vmem>>
      %dma_wait3A_1726 = tpu.memref_squeeze %dma_wait3A_1725 : memref<1x128xi32, #tpu.memory_space<vmem>> -> memref<128xi32, #tpu.memory_space<vmem>>
      %dma_wait3A_1727 = arith.constant 0 : i32
      %dma_wait3A_1728 = tpu.memref_slice %arg15[%dma_wait3A_1727] : memref<262144xf32, #tpu.memory_space<vmem_shared>> -> memref<262144xf32, #tpu.memory_space<vmem_shared>>
      tpu.wait_indirect_dma semaphore(%arg19 : memref<!tpu.dma_semaphore, #tpu.memory_space<semaphore_mem>>) src(%dma_wait3A_1723 : memref<128xf32, #tpu.memory_space<vmem>>) dst(%dma_wait3A_1728 : memref<262144xf32, #tpu.memory_space<vmem_shared>>)
      %dma_wait3A_1729 = arith.constant 0 : i32
      %dma_wait3A_1730 = arith.constant 0 : i32
      %dma_wait3A_1731 = tpu.memref_slice %arg10[%dma_wait3A_1729, %dma_wait3A_1730] : memref<10x128xi32, #tpu.memory_space<vmem>> -> memref<1x128xi32, #tpu.memory_space<vmem>>
      %dma_wait3A_1732 = tpu.memref_squeeze %dma_wait3A_1731 : memref<1x128xi32, #tpu.memory_space<vmem>> -> memref<128xi32, #tpu.memory_space<vmem>>
      %dma_wait3A_1733 = arith.constant 0 : i32
      %dma_wait3A_1734 = tpu.memref_slice %arg16[%dma_wait3A_1733] : memref<262144xf32, #tpu.memory_space<vmem_shared>> -> memref<262144xf32, #tpu.memory_space<vmem_shared>>
      tpu.wait_indirect_dma semaphore(%arg19 : memref<!tpu.dma_semaphore, #tpu.memory_space<semaphore_mem>>) src(%arg12 : memref<128xf32, #tpu.memory_space<vmem>>) dst(%dma_wait3A_1734 : memref<262144xf32, #tpu.memory_space<vmem_shared>>)
      %dma_wait3A_1735 = arith.constant 1 : i32
      %dma_wait3A_1736 = arith.constant 1 : i32
      %dma_wait3A_1737 = arith.constant 0 : i32
      %dma_wait3A_1738 = tpu.memref_slice %arg11[%dma_wait3A_1735, %dma_wait3A_1737] : memref<10x128xf32, #tpu.memory_space<vmem>> -> memref<1x128xf32, #tpu.memory_space<vmem>>
      %dma_wait3A_1739 = tpu.memref_squeeze %dma_wait3A_1738 : memref<1x128xf32, #tpu.memory_space<vmem>> -> memref<128xf32, #tpu.memory_space<vmem>>
      %dma_wait3A_1740 = arith.constant 0 : i32
      %dma_wait3A_1741 = tpu.memref_slice %arg10[%dma_wait3A_1736, %dma_wait3A_1740] : memref<10x128xi32, #tpu.memory_space<vmem>> -> memref<1x128xi32, #tpu.memory_space<vmem>>
      %dma_wait3A_1742 = tpu.memref_squeeze %dma_wait3A_1741 : memref<1x128xi32, #tpu.memory_space<vmem>> -> memref<128xi32, #tpu.memory_space<vmem>>
      %dma_wait3A_1743 = arith.constant 0 : i32
      %dma_wait3A_1744 = tpu.memref_slice %arg15[%dma_wait3A_1743] : memref<262144xf32, #tpu.memory_space<vmem_shared>> -> memref<262144xf32, #tpu.memory_space<vmem_shared>>
      tpu.wait_indirect_dma semaphore(%arg19 : memref<!tpu.dma_semaphore, #tpu.memory_space<semaphore_mem>>) src(%dma_wait3A_1739 : memref<128xf32, #tpu.memory_space<vmem>>) dst(%dma_wait3A_1744 : memref<262144xf32, #tpu.memory_space<vmem_shared>>)
      %dma_wait3A_1745 = arith.constant 1 : i32
      %dma_wait3A_1746 = arith.constant 0 : i32
      %dma_wait3A_1747 = tpu.memref_slice %arg10[%dma_wait3A_1745, %dma_wait3A_1746] : memref<10x128xi32, #tpu.memory_space<vmem>> -> memref<1x128xi32, #tpu.memory_space<vmem>>
      %dma_wait3A_1748 = tpu.memref_squeeze %dma_wait3A_1747 : memref<1x128xi32, #tpu.memory_space<vmem>> -> memref<128xi32, #tpu.memory_space<vmem>>
      %dma_wait3A_1749 = arith.constant 0 : i32
      %dma_wait3A_1750 = tpu.memref_slice %arg16[%dma_wait3A_1749] : memref<262144xf32, #tpu.memory_space<vmem_shared>> -> memref<262144xf32, #tpu.memory_space<vmem_shared>>
      tpu.wait_indirect_dma semaphore(%arg19 : memref<!tpu.dma_semaphore, #tpu.memory_space<semaphore_mem>>) src(%arg12 : memref<128xf32, #tpu.memory_space<vmem>>) dst(%dma_wait3A_1750 : memref<262144xf32, #tpu.memory_space<vmem_shared>>)
      %dma_wait3A_1751 = arith.constant 2 : i32
      %dma_wait3A_1752 = arith.constant 2 : i32
      %dma_wait3A_1753 = arith.constant 0 : i32
      %dma_wait3A_1754 = tpu.memref_slice %arg11[%dma_wait3A_1751, %dma_wait3A_1753] : memref<10x128xf32, #tpu.memory_space<vmem>> -> memref<1x128xf32, #tpu.memory_space<vmem>>
      %dma_wait3A_1755 = tpu.memref_squeeze %dma_wait3A_1754 : memref<1x128xf32, #tpu.memory_space<vmem>> -> memref<128xf32, #tpu.memory_space<vmem>>
      %dma_wait3A_1756 = arith.constant 0 : i32
      %dma_wait3A_1757 = tpu.memref_slice %arg10[%dma_wait3A_1752, %dma_wait3A_1756] : memref<10x128xi32, #tpu.memory_space<vmem>> -> memref<1x128xi32, #tpu.memory_space<vmem>>
      %dma_wait3A_1758 = tpu.memref_squeeze %dma_wait3A_1757 : memref<1x128xi32, #tpu.memory_space<vmem>> -> memref<128xi32, #tpu.memory_space<vmem>>
      %dma_wait3A_1759 = arith.constant 0 : i32
      %dma_wait3A_1760 = tpu.memref_slice %arg15[%dma_wait3A_1759] : memref<262144xf32, #tpu.memory_space<vmem_shared>> -> memref<262144xf32, #tpu.memory_space<vmem_shared>>
      tpu.wait_indirect_dma semaphore(%arg19 : memref<!tpu.dma_semaphore, #tpu.memory_space<semaphore_mem>>) src(%dma_wait3A_1755 : memref<128xf32, #tpu.memory_space<vmem>>) dst(%dma_wait3A_1760 : memref<262144xf32, #tpu.memory_space<vmem_shared>>)
      %dma_wait3A_1761 = arith.constant 2 : i32
      %dma_wait3A_1762 = arith.constant 0 : i32
      %dma_wait3A_1763 = tpu.memref_slice %arg10[%dma_wait3A_1761, %dma_wait3A_1762] : memref<10x128xi32, #tpu.memory_space<vmem>> -> memref<1x128xi32, #tpu.memory_space<vmem>>
      %dma_wait3A_1764 = tpu.memref_squeeze %dma_wait3A_1763 : memref<1x128xi32, #tpu.memory_space<vmem>> -> memref<128xi32, #tpu.memory_space<vmem>>
      %dma_wait3A_1765 = arith.constant 0 : i32
      %dma_wait3A_1766 = tpu.memref_slice %arg16[%dma_wait3A_1765] : memref<262144xf32, #tpu.memory_space<vmem_shared>> -> memref<262144xf32, #tpu.memory_space<vmem_shared>>
      tpu.wait_indirect_dma semaphore(%arg19 : memref<!tpu.dma_semaphore, #tpu.memory_space<semaphore_mem>>) src(%arg12 : memref<128xf32, #tpu.memory_space<vmem>>) dst(%dma_wait3A_1766 : memref<262144xf32, #tpu.memory_space<vmem_shared>>)
      %dma_wait3A_1767 = arith.constant 3 : i32
      %dma_wait3A_1768 = arith.constant 3 : i32
      %dma_wait3A_1769 = arith.constant 0 : i32
      %dma_wait3A_1770 = tpu.memref_slice %arg11[%dma_wait3A_1767, %dma_wait3A_1769] : memref<10x128xf32, #tpu.memory_space<vmem>> -> memref<1x128xf32, #tpu.memory_space<vmem>>
      %dma_wait3A_1771 = tpu.memref_squeeze %dma_wait3A_1770 : memref<1x128xf32, #tpu.memory_space<vmem>> -> memref<128xf32, #tpu.memory_space<vmem>>
      %dma_wait3A_1772 = arith.constant 0 : i32
      %dma_wait3A_1773 = tpu.memref_slice %arg10[%dma_wait3A_1768, %dma_wait3A_1772] : memref<10x128xi32, #tpu.memory_space<vmem>> -> memref<1x128xi32, #tpu.memory_space<vmem>>
      %dma_wait3A_1774 = tpu.memref_squeeze %dma_wait3A_1773 : memref<1x128xi32, #tpu.memory_space<vmem>> -> memref<128xi32, #tpu.memory_space<vmem>>
      %dma_wait3A_1775 = arith.constant 0 : i32
      %dma_wait3A_1776 = tpu.memref_slice %arg15[%dma_wait3A_1775] : memref<262144xf32, #tpu.memory_space<vmem_shared>> -> memref<262144xf32, #tpu.memory_space<vmem_shared>>
      tpu.wait_indirect_dma semaphore(%arg19 : memref<!tpu.dma_semaphore, #tpu.memory_space<semaphore_mem>>) src(%dma_wait3A_1771 : memref<128xf32, #tpu.memory_space<vmem>>) dst(%dma_wait3A_1776 : memref<262144xf32, #tpu.memory_space<vmem_shared>>)
      %dma_wait3A_1777 = arith.constant 3 : i32
      %dma_wait3A_1778 = arith.constant 0 : i32
      %dma_wait3A_1779 = tpu.memref_slice %arg10[%dma_wait3A_1777, %dma_wait3A_1778] : memref<10x128xi32, #tpu.memory_space<vmem>> -> memref<1x128xi32, #tpu.memory_space<vmem>>
      %dma_wait3A_1780 = tpu.memref_squeeze %dma_wait3A_1779 : memref<1x128xi32, #tpu.memory_space<vmem>> -> memref<128xi32, #tpu.memory_space<vmem>>
      %dma_wait3A_1781 = arith.constant 0 : i32
      %dma_wait3A_1782 = tpu.memref_slice %arg16[%dma_wait3A_1781] : memref<262144xf32, #tpu.memory_space<vmem_shared>> -> memref<262144xf32, #tpu.memory_space<vmem_shared>>
      tpu.wait_indirect_dma semaphore(%arg19 : memref<!tpu.dma_semaphore, #tpu.memory_space<semaphore_mem>>) src(%arg12 : memref<128xf32, #tpu.memory_space<vmem>>) dst(%dma_wait3A_1782 : memref<262144xf32, #tpu.memory_space<vmem_shared>>)
      %dma_wait3A_1783 = arith.constant 4 : i32
      %dma_wait3A_1784 = arith.constant 4 : i32
      %dma_wait3A_1785 = arith.constant 0 : i32
      %dma_wait3A_1786 = tpu.memref_slice %arg11[%dma_wait3A_1783, %dma_wait3A_1785] : memref<10x128xf32, #tpu.memory_space<vmem>> -> memref<1x128xf32, #tpu.memory_space<vmem>>
      %dma_wait3A_1787 = tpu.memref_squeeze %dma_wait3A_1786 : memref<1x128xf32, #tpu.memory_space<vmem>> -> memref<128xf32, #tpu.memory_space<vmem>>
      %dma_wait3A_1788 = arith.constant 0 : i32
      %dma_wait3A_1789 = tpu.memref_slice %arg10[%dma_wait3A_1784, %dma_wait3A_1788] : memref<10x128xi32, #tpu.memory_space<vmem>> -> memref<1x128xi32, #tpu.memory_space<vmem>>
      %dma_wait3A_1790 = tpu.memref_squeeze %dma_wait3A_1789 : memref<1x128xi32, #tpu.memory_space<vmem>> -> memref<128xi32, #tpu.memory_space<vmem>>
      %dma_wait3A_1791 = arith.constant 0 : i32
      %dma_wait3A_1792 = tpu.memref_slice %arg15[%dma_wait3A_1791] : memref<262144xf32, #tpu.memory_space<vmem_shared>> -> memref<262144xf32, #tpu.memory_space<vmem_shared>>
      tpu.wait_indirect_dma semaphore(%arg19 : memref<!tpu.dma_semaphore, #tpu.memory_space<semaphore_mem>>) src(%dma_wait3A_1787 : memref<128xf32, #tpu.memory_space<vmem>>) dst(%dma_wait3A_1792 : memref<262144xf32, #tpu.memory_space<vmem_shared>>)
      %dma_wait3A_1793 = arith.constant 4 : i32
      %dma_wait3A_1794 = arith.constant 0 : i32
      %dma_wait3A_1795 = tpu.memref_slice %arg10[%dma_wait3A_1793, %dma_wait3A_1794] : memref<10x128xi32, #tpu.memory_space<vmem>> -> memref<1x128xi32, #tpu.memory_space<vmem>>
      %dma_wait3A_1796 = tpu.memref_squeeze %dma_wait3A_1795 : memref<1x128xi32, #tpu.memory_space<vmem>> -> memref<128xi32, #tpu.memory_space<vmem>>
      %dma_wait3A_1797 = arith.constant 0 : i32
      %dma_wait3A_1798 = tpu.memref_slice %arg16[%dma_wait3A_1797] : memref<262144xf32, #tpu.memory_space<vmem_shared>> -> memref<262144xf32, #tpu.memory_space<vmem_shared>>
      tpu.wait_indirect_dma semaphore(%arg19 : memref<!tpu.dma_semaphore, #tpu.memory_space<semaphore_mem>>) src(%arg12 : memref<128xf32, #tpu.memory_space<vmem>>) dst(%dma_wait3A_1798 : memref<262144xf32, #tpu.memory_space<vmem_shared>>)
    }
    %scan3A_68 = arith.constant 49 : i32
    %barrier3A_69 = arith.constant 0 : index
    tpu.barrier barrier_id(%barrier3A_69)
    %mul3A_70 = arith.constant 16384 : i32
    %mul3A_71 = arith.muli %arg1, %mul3A_70 : i32
    %run_scoped3A = arith.constant 0 : i32
    "tpu.region"() ({
      %run_scoped3A_73 = tpu.sem_alloc : memref<!tpu.dma_semaphore, #tpu.memory_space<semaphore_mem>>
      %dma_start3A_74 = tpu.memref_slice %arg6[%arg0, %run_scoped3A, %mul3A_71] : memref<2x2x262144xf32, #tpu.memory_space<hbm>> -> memref<1x1x16384xf32, #tpu.memory_space<hbm>>
      %dma_start3A_75 = tpu.memref_squeeze %dma_start3A_74 : memref<1x1x16384xf32, #tpu.memory_space<hbm>> -> memref<16384xf32, #tpu.memory_space<hbm>>
      %dma_start3A_76 = tpu.memref_slice %arg15[%mul3A_71] : memref<262144xf32, #tpu.memory_space<vmem_shared>> -> memref<16384xf32, #tpu.memory_space<vmem_shared>>
      tpu.enqueue_dma source(%dma_start3A_76 : memref<16384xf32, #tpu.memory_space<vmem_shared>>) target(%dma_start3A_75 : memref<16384xf32, #tpu.memory_space<hbm>>) target_semaphore(%run_scoped3A_73 : memref<!tpu.dma_semaphore, #tpu.memory_space<semaphore_mem>>)
      %dma_wait3A = tpu.memref_slice %arg6[%arg0, %run_scoped3A, %mul3A_71] : memref<2x2x262144xf32, #tpu.memory_space<hbm>> -> memref<1x1x16384xf32, #tpu.memory_space<hbm>>
      %dma_wait3A_77 = tpu.memref_squeeze %dma_wait3A : memref<1x1x16384xf32, #tpu.memory_space<hbm>> -> memref<16384xf32, #tpu.memory_space<hbm>>
      %dma_wait3A_78 = tpu.memref_slice %arg15[%mul3A_71] : memref<262144xf32, #tpu.memory_space<vmem_shared>> -> memref<16384xf32, #tpu.memory_space<vmem_shared>>
      tpu.wait_dma2 semaphore(%run_scoped3A_73 : memref<!tpu.dma_semaphore, #tpu.memory_space<semaphore_mem>>) src(%dma_wait3A_78 : memref<16384xf32, #tpu.memory_space<vmem_shared>>) dst(%dma_wait3A_77 : memref<16384xf32, #tpu.memory_space<hbm>>)
      tpu.yield
    }) : () -> ()
    %run_scoped3A_72 = arith.constant 1 : i32
    "tpu.region"() ({
      %run_scoped3A_73 = tpu.sem_alloc : memref<!tpu.dma_semaphore, #tpu.memory_space<semaphore_mem>>
      %dma_start3A_74 = tpu.memref_slice %arg6[%arg0, %run_scoped3A_72, %mul3A_71] : memref<2x2x262144xf32, #tpu.memory_space<hbm>> -> memref<1x1x16384xf32, #tpu.memory_space<hbm>>
      %dma_start3A_75 = tpu.memref_squeeze %dma_start3A_74 : memref<1x1x16384xf32, #tpu.memory_space<hbm>> -> memref<16384xf32, #tpu.memory_space<hbm>>
      %dma_start3A_76 = tpu.memref_slice %arg16[%mul3A_71] : memref<262144xf32, #tpu.memory_space<vmem_shared>> -> memref<16384xf32, #tpu.memory_space<vmem_shared>>
      tpu.enqueue_dma source(%dma_start3A_76 : memref<16384xf32, #tpu.memory_space<vmem_shared>>) target(%dma_start3A_75 : memref<16384xf32, #tpu.memory_space<hbm>>) target_semaphore(%run_scoped3A_73 : memref<!tpu.dma_semaphore, #tpu.memory_space<semaphore_mem>>)
      %dma_wait3A = tpu.memref_slice %arg6[%arg0, %run_scoped3A_72, %mul3A_71] : memref<2x2x262144xf32, #tpu.memory_space<hbm>> -> memref<1x1x16384xf32, #tpu.memory_space<hbm>>
      %dma_wait3A_77 = tpu.memref_squeeze %dma_wait3A : memref<1x1x16384xf32, #tpu.memory_space<hbm>> -> memref<16384xf32, #tpu.memory_space<hbm>>
      %dma_wait3A_78 = tpu.memref_slice %arg16[%mul3A_71] : memref<262144xf32, #tpu.memory_space<vmem_shared>> -> memref<16384xf32, #tpu.memory_space<vmem_shared>>
      tpu.wait_dma2 semaphore(%run_scoped3A_73 : memref<!tpu.dma_semaphore, #tpu.memory_space<semaphore_mem>>) src(%dma_wait3A_78 : memref<16384xf32, #tpu.memory_space<vmem_shared>>) dst(%dma_wait3A_77 : memref<16384xf32, #tpu.memory_space<hbm>>)
      tpu.yield
    }) : () -> ()
    return
  }
}

module attributes {stable_mosaic.version = 14 : i64} {
  func.func @body(%arg0: memref<15625x128xf32, #tpu.memory_space<vmem>>, %arg1: memref<15625x128xf32, #tpu.memory_space<vmem>>, %arg2: memref<15625x128xf32, #tpu.memory_space<vmem>>, %arg3: memref<6x16xf32, #tpu.memory_space<vmem>>) attributes {dimension_semantics = [], scalar_prefetch = 0 : i64, scratch_operands = 0 : i64, tpu.core_type = #tpu.core_type<tc>} {
    %get3A = arith.constant 0 : index
    %get3A_0 = arith.constant 0 : index
    %get3A_1 = vector.load %arg0[%get3A, %get3A_0] : memref<15625x128xf32, #tpu.memory_space<vmem>>, vector<15625x128xf32>
    %reduce_min3A = vector.shape_cast %get3A_1 : vector<15625x128xf32> to vector<1x15625x128xf32>
    %reduce_min3A_2 = arith.constant dense<0x7F800000> : vector<1xf32>
    %reduce_min3A_3 = vector.multi_reduction <minimumf>, %reduce_min3A, %reduce_min3A_2 [1, 2] : vector<1x15625x128xf32> to vector<1xf32>
    %reduce_min3A_4 = vector.shape_cast %reduce_min3A_3 : vector<1xf32> to vector<1x1x1xf32>
    %reduce_min3A_5 = vector.extract %reduce_min3A_4[0, 0, 0] : f32 from vector<1x1x1xf32>
    %get3A_6 = arith.constant 0 : index
    %get3A_7 = arith.constant 0 : index
    %get3A_8 = vector.load %arg1[%get3A_6, %get3A_7] : memref<15625x128xf32, #tpu.memory_space<vmem>>, vector<15625x128xf32>
    %reduce_min3A_9 = vector.shape_cast %get3A_8 : vector<15625x128xf32> to vector<1x15625x128xf32>
    %reduce_min3A_10 = arith.constant dense<0x7F800000> : vector<1xf32>
    %reduce_min3A_11 = vector.multi_reduction <minimumf>, %reduce_min3A_9, %reduce_min3A_10 [1, 2] : vector<1x15625x128xf32> to vector<1xf32>
    %reduce_min3A_12 = vector.shape_cast %reduce_min3A_11 : vector<1xf32> to vector<1x1x1xf32>
    %reduce_min3A_13 = vector.extract %reduce_min3A_12[0, 0, 0] : f32 from vector<1x1x1xf32>
    %get3A_14 = arith.constant 0 : index
    %get3A_15 = arith.constant 0 : index
    %get3A_16 = vector.load %arg2[%get3A_14, %get3A_15] : memref<15625x128xf32, #tpu.memory_space<vmem>>, vector<15625x128xf32>
    %reduce_min3A_17 = vector.shape_cast %get3A_16 : vector<15625x128xf32> to vector<1x15625x128xf32>
    %reduce_min3A_18 = arith.constant dense<0x7F800000> : vector<1xf32>
    %reduce_min3A_19 = vector.multi_reduction <minimumf>, %reduce_min3A_17, %reduce_min3A_18 [1, 2] : vector<1x15625x128xf32> to vector<1xf32>
    %reduce_min3A_20 = vector.shape_cast %reduce_min3A_19 : vector<1xf32> to vector<1x1x1xf32>
    %reduce_min3A_21 = vector.extract %reduce_min3A_20[0, 0, 0] : f32 from vector<1x1x1xf32>
    %get3A_22 = arith.constant 0 : index
    %get3A_23 = arith.constant 0 : index
    %get3A_24 = vector.load %arg0[%get3A_22, %get3A_23] : memref<15625x128xf32, #tpu.memory_space<vmem>>, vector<15625x128xf32>
    %reduce_max3A = vector.shape_cast %get3A_24 : vector<15625x128xf32> to vector<1x15625x128xf32>
    %reduce_max3A_25 = arith.constant dense<0xFF800000> : vector<1xf32>
    %reduce_max3A_26 = vector.multi_reduction <maximumf>, %reduce_max3A, %reduce_max3A_25 [1, 2] : vector<1x15625x128xf32> to vector<1xf32>
    %reduce_max3A_27 = vector.shape_cast %reduce_max3A_26 : vector<1xf32> to vector<1x1x1xf32>
    %reduce_max3A_28 = vector.extract %reduce_max3A_27[0, 0, 0] : f32 from vector<1x1x1xf32>
    %sub3A = arith.subf %reduce_max3A_28, %reduce_min3A_5 : f32
    %get3A_29 = arith.constant 0 : index
    %get3A_30 = arith.constant 0 : index
    %get3A_31 = vector.load %arg1[%get3A_29, %get3A_30] : memref<15625x128xf32, #tpu.memory_space<vmem>>, vector<15625x128xf32>
    %reduce_max3A_32 = vector.shape_cast %get3A_31 : vector<15625x128xf32> to vector<1x15625x128xf32>
    %reduce_max3A_33 = arith.constant dense<0xFF800000> : vector<1xf32>
    %reduce_max3A_34 = vector.multi_reduction <maximumf>, %reduce_max3A_32, %reduce_max3A_33 [1, 2] : vector<1x15625x128xf32> to vector<1xf32>
    %reduce_max3A_35 = vector.shape_cast %reduce_max3A_34 : vector<1xf32> to vector<1x1x1xf32>
    %reduce_max3A_36 = vector.extract %reduce_max3A_35[0, 0, 0] : f32 from vector<1x1x1xf32>
    %sub3A_37 = arith.subf %reduce_max3A_36, %reduce_min3A_13 : f32
    %get3A_38 = arith.constant 0 : index
    %get3A_39 = arith.constant 0 : index
    %get3A_40 = vector.load %arg2[%get3A_38, %get3A_39] : memref<15625x128xf32, #tpu.memory_space<vmem>>, vector<15625x128xf32>
    %reduce_max3A_41 = vector.shape_cast %get3A_40 : vector<15625x128xf32> to vector<1x15625x128xf32>
    %reduce_max3A_42 = arith.constant dense<0xFF800000> : vector<1xf32>
    %reduce_max3A_43 = vector.multi_reduction <maximumf>, %reduce_max3A_41, %reduce_max3A_42 [1, 2] : vector<1x15625x128xf32> to vector<1xf32>
    %reduce_max3A_44 = vector.shape_cast %reduce_max3A_43 : vector<1xf32> to vector<1x1x1xf32>
    %reduce_max3A_45 = vector.extract %reduce_max3A_44[0, 0, 0] : f32 from vector<1x1x1xf32>
    %sub3A_46 = arith.subf %reduce_max3A_45, %reduce_min3A_21 : f32
    %broadcast_in_dim3A = vector.broadcast %reduce_min3A_5 : f32 to vector<1x16xf32>
    %swap3A = arith.constant 0 : index
    %swap3A_47 = arith.constant 0 : index
    %swap3A_48 = vector.load %arg3[%swap3A, %swap3A_47] : memref<6x16xf32, #tpu.memory_space<vmem>>, vector<1x16xf32>
    tpu.vector_store %arg3[%swap3A, %swap3A_47], %broadcast_in_dim3A {strides = array<i32>} : memref<6x16xf32, #tpu.memory_space<vmem>>, vector<1x16xf32>,
    %broadcast_in_dim3A_49 = vector.broadcast %sub3A : f32 to vector<1x16xf32>
    %swap3A_50 = arith.constant 1 : index
    %swap3A_51 = arith.constant 0 : index
    %swap3A_52 = vector.load %arg3[%swap3A_50, %swap3A_51] : memref<6x16xf32, #tpu.memory_space<vmem>>, vector<1x16xf32>
    tpu.vector_store %arg3[%swap3A_50, %swap3A_51], %broadcast_in_dim3A_49 {strides = array<i32>} : memref<6x16xf32, #tpu.memory_space<vmem>>, vector<1x16xf32>,
    %broadcast_in_dim3A_53 = vector.broadcast %reduce_min3A_13 : f32 to vector<1x16xf32>
    %swap3A_54 = arith.constant 2 : index
    %swap3A_55 = arith.constant 0 : index
    %swap3A_56 = vector.load %arg3[%swap3A_54, %swap3A_55] : memref<6x16xf32, #tpu.memory_space<vmem>>, vector<1x16xf32>
    tpu.vector_store %arg3[%swap3A_54, %swap3A_55], %broadcast_in_dim3A_53 {strides = array<i32>} : memref<6x16xf32, #tpu.memory_space<vmem>>, vector<1x16xf32>,
    %broadcast_in_dim3A_57 = vector.broadcast %sub3A_37 : f32 to vector<1x16xf32>
    %swap3A_58 = arith.constant 3 : index
    %swap3A_59 = arith.constant 0 : index
    %swap3A_60 = vector.load %arg3[%swap3A_58, %swap3A_59] : memref<6x16xf32, #tpu.memory_space<vmem>>, vector<1x16xf32>
    tpu.vector_store %arg3[%swap3A_58, %swap3A_59], %broadcast_in_dim3A_57 {strides = array<i32>} : memref<6x16xf32, #tpu.memory_space<vmem>>, vector<1x16xf32>,
    %broadcast_in_dim3A_61 = vector.broadcast %reduce_min3A_21 : f32 to vector<1x16xf32>
    %swap3A_62 = arith.constant 4 : index
    %swap3A_63 = arith.constant 0 : index
    %swap3A_64 = vector.load %arg3[%swap3A_62, %swap3A_63] : memref<6x16xf32, #tpu.memory_space<vmem>>, vector<1x16xf32>
    tpu.vector_store %arg3[%swap3A_62, %swap3A_63], %broadcast_in_dim3A_61 {strides = array<i32>} : memref<6x16xf32, #tpu.memory_space<vmem>>, vector<1x16xf32>,
    %broadcast_in_dim3A_65 = vector.broadcast %sub3A_46 : f32 to vector<1x16xf32>
    %swap3A_66 = arith.constant 5 : index
    %swap3A_67 = arith.constant 0 : index
    %swap3A_68 = vector.load %arg3[%swap3A_66, %swap3A_67] : memref<6x16xf32, #tpu.memory_space<vmem>>, vector<1x16xf32>
    tpu.vector_store %arg3[%swap3A_66, %swap3A_67], %broadcast_in_dim3A_65 {strides = array<i32>} : memref<6x16xf32, #tpu.memory_space<vmem>>, vector<1x16xf32>,
    return
  }
}

module attributes {stable_mosaic.version = 14 : i64} {
  func.func @body(%arg0: memref<2x2x512x512xf32, #tpu.memory_space<vmem>>, %arg1: memref<512x512xf32, #tpu.memory_space<vmem>>) attributes {dimension_semantics = [], scalar_prefetch = 0 : i64, scratch_operands = 0 : i64, tpu.core_type = #tpu.core_type<tc>} {
    %get3A = arith.constant 0 : index
    %get3A_0 = arith.constant 0 : index
    %get3A_1 = arith.constant 0 : index
    %get3A_2 = arith.constant 0 : index
    %get3A_3 = vector.load %arg0[%get3A, %get3A_0, %get3A_1, %get3A_2] : memref<2x2x512x512xf32, #tpu.memory_space<vmem>>, vector<1x1x512x512xf32>
    %get3A_4 = vector.shape_cast %get3A_3 : vector<1x1x512x512xf32> to vector<512x512xf32>
    %get3A_5 = arith.constant 1 : index
    %get3A_6 = arith.constant 0 : index
    %get3A_7 = arith.constant 0 : index
    %get3A_8 = arith.constant 0 : index
    %get3A_9 = vector.load %arg0[%get3A_5, %get3A_6, %get3A_7, %get3A_8] : memref<2x2x512x512xf32, #tpu.memory_space<vmem>>, vector<1x1x512x512xf32>
    %get3A_10 = vector.shape_cast %get3A_9 : vector<1x1x512x512xf32> to vector<512x512xf32>
    %add3A = arith.addf %get3A_4, %get3A_10 : vector<512x512xf32>
    %get3A_11 = arith.constant 0 : index
    %get3A_12 = arith.constant 1 : index
    %get3A_13 = arith.constant 0 : index
    %get3A_14 = arith.constant 0 : index
    %get3A_15 = vector.load %arg0[%get3A_11, %get3A_12, %get3A_13, %get3A_14] : memref<2x2x512x512xf32, #tpu.memory_space<vmem>>, vector<1x1x512x512xf32>
    %get3A_16 = vector.shape_cast %get3A_15 : vector<1x1x512x512xf32> to vector<512x512xf32>
    %get3A_17 = arith.constant 1 : index
    %get3A_18 = arith.constant 1 : index
    %get3A_19 = arith.constant 0 : index
    %get3A_20 = arith.constant 0 : index
    %get3A_21 = vector.load %arg0[%get3A_17, %get3A_18, %get3A_19, %get3A_20] : memref<2x2x512x512xf32, #tpu.memory_space<vmem>>, vector<1x1x512x512xf32>
    %get3A_22 = vector.shape_cast %get3A_21 : vector<1x1x512x512xf32> to vector<512x512xf32>
    %add3A_23 = arith.addf %get3A_16, %get3A_22 : vector<512x512xf32>
    %gt3A = arith.constant 0.000000e+00 : f32
    %gt3A_24 = vector.broadcast %gt3A : f32 to vector<512x512xf32>
    %gt3A_25 = arith.cmpf ogt, %add3A_23, %gt3A_24 : vector<512x512xf32>
    %jit3A = arith.constant 1.000000e+00 : f32
    %broadcast_in_dim3A = vector.broadcast %jit3A : f32 to vector<512x512xf32>
    %select_n3A = arith.select %gt3A_25, %add3A_23, %broadcast_in_dim3A : vector<512x512xi1>, vector<512x512xf32>
    %div3A = arith.divf %add3A, %select_n3A : vector<512x512xf32>
    %jit3A_26 = arith.constant 0.000000e+00 : f32
    %broadcast_in_dim3A_27 = vector.broadcast %jit3A_26 : f32 to vector<512x512xf32>
    %select_n3A_28 = arith.select %gt3A_25, %div3A, %broadcast_in_dim3A_27 : vector<512x512xi1>, vector<512x512xf32>
    %swap3A = arith.constant 0 : index
    %swap3A_29 = arith.constant 0 : index
    %swap3A_30 = vector.load %arg1[%swap3A, %swap3A_29] : memref<512x512xf32, #tpu.memory_space<vmem>>, vector<512x512xf32>
    tpu.vector_store %arg1[%swap3A, %swap3A_29], %select_n3A_28 {strides = array<i32>} : memref<512x512xf32, #tpu.memory_space<vmem>>, vector<512x512xf32>,
    return
  }
}

</mosaic_0001>

<sc_bundles>
// kernel: kernel.5.cloned.1.call-start
scs
__scs_entry_jumppad:
0x0: {  	(pc) =	sbr.rel $0x88, $3  }
0x1: {  	(tag) =	ssettag $0x0;
	lr =	simm.s32 $0x1  }
0x2: {  	[smem:$0x3FA0] =	sst lr;
	_ =	strace $0xD0000000  }
0x3: {  	_ = 	snop  }
0x4: {  	_ = 	snop  }
0x5: {  	_ = 	snop  }
0x6: {  	_ = 	snop  }
0x7: {  	_ = 	snop  }
__scs_overlays_trampoline_lowered:
0x8: {  	[smem:$0x3FAF] =	sst s0  }
0x9: {  	[smem:$0x3FB0] =	sst s1  }
0xa: {  	[smem:$0x3FB1] =	sst s2  }
0xb: {  	[smem:$0x3FB2] =	sst s3  }
0xc: {  	[smem:$0x3FB3] =	sst s4  }
0xd: {  	[smem:$0x3FB4] =	sst s5  }
0xe: {  	[smem:$0x3FB5] =	sst s6  }
0xf: {  	[smem:$0x3FB6] =	sst s7  }
0x10: {  	[smem:$0x3FB7] =	sst s8  }
0x11: {  	[smem:$0x3FB8] =	sst s9;
	s0 =	simm.s32 @!p0 $0x0  }
0x12: {  	s1 =	sld [smem:$0x3F9E];
	s0 =	simm.s32 @p0 $0x1  }
0x13: {  	[smem:$0x3FB9] =	sst s0;
	s0 =	simm.s32 @!p1 $0x0  }
0x14: {  	s2 =	sld [smem:$0x3F9D];
	s0 =	simm.s32 @p1 $0x1  }
0x15: {  	[smem:$0x3FBA] =	sst s0;
	s0 =	simm.s32 @!p2 $0x0  }
0x16: {  	s3 =	sld [smem:$0x3FDB];
	s0 =	simm.s32 @p2 $0x1  }
0x17: {  	s4 =	simm.s32 $0x1BF5;
	[smem:$0x3FBC] =	sst s0  }
0x18: {  	s0 =	sld [smem:$0x3F9F];
	_ =	swait.ge [sflag:s4], $0x0  }
0x19: {  	s7 =	sld [smem:$0x3FA0]  }
0x1a: {  	s8 =	sadd.s32 $0xFFFFE003, lr  }
0x1b: {  	s9 =	sadd.s32 $0xFFFFFEF7, lr;
	s5 =	simm.s32 $0xFFFFFFFF;
	p2 =	slt.u32 s8, $0xFFFFF086  }
0x1c: {  	p1 =	slt.u32 s9, $0xF7A;
	s5 =	simm.s32 @!p2 $0x0  }
0x1d: {  	s5 =	simm.s32 @p1 $0x1;
	p0 =	seq.s32 s7, s2  }
0x1e: {  	s7 =	smul.u32 @!p0 $0xF7A, s2;
	p2 =	seq.s32 @!p0 s5, $0x0  }
0x1f: {  	s9 =	smul.u32 $0xF7A, s1;
	s8 =	simm.s32 @!p0 $0x1BF5;
	p2 =	por !p2, p0  }
0x20: {  	[sflag:s8] =	ssyncset.s32 @!p0 $0xFFFFF086;
	s6 =	sadd.s32 @!p0 s3, s7;
	s7 =	simm.s32 @!p0 $0x108  }
0x21: {  	s3 =	sadd.s32 s3, s9;
	s6 =	sadd.s32 @!p0 $0x88, s6;
	s7 =	simm.s32 @p2 $0x1082  }
0x22: {  	[simem:s7], [sflag:s8] =	dma.local @!p0 [hbm:s6], $0xF7A  }
0x23: {  	s9 =	sor.u32 $0xD0000000, s2;
	s6 =	simm.s32 $0x108;
	_ =	swait.ge @!p0 [sflag:s8], $0x0  }
0x24: {  	s3 =	sadd.s32 $0x88, s3;
	s6 =	simm.s32 @!p1 $0x1082;
	[sflag:s4] =	ssyncset.s32 $0xFFFFF086  }
0x25: {  	[simem:s6], [sflag:s4] =	dma.local [hbm:s3], $0xF7A  }
0x26: {  	[smem:$0x3FA0] =	sst s1;
	(tag) =	ssettag s2;
	_ =	strace s9  }
0x27: {  	s1 =	sld [smem:$0x3FB0]  }
0x28: {  	s2 =	sld [smem:$0x3FB1]  }
0x29: {  	s4 =	sld [smem:$0x3FB3]  }
0x2a: {  	p0 =	seq.s32 s5, $0x0;
	s5 =	sld [smem:$0x3FB4]  }
0x2b: {  	s6 =	sld [smem:$0x3FB5]  }
0x2c: {  	s7 =	sld [smem:$0x3FB6]  }
0x2d: {  	s3 =	simm.s32 $0x108;
	s8 =	sld [smem:$0x3FB7]  }
0x2e: {  	s3 =	simm.s32 @!p0 $0x1082;
	s9 =	sld [smem:$0x3FB8]  }
0x2f: {  	lr =	sadd.s32 s0, s3;
	s0 =	sld [smem:$0x3FAF]  }
0x30: {  	s3 =	sld [smem:$0x3FB2]  }
0x31: {  	[smem:$0x3FBB] =	sst s10  }
0x32: {  	s10 =	sld [smem:$0x3FB9];
	_ =	sdelay $0x3  }
0x33: {  	p0 =	seq.s32 s10, $0x1;
	s10 =	sld [smem:$0x3FBB];
	_ =	sdelay $0x3  }
0x34: {  	[smem:$0x3FBB] =	sst s10  }
0x35: {  	s10 =	sld [smem:$0x3FBA];
	_ =	sdelay $0x3  }
0x36: {  	p1 =	seq.s32 s10, $0x1;
	s10 =	sld [smem:$0x3FBB];
	_ =	sdelay $0x3  }
0x37: {  	[smem:$0x3FBB] =	sst s10  }
0x38: {  	s10 =	sld [smem:$0x3FBC]  }
0x39: {  	_ = 	snop;
	(pc) =	sbr.ind lr, $3  }
0x3a: {  	_ = 	snop  }
0x3b: {  	_ = 	snop  }
0x3c: {  	p2 =	seq.s32 s10, $0x1;
	s10 =	sld [smem:$0x3FBB]  }
0x3d: {  	_ =	shalt  }
0x3e: {  	_ =	shalt  }
0x3f: {  	_ =	shalt  }
0x40: {  	_ =	shalt  }
0x41: {  	_ =	shalt  }
0x42: {  	_ =	shalt  }
0x43: {  	_ =	shalt  }
0x44: {  	_ =	shalt  }
0x45: {  	_ =	shalt  }
0x46: {  	_ =	shalt  }
0x47: {  	_ =	shalt  }
0x48: {  	_ =	shalt  }
0x49: {  	_ =	shalt  }
0x4a: {  	_ =	shalt  }
0x4b: {  	_ =	shalt  }
0x4c: {  	_ =	shalt  }
0x4d: {  	_ =	shalt  }
0x4e: {  	_ =	shalt  }
0x4f: {  	_ =	shalt  }
0x50: {  	_ =	shalt  }
0x51: {  	_ =	shalt  }
0x52: {  	_ =	shalt  }
0x53: {  	_ =	shalt  }
0x54: {  	_ =	shalt  }
0x55: {  	_ =	shalt  }
0x56: {  	_ =	shalt  }
0x57: {  	_ =	shalt  }
0x58: {  	_ =	shalt  }
0x59: {  	_ =	shalt  }
0x5a: {  	_ =	shalt  }
0x5b: {  	_ =	shalt  }
0x5c: {  	_ =	shalt  }
0x5d: {  	_ =	shalt  }
0x5e: {  	_ =	shalt  }
0x5f: {  	_ =	shalt  }
0x60: {  	_ =	shalt  }
0x61: {  	_ =	shalt  }
0x62: {  	_ =	shalt  }
0x63: {  	_ =	shalt  }
0x64: {  	_ =	shalt  }
0x65: {  	_ =	shalt  }
0x66: {  	_ =	shalt  }
0x67: {  	_ =	shalt  }
0x68: {  	_ =	shalt  }
0x69: {  	_ =	shalt  }
0x6a: {  	_ =	shalt  }
0x6b: {  	_ =	shalt  }
0x6c: {  	_ =	shalt  }
0x6d: {  	_ =	shalt  }
0x6e: {  	_ =	shalt  }
0x6f: {  	_ =	shalt  }
0x70: {  	_ =	shalt  }
0x71: {  	_ =	shalt  }
0x72: {  	_ =	shalt  }
0x73: {  	_ =	shalt  }
0x74: {  	_ =	shalt  }
0x75: {  	_ =	shalt  }
0x76: {  	_ =	shalt  }
0x77: {  	_ =	shalt  }
0x78: {  	_ =	shalt  }
0x79: {  	_ =	shalt  }
0x7a: {  	_ =	shalt  }
0x7b: {  	_ =	shalt  }
0x7c: {  	_ =	shalt  }
0x7d: {  	_ =	shalt  }
0x7e: {  	_ =	shalt  }
0x7f: {  	_ =	shalt  }
0x80: {  	_ =	shalt  }
0x81: {  	_ =	shalt  }
0x82: {  	_ =	shalt  }
0x83: {  	_ =	shalt  }
0x84: {  	_ =	shalt  }
0x85: {  	_ =	shalt  }
0x86: {  	_ =	shalt  }
0x87: {  	_ =	shalt  }
.Lfunc_end0:
.L_simem_size_0:
called_computation_lowered:
.L_overlay_start_0:
0x88: {  	s2 =	sld [smem:$0x3FD9]  }
0x89: {  	s3 =	sld [smem:$0x3FFE];
	_ =	sdelay $0x1  }
0x8a: {  	s1 =	srdreg.scid  }
0x8b: {  	s0 =	sand.u32 $0x1, s1  }
0x8c: {  	s17 =	sshll.u32 s0, $0xA;
	s2 =	sadd.s32 s3, s2  }
0x8d: {  	s2 =	sadd.s32 s2, s17  }
0x8e: {  	[smem:$0x3FC7] =	sst s2  }
0x8f: {  	_ = 	snop  }
0x90: {  	s2 =	sld [smem:$0x3FD0];
	(tm) =	ssettm $0x1  }
0x91: {  	s18 =	sld [smem:$0x3FFB];
	_ =	sdelay $0x3  }
0x92: {  	_ =	strace s18  }
0x93: {  	s3 =	sld [smem:$0x3FFC];
	_ =	sdelay $0x3  }
0x94: {  	_ =	strace s3  }
0x95: {  	s3 =	sld [smem:$0x3FFD];
	_ =	sdelay $0x3  }
0x96: {  	_ =	strace s3  }
0x97: {  	_ =	strace $0x8FFFFFFF  }
0x98: {  	s19 =	sld [smem:$0x3FDB];
	_ =	sdelay $0x1  }
0x99: {  	s4 =	simm.s32 $_scs_section_size  }
0x9a: {  	s5 =	simm.s32 $_size__tile_overlayer_lowered;
	s6 =	simm.s32 $_tile_overlayer_lowered  }
0x9b: {  	s22 =	simm.s32 $0x1BFF;
	s21 =	sshll.u32 s6, $0x1;
	s3 =	sadd.s32 s4, s19  }
0x9c: {  	s7 =	simm.s32 $0x0;
	s20 =	sshll.u32 s5, $0x1;
	s5 =	sadd.s32 s21, s3  }
0x9d: {  	[timem:s7], [sflag:s22] =	dma.local [hbm:s5], s20  }
0x9e: {  	_ =	swait.ge [sflag:s22], s20  }
0x9f: {  	s4 =	ssub.s32 $0x0, s20;
	[sflag:s22] =	ssyncset.done $0x0  }
0xa0: {  	[sflag:s22] =	ssyncadd.s32 s4;
	_ =	sdelay $0x1  }
0xa1: {  	s23 =	simm.s32 $0x1B8B  }
0xa2: {  	_ =	swait.ge [sflag:s23], $0x1  }
0xa3: {  	[sflag:s23] =	ssyncset.done $0x0  }
0xa4: {  	s25 =	simm.s32 $0x1B8E;
	s24 =	sld [smem:$0x3FFE];
	[sflag:s23] =	ssyncadd.s32 $0xFFFFFFFF  }
0xa5: {  	s26 =	simm.s32 $execute0_lowered;
	[smem:$0x3FD2] =	sst s25  }
0xa6: {  	s5 =	sshll.u32 s26, $0x1;
	_ =	strace $0x80000046;
	[dreg:$0x1] =	wrdreg $0xFFFFFFFF  }
0xa7: {  	s28 =	simm.s32 $_size_execute0_lowered;
	s3 =	sadd.s32 s3, s5;
	[dreg:$0x0] =	wrdreg $0x0  }
0xa8: {  	s5 =	sshll.u32 s28, $0x1;
	[dreg:$0x2] =	wrdreg s3  }
0xa9: {  	[dreg:$0x3] =	wrdreg s5  }
0xaa: {  	[dreg:$0x4] =	wrdreg $0xC0  }
0xab: {  	_ =	task [dreg:s7], $0x5FFFF  }
0xac: {  	[dreg:$0x1] =	wrdreg $0xFFFFFFFF  }
0xad: {  	[dreg:$0x0] =	wrdreg $0x60  }
0xae: {  	[dreg:$0x2] =	wrdreg s24  }
0xaf: {  	[dreg:$0x3] =	wrdreg s2  }
0xb0: {  	[dreg:$0x4] =	wrdreg $0x60000  }
0xb1: {  	[dreg:$0x5] =	wrdreg $0xA0000  }
0xb2: {  	[dreg:$0x6] =	wrdreg $0x9  }
0xb3: {  	_ =	task.clear_ibuf [dreg:s7], $0x7FFFF;
	_ =	strace $0x90000046  }
0xb4: {  	s29 =	simm.s32 $0x9;
	_ =	strace $0x80000048  }
0xb5: {  	_ =	swait.ge [sflag:s29], $0x1  }
0xb6: {  	[sflag:s29] =	ssyncadd.s32 $0xFFFFFFFF  }
0xb7: {  	_ =	strace $0x90000048  }
0xb8: {  	_ =	sfence  }
0xb9: {  	s30 =	sld [smem:$0x0];
	_ =	sdelay $0x2  }
0xba: {  	s31 =	sshll.u32 s1, $0xD;
	s1 =	sshrl.u32 s1, $0x2  }
0xbb: {  	s3 =	sand.u32 $0x4000, s31;
	s1 =	sadd.s32 s1, s30  }
0xbc: {  	s0 =	sor.u32 s3, s0;
	s1 =	sshll.u32 s1, $0x11  }
0xbd: {  	s0 =	sor.u32 s1, s0  }
0xbe: {  	s0 =	sadd.s32 $0x8F2B, s0  }
0xbf: {  	[sflag:s0] =	ssyncadd.remote.s32 $0x1  }
0xc0: {  	_ =	sfence.sel $0xFFFF  }
0xc1: {  	[dreg:$0x0] =	wrdreg $0xFFFFFFFF;
	(pc) =	sbr.abs _section_cstart, $3  }
0xc2: {  	[dreg:$0x1] =	wrdreg $0xFFFFFFFF  }
0xc3: {  	_ =	task.clear_ibuf [dreg:s7], $0x2FFFF;
	_ =	strace $0x9FFFFFFF  }
0xc4: {  	(tm) =	ssettm $0x7FFFFFFF  }
0xc5: {  	_ =	shalt  }
tec
execute0_lowered:
.L_overlay_start_1:
0x0: {  	(tag) =	ssettag $0x1  }
0x1: {  	s1 =	rddreg [dreg:$0x0]  }
0x2: {  	s3 =	rddreg [dreg:$0x2]  }
0x3: {  	s4 =	rddreg [dreg:$0x3]  }
0x4: {  	s0 =	simm.s32 $0x0;
	s12 =	srdreg.scid;
	s11 =	stileid.u32  }
0x5: {  	s28 =	simm.s32 $0x4;
	s31 =	simm.s32 $0x1;
	s29 =	simm.s32 $0x1000  }
0x6: {  	[smem:$0x7FF] =	sst s0;
	s7 =	sadd.s32 $0x3D200, s1;
	s8 =	sadd.s32 $0x7A400, s1  }
0x7: {  	s0 =	sand.u32 $0x1, s12;
	s2 =	sshll.u32 s11, $0xC;
	s18 =	smul.u32 $0xA0, s11  }
0x8: {  	s5 =	sshll.u32 s11, $0x1;
	s14 =	sshll.u32 s11, $0xE;
	s24 =	smul.u32 $0x500, s11  }
0x9: {  	s12 =	simm.s32 $0x1300;
	_ =	strace $0x80000047;
	s6 =	sshll.u32 s0, $0x10  }
0xa: {  	s9 =	ssub.s32 $0x2, s0;
	s5 =	sor.u32 s0, s5;
	s21 =	smul.u32 $0x50, s0  }
0xb: {  	s20 =	sadd.s32 s14, s3;
	s22 =	sadd.s32 s14, s4;
	s0 =	smul.u32 $0x280, s0  }
0xc: {  	s14 =	simm.s32 $0x1900;
	s2 =	sor.u32 s2, s6;
	s13 =	sshrl.u32 s9, $0x1  }
0xd: {  	s10 =	smul.u32 $0x50, s5;
	s23 =	sadd.s32 s18, s7;
	s25 =	sadd.s32 s18, s8  }
0xe: {  	s30 =	sor.u32 $0x20, s5;
	s5 =	simm.s32 $0x1080;
	[dreg:$0x5] =	wrdreg s20  }
0xf: {  	[dreg:$0x6] =	wrdreg s22;
	s2 =	sadd.s32 s2, s1;
	s6 =	ssub.s32 s9, s13  }
0x10: {  	s26 =	sadd.s32 s21, s25;
	s9 =	sadd.s32 s18, s1;
	s0 =	sadd.s32 s0, s24  }
0x11: {  	[dreg:$0xd] =	wrdreg s30;
	s25 =	simm.s32 $0x1F00;
	s15 =	sadd.s32 s7, s10  }
0x12: {  	s24 =	simm.s32 $0x1100;
	s16 =	sadd.s32 s8, s10;
	[dreg:$0x7] =	wrdreg s15  }
0x13: {  	s17 =	sadd.s32 s1, s10;
	s19 =	sadd.s32 $0xB7600, s2;
	[dreg:$0x8] =	wrdreg s16  }
0x14: {  	s2 =	sadd.s32 $0xB7610, s2;
	s6 =	smax.u32 s6, $0x1;
	[dreg:$0x9] =	wrdreg s17  }
0x15: {  	s18 =	sadd.s32 $0xA00, s26;
	s0 =	sadd.s32 $0xA000, s0;
	[dreg:$0xa] =	wrdreg s19  }
0x16: {  	s26 =	simm.s32 $0xF80;
	s10 =	simm.s32 $0x1280;
	[dreg:$0xb] =	wrdreg s2  }
.Ltmp0:
0x17: {  	[dreg:$0xc] =	wrdreg s6;
	s6 =	sadd.s32 s21, s23;
	(pc) =	sbr.rel .LBB2_1-.Ltmp0, $4  }
0x18: {  	s2 =	sadd.s32 s21, s9;
	[dreg:$0xe] =	wrdreg s0;
	s0 =	simm.s32 $0x80  }
0x19: {  	s15 =	simm.s32 $0x2;
	s16 =	simm.s32 $0x1180;
	s21 =	simm.s32 $0x1200  }
0x1a: {  	s23 =	simm.s32 $0x1380;
	s9 =	simm.s32 $0x3;
	s17 =	sadd.s32 $0xA00, s6  }
0x1b: {  	v0 =	vimm.f32 $0.0e+00;
	v1 =	vimm.f32 $1.000000000e+00;
	s19 =	sadd.s32 $0xA00, s2;
	s2 =	simm.s32 $0xF00;
	s6 =	simm.s32 $0x0  }
.LBB2_7:
0x1c: {  	s1 =	stileid.u32  }
0x1d: {  	[bflag:$0x0] =	sbarrier.arrive $0xFFFF;
	s13 =	simm.s32 $0x20;
	s30 =	simm.s32 $0x10  }
0x1e: {  	s28 =	simm.s32 $0x4;
	s1 =	sshll.u32 s1, $0x6;
	s20 =	rddreg [dreg:$0x5]  }
0x1f: {  	s11 =	rddreg [dreg:$0xa];
	s1 =	sor.u32 $0x1C04, s1;
	s6 =	sshrl.u32 s20, $0x3  }
0x20: {  	[hbm:s11@s13], [sflag:s1] =	dma.strided [spmem:s6@s30], $0x800, s31, $0x10   }
0x21: {  	_ =	swait.ge [sflag:s28], $0x800  }
0x22: {  	[sflag:s28] =	ssyncset.done $0x0;
	s22 =	rddreg [dreg:$0x6]  }
0x23: {  	s11 =	rddreg [dreg:$0xb];
	[sflag:s28] =	ssyncadd.s32 $0xFFFFF800;
	s6 =	sshrl.u32 s22, $0x3  }
0x24: {  	[hbm:s11@s13], [sflag:s1] =	dma.strided [spmem:s6@s30], $0x800, s31, $0x10   }
0x25: {  	_ =	swait.ge [sflag:s28], $0x800  }
0x26: {  	s13 =	rddreg [dreg:$0xf]  }
0x27: {  	s30 =	rddreg [dreg:$0xc];
	s6 =	sadd.s32 $0x1, s13  }
0x28: {  	p0 =	sne.s32 s6, s30  }
.Ltmp1:
0x29: {  	_ = 	snop;
	(pc) =	sbr.rel @!p0 .LBB2_8-.Ltmp1, $3  }
0x2a: {  	_ =	sdelay $0x1  }
0x2b: {  	[sflag:s28] =	ssyncset.done $0x0  }
0x2c: {  	[sflag:s28] =	ssyncadd.s32 $0xFFFFF800  }
.LBB2_1:
0x2d: {  	[dreg:$0xf] =	wrdreg s6  }
0x2e: {  	s1 =	rddreg [dreg:$0x1];
	s30 =	simm.s32 $0x0;
	s11 =	simm.s32 $0x5F80  }
0x2f: {  	[tilespmem:s11], [sflag:$0x4] =	stream.linear.gather [hbm4b:s1+s30], $0x80, $0x38;
	[tilespmem:$0xE000] =	vst v63  }
0x30: {  	_ =	swait.ge [sflag:s28], $0x80  }
0x31: {  	[sflag:s28] =	ssyncset.done $0x0  }
0x32: {  	s13 =	simm.s32 $0x0;
	s11 =	simm.s32 $0x40;
	[sflag:s28] =	ssyncadd.s32 $0xFFFFFF80  }
.LBB2_2:
0x33: {  	p0 =	sne.s32 s11, $0xFFC0;
	[tilespmem:s13+$0x1F80] =	vst v0;
	s13 =	smov.u32 s11;
	s11 =	sadd.s32 $0x40, s11  }
.Ltmp2:
0x34: {  	(pc) =	sbr.rel @p0 .LBB2_2-.Ltmp2, $2  }
0x35: {  	_ =	sdelay $0x2  }
0x36: {  	s13 =	sshra.s32 s13, $0x2  }
0x37: {  	[tilespmem:s13+$0x1F80] =	vst v0  }
0x38: {  	[tilespmem:$0x1F00] =	vst v1  }
0x39: {  	[tilespmem:$0x1F10] =	vst v1  }
0x3a: {  	[tilespmem:$0x1F20] =	vst v1  }
0x3b: {  	[tilespmem:$0x1F30] =	vst v1  }
0x3c: {  	[tilespmem:$0x1F40] =	vst v1  }
0x3d: {  	[tilespmem:$0x1F50] =	vst v1  }
0x3e: {  	[tilespmem:$0x1F60] =	vst v1  }
0x3f: {  	s1 =	simm.s32 $0x1F80;
	[tilespmem:$0x1F70] =	vst v1  }
0x40: {  	[spmem:s20] =	stream.linear.scatter [tilespmem:s1], [sflag:$0x4], $0x4000, $0x38;
	[tilespmem:$0xE000] =	vst v63  }
0x41: {  	_ =	swait.ge [sflag:s28], $0x4000  }
0x42: {  	[sflag:s28] =	ssyncset.done $0x0  }
0x43: {  	[sflag:s28] =	ssyncadd.s32 $0xFFFFC000  }
0x44: {  	[spmem:s22] =	stream.linear.scatter [tilespmem:s1], [sflag:$0x4], $0x4000, $0x38;
	[tilespmem:$0xE000] =	vst v63  }
0x45: {  	_ =	swait.ge [sflag:s28], $0x4000  }
0x46: {  	[sflag:s28] =	ssyncset.done $0x0  }
0x47: {  	[sflag:s28] =	ssyncadd.s32 $0xFFFFC000  }
0x48: {  	[bflag:$0x0] =	sbarrier.arrive $0xFFFF  }
0x49: {  	v2 =	vld [tilespmem:$0x5F80]  }
0x4a: {  	v5 =	vld [tilespmem:$0x5F90]  }
0x4b: {  	v3 =	vld [tilespmem:$0x5FA0]  }
0x4c: {  	v6 =	vld [tilespmem:$0x5FB0]  }
0x4d: {  	s11 =	simm.s32 $0x0;
	v4 =	vld [tilespmem:$0x5FC0];
	s1 =	rddreg [dreg:$0x7]  }
0x4e: {  	v7 =	vld [tilespmem:$0x5FD0];
	[tilespmem:s11], [sflag:$0x1] =	stream.linear.gather [hbm4b:s1+s11], $0x80, $0x38  }
0x4f: {  	s6 =	simm.s32 $0x100;
	s30 =	sadd.s32 $0x10, s1  }
0x50: {  	[tilespmem:s6], [sflag:$0x1] =	stream.linear.gather [hbm4b:s30+s11], $0x80, $0x38;
	[tilespmem:$0xE000] =	vst v63  }
0x51: {  	s22 =	simm.s32 $0x200;
	s20 =	sadd.s32 $0x20, s1  }
0x52: {  	[tilespmem:s22], [sflag:$0x1] =	stream.linear.gather [hbm4b:s20+s11], $0x80, $0x38;
	[tilespmem:$0xE000] =	vst v63  }
0x53: {  	s28 =	sadd.s32 $0x30, s1;
	s30 =	simm.s32 $0x300  }
0x54: {  	[tilespmem:s30], [sflag:$0x1] =	stream.linear.gather [hbm4b:s28+s11], $0x80, $0x38;
	[tilespmem:$0xE000] =	vst v63  }
0x55: {  	s6 =	sadd.s32 $0x40, s1;
	s20 =	simm.s32 $0x400  }
0x56: {  	[tilespmem:s20], [sflag:$0x1] =	stream.linear.gather [hbm4b:s6+s11], $0x80, $0x38;
	[tilespmem:$0xE000] =	vst v63  }
0x57: {  	s1 =	rddreg [dreg:$0x8];
	s22 =	simm.s32 $0x500  }
0x58: {  	[tilespmem:s22], [sflag:$0x1] =	stream.linear.gather [hbm4b:s1+s11], $0x80, $0x38;
	[tilespmem:$0xE000] =	vst v63  }
0x59: {  	s28 =	sadd.s32 $0x10, s1;
	s30 =	simm.s32 $0x600  }
0x5a: {  	[tilespmem:s30], [sflag:$0x1] =	stream.linear.gather [hbm4b:s28+s11], $0x80, $0x38;
	[tilespmem:$0xE000] =	vst v63  }
0x5b: {  	s20 =	sadd.s32 $0x20, s1;
	s22 =	simm.s32 $0x700  }
0x5c: {  	[tilespmem:s22], [sflag:$0x1] =	stream.linear.gather [hbm4b:s20+s11], $0x80, $0x38;
	[tilespmem:$0xE000] =	vst v63  }
0x5d: {  	s28 =	sadd.s32 $0x30, s1;
	s30 =	simm.s32 $0x800  }
0x5e: {  	[tilespmem:s30], [sflag:$0x1] =	stream.linear.gather [hbm4b:s28+s11], $0x80, $0x38;
	[tilespmem:$0xE000] =	vst v63  }
0x5f: {  	s6 =	simm.s32 $0x900;
	s1 =	sadd.s32 $0x40, s1  }
0x60: {  	(erf) = vrcp.f32 v5;
	[tilespmem:s6], [sflag:$0x1] =	stream.linear.gather [hbm4b:s1+s11], $0x80, $0x38;
	[tilespmem:$0xE000] =	vst v63  }
0x61: {  	s13 =	simm.s32 $0xA00;
	(erf) = vrcp.f32 v6;
	s1 =	rddreg [dreg:$0x9]  }
0x62: {  	(erf) = vrcp.f32 v7;
	[tilespmem:s13], [sflag:$0x1] =	stream.linear.gather [hbm4b:s1+s11], $0x80, $0x38;
	[tilespmem:$0xE000] =	vst v63  }
0x63: {  	s22 =	simm.s32 $0xB00;
	s20 =	sadd.s32 $0x10, s1  }
0x64: {  	[tilespmem:s22], [sflag:$0x1] =	stream.linear.gather [hbm4b:s20+s11], $0x80, $0x38;
	[tilespmem:$0xE000] =	vst v63  }
0x65: {  	s30 =	simm.s32 $0xC00;
	s28 =	sadd.s32 $0x20, s1  }
0x66: {  	[tilespmem:s30], [sflag:$0x1] =	stream.linear.gather [hbm4b:s28+s11], $0x80, $0x38;
	[tilespmem:$0xE000] =	vst v63  }
.Ltmp3:
0x67: {  	_ = 	snop;
	(pc) =	sbr.rel .LBB2_4-.Ltmp3, $4  }
0x68: {  	s13 =	rddreg [dreg:$0xe];
	s20 =	sadd.s32 $0x30, s1;
	s22 =	simm.s32 $0xD00  }
0x69: {  	v5 =	vpop (erf);
	[tilespmem:s22], [sflag:$0x1] =	stream.linear.gather [hbm4b:s20+s11], $0x80, $0x38;
	[tilespmem:$0xE000] =	vst v63  }
0x6a: {  	v6 =	vpop (erf);
	s28 =	sadd.s32 $0x40, s1;
	s30 =	simm.s32 $0xE00;
	s20 =	rddreg [dreg:$0xd]  }
0x6b: {  	v7 =	vpop (erf);
	[tilespmem:s30], [sflag:$0x1] =	stream.linear.gather [hbm4b:s28+s11], $0x80, $0x38;
	[tilespmem:$0xE000] =	vst v63  }
.LBB2_6:
0x6c: {  	_ =	swait.ge [sflag:s9], $0x80  }
0x6d: {  	[sflag:s9] =	ssyncset.done $0x0  }
0x6e: {  	[sflag:s9] =	ssyncadd.s32 $0xFFFFFF80  }
0x6f: {  	_ =	swait.ge [sflag:s9], $0x80  }
0x70: {  	[sflag:s9] =	ssyncset.done $0x0  }
0x71: {  	[sflag:s9] =	ssyncadd.s32 $0xFFFFFF80  }
0x72: {  	_ =	swait.ge [sflag:s9], $0x80  }
0x73: {  	[sflag:s9] =	ssyncset.done $0x0  }
0x74: {  	[sflag:s9] =	ssyncadd.s32 $0xFFFFFF80  }
0x75: {  	_ =	swait.ge [sflag:s9], $0x80  }
0x76: {  	[sflag:s9] =	ssyncset.done $0x0  }
0x77: {  	[sflag:s9] =	ssyncadd.s32 $0xFFFFFF80  }
0x78: {  	_ =	swait.ge [sflag:s9], $0x80  }
0x79: {  	[sflag:s9] =	ssyncset.done $0x0  }
0x7a: {  	[sflag:s9] =	ssyncadd.s32 $0xFFFFFF80  }
0x7b: {  	_ =	swait.ge [sflag:s9], $0x80  }
0x7c: {  	[sflag:s9] =	ssyncset.done $0x0  }
0x7d: {  	[sflag:s9] =	ssyncadd.s32 $0xFFFFFF80  }
0x7e: {  	_ =	swait.ge [sflag:s9], $0x80  }
0x7f: {  	[sflag:s9] =	ssyncset.done $0x0  }
0x80: {  	[sflag:s9] =	ssyncadd.s32 $0xFFFFFF80  }
0x81: {  	_ =	swait.ge [sflag:s9], $0x80  }
0x82: {  	[sflag:s9] =	ssyncset.done $0x0  }
0x83: {  	s11 =	sadd.s32 $0x1400, s11;
	[sflag:s9] =	ssyncadd.s32 $0xFFFFFF80  }
0x84: {  	p0 =	sne.s32 s11, $0x3D400;
	_ =	swait.ge [sflag:s9], $0x80  }
.Ltmp4:
0x85: {  	[sflag:s9] =	ssyncset.done $0x0;
	(pc) =	sbr.rel @!p0 .LBB2_7-.Ltmp4, $4  }
0x86: {  	[sflag:s9] =	ssyncadd.s32 $0xFFFFFF80  }
0x87: {  	_ =	swait.ge [sflag:s9], $0x80  }
0x88: {  	[sflag:s9] =	ssyncset.done $0x0  }
0x89: {  	s20 =	sadd.s32 $0x40, s20;
	s13 =	sadd.s32 $0xA000, s13;
	[sflag:s9] =	ssyncadd.s32 $0xFFFFFF80  }
.LBB2_4:
0x8a: {  	p0 =	sgt.u32 s20, $0xC34  }
0x8b: {  	s1 =	sadd.s32 @!p0 s11, s17;
	s22 =	simm.s32 @!p0 $0x0;
	s28 =	simm.s32 @!p0 $0x80  }
0x8c: {  	[tilespmem:s28], [sflag:$0x2] =	stream.linear.gather @!p0 [hbm4b:s1+s22], $0x80, $0x38;
	[tilespmem:$0xE000] =	vst v63  }
0x8d: {  	s30 =	simm.s32 @!p0 $0x180;
	s28 =	sadd.s32 @!p0 $0x10, s1  }
0x8e: {  	[tilespmem:s30], [sflag:$0x2] =	stream.linear.gather @!p0 [hbm4b:s28+s22], $0x80, $0x38;
	[tilespmem:$0xE000] =	vst v63  }
0x8f: {  	s28 =	sadd.s32 @!p0 $0x20, s1;
	s30 =	simm.s32 @!p0 $0x280  }
0x90: {  	[tilespmem:s30], [sflag:$0x2] =	stream.linear.gather @!p0 [hbm4b:s28+s22], $0x80, $0x38;
	[tilespmem:$0xE000] =	vst v63  }
0x91: {  	s28 =	sadd.s32 @!p0 $0x30, s1;
	s30 =	simm.s32 @!p0 $0x380  }
0x92: {  	[tilespmem:s30], [sflag:$0x2] =	stream.linear.gather @!p0 [hbm4b:s28+s22], $0x80, $0x38;
	[tilespmem:$0xE000] =	vst v63  }
0x93: {  	s1 =	sadd.s32 @!p0 $0x40, s1;
	s28 =	simm.s32 @!p0 $0x480  }
0x94: {  	[tilespmem:s28], [sflag:$0x2] =	stream.linear.gather @!p0 [hbm4b:s1+s22], $0x80, $0x38;
	[tilespmem:$0xE000] =	vst v63  }
0x95: {  	s1 =	sadd.s32 @!p0 s11, s18;
	s28 =	simm.s32 @!p0 $0x580  }
0x96: {  	[tilespmem:s28], [sflag:$0x2] =	stream.linear.gather @!p0 [hbm4b:s1+s22], $0x80, $0x38;
	[tilespmem:$0xE000] =	vst v63  }
0x97: {  	s30 =	simm.s32 @!p0 $0x680;
	s28 =	sadd.s32 @!p0 $0x10, s1  }
0x98: {  	[tilespmem:s30], [sflag:$0x2] =	stream.linear.gather @!p0 [hbm4b:s28+s22], $0x80, $0x38;
	[tilespmem:$0xE000] =	vst v63  }
0x99: {  	s28 =	sadd.s32 @!p0 $0x20, s1;
	s30 =	simm.s32 @!p0 $0x780  }
0x9a: {  	[tilespmem:s30], [sflag:$0x2] =	stream.linear.gather @!p0 [hbm4b:s28+s22], $0x80, $0x38;
	[tilespmem:$0xE000] =	vst v63  }
0x9b: {  	s28 =	sadd.s32 @!p0 $0x30, s1;
	s30 =	simm.s32 @!p0 $0x880  }
0x9c: {  	[tilespmem:s30], [sflag:$0x2] =	stream.linear.gather @!p0 [hbm4b:s28+s22], $0x80, $0x38;
	[tilespmem:$0xE000] =	vst v63  }
0x9d: {  	s1 =	sadd.s32 @!p0 $0x40, s1;
	s28 =	simm.s32 @!p0 $0x980  }
0x9e: {  	[tilespmem:s28], [sflag:$0x2] =	stream.linear.gather @!p0 [hbm4b:s1+s22], $0x80, $0x38;
	[tilespmem:$0xE000] =	vst v63  }
0x9f: {  	s1 =	sadd.s32 @!p0 s11, s19;
	s28 =	simm.s32 @!p0 $0xA80  }
0xa0: {  	[tilespmem:s28], [sflag:$0x2] =	stream.linear.gather @!p0 [hbm4b:s1+s22], $0x80, $0x38;
	[tilespmem:$0xE000] =	vst v63  }
0xa1: {  	s30 =	simm.s32 @!p0 $0xB80;
	s28 =	sadd.s32 @!p0 $0x10, s1  }
0xa2: {  	[tilespmem:s30], [sflag:$0x2] =	stream.linear.gather @!p0 [hbm4b:s28+s22], $0x80, $0x38;
	[tilespmem:$0xE000] =	vst v63  }
0xa3: {  	s28 =	sadd.s32 @!p0 $0x20, s1;
	s30 =	simm.s32 @!p0 $0xC80  }
0xa4: {  	[tilespmem:s30], [sflag:$0x2] =	stream.linear.gather @!p0 [hbm4b:s28+s22], $0x80, $0x38;
	[tilespmem:$0xE000] =	vst v63  }
0xa5: {  	s28 =	sadd.s32 @!p0 $0x30, s1;
	s30 =	simm.s32 @!p0 $0xD80  }
0xa6: {  	[tilespmem:s30], [sflag:$0x2] =	stream.linear.gather @!p0 [hbm4b:s28+s22], $0x80, $0x38;
	[tilespmem:$0xE000] =	vst v63  }
0xa7: {  	s1 =	sadd.s32 @!p0 $0x40, s1;
	s28 =	simm.s32 @!p0 $0xE80  }
0xa8: {  	[tilespmem:s28], [sflag:$0x2] =	stream.linear.gather @!p0 [hbm4b:s1+s22], $0x80, $0x38;
	[tilespmem:$0xE000] =	vst v63  }
0xa9: {  	_ =	swait.ge [sflag:s31], $0x280  }
0xaa: {  	[sflag:s31] =	ssyncset.done $0x0  }
0xab: {  	[sflag:s31] =	ssyncadd.s32 $0xFFFFFD80  }
0xac: {  	_ =	swait.ge [sflag:s31], $0x280  }
0xad: {  	[sflag:s31] =	ssyncset.done $0x0  }
0xae: {  	[sflag:s31] =	ssyncadd.s32 $0xFFFFFD80  }
0xaf: {  	_ =	swait.ge [sflag:s31], $0x280  }
0xb0: {  	[sflag:s31] =	ssyncset.done $0x0  }
0xb1: {  	[sflag:s31] =	ssyncadd.s32 $0xFFFFFD80  }
0xb2: {  	v8 =	vld [tilespmem:$0x0]  }
0xb3: {  	v9 =	vld [tilespmem:$0x500]  }
0xb4: {  	v10 =	vld [tilespmem:$0xA00]  }
0xb5: {  	v11 =	vld [tilespmem:$0x510]  }
0xb6: {  	v12 =	vld [tilespmem:$0x10]  }
0xb7: {  	v13 =	vld [tilespmem:$0x20]  }
0xb8: {  	v14 =	vld [tilespmem:$0xA10]  }
0xb9: {  	v15 =	vld [tilespmem:$0x520]  }
0xba: {  	v46 =	vld [tilespmem:$0xA20]  }
0xbb: {  	v16 =	vld [tilespmem:$0x30]  }
0xbc: {  	v17 =	vld [tilespmem:$0x530]  }
0xbd: {  	v18 =	vld [tilespmem:$0x540]  }
0xbe: {  	v19 =	vld [tilespmem:$0xA30];
	v8 =	vsub.f32 v8, v2;
	v9 =	vsub.f32 v9, v3  }
0xbf: {  	v20 =	vld [tilespmem:$0x550];
	v10 =	vsub.f32 v10, v4;
	v11 =	vsub.f32 v11, v3  }
0xc0: {  	v21 =	vld [tilespmem:$0xA40];
	v12 =	vsub.f32 v12, v2;
	v13 =	vsub.f32 v13, v2  }
0xc1: {  	v22 =	vld [tilespmem:$0xA50];
	v45 =	vsub.f32 v14, v4;
	v15 =	vsub.f32 v15, v3  }
0xc2: {  	v53 =	vld [tilespmem:$0x560];
	v16 =	vsub.f32 v16, v2;
	v14 =	vsub.f32 v46, v4  }
0xc3: {  	v23 =	vld [tilespmem:$0x60];
	v17 =	vsub.f32 v17, v3;
	v18 =	vsub.f32 v18, v3  }
0xc4: {  	v56 =	vld [tilespmem:$0xA60];
	v19 =	vsub.f32 v19, v4;
	v20 =	vsub.f32 v20, v3;
	v8 =	vmul.f32 $5.110000000e+02, v8  }
0xc5: {  	v24 =	vld [tilespmem:$0x570];
	v52 =	vsub.f32 v21, v4;
	v9 =	vmul.f32 $5.110000000e+02, v9;
	v10 =	vmul.f32 $2.550000000e+02, v10  }
0xc6: {  	v55 =	vsub.f32 v22, v4;
	v11 =	vmul.f32 $5.110000000e+02, v11;
	v12 =	vmul.f32 $5.110000000e+02, v12  }
0xc7: {  	v21 =	vsub.f32 v53, v3;
	v13 =	vmul.f32 $5.110000000e+02, v13;
	v15 =	vmul.f32 $5.110000000e+02, v15  }
0xc8: {  	v23 =	vsub.f32 v23, v2;
	v16 =	vmul.f32 $5.110000000e+02, v16;
	v14 =	vmul.f32 $2.550000000e+02, v14  }
0xc9: {  	v22 =	vsub.f32 v56, v4;
	v17 =	vmul.f32 $5.110000000e+02, v17;
	v50 =	vmul.f32 $5.110000000e+02, v18  }
0xca: {  	v58 =	vsub.f32 v24, v3;
	v19 =	vmul.f32 $2.550000000e+02, v19;
	v20 =	vmul.f32 $5.110000000e+02, v20  }
0xcb: {  	v51 =	vld [tilespmem:$0x50];
	v21 =	vmul.f32 $5.110000000e+02, v21;
	v23 =	vmul.f32 $5.110000000e+02, v23  }
0xcc: {  	v22 =	vmul.f32 $2.550000000e+02, v22;
	v62 =	vmul.f32 $5.110000000e+02, v58  }
0xcd: {  	v8 =	vmul.f32 v8, v5;
	v9 =	vmul.f32 v9, v6  }
0xce: {  	v10 =	vmul.f32 v10, v7;
	v11 =	vmul.f32 v11, v6  }
0xcf: {  	v12 =	vmul.f32 v12, v5;
	v13 =	vmul.f32 v13, v5  }
0xd0: {  	v18 =	vsub.f32 v51, v2;
	v47 =	vmul.f32 v15, v6;
	v16 =	vmul.f32 v16, v5  }
0xd1: {  	v48 =	vld [tilespmem:$0x40];
	v14 =	vmul.f32 v14, v7;
	v17 =	vmul.f32 v17, v6  }
0xd2: {  	v19 =	vmul.f32 v19, v7;
	v18 =	vmul.f32 $5.110000000e+02, v18  }
0xd3: {  	v54 =	vmul.f32 v20, v6;
	v20 =	vmul.f32 $2.550000000e+02, v55  }
0xd4: {  	v57 =	vmul.f32 v21, v6;
	v59 =	vmul.f32 v23, v5  }
0xd5: {  	v23 =	vmul.f32 v22, v7;
	v8 =	vtrunc.f32 v8  }
0xd6: {  	v15 =	vsub.f32 v48, v2;
	v9 =	vtrunc.f32 v9;
	v11 =	vtrunc.f32 v11  }
0xd7: {  	v12 =	vtrunc.f32 v12;
	v13 =	vtrunc.f32 v13  }
0xd8: {  	v16 =	vtrunc.f32 v16;
	v15 =	vmul.f32 $5.110000000e+02, v15  }
0xd9: {  	v17 =	vtrunc.f32 v17;
	v18 =	vmul.f32 v18, v5  }
0xda: {  	v20 =	vmul.f32 v20, v7;
	v61 =	vtrunc.f32 v57  }
0xdb: {  	[tilespmem:$0x1700] =	vst v10;
	v10 =	vtrunc.f32 v59;
	v9 =	vcvt.f32.s32 v9  }
0xdc: {  	v8 =	vcvt.f32.s32 v8;
	v11 =	vcvt.f32.s32 v11  }
0xdd: {  	v25 =	vld [tilespmem:$0x70];
	v12 =	vcvt.f32.s32 v12;
	v13 =	vcvt.f32.s32 v13  }
0xde: {  	v16 =	vcvt.f32.s32 v16;
	v17 =	vcvt.f32.s32 v17;
	vm10 =	vlt.s32 v11, $0x1FF  }
0xdf: {  	v63 =	vcvt.f32.s32 v61;
	vm11 =	vlt.s32 v12, $0x1FF;
	v11 =	vnsel vm10, $0x1FF, v11  }
0xe0: {  	v10 =	vcvt.f32.s32 v10;
	v12 =	vnsel vm11, $0x1FF, v12;
	v11 =	vshll.u32 v11, $0x9  }
0xe1: {  	v49 =	vmul.f32 v15, v5;
	v11 =	vsub.s32 v12, v11;
	v12 =	vtrunc.f32 v47  }
0xe2: {  	v60 =	vsub.f32 v25, v2;
	v15 =	vmul.f32 v50, v6;
	v12 =	vcvt.f32.s32 v12  }
0xe3: {  	v21 =	vld [tilespmem:$0xA70];
	v18 =	vtrunc.f32 v18;
	vm0 =	vlt.s32 v9, $0x1FF;
	vm9 =	vlt.s32 v8, $0x1FF  }
0xe4: {  	vm12 =	vlt.s32 v13, $0x1FF;
	vm14 =	vlt.s32 v16, $0x1FF;
	vm13 =	vlt.s32 v12, $0x1FF  }
0xe5: {  	vm15 =	vlt.s32 v17, $0x1FF;
	v18 =	vcvt.f32.s32 v18;
	v12 =	vnsel vm13, $0x1FF, v12  }
0xe6: {  	v13 =	vnsel vm12, $0x1FF, v13;
	v15 =	vtrunc.f32 v15;
	v12 =	vshll.u32 v12, $0x9  }
0xe7: {  	v15 =	vcvt.f32.s32 v15;
	v12 =	vsub.s32 v13, v12;
	v13 =	vtrunc.f32 v49  }
0xe8: {  	vm8 =	vlt.s32 v63, $0x1FF;
	v24 =	vsub.f32 v21, v4;
	v13 =	vcvt.f32.s32 v13  }
0xe9: {  	v9 =	vnsel vm0, $0x1FF, v9;
	v8 =	vnsel vm9, $0x1FF, v8;
	vm5 =	vlt.s32 v15, $0x1FF  }
0xea: {  	v16 =	vnsel vm14, $0x1FF, v16;
	v15 =	vnsel vm5, $0x1FF, v15;
	vm4 =	vlt.s32 v13, $0x1FF  }
0xeb: {  	v17 =	vnsel vm15, $0x1FF, v17;
	v15 =	vshll.u32 v15, $0x9;
	v13 =	vnsel vm4, $0x1FF, v13  }
0xec: {  	vm9 =	vlt.s32 v10, $0x1FF;
	v13 =	vsub.s32 v13, v15;
	v15 =	vtrunc.f32 v54  }
0xed: {  	v9 =	vshll.u32 v9, $0x9;
	v17 =	vshll.u32 v17, $0x9;
	v15 =	vcvt.f32.s32 v15  }
0xee: {  	vm6 =	vlt.s32 v18, $0x1FF;
	v10 =	vnsel vm9, $0x1FF, v10;
	v8 =	vsub.s32 v8, v9  }
0xef: {  	[tilespmem:$0x1720] =	vst v14;
	v9 =	vmul.f32 $2.550000000e+02, v45;
	v8 =	vadd.s32 $0x3FE00, v8;
	vm7 =	vlt.s32 v15, $0x1FF  }
0xf0: {  	v16 =	vsub.s32 v16, v17;
	v17 =	vmul.f32 $2.550000000e+02, v52;
	[tilespmem:$0xF00] =	vst v8;
	v8 =	vnsel vm7, $0x1FF, v15  }
0xf1: {  	[tilespmem:$0x1730] =	vst v19;
	v18 =	vnsel vm6, $0x1FF, v18;
	v9 =	vmul.f32 v9, v7;
	v8 =	vshll.u32 v8, $0x9  }
0xf2: {  	[tilespmem:$0x1760] =	vst v23;
	v11 =	vadd.s32 $0x3FE00, v11;
	v8 =	vsub.s32 v18, v8;
	v18 =	vmul.f32 $5.110000000e+02, v60  }
0xf3: {  	v16 =	vadd.s32 $0x3FE00, v16;
	[tilespmem:$0x1710] =	vst v9;
	v9 =	vnsel vm8, $0x1FF, v63;
	v15 =	vmul.f32 v62, v6  }
0xf4: {  	v17 =	vmul.f32 v17, v7;
	[tilespmem:$0xF10] =	vst v11;
	v9 =	vshll.u32 v9, $0x9;
	v11 =	vmul.f32 v18, v5  }
0xf5: {  	[tilespmem:$0x1750] =	vst v20;
	v9 =	vsub.s32 v10, v9;
	v10 =	vmul.f32 $2.550000000e+02, v24;
	v15 =	vtrunc.f32 v15  }
0xf6: {  	[tilespmem:$0xF30] =	vst v16;
	v15 =	vcvt.f32.s32 v15;
	v11 =	vtrunc.f32 v11  }
0xf7: {  	[tilespmem:$0x1740] =	vst v17;
	v12 =	vadd.s32 $0x3FE00, v12;
	v26 =	vmul.f32 v10, v7;
	v11 =	vcvt.f32.s32 v11  }
0xf8: {  	[tilespmem:$0xF20] =	vst v12;
	vm10 =	vlt.s32 v15, $0x1FF  }
0xf9: {  	[tilespmem:$0x1770] =	vst v26;
	v8 =	vadd.s32 $0x3FE00, v8;
	v25 =	vnsel vm10, $0x1FF, v15;
	vm11 =	vlt.s32 v11, $0x1FF  }
0xfa: {  	[tilespmem:$0xF50] =	vst v8;
	v8 =	vadd.s32 $0x3FE00, v9;
	v9 =	vshll.u32 v25, $0x9;
	v11 =	vnsel vm11, $0x1FF, v11  }
0xfb: {  	v13 =	vadd.s32 $0x3FE00, v13;
	[tilespmem:$0xF60] =	vst v8;
	v8 =	vsub.s32 v11, v9  }
0xfc: {  	[tilespmem:$0xF40] =	vst v13;
	v8 =	vadd.s32 $0x3FE00, v8  }
0xfd: {  	s6 =	simm.s32 $0x1700;
	[tilespmem:$0xF70] =	vst v8  }
0xfe: {  	[spmem:s3] =	stream.indirect.scatter.add.f32 [tilespmem:s6], [sflag:$0x3], $0x1, s2, s0, $0xb8;
	[tilespmem:$0xE000] =	vst v63  }
0xff: {  	_ = 	snop  }
0x100: {  	[spmem:s4] =	stream.indirect.scatter.add.f32 [tilespmem:s25], [sflag:$0x3], $0x1, s2, s0, $0xb8;
	[tilespmem:$0xE000] =	vst v63  }
0x101: {  	v8 =	vld [tilespmem:$0x100]  }
0x102: {  	v27 =	vld [tilespmem:$0x600]  }
0x103: {  	v28 =	vld [tilespmem:$0xB00]  }
0x104: {  	v29 =	vld [tilespmem:$0x610]  }
0x105: {  	v30 =	vld [tilespmem:$0x110]  }
0x106: {  	v31 =	vld [tilespmem:$0x120]  }
0x107: {  	v33 =	vld [tilespmem:$0x620]  }
0x108: {  	v35 =	vld [tilespmem:$0xB20]  }
0x109: {  	v36 =	vld [tilespmem:$0x130]  }
0x10a: {  	v37 =	vld [tilespmem:$0x630]  }
0x10b: {  	v40 =	vld [tilespmem:$0x640];
	v8 =	vsub.f32 v8, v2  }
0x10c: {  	v41 =	vld [tilespmem:$0xB30];
	v9 =	vsub.f32 v27, v3;
	v10 =	vsub.f32 v28, v4  }
0x10d: {  	v45 =	vld [tilespmem:$0x650];
	v11 =	vsub.f32 v29, v3;
	v12 =	vsub.f32 v30, v2  }
0x10e: {  	v49 =	vld [tilespmem:$0x660];
	v13 =	vsub.f32 v31, v2;
	v15 =	vsub.f32 v33, v3  }
0x10f: {  	v50 =	vld [tilespmem:$0x160];
	v16 =	vsub.f32 v36, v2;
	v14 =	vsub.f32 v35, v4  }
0x110: {  	v53 =	vld [tilespmem:$0xB60];
	v17 =	vsub.f32 v37, v3;
	v18 =	vsub.f32 v40, v3;
	v8 =	vmul.f32 $5.110000000e+02, v8  }
0x111: {  	v54 =	vld [tilespmem:$0x670];
	v19 =	vsub.f32 v41, v4;
	v9 =	vmul.f32 $5.110000000e+02, v9;
	v10 =	vmul.f32 $2.550000000e+02, v10  }
0x112: {  	v55 =	vld [tilespmem:$0x170];
	v20 =	vsub.f32 v45, v3;
	v11 =	vmul.f32 $5.110000000e+02, v11;
	v12 =	vmul.f32 $5.110000000e+02, v12  }
0x113: {  	v21 =	vsub.f32 v49, v3;
	v13 =	vmul.f32 $5.110000000e+02, v13;
	v15 =	vmul.f32 $5.110000000e+02, v15  }
0x114: {  	v23 =	vsub.f32 v50, v2;
	v16 =	vmul.f32 $5.110000000e+02, v16;
	v14 =	vmul.f32 $2.550000000e+02, v14  }
0x115: {  	v22 =	vsub.f32 v53, v4;
	v17 =	vmul.f32 $5.110000000e+02, v17;
	v43 =	vmul.f32 $5.110000000e+02, v18  }
0x116: {  	v57 =	vsub.f32 v54, v3;
	v19 =	vmul.f32 $2.550000000e+02, v19;
	v20 =	vmul.f32 $5.110000000e+02, v20  }
0x117: {  	v59 =	vsub.f32 v55, v2;
	v21 =	vmul.f32 $5.110000000e+02, v21;
	v23 =	vmul.f32 $5.110000000e+02, v23  }
0x118: {  	v44 =	vld [tilespmem:$0x150];
	v22 =	vmul.f32 $2.550000000e+02, v22;
	v61 =	vmul.f32 $5.110000000e+02, v57  }
0x119: {  	v47 =	vld [tilespmem:$0xB50];
	v63 =	vmul.f32 $5.110000000e+02, v59;
	v8 =	vmul.f32 v8, v5  }
0x11a: {  	v9 =	vmul.f32 v9, v6;
	v10 =	vmul.f32 v10, v7  }
0x11b: {  	v11 =	vmul.f32 v11, v6;
	v12 =	vmul.f32 v12, v5  }
0x11c: {  	v13 =	vmul.f32 v13, v5;
	v38 =	vmul.f32 v15, v6  }
0x11d: {  	v18 =	vsub.f32 v44, v2;
	v16 =	vmul.f32 v16, v5;
	v14 =	vmul.f32 v14, v7  }
0x11e: {  	v39 =	vld [tilespmem:$0x140];
	v52 =	vsub.f32 v47, v4;
	v17 =	vmul.f32 v17, v6;
	v19 =	vmul.f32 v19, v7  }
0x11f: {  	v18 =	vmul.f32 $5.110000000e+02, v18;
	v51 =	vmul.f32 v20, v6  }
0x120: {  	v20 =	vmul.f32 $2.550000000e+02, v52;
	v56 =	vmul.f32 v21, v6  }
0x121: {  	v58 =	vmul.f32 v23, v5;
	v21 =	vmul.f32 v22, v7  }
0x122: {  	v8 =	vtrunc.f32 v8;
	v9 =	vtrunc.f32 v9  }
0x123: {  	v15 =	vsub.f32 v39, v2;
	v11 =	vtrunc.f32 v11;
	v12 =	vtrunc.f32 v12  }
0x124: {  	v32 =	vld [tilespmem:$0xB10];
	v13 =	vtrunc.f32 v13;
	v16 =	vtrunc.f32 v16  }
0x125: {  	v15 =	vmul.f32 $5.110000000e+02, v15;
	v17 =	vtrunc.f32 v17  }
0x126: {  	v18 =	vmul.f32 v18, v5;
	v20 =	vmul.f32 v20, v7  }
0x127: {  	[tilespmem:$0x1780] =	vst v10;
	v60 =	vtrunc.f32 v56;
	v10 =	vtrunc.f32 v58  }
0x128: {  	v9 =	vcvt.f32.s32 v9;
	v11 =	vcvt.f32.s32 v11  }
0x129: {  	v46 =	vld [tilespmem:$0xB40];
	v34 =	vsub.f32 v32, v4;
	v8 =	vcvt.f32.s32 v8;
	v12 =	vcvt.f32.s32 v12  }
0x12a: {  	v13 =	vcvt.f32.s32 v13;
	v16 =	vcvt.f32.s32 v16;
	vm14 =	vlt.s32 v11, $0x1FF  }
0x12b: {  	v17 =	vcvt.f32.s32 v17;
	vm15 =	vlt.s32 v12, $0x1FF;
	v11 =	vnsel vm14, $0x1FF, v11  }
0x12c: {  	v62 =	vcvt.f32.s32 v60;
	v12 =	vnsel vm15, $0x1FF, v12;
	v11 =	vshll.u32 v11, $0x9  }
0x12d: {  	v10 =	vcvt.f32.s32 v10;
	v11 =	vsub.s32 v12, v11;
	v12 =	vtrunc.f32 v38  }
0x12e: {  	v48 =	vsub.f32 v46, v4;
	v42 =	vmul.f32 v15, v5;
	v12 =	vcvt.f32.s32 v12  }
0x12f: {  	v15 =	vmul.f32 v43, v6;
	v18 =	vtrunc.f32 v18;
	vm12 =	vlt.s32 v9, $0x1FF  }
0x130: {  	vm13 =	vlt.s32 v8, $0x1FF;
	vm4 =	vlt.s32 v13, $0x1FF;
	vm5 =	vlt.s32 v12, $0x1FF  }
0x131: {  	vm6 =	vlt.s32 v16, $0x1FF;
	vm7 =	vlt.s32 v17, $0x1FF;
	v12 =	vnsel vm5, $0x1FF, v12  }
0x132: {  	v13 =	vnsel vm4, $0x1FF, v13;
	v15 =	vtrunc.f32 v15;
	v12 =	vshll.u32 v12, $0x9  }
0x133: {  	v15 =	vcvt.f32.s32 v15;
	v12 =	vsub.s32 v13, v12;
	v13 =	vtrunc.f32 v42  }
0x134: {  	v18 =	vcvt.f32.s32 v18;
	v9 =	vnsel vm12, $0x1FF, v9;
	v13 =	vcvt.f32.s32 v13  }
0x135: {  	v8 =	vnsel vm13, $0x1FF, v8;
	v16 =	vnsel vm6, $0x1FF, v16;
	vm9 =	vlt.s32 v15, $0x1FF  }
0x136: {  	v17 =	vnsel vm7, $0x1FF, v17;
	v15 =	vnsel vm9, $0x1FF, v15;
	vm8 =	vlt.s32 v13, $0x1FF  }
0x137: {  	vm12 =	vlt.s32 v62, $0x1FF;
	v15 =	vshll.u32 v15, $0x9;
	v13 =	vnsel vm8, $0x1FF, v13  }
0x138: {  	vm13 =	vlt.s32 v10, $0x1FF;
	v13 =	vsub.s32 v13, v15;
	v15 =	vtrunc.f32 v51  }
0x139: {  	v9 =	vshll.u32 v9, $0x9;
	v17 =	vshll.u32 v17, $0x9;
	v15 =	vcvt.f32.s32 v15  }
0x13a: {  	vm10 =	vlt.s32 v18, $0x1FF;
	v8 =	vsub.s32 v8, v9;
	v9 =	vmul.f32 $2.550000000e+02, v34  }
0x13b: {  	[tilespmem:$0x17A0] =	vst v14;
	v16 =	vsub.s32 v16, v17;
	v8 =	vadd.s32 $0x3FE00, v8;
	vm11 =	vlt.s32 v15, $0x1FF  }
0x13c: {  	v17 =	vmul.f32 $2.550000000e+02, v48;
	v18 =	vnsel vm10, $0x1FF, v18;
	[tilespmem:$0xF80] =	vst v8;
	v8 =	vnsel vm11, $0x1FF, v15  }
0x13d: {  	[tilespmem:$0x17B0] =	vst v19;
	v11 =	vadd.s32 $0x3FE00, v11;
	v9 =	vmul.f32 v9, v7;
	v8 =	vshll.u32 v8, $0x9  }
0x13e: {  	[tilespmem:$0xF90] =	vst v11;
	v11 =	vmul.f32 v63, v5;
	v15 =	vmul.f32 v61, v6;
	v8 =	vsub.s32 v18, v8;
	v18 =	vld [tilespmem:$0xB70]  }
0x13f: {  	[tilespmem:$0x17E0] =	vst v21;
	v10 =	vnsel vm13, $0x1FF, v10;
	v16 =	vadd.s32 $0x3FE00, v16;
	v17 =	vmul.f32 v17, v7  }
0x140: {  	[tilespmem:$0x1790] =	vst v9;
	v9 =	vnsel vm12, $0x1FF, v62;
	v11 =	vtrunc.f32 v11;
	v15 =	vtrunc.f32 v15  }
0x141: {  	[tilespmem:$0x17D0] =	vst v20;
	v9 =	vshll.u32 v9, $0x9;
	v11 =	vcvt.f32.s32 v11;
	v15 =	vcvt.f32.s32 v15  }
0x142: {  	[tilespmem:$0xFB0] =	vst v16;
	v9 =	vsub.s32 v10, v9;
	v12 =	vadd.s32 $0x3FE00, v12  }
0x143: {  	[tilespmem:$0x17C0] =	vst v17;
	vm15 =	vlt.s32 v11, $0x1FF;
	vm14 =	vlt.s32 v15, $0x1FF;
	v22 =	vsub.f32 v18, v4  }
0x144: {  	[tilespmem:$0xFA0] =	vst v12;
	v11 =	vnsel vm15, $0x1FF, v11;
	v8 =	vadd.s32 $0x3FE00, v8;
	v23 =	vnsel vm14, $0x1FF, v15  }
0x145: {  	[tilespmem:$0xFD0] =	vst v8;
	v8 =	vadd.s32 $0x3FE00, v9;
	v9 =	vshll.u32 v23, $0x9;
	v10 =	vmul.f32 $2.550000000e+02, v22  }
0x146: {  	v13 =	vadd.s32 $0x3FE00, v13;
	[tilespmem:$0xFE0] =	vst v8;
	v8 =	vsub.s32 v11, v9  }
0x147: {  	[tilespmem:$0xFC0] =	vst v13;
	v8 =	vadd.s32 $0x3FE00, v8;
	v24 =	vmul.f32 v10, v7  }
0x148: {  	[tilespmem:$0xFF0] =	vst v8  }
0x149: {  	s22 =	simm.s32 $0x1780;
	[tilespmem:$0x17F0] =	vst v24  }
0x14a: {  	[spmem:s3] =	stream.indirect.scatter.add.f32 [tilespmem:s22], [sflag:$0x3], $0x1, s26, s0, $0xb8;
	[tilespmem:$0xE000] =	vst v63  }
0x14b: {  	_ = 	snop  }
0x14c: {  	[spmem:s4] =	stream.indirect.scatter.add.f32 [tilespmem:s25], [sflag:$0x3], $0x1, s26, s0, $0xb8;
	[tilespmem:$0xE000] =	vst v63  }
0x14d: {  	v8 =	vld [tilespmem:$0x200]  }
0x14e: {  	v25 =	vld [tilespmem:$0x700]  }
0x14f: {  	v26 =	vld [tilespmem:$0xC00]  }
0x150: {  	v27 =	vld [tilespmem:$0x710]  }
0x151: {  	v28 =	vld [tilespmem:$0x210]  }
0x152: {  	v29 =	vld [tilespmem:$0x220]  }
0x153: {  	v31 =	vld [tilespmem:$0x720]  }
0x154: {  	v33 =	vld [tilespmem:$0xC20]  }
0x155: {  	v34 =	vld [tilespmem:$0x230]  }
0x156: {  	v35 =	vld [tilespmem:$0x730]  }
0x157: {  	v38 =	vld [tilespmem:$0x740];
	v8 =	vsub.f32 v8, v2  }
0x158: {  	v39 =	vld [tilespmem:$0xC30];
	v9 =	vsub.f32 v25, v3;
	v10 =	vsub.f32 v26, v4  }
0x159: {  	v43 =	vld [tilespmem:$0x750];
	v11 =	vsub.f32 v27, v3;
	v12 =	vsub.f32 v28, v2  }
0x15a: {  	v47 =	vld [tilespmem:$0x760];
	v13 =	vsub.f32 v29, v2;
	v15 =	vsub.f32 v31, v3  }
0x15b: {  	v48 =	vld [tilespmem:$0x260];
	v16 =	vsub.f32 v34, v2;
	v14 =	vsub.f32 v33, v4  }
0x15c: {  	v51 =	vld [tilespmem:$0xC60];
	v17 =	vsub.f32 v35, v3;
	v18 =	vsub.f32 v38, v3;
	v8 =	vmul.f32 $5.110000000e+02, v8  }
0x15d: {  	v52 =	vld [tilespmem:$0x770];
	v19 =	vsub.f32 v39, v4;
	v9 =	vmul.f32 $5.110000000e+02, v9;
	v10 =	vmul.f32 $2.550000000e+02, v10  }
0x15e: {  	v53 =	vld [tilespmem:$0x270];
	v20 =	vsub.f32 v43, v3;
	v11 =	vmul.f32 $5.110000000e+02, v11;
	v12 =	vmul.f32 $5.110000000e+02, v12  }
0x15f: {  	v21 =	vsub.f32 v47, v3;
	v13 =	vmul.f32 $5.110000000e+02, v13;
	v15 =	vmul.f32 $5.110000000e+02, v15  }
0x160: {  	v23 =	vsub.f32 v48, v2;
	v16 =	vmul.f32 $5.110000000e+02, v16;
	v14 =	vmul.f32 $2.550000000e+02, v14  }
0x161: {  	v22 =	vsub.f32 v51, v4;
	v17 =	vmul.f32 $5.110000000e+02, v17;
	v41 =	vmul.f32 $5.110000000e+02, v18  }
0x162: {  	v55 =	vsub.f32 v52, v3;
	v19 =	vmul.f32 $2.550000000e+02, v19;
	v20 =	vmul.f32 $5.110000000e+02, v20  }
0x163: {  	v57 =	vsub.f32 v53, v2;
	v21 =	vmul.f32 $5.110000000e+02, v21;
	v23 =	vmul.f32 $5.110000000e+02, v23  }
0x164: {  	v42 =	vld [tilespmem:$0x250];
	v22 =	vmul.f32 $2.550000000e+02, v22;
	v59 =	vmul.f32 $5.110000000e+02, v55  }
0x165: {  	v45 =	vld [tilespmem:$0xC50];
	v61 =	vmul.f32 $5.110000000e+02, v57;
	v8 =	vmul.f32 v8, v5  }
0x166: {  	v9 =	vmul.f32 v9, v6;
	v10 =	vmul.f32 v10, v7  }
0x167: {  	v11 =	vmul.f32 v11, v6;
	v12 =	vmul.f32 v12, v5  }
0x168: {  	v13 =	vmul.f32 v13, v5;
	v36 =	vmul.f32 v15, v6  }
0x169: {  	v18 =	vsub.f32 v42, v2;
	v16 =	vmul.f32 v16, v5;
	v14 =	vmul.f32 v14, v7  }
0x16a: {  	v37 =	vld [tilespmem:$0x240];
	v50 =	vsub.f32 v45, v4;
	v17 =	vmul.f32 v17, v6;
	v19 =	vmul.f32 v19, v7  }
0x16b: {  	v18 =	vmul.f32 $5.110000000e+02, v18;
	v49 =	vmul.f32 v20, v6  }
0x16c: {  	v20 =	vmul.f32 $2.550000000e+02, v50;
	v54 =	vmul.f32 v21, v6  }
0x16d: {  	v56 =	vmul.f32 v23, v5;
	v63 =	vmul.f32 v22, v7  }
0x16e: {  	v8 =	vtrunc.f32 v8;
	v9 =	vtrunc.f32 v9  }
0x16f: {  	v15 =	vsub.f32 v37, v2;
	v11 =	vtrunc.f32 v11;
	v12 =	vtrunc.f32 v12  }
0x170: {  	v13 =	vtrunc.f32 v13;
	v16 =	vtrunc.f32 v16  }
0x171: {  	v15 =	vmul.f32 $5.110000000e+02, v15;
	v17 =	vtrunc.f32 v17  }
0x172: {  	v30 =	vld [tilespmem:$0xC10];
	v18 =	vmul.f32 v18, v5;
	v20 =	vmul.f32 v20, v7  }
0x173: {  	v44 =	vld [tilespmem:$0xC40];
	[tilespmem:$0x1800] =	vst v10;
	v58 =	vtrunc.f32 v54;
	v10 =	vtrunc.f32 v56  }
0x174: {  	v9 =	vcvt.f32.s32 v9;
	v8 =	vcvt.f32.s32 v8  }
0x175: {  	v11 =	vcvt.f32.s32 v11;
	v12 =	vcvt.f32.s32 v12  }
0x176: {  	v13 =	vcvt.f32.s32 v13;
	v16 =	vcvt.f32.s32 v16  }
0x177: {  	v32 =	vsub.f32 v30, v4;
	v17 =	vcvt.f32.s32 v17;
	v60 =	vcvt.f32.s32 v58  }
0x178: {  	v46 =	vsub.f32 v44, v4;
	v10 =	vcvt.f32.s32 v10;
	v40 =	vmul.f32 v15, v5  }
0x179: {  	v15 =	vmul.f32 v41, v6;
	v18 =	vtrunc.f32 v18;
	vm6 =	vlt.s32 v11, $0x1FF  }
0x17a: {  	vm4 =	vlt.s32 v9, $0x1FF;
	vm7 =	vlt.s32 v12, $0x1FF;
	v11 =	vnsel vm6, $0x1FF, v11  }
0x17b: {  	vm5 =	vlt.s32 v8, $0x1FF;
	v12 =	vnsel vm7, $0x1FF, v12;
	v11 =	vshll.u32 v11, $0x9  }
0x17c: {  	vm8 =	vlt.s32 v13, $0x1FF;
	v11 =	vsub.s32 v12, v11;
	v12 =	vtrunc.f32 v36  }
0x17d: {  	vm10 =	vlt.s32 v16, $0x1FF;
	vm11 =	vlt.s32 v17, $0x1FF;
	v12 =	vcvt.f32.s32 v12  }
0x17e: {  	v18 =	vcvt.f32.s32 v18;
	v9 =	vnsel vm4, $0x1FF, v9;
	v8 =	vnsel vm5, $0x1FF, v8  }
0x17f: {  	v13 =	vnsel vm8, $0x1FF, v13;
	v16 =	vnsel vm10, $0x1FF, v16;
	vm9 =	vlt.s32 v12, $0x1FF  }
0x180: {  	v17 =	vnsel vm11, $0x1FF, v17;
	v15 =	vtrunc.f32 v15;
	v12 =	vnsel vm9, $0x1FF, v12  }
0x181: {  	vm4 =	vlt.s32 v60, $0x1FF;
	vm5 =	vlt.s32 v10, $0x1FF;
	v12 =	vshll.u32 v12, $0x9  }
0x182: {  	v15 =	vcvt.f32.s32 v15;
	v12 =	vsub.s32 v13, v12;
	v13 =	vtrunc.f32 v40  }
0x183: {  	v9 =	vshll.u32 v9, $0x9;
	v17 =	vshll.u32 v17, $0x9;
	v13 =	vcvt.f32.s32 v13  }
0x184: {  	vm14 =	vlt.s32 v18, $0x1FF;
	v10 =	vnsel vm5, $0x1FF, v10;
	vm13 =	vlt.s32 v15, $0x1FF  }
0x185: {  	v8 =	vsub.s32 v8, v9;
	v15 =	vnsel vm13, $0x1FF, v15;
	vm12 =	vlt.s32 v13, $0x1FF  }
0x186: {  	v9 =	vmul.f32 $2.550000000e+02, v32;
	v15 =	vshll.u32 v15, $0x9;
	v13 =	vnsel vm12, $0x1FF, v13  }
0x187: {  	[tilespmem:$0x1820] =	vst v14;
	v16 =	vsub.s32 v16, v17;
	v13 =	vsub.s32 v13, v15;
	v15 =	vtrunc.f32 v49  }
0x188: {  	v62 =	vld [tilespmem:$0xC70];
	[tilespmem:$0x1830] =	vst v19;
	v17 =	vmul.f32 $2.550000000e+02, v46;
	v8 =	vadd.s32 $0x3FE00, v8;
	v15 =	vcvt.f32.s32 v15  }
0x189: {  	v18 =	vnsel vm14, $0x1FF, v18;
	v11 =	vadd.s32 $0x3FE00, v11;
	v9 =	vmul.f32 v9, v7;
	[tilespmem:$0x1000] =	vst v8  }
0x18a: {  	v16 =	vadd.s32 $0x3FE00, v16;
	[tilespmem:$0x1010] =	vst v11;
	v11 =	vmul.f32 v61, v5;
	vm15 =	vlt.s32 v15, $0x1FF  }
0x18b: {  	[tilespmem:$0x1810] =	vst v9;
	v9 =	vnsel vm4, $0x1FF, v60;
	v8 =	vnsel vm15, $0x1FF, v15;
	v15 =	vmul.f32 v59, v6  }
0x18c: {  	[tilespmem:$0x1860] =	vst v63;
	v11 =	vtrunc.f32 v11;
	v9 =	vshll.u32 v9, $0x9;
	v12 =	vadd.s32 $0x3FE00, v12  }
0x18d: {  	v11 =	vcvt.f32.s32 v11;
	[tilespmem:$0x1020] =	vst v12;
	v12 =	vsub.f32 v62, v4;
	v15 =	vtrunc.f32 v15  }
0x18e: {  	[tilespmem:$0x1850] =	vst v20;
	v17 =	vmul.f32 v17, v7;
	v9 =	vsub.s32 v10, v9;
	v15 =	vcvt.f32.s32 v15  }
0x18f: {  	[tilespmem:$0x1030] =	vst v16;
	vm7 =	vlt.s32 v11, $0x1FF;
	v10 =	vmul.f32 $2.550000000e+02, v12;
	v8 =	vshll.u32 v8, $0x9  }
0x190: {  	[tilespmem:$0x1840] =	vst v17;
	v13 =	vadd.s32 $0x3FE00, v13;
	v8 =	vsub.s32 v18, v8;
	vm6 =	vlt.s32 v15, $0x1FF  }
0x191: {  	v11 =	vnsel vm7, $0x1FF, v11;
	[tilespmem:$0x1040] =	vst v13;
	v8 =	vadd.s32 $0x3FE00, v8;
	v13 =	vnsel vm6, $0x1FF, v15  }
0x192: {  	[tilespmem:$0x1050] =	vst v8;
	v8 =	vadd.s32 $0x3FE00, v9;
	v15 =	vmul.f32 v10, v7;
	v9 =	vshll.u32 v13, $0x9  }
0x193: {  	[tilespmem:$0x1060] =	vst v8;
	v8 =	vsub.s32 v11, v9  }
0x194: {  	[tilespmem:$0x1870] =	vst v15;
	v8 =	vadd.s32 $0x3FE00, v8  }
0x195: {  	s28 =	simm.s32 $0x1800;
	[tilespmem:$0x1070] =	vst v8  }
0x196: {  	[spmem:s3] =	stream.indirect.scatter.add.f32 [tilespmem:s28], [sflag:$0x3], $0x1, s29, s0, $0xb8;
	[tilespmem:$0xE000] =	vst v63  }
0x197: {  	_ = 	snop  }
0x198: {  	[spmem:s4] =	stream.indirect.scatter.add.f32 [tilespmem:s25], [sflag:$0x3], $0x1, s29, s0, $0xb8;
	[tilespmem:$0xE000] =	vst v63  }
0x199: {  	v8 =	vld [tilespmem:$0x300]  }
0x19a: {  	v16 =	vld [tilespmem:$0x800]  }
0x19b: {  	v17 =	vld [tilespmem:$0xD00]  }
0x19c: {  	v18 =	vld [tilespmem:$0x810]  }
0x19d: {  	v19 =	vld [tilespmem:$0x310]  }
0x19e: {  	v20 =	vld [tilespmem:$0x320]  }
0x19f: {  	v21 =	vld [tilespmem:$0xD10]  }
0x1a0: {  	v22 =	vld [tilespmem:$0x820]  }
0x1a1: {  	v24 =	vld [tilespmem:$0xD20]  }
0x1a2: {  	v25 =	vld [tilespmem:$0x330]  }
0x1a3: {  	v26 =	vld [tilespmem:$0x830];
	v8 =	vsub.f32 v8, v2  }
0x1a4: {  	v29 =	vld [tilespmem:$0x840];
	v9 =	vsub.f32 v16, v3;
	v10 =	vsub.f32 v17, v4  }
0x1a5: {  	v30 =	vld [tilespmem:$0xD30];
	v11 =	vsub.f32 v18, v3;
	v12 =	vsub.f32 v19, v2  }
0x1a6: {  	v34 =	vld [tilespmem:$0x850];
	v13 =	vsub.f32 v20, v2;
	v23 =	vsub.f32 v21, v4  }
0x1a7: {  	v38 =	vld [tilespmem:$0x860];
	v15 =	vsub.f32 v22, v3;
	v16 =	vsub.f32 v25, v2  }
0x1a8: {  	v42 =	vld [tilespmem:$0xD60];
	v14 =	vsub.f32 v24, v4;
	v17 =	vsub.f32 v26, v3  }
0x1a9: {  	v43 =	vld [tilespmem:$0x870];
	v18 =	vsub.f32 v29, v3;
	v8 =	vmul.f32 $5.110000000e+02, v8;
	v9 =	vmul.f32 $5.110000000e+02, v9  }
0x1aa: {  	v44 =	vld [tilespmem:$0x370];
	v19 =	vsub.f32 v30, v4;
	v10 =	vmul.f32 $2.550000000e+02, v10;
	v11 =	vmul.f32 $5.110000000e+02, v11  }
0x1ab: {  	v20 =	vsub.f32 v34, v3;
	v12 =	vmul.f32 $5.110000000e+02, v12;
	v13 =	vmul.f32 $5.110000000e+02, v13  }
0x1ac: {  	v21 =	vsub.f32 v38, v3;
	v15 =	vmul.f32 $5.110000000e+02, v15;
	v16 =	vmul.f32 $5.110000000e+02, v16  }
0x1ad: {  	v22 =	vsub.f32 v42, v4;
	v14 =	vmul.f32 $2.550000000e+02, v14;
	v17 =	vmul.f32 $5.110000000e+02, v17  }
0x1ae: {  	v46 =	vsub.f32 v43, v3;
	v32 =	vmul.f32 $5.110000000e+02, v18;
	v19 =	vmul.f32 $2.550000000e+02, v19  }
0x1af: {  	v48 =	vsub.f32 v44, v2;
	v20 =	vmul.f32 $5.110000000e+02, v20;
	v21 =	vmul.f32 $5.110000000e+02, v21  }
0x1b0: {  	v33 =	vld [tilespmem:$0x350];
	v22 =	vmul.f32 $2.550000000e+02, v22;
	v50 =	vmul.f32 $5.110000000e+02, v46  }
0x1b1: {  	v36 =	vld [tilespmem:$0xD50];
	v52 =	vmul.f32 $5.110000000e+02, v48;
	v8 =	vmul.f32 v8, v5  }
0x1b2: {  	v9 =	vmul.f32 v9, v6;
	v10 =	vmul.f32 v10, v7  }
0x1b3: {  	v11 =	vmul.f32 v11, v6;
	v12 =	vmul.f32 v12, v5  }
0x1b4: {  	v13 =	vmul.f32 v13, v5;
	v27 =	vmul.f32 v15, v6  }
0x1b5: {  	v28 =	vld [tilespmem:$0x340];
	v18 =	vsub.f32 v33, v2;
	v16 =	vmul.f32 v16, v5;
	v14 =	vmul.f32 v14, v7  }
0x1b6: {  	v41 =	vsub.f32 v36, v4;
	v17 =	vmul.f32 v17, v6;
	v19 =	vmul.f32 v19, v7  }
0x1b7: {  	v18 =	vmul.f32 $5.110000000e+02, v18;
	v40 =	vmul.f32 v20, v6  }
0x1b8: {  	v20 =	vmul.f32 $2.550000000e+02, v41;
	v45 =	vmul.f32 v21, v6  }
0x1b9: {  	v54 =	vmul.f32 v22, v7;
	v8 =	vtrunc.f32 v8  }
0x1ba: {  	v15 =	vsub.f32 v28, v2;
	v9 =	vtrunc.f32 v9;
	v11 =	vtrunc.f32 v11  }
0x1bb: {  	v12 =	vtrunc.f32 v12;
	v13 =	vtrunc.f32 v13  }
0x1bc: {  	v16 =	vtrunc.f32 v16;
	v15 =	vmul.f32 $5.110000000e+02, v15  }
0x1bd: {  	v35 =	vld [tilespmem:$0xD40];
	v17 =	vtrunc.f32 v17;
	v18 =	vmul.f32 v18, v5  }
0x1be: {  	v53 =	vld [tilespmem:$0xD70];
	v20 =	vmul.f32 v20, v7;
	v49 =	vtrunc.f32 v45  }
0x1bf: {  	v9 =	vcvt.f32.s32 v9;
	v8 =	vcvt.f32.s32 v8  }
0x1c0: {  	v11 =	vcvt.f32.s32 v11;
	v12 =	vcvt.f32.s32 v12  }
0x1c1: {  	v13 =	vcvt.f32.s32 v13;
	v16 =	vcvt.f32.s32 v16  }
0x1c2: {  	v37 =	vsub.f32 v35, v4;
	v17 =	vcvt.f32.s32 v17;
	v51 =	vcvt.f32.s32 v49  }
0x1c3: {  	v55 =	vsub.f32 v53, v4;
	v31 =	vmul.f32 v15, v5;
	v15 =	vmul.f32 v32, v6  }
0x1c4: {  	v18 =	vtrunc.f32 v18;
	vm8 =	vlt.s32 v9, $0x1FF;
	vm9 =	vlt.s32 v8, $0x1FF  }
0x1c5: {  	vm10 =	vlt.s32 v11, $0x1FF;
	vm11 =	vlt.s32 v12, $0x1FF;
	vm12 =	vlt.s32 v13, $0x1FF  }
0x1c6: {  	vm14 =	vlt.s32 v16, $0x1FF;
	vm15 =	vlt.s32 v17, $0x1FF;
	v11 =	vnsel vm10, $0x1FF, v11  }
0x1c7: {  	v18 =	vcvt.f32.s32 v18;
	v12 =	vnsel vm11, $0x1FF, v12;
	v11 =	vshll.u32 v11, $0x9  }
0x1c8: {  	v9 =	vnsel vm8, $0x1FF, v9;
	v11 =	vsub.s32 v12, v11;
	v12 =	vtrunc.f32 v27  }
0x1c9: {  	v8 =	vnsel vm9, $0x1FF, v8;
	v13 =	vnsel vm12, $0x1FF, v13;
	v12 =	vcvt.f32.s32 v12  }
0x1ca: {  	v16 =	vnsel vm14, $0x1FF, v16;
	v17 =	vnsel vm15, $0x1FF, v17;
	v15 =	vtrunc.f32 v15  }
0x1cb: {  	v39 =	vld [tilespmem:$0x360];
	vm8 =	vlt.s32 v51, $0x1FF;
	v9 =	vshll.u32 v9, $0x9;
	vm13 =	vlt.s32 v12, $0x1FF  }
0x1cc: {  	v15 =	vcvt.f32.s32 v15;
	v17 =	vshll.u32 v17, $0x9;
	v12 =	vnsel vm13, $0x1FF, v12  }
0x1cd: {  	vm6 =	vlt.s32 v18, $0x1FF;
	v8 =	vsub.s32 v8, v9;
	v12 =	vshll.u32 v12, $0x9  }
0x1ce: {  	v9 =	vmul.f32 $2.550000000e+02, v23;
	v12 =	vsub.s32 v13, v12;
	v13 =	vtrunc.f32 v31  }
0x1cf: {  	v16 =	vsub.s32 v16, v17;
	v17 =	vmul.f32 $2.550000000e+02, v37;
	v13 =	vcvt.f32.s32 v13  }
0x1d0: {  	v23 =	vsub.f32 v39, v2;
	v11 =	vadd.s32 $0x3FE00, v11;
	vm5 =	vlt.s32 v15, $0x1FF  }
0x1d1: {  	v9 =	vmul.f32 v9, v7;
	v15 =	vnsel vm5, $0x1FF, v15;
	vm4 =	vlt.s32 v13, $0x1FF  }
0x1d2: {  	[tilespmem:$0x1880] =	vst v10;
	v23 =	vmul.f32 $5.110000000e+02, v23;
	v15 =	vshll.u32 v15, $0x9;
	v13 =	vnsel vm4, $0x1FF, v13  }
0x1d3: {  	[tilespmem:$0x1090] =	vst v11;
	v11 =	vmul.f32 v52, v5;
	v13 =	vsub.s32 v13, v15;
	v15 =	vtrunc.f32 v40  }
0x1d4: {  	[tilespmem:$0x18A0] =	vst v14;
	v18 =	vnsel vm6, $0x1FF, v18;
	v47 =	vmul.f32 v23, v5;
	v15 =	vcvt.f32.s32 v15  }
0x1d5: {  	v8 =	vadd.s32 $0x3FE00, v8;
	v16 =	vadd.s32 $0x3FE00, v16;
	[tilespmem:$0x1890] =	vst v9;
	v9 =	vnsel vm8, $0x1FF, v51  }
0x1d6: {  	[tilespmem:$0x18B0] =	vst v19;
	v11 =	vtrunc.f32 v11;
	v10 =	vtrunc.f32 v47;
	vm7 =	vlt.s32 v15, $0x1FF  }
0x1d7: {  	[tilespmem:$0x1080] =	vst v8;
	v10 =	vcvt.f32.s32 v10;
	v8 =	vnsel vm7, $0x1FF, v15;
	v15 =	vmul.f32 v50, v6  }
0x1d8: {  	[tilespmem:$0x18E0] =	vst v54;
	v17 =	vmul.f32 v17, v7;
	v9 =	vshll.u32 v9, $0x9;
	v11 =	vcvt.f32.s32 v11  }
0x1d9: {  	[tilespmem:$0x18D0] =	vst v20;
	v12 =	vadd.s32 $0x3FE00, v12;
	vm9 =	vlt.s32 v10, $0x1FF;
	v15 =	vtrunc.f32 v15  }
0x1da: {  	[tilespmem:$0x10B0] =	vst v16;
	vm11 =	vlt.s32 v11, $0x1FF;
	v10 =	vnsel vm9, $0x1FF, v10;
	v15 =	vcvt.f32.s32 v15  }
0x1db: {  	[tilespmem:$0x18C0] =	vst v17;
	v9 =	vsub.s32 v10, v9;
	v10 =	vmul.f32 $2.550000000e+02, v55;
	v8 =	vshll.u32 v8, $0x9  }
0x1dc: {  	[tilespmem:$0x10A0] =	vst v12;
	v13 =	vadd.s32 $0x3FE00, v13;
	v8 =	vsub.s32 v18, v8;
	vm10 =	vlt.s32 v15, $0x1FF  }
0x1dd: {  	v11 =	vnsel vm11, $0x1FF, v11;
	[tilespmem:$0x10C0] =	vst v13;
	v8 =	vadd.s32 $0x3FE00, v8;
	v56 =	vnsel vm10, $0x1FF, v15  }
0x1de: {  	v57 =	vmul.f32 v10, v7;
	[tilespmem:$0x10D0] =	vst v8;
	v8 =	vadd.s32 $0x3FE00, v9;
	v9 =	vshll.u32 v56, $0x9  }
0x1df: {  	[tilespmem:$0x10E0] =	vst v8;
	v8 =	vsub.s32 v11, v9  }
0x1e0: {  	[tilespmem:$0x18F0] =	vst v57;
	v8 =	vadd.s32 $0x3FE00, v8  }
0x1e1: {  	s30 =	simm.s32 $0x1880;
	[tilespmem:$0x10F0] =	vst v8  }
0x1e2: {  	[spmem:s3] =	stream.indirect.scatter.add.f32 [tilespmem:s30], [sflag:$0x3], $0x1, s5, s0, $0xb8;
	[tilespmem:$0xE000] =	vst v63  }
0x1e3: {  	_ = 	snop  }
0x1e4: {  	[spmem:s4] =	stream.indirect.scatter.add.f32 [tilespmem:s25], [sflag:$0x3], $0x1, s5, s0, $0xb8;
	[tilespmem:$0xE000] =	vst v63  }
0x1e5: {  	v8 =	vld [tilespmem:$0x900]  }
0x1e6: {  	v58 =	vld [tilespmem:$0x400]  }
0x1e7: {  	v59 =	vld [tilespmem:$0xE00]  }
0x1e8: {  	v60 =	vld [tilespmem:$0x410]  }
0x1e9: {  	v61 =	vld [tilespmem:$0x910]  }
0x1ea: {  	v63 =	vld [tilespmem:$0x420]  }
0x1eb: {  	v18 =	vld [tilespmem:$0x920]  }
0x1ec: {  	v23 =	vld [tilespmem:$0x430]  }
0x1ed: {  	v24 =	vld [tilespmem:$0xE20]  }
0x1ee: {  	v25 =	vld [tilespmem:$0x930]  }
0x1ef: {  	v26 =	vld [tilespmem:$0xE30];
	v8 =	vsub.f32 v8, v3;
	v9 =	vsub.f32 v58, v2  }
0x1f0: {  	v30 =	vld [tilespmem:$0x940];
	v10 =	vsub.f32 v59, v4;
	v11 =	vsub.f32 v60, v2  }
0x1f1: {  	v40 =	vld [tilespmem:$0x960];
	v12 =	vsub.f32 v61, v3;
	v21 =	vsub.f32 v63, v2  }
0x1f2: {  	v41 =	vld [tilespmem:$0xE60];
	v22 =	vsub.f32 v18, v3;
	v15 =	vsub.f32 v23, v2  }
0x1f3: {  	v44 =	vld [tilespmem:$0x970];
	v16 =	vsub.f32 v24, v4;
	v17 =	vsub.f32 v25, v3;
	v8 =	vmul.f32 $5.110000000e+02, v8  }
0x1f4: {  	v18 =	vsub.f32 v26, v4;
	v9 =	vmul.f32 $5.110000000e+02, v9;
	v10 =	vmul.f32 $2.550000000e+02, v10  }
0x1f5: {  	v34 =	vsub.f32 v30, v3;
	v11 =	vmul.f32 $5.110000000e+02, v11;
	v12 =	vmul.f32 $5.110000000e+02, v12  }
0x1f6: {  	v62 =	vld [tilespmem:$0xE10];
	v23 =	vsub.f32 v40, v3;
	v13 =	vmul.f32 $5.110000000e+02, v21;
	v14 =	vmul.f32 $5.110000000e+02, v22  }
0x1f7: {  	v24 =	vsub.f32 v41, v4;
	v28 =	vmul.f32 $5.110000000e+02, v15;
	v16 =	vmul.f32 $2.550000000e+02, v16  }
0x1f8: {  	v29 =	vld [tilespmem:$0x440];
	v46 =	vsub.f32 v44, v3;
	v17 =	vmul.f32 $5.110000000e+02, v17;
	v33 =	vmul.f32 $2.550000000e+02, v18  }
0x1f9: {  	v32 =	vld [tilespmem:$0x950];
	v18 =	vmul.f32 $5.110000000e+02, v34;
	v23 =	vmul.f32 $5.110000000e+02, v23  }
0x1fa: {  	v39 =	vld [tilespmem:$0x460];
	v48 =	vmul.f32 $2.550000000e+02, v24;
	v50 =	vmul.f32 $5.110000000e+02, v46  }
0x1fb: {  	v20 =	vsub.f32 v62, v4;
	v8 =	vmul.f32 v8, v6;
	v9 =	vmul.f32 v9, v5  }
0x1fc: {  	v11 =	vmul.f32 v11, v5;
	v10 =	vmul.f32 v10, v7  }
0x1fd: {  	v15 =	vsub.f32 v29, v2;
	v19 =	vmul.f32 v12, v6;
	v12 =	vmul.f32 $2.550000000e+02, v20  }
0x1fe: {  	v21 =	vsub.f32 v32, v3;
	v13 =	vmul.f32 v13, v5;
	v14 =	vmul.f32 v14, v6  }
0x1ff: {  	v22 =	vsub.f32 v39, v2;
	v16 =	vmul.f32 v16, v7;
	v17 =	vmul.f32 v17, v6  }
0x200: {  	v15 =	vmul.f32 $5.110000000e+02, v15;
	v18 =	vmul.f32 v18, v6  }
0x201: {  	v36 =	vld [tilespmem:$0xE40];
	v21 =	vmul.f32 $5.110000000e+02, v21;
	v22 =	vmul.f32 $5.110000000e+02, v22  }
0x202: {  	v45 =	vmul.f32 v23, v6;
	v62 =	vmul.f32 v48, v7  }
0x203: {  	v8 =	vtrunc.f32 v8;
	v9 =	vtrunc.f32 v9  }
0x204: {  	v11 =	vtrunc.f32 v11;
	v12 =	vmul.f32 v12, v7  }
0x205: {  	v13 =	vtrunc.f32 v13;
	v14 =	vtrunc.f32 v14  }
0x206: {  	v31 =	vld [tilespmem:$0x450];
	v20 =	vsub.f32 v36, v4;
	v17 =	vtrunc.f32 v17;
	v15 =	vmul.f32 v15, v5  }
0x207: {  	v55 =	vld [tilespmem:$0xE70];
	v18 =	vtrunc.f32 v18;
	v21 =	vmul.f32 v21, v6  }
0x208: {  	v38 =	vld [tilespmem:$0xE50];
	v20 =	vmul.f32 $2.550000000e+02, v20;
	v52 =	vtrunc.f32 v45  }
0x209: {  	v8 =	vcvt.f32.s32 v8;
	v9 =	vcvt.f32.s32 v9  }
0x20a: {  	v11 =	vcvt.f32.s32 v11;
	v13 =	vcvt.f32.s32 v13  }
0x20b: {  	v35 =	vsub.f32 v31, v2;
	v27 =	vcvt.f32.s32 v14;
	v14 =	vmul.f32 v28, v5  }
0x20c: {  	v60 =	vsub.f32 v55, v4;
	v17 =	vcvt.f32.s32 v17;
	v37 =	vcvt.f32.s32 v18  }
0x20d: {  	v18 =	vsub.f32 v38, v4;
	v54 =	vcvt.f32.s32 v52;
	v15 =	vtrunc.f32 v15  }
0x20e: {  	v21 =	vtrunc.f32 v21;
	v20 =	vmul.f32 v20, v7;
	vm12 =	vlt.s32 v8, $0x1FF  }
0x20f: {  	vm13 =	vlt.s32 v9, $0x1FF;
	vm14 =	vlt.s32 v11, $0x1FF;
	vm4 =	vlt.s32 v13, $0x1FF  }
0x210: {  	vm5 =	vlt.s32 v27, $0x1FF;
	v14 =	vtrunc.f32 v14;
	vm7 =	vlt.s32 v17, $0x1FF  }
0x211: {  	v15 =	vcvt.f32.s32 v15;
	vm8 =	vlt.s32 v37, $0x1FF;
	v21 =	vcvt.f32.s32 v21  }
0x212: {  	v18 =	vmul.f32 $2.550000000e+02, v18;
	v8 =	vnsel vm12, $0x1FF, v8;
	v9 =	vnsel vm13, $0x1FF, v9  }
0x213: {  	v11 =	vnsel vm14, $0x1FF, v11;
	v13 =	vnsel vm4, $0x1FF, v13;
	v14 =	vcvt.f32.s32 v14  }
0x214: {  	v17 =	vnsel vm7, $0x1FF, v17;
	vm12 =	vlt.s32 v54, $0x1FF;
	v8 =	vshll.u32 v8, $0x9  }
0x215: {  	v17 =	vshll.u32 v17, $0x9;
	vm9 =	vlt.s32 v15, $0x1FF;
	vm11 =	vlt.s32 v21, $0x1FF  }
0x216: {  	v8 =	vsub.s32 v9, v8;
	v9 =	vtrunc.f32 v19;
	v19 =	vmul.f32 $5.110000000e+02, v35  }
0x217: {  	[tilespmem:$0x1910] =	vst v12;
	v18 =	vmul.f32 v18, v7;
	v12 =	vnsel vm12, $0x1FF, v54;
	vm6 =	vlt.s32 v14, $0x1FF  }
0x218: {  	v15 =	vnsel vm9, $0x1FF, v15;
	v21 =	vnsel vm11, $0x1FF, v21;
	v19 =	vmul.f32 v19, v5  }
0x219: {  	v43 =	vld [tilespmem:$0x470];
	v59 =	vshll.u32 v12, $0x9;
	v12 =	vmul.f32 $2.550000000e+02, v60;
	v8 =	vadd.s32 $0x3FE00, v8  }
0x21a: {  	v9 =	vcvt.f32.s32 v9;
	v14 =	vnsel vm6, $0x1FF, v14;
	v19 =	vtrunc.f32 v19  }
0x21b: {  	v51 =	vshll.u32 v21, $0x9;
	v14 =	vsub.s32 v14, v17;
	v19 =	vcvt.f32.s32 v19  }
0x21c: {  	v17 =	vnsel vm8, $0x1FF, v37;
	[tilespmem:$0x1100] =	vst v8;
	v8 =	vmul.f32 v22, v5;
	v63 =	vmul.f32 v12, v7  }
0x21d: {  	vm15 =	vlt.s32 v9, $0x1FF;
	v17 =	vshll.u32 v17, $0x9;
	vm10 =	vlt.s32 v19, $0x1FF  }
0x21e: {  	[tilespmem:$0x1900] =	vst v10;
	v9 =	vnsel vm15, $0x1FF, v9;
	v42 =	vnsel vm10, $0x1FF, v19;
	v19 =	vsub.f32 v43, v2  }
0x21f: {  	[tilespmem:$0x1920] =	vst v16;
	v15 =	vsub.s32 v15, v17;
	v8 =	vtrunc.f32 v8;
	v9 =	vshll.u32 v9, $0x9  }
0x220: {  	[tilespmem:$0x1960] =	vst v62;
	v49 =	vadd.s32 $0x3FE00, v15;
	v15 =	vmul.f32 v50, v6;
	v19 =	vmul.f32 $5.110000000e+02, v19  }
0x221: {  	[tilespmem:$0x1940] =	vst v20;
	v8 =	vcvt.f32.s32 v8;
	v9 =	vsub.s32 v11, v9;
	v11 =	vnsel vm5, $0x1FF, v27  }
0x222: {  	[tilespmem:$0x1950] =	vst v18;
	v47 =	vadd.s32 $0x3FE00, v14;
	v11 =	vshll.u32 v11, $0x9;
	v19 =	vmul.f32 v19, v5  }
0x223: {  	[tilespmem:$0x1130] =	vst v47;
	v9 =	vadd.s32 $0x3FE00, v9;
	v15 =	vtrunc.f32 v15;
	vm13 =	vlt.s32 v8, $0x1FF  }
0x224: {  	[tilespmem:$0x1970] =	vst v63;
	v11 =	vsub.s32 v13, v11;
	v58 =	vcvt.f32.s32 v15;
	v56 =	vtrunc.f32 v19  }
0x225: {  	[tilespmem:$0x1140] =	vst v49;
	v13 =	vmul.f32 v33, v7;
	v8 =	vnsel vm13, $0x1FF, v8;
	v57 =	vcvt.f32.s32 v56  }
0x226: {  	[tilespmem:$0x1110] =	vst v9;
	v11 =	vadd.s32 $0x3FE00, v11;
	v53 =	vsub.s32 v42, v51;
	vm15 =	vlt.s32 v58, $0x1FF  }
0x227: {  	v8 =	vsub.s32 v8, v59;
	[tilespmem:$0x1120] =	vst v11;
	v61 =	vnsel vm15, $0x1FF, v58;
	vm14 =	vlt.s32 v57, $0x1FF  }
0x228: {  	[tilespmem:$0x1930] =	vst v13;
	v8 =	vadd.s32 $0x3FE00, v8;
	v9 =	vshll.u32 v61, $0x9;
	v10 =	vnsel vm14, $0x1FF, v57  }
0x229: {  	v11 =	vadd.s32 $0x3FE00, v53;
	[tilespmem:$0x1160] =	vst v8;
	v8 =	vsub.s32 v10, v9  }
0x22a: {  	[tilespmem:$0x1150] =	vst v11;
	v8 =	vadd.s32 $0x3FE00, v8  }
0x22b: {  	p1 =	seq.s32 s11, $0x3C000;
	[tilespmem:$0x1170] =	vst v8  }
0x22c: {  	[spmem:s3] =	stream.indirect.scatter.add.f32 [tilespmem:s14], [sflag:$0x3], $0x1, s24, s0, $0xb8;
	[tilespmem:$0xE000] =	vst v63  }
0x22d: {  	s1 =	sshrl.u32 @!p1 s13, $0x3  }
0x22e: {  	[spmem:s4] =	stream.indirect.scatter.add.f32 [tilespmem:s25], [sflag:$0x3], $0x1, s24, s0, $0xb8;
	[tilespmem:$0xE000] =	vst v63  }
0x22f: {  	s22 =	sadd.s32 @!p1 s7, s1;
	s28 =	simm.s32 @!p1 $0x0  }
0x230: {  	[tilespmem:s28], [sflag:$0x1] =	stream.linear.gather @!p1 [hbm4b:s22+s28], $0x80, $0x38;
	[tilespmem:$0xE000] =	vst v63  }
0x231: {  	s6 =	simm.s32 @!p1 $0x100;
	s30 =	sadd.s32 @!p1 $0x10, s22  }
0x232: {  	[tilespmem:s6], [sflag:$0x1] =	stream.linear.gather @!p1 [hbm4b:s30+s28], $0x80, $0x38;
	[tilespmem:$0xE000] =	vst v63  }
0x233: {  	s6 =	sadd.s32 @!p1 $0x20, s22;
	s30 =	simm.s32 @!p1 $0x200  }
0x234: {  	[tilespmem:s30], [sflag:$0x1] =	stream.linear.gather @!p1 [hbm4b:s6+s28], $0x80, $0x38;
	[tilespmem:$0xE000] =	vst v63  }
0x235: {  	s6 =	sadd.s32 @!p1 $0x30, s22;
	s30 =	simm.s32 @!p1 $0x300  }
0x236: {  	[tilespmem:s30], [sflag:$0x1] =	stream.linear.gather @!p1 [hbm4b:s6+s28], $0x80, $0x38;
	[tilespmem:$0xE000] =	vst v63  }
0x237: {  	s6 =	sadd.s32 @!p1 $0x40, s22;
	s22 =	simm.s32 @!p1 $0x400  }
0x238: {  	[tilespmem:s22], [sflag:$0x1] =	stream.linear.gather @!p1 [hbm4b:s6+s28], $0x80, $0x38;
	[tilespmem:$0xE000] =	vst v63  }
0x239: {  	s6 =	sadd.s32 @!p1 s8, s1;
	s22 =	simm.s32 @!p1 $0x500  }
0x23a: {  	[tilespmem:s22], [sflag:$0x1] =	stream.linear.gather @!p1 [hbm4b:s6+s28], $0x80, $0x38;
	[tilespmem:$0xE000] =	vst v63  }
0x23b: {  	s30 =	simm.s32 @!p1 $0x600;
	s22 =	sadd.s32 @!p1 $0x10, s6  }
0x23c: {  	[tilespmem:s30], [sflag:$0x1] =	stream.linear.gather @!p1 [hbm4b:s22+s28], $0x80, $0x38;
	[tilespmem:$0xE000] =	vst v63  }
0x23d: {  	s22 =	sadd.s32 @!p1 $0x20, s6;
	s30 =	simm.s32 @!p1 $0x700  }
0x23e: {  	[tilespmem:s30], [sflag:$0x1] =	stream.linear.gather @!p1 [hbm4b:s22+s28], $0x80, $0x38;
	[tilespmem:$0xE000] =	vst v63  }
0x23f: {  	s22 =	sadd.s32 @!p1 $0x30, s6;
	s30 =	simm.s32 @!p1 $0x800  }
0x240: {  	[tilespmem:s30], [sflag:$0x1] =	stream.linear.gather @!p1 [hbm4b:s22+s28], $0x80, $0x38;
	[tilespmem:$0xE000] =	vst v63  }
0x241: {  	s6 =	sadd.s32 @!p1 $0x40, s6;
	s22 =	simm.s32 @!p1 $0x900  }
0x242: {  	[tilespmem:s22], [sflag:$0x1] =	stream.linear.gather @!p1 [hbm4b:s6+s28], $0x80, $0x38;
	[tilespmem:$0xE000] =	vst v63  }
0x243: {  	s6 =	rddreg [dreg:$0x0]  }
0x244: {  	s1 =	sadd.s32 @!p1 s6, s1;
	s6 =	simm.s32 @!p1 $0xA00  }
0x245: {  	[tilespmem:s6], [sflag:$0x1] =	stream.linear.gather @!p1 [hbm4b:s1+s28], $0x80, $0x38;
	[tilespmem:$0xE000] =	vst v63  }
0x246: {  	s22 =	simm.s32 @!p1 $0xB00;
	s6 =	sadd.s32 @!p1 $0x10, s1  }
0x247: {  	[tilespmem:s22], [sflag:$0x1] =	stream.linear.gather @!p1 [hbm4b:s6+s28], $0x80, $0x38;
	[tilespmem:$0xE000] =	vst v63  }
0x248: {  	s6 =	sadd.s32 @!p1 $0x20, s1;
	s22 =	simm.s32 @!p1 $0xC00  }
0x249: {  	[tilespmem:s22], [sflag:$0x1] =	stream.linear.gather @!p1 [hbm4b:s6+s28], $0x80, $0x38;
	[tilespmem:$0xE000] =	vst v63  }
.Ltmp5:
0x24a: {  	_ = 	snop;
	(pc) =	sbr.rel @p0 .LBB2_6-.Ltmp5, $4  }
0x24b: {  	s6 =	sadd.s32 @!p1 $0x30, s1;
	s22 =	simm.s32 @!p1 $0xD00  }
0x24c: {  	[tilespmem:s22], [sflag:$0x1] =	stream.linear.gather @!p1 [hbm4b:s6+s28], $0x80, $0x38;
	[tilespmem:$0xE000] =	vst v63  }
0x24d: {  	s1 =	sadd.s32 @!p1 $0x40, s1;
	s6 =	simm.s32 @!p1 $0xE00  }
0x24e: {  	[tilespmem:s6], [sflag:$0x1] =	stream.linear.gather @!p1 [hbm4b:s1+s28], $0x80, $0x38;
	[tilespmem:$0xE000] =	vst v63  }
0x24f: {  	_ =	swait.ge [sflag:s15], $0x280  }
0x250: {  	[sflag:s15] =	ssyncset.done $0x0  }
0x251: {  	[sflag:s15] =	ssyncadd.s32 $0xFFFFFD80  }
0x252: {  	_ =	swait.ge [sflag:s15], $0x280  }
0x253: {  	[sflag:s15] =	ssyncset.done $0x0  }
0x254: {  	[sflag:s15] =	ssyncadd.s32 $0xFFFFFD80  }
0x255: {  	_ =	swait.ge [sflag:s15], $0x280  }
0x256: {  	[sflag:s15] =	ssyncset.done $0x0  }
0x257: {  	[sflag:s15] =	ssyncadd.s32 $0xFFFFFD80  }
0x258: {  	v8 =	vld [tilespmem:$0x80]  }
0x259: {  	v9 =	vld [tilespmem:$0x580]  }
0x25a: {  	v10 =	vld [tilespmem:$0xA80]  }
0x25b: {  	v11 =	vld [tilespmem:$0x590]  }
0x25c: {  	v12 =	vld [tilespmem:$0x90]  }
0x25d: {  	v13 =	vld [tilespmem:$0xA0]  }
0x25e: {  	v14 =	vld [tilespmem:$0xA90]  }
0x25f: {  	v15 =	vld [tilespmem:$0x5A0]  }
0x260: {  	v46 =	vld [tilespmem:$0xAA0]  }
0x261: {  	v16 =	vld [tilespmem:$0xB0]  }
0x262: {  	v17 =	vld [tilespmem:$0x5B0]  }
0x263: {  	v18 =	vld [tilespmem:$0x5C0]  }
0x264: {  	v19 =	vld [tilespmem:$0xAB0];
	v8 =	vsub.f32 v8, v2;
	v9 =	vsub.f32 v9, v3  }
0x265: {  	v20 =	vld [tilespmem:$0x5D0];
	v10 =	vsub.f32 v10, v4;
	v11 =	vsub.f32 v11, v3  }
0x266: {  	v21 =	vld [tilespmem:$0xAC0];
	v12 =	vsub.f32 v12, v2;
	v13 =	vsub.f32 v13, v2  }
0x267: {  	v22 =	vld [tilespmem:$0xAD0];
	v45 =	vsub.f32 v14, v4;
	v15 =	vsub.f32 v15, v3  }
0x268: {  	v53 =	vld [tilespmem:$0x5E0];
	v16 =	vsub.f32 v16, v2;
	v14 =	vsub.f32 v46, v4  }
0x269: {  	v23 =	vld [tilespmem:$0xE0];
	v17 =	vsub.f32 v17, v3;
	v18 =	vsub.f32 v18, v3  }
0x26a: {  	v56 =	vld [tilespmem:$0xAE0];
	v19 =	vsub.f32 v19, v4;
	v20 =	vsub.f32 v20, v3;
	v8 =	vmul.f32 $5.110000000e+02, v8  }
0x26b: {  	v24 =	vld [tilespmem:$0x5F0];
	v52 =	vsub.f32 v21, v4;
	v9 =	vmul.f32 $5.110000000e+02, v9;
	v10 =	vmul.f32 $2.550000000e+02, v10  }
0x26c: {  	v55 =	vsub.f32 v22, v4;
	v11 =	vmul.f32 $5.110000000e+02, v11;
	v12 =	vmul.f32 $5.110000000e+02, v12  }
0x26d: {  	v21 =	vsub.f32 v53, v3;
	v13 =	vmul.f32 $5.110000000e+02, v13;
	v15 =	vmul.f32 $5.110000000e+02, v15  }
0x26e: {  	v23 =	vsub.f32 v23, v2;
	v16 =	vmul.f32 $5.110000000e+02, v16;
	v14 =	vmul.f32 $2.550000000e+02, v14  }
0x26f: {  	v22 =	vsub.f32 v56, v4;
	v17 =	vmul.f32 $5.110000000e+02, v17;
	v50 =	vmul.f32 $5.110000000e+02, v18  }
0x270: {  	v58 =	vsub.f32 v24, v3;
	v19 =	vmul.f32 $2.550000000e+02, v19;
	v20 =	vmul.f32 $5.110000000e+02, v20  }
0x271: {  	v51 =	vld [tilespmem:$0xD0];
	v21 =	vmul.f32 $5.110000000e+02, v21;
	v23 =	vmul.f32 $5.110000000e+02, v23  }
0x272: {  	v22 =	vmul.f32 $2.550000000e+02, v22;
	v62 =	vmul.f32 $5.110000000e+02, v58  }
0x273: {  	v8 =	vmul.f32 v8, v5;
	v9 =	vmul.f32 v9, v6  }
0x274: {  	v10 =	vmul.f32 v10, v7;
	v11 =	vmul.f32 v11, v6  }
0x275: {  	v12 =	vmul.f32 v12, v5;
	v13 =	vmul.f32 v13, v5  }
0x276: {  	v18 =	vsub.f32 v51, v2;
	v47 =	vmul.f32 v15, v6;
	v16 =	vmul.f32 v16, v5  }
0x277: {  	v48 =	vld [tilespmem:$0xC0];
	v14 =	vmul.f32 v14, v7;
	v17 =	vmul.f32 v17, v6  }
0x278: {  	v19 =	vmul.f32 v19, v7;
	v18 =	vmul.f32 $5.110000000e+02, v18  }
0x279: {  	v54 =	vmul.f32 v20, v6;
	v20 =	vmul.f32 $2.550000000e+02, v55  }
0x27a: {  	v57 =	vmul.f32 v21, v6;
	v59 =	vmul.f32 v23, v5  }
0x27b: {  	v23 =	vmul.f32 v22, v7;
	v8 =	vtrunc.f32 v8  }
0x27c: {  	v15 =	vsub.f32 v48, v2;
	v9 =	vtrunc.f32 v9;
	v11 =	vtrunc.f32 v11  }
0x27d: {  	v12 =	vtrunc.f32 v12;
	v13 =	vtrunc.f32 v13  }
0x27e: {  	v16 =	vtrunc.f32 v16;
	v15 =	vmul.f32 $5.110000000e+02, v15  }
0x27f: {  	v17 =	vtrunc.f32 v17;
	v18 =	vmul.f32 v18, v5  }
0x280: {  	v20 =	vmul.f32 v20, v7;
	v61 =	vtrunc.f32 v57  }
0x281: {  	[tilespmem:$0x1980] =	vst v10;
	v10 =	vtrunc.f32 v59;
	v9 =	vcvt.f32.s32 v9  }
0x282: {  	v8 =	vcvt.f32.s32 v8;
	v11 =	vcvt.f32.s32 v11  }
0x283: {  	v25 =	vld [tilespmem:$0xF0];
	v12 =	vcvt.f32.s32 v12;
	v13 =	vcvt.f32.s32 v13  }
0x284: {  	v16 =	vcvt.f32.s32 v16;
	v17 =	vcvt.f32.s32 v17;
	vm10 =	vlt.s32 v11, $0x1FF  }
0x285: {  	v63 =	vcvt.f32.s32 v61;
	vm11 =	vlt.s32 v12, $0x1FF;
	v11 =	vnsel vm10, $0x1FF, v11  }
0x286: {  	v10 =	vcvt.f32.s32 v10;
	v12 =	vnsel vm11, $0x1FF, v12;
	v11 =	vshll.u32 v11, $0x9  }
0x287: {  	v49 =	vmul.f32 v15, v5;
	v11 =	vsub.s32 v12, v11;
	v12 =	vtrunc.f32 v47  }
0x288: {  	v60 =	vsub.f32 v25, v2;
	v15 =	vmul.f32 v50, v6;
	v12 =	vcvt.f32.s32 v12  }
0x289: {  	v21 =	vld [tilespmem:$0xAF0];
	v18 =	vtrunc.f32 v18;
	vm0 =	vlt.s32 v9, $0x1FF;
	vm9 =	vlt.s32 v8, $0x1FF  }
0x28a: {  	vm12 =	vlt.s32 v13, $0x1FF;
	vm14 =	vlt.s32 v16, $0x1FF;
	vm13 =	vlt.s32 v12, $0x1FF  }
0x28b: {  	vm15 =	vlt.s32 v17, $0x1FF;
	v18 =	vcvt.f32.s32 v18;
	v12 =	vnsel vm13, $0x1FF, v12  }
0x28c: {  	v13 =	vnsel vm12, $0x1FF, v13;
	v15 =	vtrunc.f32 v15;
	v12 =	vshll.u32 v12, $0x9  }
0x28d: {  	v15 =	vcvt.f32.s32 v15;
	v12 =	vsub.s32 v13, v12;
	v13 =	vtrunc.f32 v49  }
0x28e: {  	vm8 =	vlt.s32 v63, $0x1FF;
	v24 =	vsub.f32 v21, v4;
	v13 =	vcvt.f32.s32 v13  }
0x28f: {  	v9 =	vnsel vm0, $0x1FF, v9;
	v8 =	vnsel vm9, $0x1FF, v8;
	vm5 =	vlt.s32 v15, $0x1FF  }
0x290: {  	v16 =	vnsel vm14, $0x1FF, v16;
	v15 =	vnsel vm5, $0x1FF, v15;
	vm4 =	vlt.s32 v13, $0x1FF  }
0x291: {  	v17 =	vnsel vm15, $0x1FF, v17;
	v15 =	vshll.u32 v15, $0x9;
	v13 =	vnsel vm4, $0x1FF, v13  }
0x292: {  	vm9 =	vlt.s32 v10, $0x1FF;
	v13 =	vsub.s32 v13, v15;
	v15 =	vtrunc.f32 v54  }
0x293: {  	v9 =	vshll.u32 v9, $0x9;
	v17 =	vshll.u32 v17, $0x9;
	v15 =	vcvt.f32.s32 v15  }
0x294: {  	vm6 =	vlt.s32 v18, $0x1FF;
	v10 =	vnsel vm9, $0x1FF, v10;
	v8 =	vsub.s32 v8, v9  }
0x295: {  	[tilespmem:$0x19A0] =	vst v14;
	v9 =	vmul.f32 $2.550000000e+02, v45;
	v8 =	vadd.s32 $0x3FE00, v8;
	vm7 =	vlt.s32 v15, $0x1FF  }
0x296: {  	v16 =	vsub.s32 v16, v17;
	v17 =	vmul.f32 $2.550000000e+02, v52;
	[tilespmem:$0x1180] =	vst v8;
	v8 =	vnsel vm7, $0x1FF, v15  }
0x297: {  	[tilespmem:$0x19B0] =	vst v19;
	v18 =	vnsel vm6, $0x1FF, v18;
	v9 =	vmul.f32 v9, v7;
	v8 =	vshll.u32 v8, $0x9  }
0x298: {  	[tilespmem:$0x19E0] =	vst v23;
	v11 =	vadd.s32 $0x3FE00, v11;
	v8 =	vsub.s32 v18, v8;
	v18 =	vmul.f32 $5.110000000e+02, v60  }
0x299: {  	v16 =	vadd.s32 $0x3FE00, v16;
	[tilespmem:$0x1990] =	vst v9;
	v9 =	vnsel vm8, $0x1FF, v63;
	v15 =	vmul.f32 v62, v6  }
0x29a: {  	v17 =	vmul.f32 v17, v7;
	[tilespmem:$0x1190] =	vst v11;
	v9 =	vshll.u32 v9, $0x9;
	v11 =	vmul.f32 v18, v5  }
0x29b: {  	[tilespmem:$0x19D0] =	vst v20;
	v9 =	vsub.s32 v10, v9;
	v10 =	vmul.f32 $2.550000000e+02, v24;
	v15 =	vtrunc.f32 v15  }
0x29c: {  	[tilespmem:$0x11B0] =	vst v16;
	v15 =	vcvt.f32.s32 v15;
	v11 =	vtrunc.f32 v11  }
0x29d: {  	[tilespmem:$0x19C0] =	vst v17;
	v12 =	vadd.s32 $0x3FE00, v12;
	v26 =	vmul.f32 v10, v7;
	v11 =	vcvt.f32.s32 v11  }
0x29e: {  	[tilespmem:$0x11A0] =	vst v12;
	vm10 =	vlt.s32 v15, $0x1FF  }
0x29f: {  	[tilespmem:$0x19F0] =	vst v26;
	v8 =	vadd.s32 $0x3FE00, v8;
	v25 =	vnsel vm10, $0x1FF, v15;
	vm11 =	vlt.s32 v11, $0x1FF  }
0x2a0: {  	[tilespmem:$0x11D0] =	vst v8;
	v8 =	vadd.s32 $0x3FE00, v9;
	v9 =	vshll.u32 v25, $0x9;
	v11 =	vnsel vm11, $0x1FF, v11  }
0x2a1: {  	v13 =	vadd.s32 $0x3FE00, v13;
	[tilespmem:$0x11E0] =	vst v8;
	v8 =	vsub.s32 v11, v9  }
0x2a2: {  	[tilespmem:$0x11C0] =	vst v13;
	v8 =	vadd.s32 $0x3FE00, v8  }
0x2a3: {  	s1 =	simm.s32 $0x1980;
	[tilespmem:$0x11F0] =	vst v8  }
0x2a4: {  	[spmem:s3] =	stream.indirect.scatter.add.f32 [tilespmem:s1], [sflag:$0x3], $0x1, s16, s0, $0xb8;
	[tilespmem:$0xE000] =	vst v63  }
0x2a5: {  	_ = 	snop  }
0x2a6: {  	[spmem:s4] =	stream.indirect.scatter.add.f32 [tilespmem:s25], [sflag:$0x3], $0x1, s16, s0, $0xb8;
	[tilespmem:$0xE000] =	vst v63  }
0x2a7: {  	v8 =	vld [tilespmem:$0x180]  }
0x2a8: {  	v27 =	vld [tilespmem:$0x680]  }
0x2a9: {  	v28 =	vld [tilespmem:$0xB80]  }
0x2aa: {  	v29 =	vld [tilespmem:$0x690]  }
0x2ab: {  	v30 =	vld [tilespmem:$0x190]  }
0x2ac: {  	v31 =	vld [tilespmem:$0x1A0]  }
0x2ad: {  	v33 =	vld [tilespmem:$0x6A0]  }
0x2ae: {  	v35 =	vld [tilespmem:$0xBA0]  }
0x2af: {  	v36 =	vld [tilespmem:$0x1B0]  }
0x2b0: {  	v37 =	vld [tilespmem:$0x6B0]  }
0x2b1: {  	v40 =	vld [tilespmem:$0x6C0];
	v8 =	vsub.f32 v8, v2  }
0x2b2: {  	v41 =	vld [tilespmem:$0xBB0];
	v9 =	vsub.f32 v27, v3;
	v10 =	vsub.f32 v28, v4  }
0x2b3: {  	v45 =	vld [tilespmem:$0x6D0];
	v11 =	vsub.f32 v29, v3;
	v12 =	vsub.f32 v30, v2  }
0x2b4: {  	v49 =	vld [tilespmem:$0x6E0];
	v13 =	vsub.f32 v31, v2;
	v15 =	vsub.f32 v33, v3  }
0x2b5: {  	v50 =	vld [tilespmem:$0x1E0];
	v16 =	vsub.f32 v36, v2;
	v14 =	vsub.f32 v35, v4  }
0x2b6: {  	v53 =	vld [tilespmem:$0xBE0];
	v17 =	vsub.f32 v37, v3;
	v18 =	vsub.f32 v40, v3;
	v8 =	vmul.f32 $5.110000000e+02, v8  }
0x2b7: {  	v54 =	vld [tilespmem:$0x6F0];
	v19 =	vsub.f32 v41, v4;
	v9 =	vmul.f32 $5.110000000e+02, v9;
	v10 =	vmul.f32 $2.550000000e+02, v10  }
0x2b8: {  	v55 =	vld [tilespmem:$0x1F0];
	v20 =	vsub.f32 v45, v3;
	v11 =	vmul.f32 $5.110000000e+02, v11;
	v12 =	vmul.f32 $5.110000000e+02, v12  }
0x2b9: {  	v21 =	vsub.f32 v49, v3;
	v13 =	vmul.f32 $5.110000000e+02, v13;
	v15 =	vmul.f32 $5.110000000e+02, v15  }
0x2ba: {  	v23 =	vsub.f32 v50, v2;
	v16 =	vmul.f32 $5.110000000e+02, v16;
	v14 =	vmul.f32 $2.550000000e+02, v14  }
0x2bb: {  	v22 =	vsub.f32 v53, v4;
	v17 =	vmul.f32 $5.110000000e+02, v17;
	v43 =	vmul.f32 $5.110000000e+02, v18  }
0x2bc: {  	v57 =	vsub.f32 v54, v3;
	v19 =	vmul.f32 $2.550000000e+02, v19;
	v20 =	vmul.f32 $5.110000000e+02, v20  }
0x2bd: {  	v59 =	vsub.f32 v55, v2;
	v21 =	vmul.f32 $5.110000000e+02, v21;
	v23 =	vmul.f32 $5.110000000e+02, v23  }
0x2be: {  	v44 =	vld [tilespmem:$0x1D0];
	v22 =	vmul.f32 $2.550000000e+02, v22;
	v61 =	vmul.f32 $5.110000000e+02, v57  }
0x2bf: {  	v47 =	vld [tilespmem:$0xBD0];
	v63 =	vmul.f32 $5.110000000e+02, v59;
	v8 =	vmul.f32 v8, v5  }
0x2c0: {  	v9 =	vmul.f32 v9, v6;
	v10 =	vmul.f32 v10, v7  }
0x2c1: {  	v11 =	vmul.f32 v11, v6;
	v12 =	vmul.f32 v12, v5  }
0x2c2: {  	v13 =	vmul.f32 v13, v5;
	v38 =	vmul.f32 v15, v6  }
0x2c3: {  	v18 =	vsub.f32 v44, v2;
	v16 =	vmul.f32 v16, v5;
	v14 =	vmul.f32 v14, v7  }
0x2c4: {  	v39 =	vld [tilespmem:$0x1C0];
	v52 =	vsub.f32 v47, v4;
	v17 =	vmul.f32 v17, v6;
	v19 =	vmul.f32 v19, v7  }
0x2c5: {  	v18 =	vmul.f32 $5.110000000e+02, v18;
	v51 =	vmul.f32 v20, v6  }
0x2c6: {  	v20 =	vmul.f32 $2.550000000e+02, v52;
	v56 =	vmul.f32 v21, v6  }
0x2c7: {  	v58 =	vmul.f32 v23, v5;
	v21 =	vmul.f32 v22, v7  }
0x2c8: {  	v8 =	vtrunc.f32 v8;
	v9 =	vtrunc.f32 v9  }
0x2c9: {  	v15 =	vsub.f32 v39, v2;
	v11 =	vtrunc.f32 v11;
	v12 =	vtrunc.f32 v12  }
0x2ca: {  	v32 =	vld [tilespmem:$0xB90];
	v13 =	vtrunc.f32 v13;
	v16 =	vtrunc.f32 v16  }
0x2cb: {  	v15 =	vmul.f32 $5.110000000e+02, v15;
	v17 =	vtrunc.f32 v17  }
0x2cc: {  	v18 =	vmul.f32 v18, v5;
	v20 =	vmul.f32 v20, v7  }
0x2cd: {  	[tilespmem:$0x1A00] =	vst v10;
	v60 =	vtrunc.f32 v56;
	v10 =	vtrunc.f32 v58  }
0x2ce: {  	v9 =	vcvt.f32.s32 v9;
	v11 =	vcvt.f32.s32 v11  }
0x2cf: {  	v46 =	vld [tilespmem:$0xBC0];
	v34 =	vsub.f32 v32, v4;
	v8 =	vcvt.f32.s32 v8;
	v12 =	vcvt.f32.s32 v12  }
0x2d0: {  	v13 =	vcvt.f32.s32 v13;
	v16 =	vcvt.f32.s32 v16;
	vm14 =	vlt.s32 v11, $0x1FF  }
0x2d1: {  	v17 =	vcvt.f32.s32 v17;
	vm15 =	vlt.s32 v12, $0x1FF;
	v11 =	vnsel vm14, $0x1FF, v11  }
0x2d2: {  	v62 =	vcvt.f32.s32 v60;
	v12 =	vnsel vm15, $0x1FF, v12;
	v11 =	vshll.u32 v11, $0x9  }
0x2d3: {  	v10 =	vcvt.f32.s32 v10;
	v11 =	vsub.s32 v12, v11;
	v12 =	vtrunc.f32 v38  }
0x2d4: {  	v48 =	vsub.f32 v46, v4;
	v42 =	vmul.f32 v15, v5;
	v12 =	vcvt.f32.s32 v12  }
0x2d5: {  	v15 =	vmul.f32 v43, v6;
	v18 =	vtrunc.f32 v18;
	vm12 =	vlt.s32 v9, $0x1FF  }
0x2d6: {  	vm13 =	vlt.s32 v8, $0x1FF;
	vm4 =	vlt.s32 v13, $0x1FF;
	vm5 =	vlt.s32 v12, $0x1FF  }
0x2d7: {  	vm6 =	vlt.s32 v16, $0x1FF;
	vm7 =	vlt.s32 v17, $0x1FF;
	v12 =	vnsel vm5, $0x1FF, v12  }
0x2d8: {  	v13 =	vnsel vm4, $0x1FF, v13;
	v15 =	vtrunc.f32 v15;
	v12 =	vshll.u32 v12, $0x9  }
0x2d9: {  	v15 =	vcvt.f32.s32 v15;
	v12 =	vsub.s32 v13, v12;
	v13 =	vtrunc.f32 v42  }
0x2da: {  	v18 =	vcvt.f32.s32 v18;
	v9 =	vnsel vm12, $0x1FF, v9;
	v13 =	vcvt.f32.s32 v13  }
0x2db: {  	v8 =	vnsel vm13, $0x1FF, v8;
	v16 =	vnsel vm6, $0x1FF, v16;
	vm9 =	vlt.s32 v15, $0x1FF  }
0x2dc: {  	v17 =	vnsel vm7, $0x1FF, v17;
	v15 =	vnsel vm9, $0x1FF, v15;
	vm8 =	vlt.s32 v13, $0x1FF  }
0x2dd: {  	vm12 =	vlt.s32 v62, $0x1FF;
	v15 =	vshll.u32 v15, $0x9;
	v13 =	vnsel vm8, $0x1FF, v13  }
0x2de: {  	vm13 =	vlt.s32 v10, $0x1FF;
	v13 =	vsub.s32 v13, v15;
	v15 =	vtrunc.f32 v51  }
0x2df: {  	v9 =	vshll.u32 v9, $0x9;
	v17 =	vshll.u32 v17, $0x9;
	v15 =	vcvt.f32.s32 v15  }
0x2e0: {  	vm10 =	vlt.s32 v18, $0x1FF;
	v8 =	vsub.s32 v8, v9;
	v9 =	vmul.f32 $2.550000000e+02, v34  }
0x2e1: {  	[tilespmem:$0x1A20] =	vst v14;
	v16 =	vsub.s32 v16, v17;
	v8 =	vadd.s32 $0x3FE00, v8;
	vm11 =	vlt.s32 v15, $0x1FF  }
0x2e2: {  	v17 =	vmul.f32 $2.550000000e+02, v48;
	v18 =	vnsel vm10, $0x1FF, v18;
	[tilespmem:$0x1200] =	vst v8;
	v8 =	vnsel vm11, $0x1FF, v15  }
0x2e3: {  	[tilespmem:$0x1A30] =	vst v19;
	v11 =	vadd.s32 $0x3FE00, v11;
	v9 =	vmul.f32 v9, v7;
	v8 =	vshll.u32 v8, $0x9  }
0x2e4: {  	[tilespmem:$0x1210] =	vst v11;
	v11 =	vmul.f32 v63, v5;
	v15 =	vmul.f32 v61, v6;
	v8 =	vsub.s32 v18, v8;
	v18 =	vld [tilespmem:$0xBF0]  }
0x2e5: {  	[tilespmem:$0x1A60] =	vst v21;
	v10 =	vnsel vm13, $0x1FF, v10;
	v16 =	vadd.s32 $0x3FE00, v16;
	v17 =	vmul.f32 v17, v7  }
0x2e6: {  	[tilespmem:$0x1A10] =	vst v9;
	v9 =	vnsel vm12, $0x1FF, v62;
	v11 =	vtrunc.f32 v11;
	v15 =	vtrunc.f32 v15  }
0x2e7: {  	[tilespmem:$0x1A50] =	vst v20;
	v9 =	vshll.u32 v9, $0x9;
	v11 =	vcvt.f32.s32 v11;
	v15 =	vcvt.f32.s32 v15  }
0x2e8: {  	[tilespmem:$0x1230] =	vst v16;
	v9 =	vsub.s32 v10, v9;
	v12 =	vadd.s32 $0x3FE00, v12  }
0x2e9: {  	[tilespmem:$0x1A40] =	vst v17;
	vm15 =	vlt.s32 v11, $0x1FF;
	vm14 =	vlt.s32 v15, $0x1FF;
	v22 =	vsub.f32 v18, v4  }
0x2ea: {  	[tilespmem:$0x1220] =	vst v12;
	v11 =	vnsel vm15, $0x1FF, v11;
	v8 =	vadd.s32 $0x3FE00, v8;
	v23 =	vnsel vm14, $0x1FF, v15  }
0x2eb: {  	[tilespmem:$0x1250] =	vst v8;
	v8 =	vadd.s32 $0x3FE00, v9;
	v9 =	vshll.u32 v23, $0x9;
	v10 =	vmul.f32 $2.550000000e+02, v22  }
0x2ec: {  	v13 =	vadd.s32 $0x3FE00, v13;
	[tilespmem:$0x1260] =	vst v8;
	v8 =	vsub.s32 v11, v9  }
0x2ed: {  	[tilespmem:$0x1240] =	vst v13;
	v8 =	vadd.s32 $0x3FE00, v8;
	v24 =	vmul.f32 v10, v7  }
0x2ee: {  	[tilespmem:$0x1270] =	vst v8  }
0x2ef: {  	s6 =	simm.s32 $0x1A00;
	[tilespmem:$0x1A70] =	vst v24  }
0x2f0: {  	[spmem:s3] =	stream.indirect.scatter.add.f32 [tilespmem:s6], [sflag:$0x3], $0x1, s21, s0, $0xb8;
	[tilespmem:$0xE000] =	vst v63  }
0x2f1: {  	_ = 	snop  }
0x2f2: {  	[spmem:s4] =	stream.indirect.scatter.add.f32 [tilespmem:s25], [sflag:$0x3], $0x1, s21, s0, $0xb8;
	[tilespmem:$0xE000] =	vst v63  }
0x2f3: {  	v8 =	vld [tilespmem:$0x280]  }
0x2f4: {  	v25 =	vld [tilespmem:$0x780]  }
0x2f5: {  	v26 =	vld [tilespmem:$0xC80]  }
0x2f6: {  	v27 =	vld [tilespmem:$0x790]  }
0x2f7: {  	v28 =	vld [tilespmem:$0x290]  }
0x2f8: {  	v29 =	vld [tilespmem:$0x2A0]  }
0x2f9: {  	v31 =	vld [tilespmem:$0x7A0]  }
0x2fa: {  	v33 =	vld [tilespmem:$0xCA0]  }
0x2fb: {  	v34 =	vld [tilespmem:$0x2B0]  }
0x2fc: {  	v35 =	vld [tilespmem:$0x7B0]  }
0x2fd: {  	v38 =	vld [tilespmem:$0x7C0];
	v8 =	vsub.f32 v8, v2  }
0x2fe: {  	v39 =	vld [tilespmem:$0xCB0];
	v9 =	vsub.f32 v25, v3;
	v10 =	vsub.f32 v26, v4  }
0x2ff: {  	v43 =	vld [tilespmem:$0x7D0];
	v11 =	vsub.f32 v27, v3;
	v12 =	vsub.f32 v28, v2  }
0x300: {  	v47 =	vld [tilespmem:$0x7E0];
	v13 =	vsub.f32 v29, v2;
	v15 =	vsub.f32 v31, v3  }
0x301: {  	v48 =	vld [tilespmem:$0x2E0];
	v16 =	vsub.f32 v34, v2;
	v14 =	vsub.f32 v33, v4  }
0x302: {  	v51 =	vld [tilespmem:$0xCE0];
	v17 =	vsub.f32 v35, v3;
	v18 =	vsub.f32 v38, v3;
	v8 =	vmul.f32 $5.110000000e+02, v8  }
0x303: {  	v52 =	vld [tilespmem:$0x7F0];
	v19 =	vsub.f32 v39, v4;
	v9 =	vmul.f32 $5.110000000e+02, v9;
	v10 =	vmul.f32 $2.550000000e+02, v10  }
0x304: {  	v53 =	vld [tilespmem:$0x2F0];
	v20 =	vsub.f32 v43, v3;
	v11 =	vmul.f32 $5.110000000e+02, v11;
	v12 =	vmul.f32 $5.110000000e+02, v12  }
0x305: {  	v21 =	vsub.f32 v47, v3;
	v13 =	vmul.f32 $5.110000000e+02, v13;
	v15 =	vmul.f32 $5.110000000e+02, v15  }
0x306: {  	v23 =	vsub.f32 v48, v2;
	v16 =	vmul.f32 $5.110000000e+02, v16;
	v14 =	vmul.f32 $2.550000000e+02, v14  }
0x307: {  	v22 =	vsub.f32 v51, v4;
	v17 =	vmul.f32 $5.110000000e+02, v17;
	v41 =	vmul.f32 $5.110000000e+02, v18  }
0x308: {  	v55 =	vsub.f32 v52, v3;
	v19 =	vmul.f32 $2.550000000e+02, v19;
	v20 =	vmul.f32 $5.110000000e+02, v20  }
0x309: {  	v57 =	vsub.f32 v53, v2;
	v21 =	vmul.f32 $5.110000000e+02, v21;
	v23 =	vmul.f32 $5.110000000e+02, v23  }
0x30a: {  	v42 =	vld [tilespmem:$0x2D0];
	v22 =	vmul.f32 $2.550000000e+02, v22;
	v59 =	vmul.f32 $5.110000000e+02, v55  }
0x30b: {  	v45 =	vld [tilespmem:$0xCD0];
	v61 =	vmul.f32 $5.110000000e+02, v57;
	v8 =	vmul.f32 v8, v5  }
0x30c: {  	v9 =	vmul.f32 v9, v6;
	v10 =	vmul.f32 v10, v7  }
0x30d: {  	v11 =	vmul.f32 v11, v6;
	v12 =	vmul.f32 v12, v5  }
0x30e: {  	v13 =	vmul.f32 v13, v5;
	v36 =	vmul.f32 v15, v6  }
0x30f: {  	v18 =	vsub.f32 v42, v2;
	v16 =	vmul.f32 v16, v5;
	v14 =	vmul.f32 v14, v7  }
0x310: {  	v37 =	vld [tilespmem:$0x2C0];
	v50 =	vsub.f32 v45, v4;
	v17 =	vmul.f32 v17, v6;
	v19 =	vmul.f32 v19, v7  }
0x311: {  	v18 =	vmul.f32 $5.110000000e+02, v18;
	v49 =	vmul.f32 v20, v6  }
0x312: {  	v20 =	vmul.f32 $2.550000000e+02, v50;
	v54 =	vmul.f32 v21, v6  }
0x313: {  	v56 =	vmul.f32 v23, v5;
	v63 =	vmul.f32 v22, v7  }
0x314: {  	v8 =	vtrunc.f32 v8;
	v9 =	vtrunc.f32 v9  }
0x315: {  	v15 =	vsub.f32 v37, v2;
	v11 =	vtrunc.f32 v11;
	v12 =	vtrunc.f32 v12  }
0x316: {  	v13 =	vtrunc.f32 v13;
	v16 =	vtrunc.f32 v16  }
0x317: {  	v15 =	vmul.f32 $5.110000000e+02, v15;
	v17 =	vtrunc.f32 v17  }
0x318: {  	v30 =	vld [tilespmem:$0xC90];
	v18 =	vmul.f32 v18, v5;
	v20 =	vmul.f32 v20, v7  }
0x319: {  	v44 =	vld [tilespmem:$0xCC0];
	[tilespmem:$0x1A80] =	vst v10;
	v58 =	vtrunc.f32 v54;
	v10 =	vtrunc.f32 v56  }
0x31a: {  	v9 =	vcvt.f32.s32 v9;
	v8 =	vcvt.f32.s32 v8  }
0x31b: {  	v11 =	vcvt.f32.s32 v11;
	v12 =	vcvt.f32.s32 v12  }
0x31c: {  	v13 =	vcvt.f32.s32 v13;
	v16 =	vcvt.f32.s32 v16  }
0x31d: {  	v32 =	vsub.f32 v30, v4;
	v17 =	vcvt.f32.s32 v17;
	v60 =	vcvt.f32.s32 v58  }
0x31e: {  	v46 =	vsub.f32 v44, v4;
	v10 =	vcvt.f32.s32 v10;
	v40 =	vmul.f32 v15, v5  }
0x31f: {  	v15 =	vmul.f32 v41, v6;
	v18 =	vtrunc.f32 v18;
	vm6 =	vlt.s32 v11, $0x1FF  }
0x320: {  	vm4 =	vlt.s32 v9, $0x1FF;
	vm7 =	vlt.s32 v12, $0x1FF;
	v11 =	vnsel vm6, $0x1FF, v11  }
0x321: {  	vm5 =	vlt.s32 v8, $0x1FF;
	v12 =	vnsel vm7, $0x1FF, v12;
	v11 =	vshll.u32 v11, $0x9  }
0x322: {  	vm8 =	vlt.s32 v13, $0x1FF;
	v11 =	vsub.s32 v12, v11;
	v12 =	vtrunc.f32 v36  }
0x323: {  	vm10 =	vlt.s32 v16, $0x1FF;
	vm11 =	vlt.s32 v17, $0x1FF;
	v12 =	vcvt.f32.s32 v12  }
0x324: {  	v18 =	vcvt.f32.s32 v18;
	v9 =	vnsel vm4, $0x1FF, v9;
	v8 =	vnsel vm5, $0x1FF, v8  }
0x325: {  	v13 =	vnsel vm8, $0x1FF, v13;
	v16 =	vnsel vm10, $0x1FF, v16;
	vm9 =	vlt.s32 v12, $0x1FF  }
0x326: {  	v17 =	vnsel vm11, $0x1FF, v17;
	v15 =	vtrunc.f32 v15;
	v12 =	vnsel vm9, $0x1FF, v12  }
0x327: {  	vm4 =	vlt.s32 v60, $0x1FF;
	vm5 =	vlt.s32 v10, $0x1FF;
	v12 =	vshll.u32 v12, $0x9  }
0x328: {  	v15 =	vcvt.f32.s32 v15;
	v12 =	vsub.s32 v13, v12;
	v13 =	vtrunc.f32 v40  }
0x329: {  	v9 =	vshll.u32 v9, $0x9;
	v17 =	vshll.u32 v17, $0x9;
	v13 =	vcvt.f32.s32 v13  }
0x32a: {  	vm14 =	vlt.s32 v18, $0x1FF;
	v10 =	vnsel vm5, $0x1FF, v10;
	vm13 =	vlt.s32 v15, $0x1FF  }
0x32b: {  	v8 =	vsub.s32 v8, v9;
	v15 =	vnsel vm13, $0x1FF, v15;
	vm12 =	vlt.s32 v13, $0x1FF  }
0x32c: {  	v9 =	vmul.f32 $2.550000000e+02, v32;
	v15 =	vshll.u32 v15, $0x9;
	v13 =	vnsel vm12, $0x1FF, v13  }
0x32d: {  	[tilespmem:$0x1AA0] =	vst v14;
	v16 =	vsub.s32 v16, v17;
	v13 =	vsub.s32 v13, v15;
	v15 =	vtrunc.f32 v49  }
0x32e: {  	v62 =	vld [tilespmem:$0xCF0];
	[tilespmem:$0x1AB0] =	vst v19;
	v17 =	vmul.f32 $2.550000000e+02, v46;
	v8 =	vadd.s32 $0x3FE00, v8;
	v15 =	vcvt.f32.s32 v15  }
0x32f: {  	v18 =	vnsel vm14, $0x1FF, v18;
	v11 =	vadd.s32 $0x3FE00, v11;
	v9 =	vmul.f32 v9, v7;
	[tilespmem:$0x1280] =	vst v8  }
0x330: {  	v16 =	vadd.s32 $0x3FE00, v16;
	[tilespmem:$0x1290] =	vst v11;
	v11 =	vmul.f32 v61, v5;
	vm15 =	vlt.s32 v15, $0x1FF  }
0x331: {  	[tilespmem:$0x1A90] =	vst v9;
	v9 =	vnsel vm4, $0x1FF, v60;
	v8 =	vnsel vm15, $0x1FF, v15;
	v15 =	vmul.f32 v59, v6  }
0x332: {  	[tilespmem:$0x1AE0] =	vst v63;
	v11 =	vtrunc.f32 v11;
	v9 =	vshll.u32 v9, $0x9;
	v12 =	vadd.s32 $0x3FE00, v12  }
0x333: {  	v11 =	vcvt.f32.s32 v11;
	[tilespmem:$0x12A0] =	vst v12;
	v12 =	vsub.f32 v62, v4;
	v15 =	vtrunc.f32 v15  }
0x334: {  	[tilespmem:$0x1AD0] =	vst v20;
	v17 =	vmul.f32 v17, v7;
	v9 =	vsub.s32 v10, v9;
	v15 =	vcvt.f32.s32 v15  }
0x335: {  	[tilespmem:$0x12B0] =	vst v16;
	vm7 =	vlt.s32 v11, $0x1FF;
	v10 =	vmul.f32 $2.550000000e+02, v12;
	v8 =	vshll.u32 v8, $0x9  }
0x336: {  	[tilespmem:$0x1AC0] =	vst v17;
	v13 =	vadd.s32 $0x3FE00, v13;
	v8 =	vsub.s32 v18, v8;
	vm6 =	vlt.s32 v15, $0x1FF  }
0x337: {  	v11 =	vnsel vm7, $0x1FF, v11;
	[tilespmem:$0x12C0] =	vst v13;
	v8 =	vadd.s32 $0x3FE00, v8;
	v13 =	vnsel vm6, $0x1FF, v15  }
0x338: {  	[tilespmem:$0x12D0] =	vst v8;
	v8 =	vadd.s32 $0x3FE00, v9;
	v15 =	vmul.f32 v10, v7;
	v9 =	vshll.u32 v13, $0x9  }
0x339: {  	[tilespmem:$0x12E0] =	vst v8;
	v8 =	vsub.s32 v11, v9  }
0x33a: {  	[tilespmem:$0x1AF0] =	vst v15;
	v8 =	vadd.s32 $0x3FE00, v8  }
0x33b: {  	s22 =	simm.s32 $0x1A80;
	[tilespmem:$0x12F0] =	vst v8  }
0x33c: {  	[spmem:s3] =	stream.indirect.scatter.add.f32 [tilespmem:s22], [sflag:$0x3], $0x1, s10, s0, $0xb8;
	[tilespmem:$0xE000] =	vst v63  }
0x33d: {  	_ = 	snop  }
0x33e: {  	[spmem:s4] =	stream.indirect.scatter.add.f32 [tilespmem:s25], [sflag:$0x3], $0x1, s10, s0, $0xb8;
	[tilespmem:$0xE000] =	vst v63  }
0x33f: {  	v8 =	vld [tilespmem:$0x380]  }
0x340: {  	v16 =	vld [tilespmem:$0x880]  }
0x341: {  	v17 =	vld [tilespmem:$0xD80]  }
0x342: {  	v18 =	vld [tilespmem:$0x890]  }
0x343: {  	v19 =	vld [tilespmem:$0x390]  }
0x344: {  	v20 =	vld [tilespmem:$0x3A0]  }
0x345: {  	v21 =	vld [tilespmem:$0xD90]  }
0x346: {  	v22 =	vld [tilespmem:$0x8A0]  }
0x347: {  	v24 =	vld [tilespmem:$0xDA0]  }
0x348: {  	v25 =	vld [tilespmem:$0x3B0]  }
0x349: {  	v26 =	vld [tilespmem:$0x8B0];
	v8 =	vsub.f32 v8, v2  }
0x34a: {  	v29 =	vld [tilespmem:$0x8C0];
	v9 =	vsub.f32 v16, v3;
	v10 =	vsub.f32 v17, v4  }
0x34b: {  	v30 =	vld [tilespmem:$0xDB0];
	v11 =	vsub.f32 v18, v3;
	v12 =	vsub.f32 v19, v2  }
0x34c: {  	v34 =	vld [tilespmem:$0x8D0];
	v13 =	vsub.f32 v20, v2;
	v23 =	vsub.f32 v21, v4  }
0x34d: {  	v38 =	vld [tilespmem:$0x8E0];
	v15 =	vsub.f32 v22, v3;
	v16 =	vsub.f32 v25, v2  }
0x34e: {  	v42 =	vld [tilespmem:$0xDE0];
	v14 =	vsub.f32 v24, v4;
	v17 =	vsub.f32 v26, v3  }
0x34f: {  	v43 =	vld [tilespmem:$0x8F0];
	v18 =	vsub.f32 v29, v3;
	v8 =	vmul.f32 $5.110000000e+02, v8;
	v9 =	vmul.f32 $5.110000000e+02, v9  }
0x350: {  	v44 =	vld [tilespmem:$0x3F0];
	v19 =	vsub.f32 v30, v4;
	v10 =	vmul.f32 $2.550000000e+02, v10;
	v11 =	vmul.f32 $5.110000000e+02, v11  }
0x351: {  	v20 =	vsub.f32 v34, v3;
	v12 =	vmul.f32 $5.110000000e+02, v12;
	v13 =	vmul.f32 $5.110000000e+02, v13  }
0x352: {  	v21 =	vsub.f32 v38, v3;
	v15 =	vmul.f32 $5.110000000e+02, v15;
	v16 =	vmul.f32 $5.110000000e+02, v16  }
0x353: {  	v22 =	vsub.f32 v42, v4;
	v14 =	vmul.f32 $2.550000000e+02, v14;
	v17 =	vmul.f32 $5.110000000e+02, v17  }
0x354: {  	v46 =	vsub.f32 v43, v3;
	v32 =	vmul.f32 $5.110000000e+02, v18;
	v19 =	vmul.f32 $2.550000000e+02, v19  }
0x355: {  	v48 =	vsub.f32 v44, v2;
	v20 =	vmul.f32 $5.110000000e+02, v20;
	v21 =	vmul.f32 $5.110000000e+02, v21  }
0x356: {  	v33 =	vld [tilespmem:$0x3D0];
	v22 =	vmul.f32 $2.550000000e+02, v22;
	v50 =	vmul.f32 $5.110000000e+02, v46  }
0x357: {  	v36 =	vld [tilespmem:$0xDD0];
	v52 =	vmul.f32 $5.110000000e+02, v48;
	v8 =	vmul.f32 v8, v5  }
0x358: {  	v9 =	vmul.f32 v9, v6;
	v10 =	vmul.f32 v10, v7  }
0x359: {  	v11 =	vmul.f32 v11, v6;
	v12 =	vmul.f32 v12, v5  }
0x35a: {  	v13 =	vmul.f32 v13, v5;
	v27 =	vmul.f32 v15, v6  }
0x35b: {  	v28 =	vld [tilespmem:$0x3C0];
	v18 =	vsub.f32 v33, v2;
	v16 =	vmul.f32 v16, v5;
	v14 =	vmul.f32 v14, v7  }
0x35c: {  	v41 =	vsub.f32 v36, v4;
	v17 =	vmul.f32 v17, v6;
	v19 =	vmul.f32 v19, v7  }
0x35d: {  	v18 =	vmul.f32 $5.110000000e+02, v18;
	v40 =	vmul.f32 v20, v6  }
0x35e: {  	v20 =	vmul.f32 $2.550000000e+02, v41;
	v45 =	vmul.f32 v21, v6  }
0x35f: {  	v54 =	vmul.f32 v22, v7;
	v8 =	vtrunc.f32 v8  }
0x360: {  	v15 =	vsub.f32 v28, v2;
	v9 =	vtrunc.f32 v9;
	v11 =	vtrunc.f32 v11  }
0x361: {  	v12 =	vtrunc.f32 v12;
	v13 =	vtrunc.f32 v13  }
0x362: {  	v16 =	vtrunc.f32 v16;
	v15 =	vmul.f32 $5.110000000e+02, v15  }
0x363: {  	v35 =	vld [tilespmem:$0xDC0];
	v17 =	vtrunc.f32 v17;
	v18 =	vmul.f32 v18, v5  }
0x364: {  	v53 =	vld [tilespmem:$0xDF0];
	v20 =	vmul.f32 v20, v7;
	v49 =	vtrunc.f32 v45  }
0x365: {  	v9 =	vcvt.f32.s32 v9;
	v8 =	vcvt.f32.s32 v8  }
0x366: {  	v11 =	vcvt.f32.s32 v11;
	v12 =	vcvt.f32.s32 v12  }
0x367: {  	v13 =	vcvt.f32.s32 v13;
	v16 =	vcvt.f32.s32 v16  }
0x368: {  	v37 =	vsub.f32 v35, v4;
	v17 =	vcvt.f32.s32 v17;
	v51 =	vcvt.f32.s32 v49  }
0x369: {  	v55 =	vsub.f32 v53, v4;
	v31 =	vmul.f32 v15, v5;
	v15 =	vmul.f32 v32, v6  }
0x36a: {  	v18 =	vtrunc.f32 v18;
	vm8 =	vlt.s32 v9, $0x1FF;
	vm9 =	vlt.s32 v8, $0x1FF  }
0x36b: {  	vm10 =	vlt.s32 v11, $0x1FF;
	vm11 =	vlt.s32 v12, $0x1FF;
	vm12 =	vlt.s32 v13, $0x1FF  }
0x36c: {  	vm14 =	vlt.s32 v16, $0x1FF;
	vm15 =	vlt.s32 v17, $0x1FF;
	v11 =	vnsel vm10, $0x1FF, v11  }
0x36d: {  	v18 =	vcvt.f32.s32 v18;
	v12 =	vnsel vm11, $0x1FF, v12;
	v11 =	vshll.u32 v11, $0x9  }
0x36e: {  	v9 =	vnsel vm8, $0x1FF, v9;
	v11 =	vsub.s32 v12, v11;
	v12 =	vtrunc.f32 v27  }
0x36f: {  	v8 =	vnsel vm9, $0x1FF, v8;
	v13 =	vnsel vm12, $0x1FF, v13;
	v12 =	vcvt.f32.s32 v12  }
0x370: {  	v16 =	vnsel vm14, $0x1FF, v16;
	v17 =	vnsel vm15, $0x1FF, v17;
	v15 =	vtrunc.f32 v15  }
0x371: {  	v39 =	vld [tilespmem:$0x3E0];
	vm8 =	vlt.s32 v51, $0x1FF;
	v9 =	vshll.u32 v9, $0x9;
	vm13 =	vlt.s32 v12, $0x1FF  }
0x372: {  	v15 =	vcvt.f32.s32 v15;
	v17 =	vshll.u32 v17, $0x9;
	v12 =	vnsel vm13, $0x1FF, v12  }
0x373: {  	vm6 =	vlt.s32 v18, $0x1FF;
	v8 =	vsub.s32 v8, v9;
	v12 =	vshll.u32 v12, $0x9  }
0x374: {  	v9 =	vmul.f32 $2.550000000e+02, v23;
	v12 =	vsub.s32 v13, v12;
	v13 =	vtrunc.f32 v31  }
0x375: {  	v16 =	vsub.s32 v16, v17;
	v17 =	vmul.f32 $2.550000000e+02, v37;
	v13 =	vcvt.f32.s32 v13  }
0x376: {  	v23 =	vsub.f32 v39, v2;
	v11 =	vadd.s32 $0x3FE00, v11;
	vm5 =	vlt.s32 v15, $0x1FF  }
0x377: {  	v9 =	vmul.f32 v9, v7;
	v15 =	vnsel vm5, $0x1FF, v15;
	vm4 =	vlt.s32 v13, $0x1FF  }
0x378: {  	[tilespmem:$0x1B00] =	vst v10;
	v23 =	vmul.f32 $5.110000000e+02, v23;
	v15 =	vshll.u32 v15, $0x9;
	v13 =	vnsel vm4, $0x1FF, v13  }
0x379: {  	[tilespmem:$0x1310] =	vst v11;
	v11 =	vmul.f32 v52, v5;
	v13 =	vsub.s32 v13, v15;
	v15 =	vtrunc.f32 v40  }
0x37a: {  	[tilespmem:$0x1B20] =	vst v14;
	v18 =	vnsel vm6, $0x1FF, v18;
	v47 =	vmul.f32 v23, v5;
	v15 =	vcvt.f32.s32 v15  }
0x37b: {  	v8 =	vadd.s32 $0x3FE00, v8;
	v16 =	vadd.s32 $0x3FE00, v16;
	[tilespmem:$0x1B10] =	vst v9;
	v9 =	vnsel vm8, $0x1FF, v51  }
0x37c: {  	[tilespmem:$0x1B30] =	vst v19;
	v11 =	vtrunc.f32 v11;
	v10 =	vtrunc.f32 v47;
	vm7 =	vlt.s32 v15, $0x1FF  }
0x37d: {  	[tilespmem:$0x1300] =	vst v8;
	v10 =	vcvt.f32.s32 v10;
	v8 =	vnsel vm7, $0x1FF, v15;
	v15 =	vmul.f32 v50, v6  }
0x37e: {  	[tilespmem:$0x1B60] =	vst v54;
	v17 =	vmul.f32 v17, v7;
	v9 =	vshll.u32 v9, $0x9;
	v11 =	vcvt.f32.s32 v11  }
0x37f: {  	[tilespmem:$0x1B50] =	vst v20;
	v12 =	vadd.s32 $0x3FE00, v12;
	vm9 =	vlt.s32 v10, $0x1FF;
	v15 =	vtrunc.f32 v15  }
0x380: {  	[tilespmem:$0x1330] =	vst v16;
	vm11 =	vlt.s32 v11, $0x1FF;
	v10 =	vnsel vm9, $0x1FF, v10;
	v15 =	vcvt.f32.s32 v15  }
0x381: {  	[tilespmem:$0x1B40] =	vst v17;
	v9 =	vsub.s32 v10, v9;
	v10 =	vmul.f32 $2.550000000e+02, v55;
	v8 =	vshll.u32 v8, $0x9  }
0x382: {  	[tilespmem:$0x1320] =	vst v12;
	v13 =	vadd.s32 $0x3FE00, v13;
	v8 =	vsub.s32 v18, v8;
	vm10 =	vlt.s32 v15, $0x1FF  }
0x383: {  	v11 =	vnsel vm11, $0x1FF, v11;
	[tilespmem:$0x1340] =	vst v13;
	v8 =	vadd.s32 $0x3FE00, v8;
	v56 =	vnsel vm10, $0x1FF, v15  }
0x384: {  	v57 =	vmul.f32 v10, v7;
	[tilespmem:$0x1350] =	vst v8;
	v8 =	vadd.s32 $0x3FE00, v9;
	v9 =	vshll.u32 v56, $0x9  }
0x385: {  	[tilespmem:$0x1360] =	vst v8;
	v8 =	vsub.s32 v11, v9  }
0x386: {  	[tilespmem:$0x1B70] =	vst v57;
	v8 =	vadd.s32 $0x3FE00, v8  }
0x387: {  	s28 =	simm.s32 $0x1B00;
	[tilespmem:$0x1370] =	vst v8  }
0x388: {  	[spmem:s3] =	stream.indirect.scatter.add.f32 [tilespmem:s28], [sflag:$0x3], $0x1, s12, s0, $0xb8;
	[tilespmem:$0xE000] =	vst v63  }
0x389: {  	_ = 	snop  }
0x38a: {  	[spmem:s4] =	stream.indirect.scatter.add.f32 [tilespmem:s25], [sflag:$0x3], $0x1, s12, s0, $0xb8;
	[tilespmem:$0xE000] =	vst v63  }
0x38b: {  	v8 =	vld [tilespmem:$0x980]  }
0x38c: {  	v58 =	vld [tilespmem:$0x480]  }
0x38d: {  	v59 =	vld [tilespmem:$0xE80]  }
0x38e: {  	v60 =	vld [tilespmem:$0x490]  }
0x38f: {  	v61 =	vld [tilespmem:$0x990]  }
0x390: {  	v63 =	vld [tilespmem:$0x4A0]  }
0x391: {  	v18 =	vld [tilespmem:$0x9A0]  }
0x392: {  	v23 =	vld [tilespmem:$0x4B0]  }
0x393: {  	v24 =	vld [tilespmem:$0xEA0]  }
0x394: {  	v25 =	vld [tilespmem:$0x9B0]  }
0x395: {  	v26 =	vld [tilespmem:$0xEB0];
	v8 =	vsub.f32 v8, v3;
	v9 =	vsub.f32 v58, v2  }
0x396: {  	v30 =	vld [tilespmem:$0x9C0];
	v10 =	vsub.f32 v59, v4;
	v11 =	vsub.f32 v60, v2  }
0x397: {  	v40 =	vld [tilespmem:$0x9E0];
	v12 =	vsub.f32 v61, v3;
	v21 =	vsub.f32 v63, v2  }
0x398: {  	v41 =	vld [tilespmem:$0xEE0];
	v22 =	vsub.f32 v18, v3;
	v15 =	vsub.f32 v23, v2  }
0x399: {  	v44 =	vld [tilespmem:$0x9F0];
	v16 =	vsub.f32 v24, v4;
	v17 =	vsub.f32 v25, v3;
	v8 =	vmul.f32 $5.110000000e+02, v8  }
0x39a: {  	v18 =	vsub.f32 v26, v4;
	v9 =	vmul.f32 $5.110000000e+02, v9;
	v10 =	vmul.f32 $2.550000000e+02, v10  }
0x39b: {  	v34 =	vsub.f32 v30, v3;
	v11 =	vmul.f32 $5.110000000e+02, v11;
	v12 =	vmul.f32 $5.110000000e+02, v12  }
0x39c: {  	v62 =	vld [tilespmem:$0xE90];
	v23 =	vsub.f32 v40, v3;
	v13 =	vmul.f32 $5.110000000e+02, v21;
	v14 =	vmul.f32 $5.110000000e+02, v22  }
0x39d: {  	v24 =	vsub.f32 v41, v4;
	v28 =	vmul.f32 $5.110000000e+02, v15;
	v16 =	vmul.f32 $2.550000000e+02, v16  }
0x39e: {  	v29 =	vld [tilespmem:$0x4C0];
	v46 =	vsub.f32 v44, v3;
	v17 =	vmul.f32 $5.110000000e+02, v17;
	v33 =	vmul.f32 $2.550000000e+02, v18  }
0x39f: {  	v32 =	vld [tilespmem:$0x9D0];
	v18 =	vmul.f32 $5.110000000e+02, v34;
	v23 =	vmul.f32 $5.110000000e+02, v23  }
0x3a0: {  	v39 =	vld [tilespmem:$0x4E0];
	v48 =	vmul.f32 $2.550000000e+02, v24;
	v50 =	vmul.f32 $5.110000000e+02, v46  }
0x3a1: {  	v20 =	vsub.f32 v62, v4;
	v8 =	vmul.f32 v8, v6;
	v9 =	vmul.f32 v9, v5  }
0x3a2: {  	v11 =	vmul.f32 v11, v5;
	v10 =	vmul.f32 v10, v7  }
0x3a3: {  	v15 =	vsub.f32 v29, v2;
	v19 =	vmul.f32 v12, v6;
	v12 =	vmul.f32 $2.550000000e+02, v20  }
0x3a4: {  	v21 =	vsub.f32 v32, v3;
	v13 =	vmul.f32 v13, v5;
	v14 =	vmul.f32 v14, v6  }
0x3a5: {  	v22 =	vsub.f32 v39, v2;
	v16 =	vmul.f32 v16, v7;
	v17 =	vmul.f32 v17, v6  }
0x3a6: {  	v15 =	vmul.f32 $5.110000000e+02, v15;
	v18 =	vmul.f32 v18, v6  }
0x3a7: {  	v36 =	vld [tilespmem:$0xEC0];
	v21 =	vmul.f32 $5.110000000e+02, v21;
	v22 =	vmul.f32 $5.110000000e+02, v22  }
0x3a8: {  	v45 =	vmul.f32 v23, v6;
	v62 =	vmul.f32 v48, v7  }
0x3a9: {  	v8 =	vtrunc.f32 v8;
	v9 =	vtrunc.f32 v9  }
0x3aa: {  	v11 =	vtrunc.f32 v11;
	v12 =	vmul.f32 v12, v7  }
0x3ab: {  	v13 =	vtrunc.f32 v13;
	v14 =	vtrunc.f32 v14  }
0x3ac: {  	v31 =	vld [tilespmem:$0x4D0];
	v20 =	vsub.f32 v36, v4;
	v17 =	vtrunc.f32 v17;
	v15 =	vmul.f32 v15, v5  }
0x3ad: {  	v55 =	vld [tilespmem:$0xEF0];
	v18 =	vtrunc.f32 v18;
	v21 =	vmul.f32 v21, v6  }
0x3ae: {  	v38 =	vld [tilespmem:$0xED0];
	v20 =	vmul.f32 $2.550000000e+02, v20;
	v52 =	vtrunc.f32 v45  }
0x3af: {  	v8 =	vcvt.f32.s32 v8;
	v9 =	vcvt.f32.s32 v9  }
0x3b0: {  	v11 =	vcvt.f32.s32 v11;
	v13 =	vcvt.f32.s32 v13  }
0x3b1: {  	v35 =	vsub.f32 v31, v2;
	v27 =	vcvt.f32.s32 v14;
	v14 =	vmul.f32 v28, v5  }
0x3b2: {  	v60 =	vsub.f32 v55, v4;
	v17 =	vcvt.f32.s32 v17;
	v37 =	vcvt.f32.s32 v18  }
0x3b3: {  	v18 =	vsub.f32 v38, v4;
	v54 =	vcvt.f32.s32 v52;
	v15 =	vtrunc.f32 v15  }
0x3b4: {  	v21 =	vtrunc.f32 v21;
	v20 =	vmul.f32 v20, v7;
	vm12 =	vlt.s32 v8, $0x1FF  }
0x3b5: {  	vm13 =	vlt.s32 v9, $0x1FF;
	vm14 =	vlt.s32 v11, $0x1FF;
	vm4 =	vlt.s32 v13, $0x1FF  }
0x3b6: {  	vm5 =	vlt.s32 v27, $0x1FF;
	v14 =	vtrunc.f32 v14;
	vm7 =	vlt.s32 v17, $0x1FF  }
0x3b7: {  	v15 =	vcvt.f32.s32 v15;
	vm8 =	vlt.s32 v37, $0x1FF;
	v21 =	vcvt.f32.s32 v21  }
0x3b8: {  	v18 =	vmul.f32 $2.550000000e+02, v18;
	v8 =	vnsel vm12, $0x1FF, v8;
	v9 =	vnsel vm13, $0x1FF, v9  }
0x3b9: {  	v11 =	vnsel vm14, $0x1FF, v11;
	v13 =	vnsel vm4, $0x1FF, v13;
	v14 =	vcvt.f32.s32 v14  }
0x3ba: {  	v17 =	vnsel vm7, $0x1FF, v17;
	vm12 =	vlt.s32 v54, $0x1FF;
	v8 =	vshll.u32 v8, $0x9  }
0x3bb: {  	v17 =	vshll.u32 v17, $0x9;
	vm9 =	vlt.s32 v15, $0x1FF;
	vm11 =	vlt.s32 v21, $0x1FF  }
0x3bc: {  	v8 =	vsub.s32 v9, v8;
	v9 =	vtrunc.f32 v19;
	v19 =	vmul.f32 $5.110000000e+02, v35  }
0x3bd: {  	[tilespmem:$0x1B90] =	vst v12;
	v18 =	vmul.f32 v18, v7;
	v12 =	vnsel vm12, $0x1FF, v54;
	vm6 =	vlt.s32 v14, $0x1FF  }
0x3be: {  	v15 =	vnsel vm9, $0x1FF, v15;
	v21 =	vnsel vm11, $0x1FF, v21;
	v19 =	vmul.f32 v19, v5  }
0x3bf: {  	v43 =	vld [tilespmem:$0x4F0];
	v59 =	vshll.u32 v12, $0x9;
	v12 =	vmul.f32 $2.550000000e+02, v60;
	v8 =	vadd.s32 $0x3FE00, v8  }
0x3c0: {  	v9 =	vcvt.f32.s32 v9;
	v14 =	vnsel vm6, $0x1FF, v14;
	v19 =	vtrunc.f32 v19  }
0x3c1: {  	v51 =	vshll.u32 v21, $0x9;
	v14 =	vsub.s32 v14, v17;
	v19 =	vcvt.f32.s32 v19  }
0x3c2: {  	v17 =	vnsel vm8, $0x1FF, v37;
	[tilespmem:$0x1380] =	vst v8;
	v8 =	vmul.f32 v22, v5;
	v63 =	vmul.f32 v12, v7  }
0x3c3: {  	vm15 =	vlt.s32 v9, $0x1FF;
	v17 =	vshll.u32 v17, $0x9;
	vm10 =	vlt.s32 v19, $0x1FF  }
0x3c4: {  	[tilespmem:$0x1B80] =	vst v10;
	v9 =	vnsel vm15, $0x1FF, v9;
	v42 =	vnsel vm10, $0x1FF, v19;
	v19 =	vsub.f32 v43, v2  }
0x3c5: {  	[tilespmem:$0x1BA0] =	vst v16;
	v15 =	vsub.s32 v15, v17;
	v8 =	vtrunc.f32 v8;
	v9 =	vshll.u32 v9, $0x9  }
0x3c6: {  	[tilespmem:$0x1BE0] =	vst v62;
	v49 =	vadd.s32 $0x3FE00, v15;
	v15 =	vmul.f32 v50, v6;
	v19 =	vmul.f32 $5.110000000e+02, v19  }
0x3c7: {  	[tilespmem:$0x1BC0] =	vst v20;
	v8 =	vcvt.f32.s32 v8;
	v9 =	vsub.s32 v11, v9;
	v11 =	vnsel vm5, $0x1FF, v27  }
0x3c8: {  	[tilespmem:$0x1BD0] =	vst v18;
	v47 =	vadd.s32 $0x3FE00, v14;
	v11 =	vshll.u32 v11, $0x9;
	v19 =	vmul.f32 v19, v5  }
0x3c9: {  	[tilespmem:$0x13B0] =	vst v47;
	v9 =	vadd.s32 $0x3FE00, v9;
	v15 =	vtrunc.f32 v15;
	vm13 =	vlt.s32 v8, $0x1FF  }
0x3ca: {  	[tilespmem:$0x1BF0] =	vst v63;
	v11 =	vsub.s32 v13, v11;
	v58 =	vcvt.f32.s32 v15;
	v56 =	vtrunc.f32 v19  }
0x3cb: {  	[tilespmem:$0x13C0] =	vst v49;
	v13 =	vmul.f32 v33, v7;
	v8 =	vnsel vm13, $0x1FF, v8;
	v57 =	vcvt.f32.s32 v56  }
0x3cc: {  	[tilespmem:$0x1390] =	vst v9;
	v11 =	vadd.s32 $0x3FE00, v11;
	v53 =	vsub.s32 v42, v51;
	vm15 =	vlt.s32 v58, $0x1FF  }
0x3cd: {  	v8 =	vsub.s32 v8, v59;
	[tilespmem:$0x13A0] =	vst v11;
	v61 =	vnsel vm15, $0x1FF, v58;
	vm14 =	vlt.s32 v57, $0x1FF  }
0x3ce: {  	[tilespmem:$0x1BB0] =	vst v13;
	v8 =	vadd.s32 $0x3FE00, v8;
	v9 =	vshll.u32 v61, $0x9;
	v10 =	vnsel vm14, $0x1FF, v57  }
0x3cf: {  	v11 =	vadd.s32 $0x3FE00, v53;
	[tilespmem:$0x13E0] =	vst v8;
	v8 =	vsub.s32 v10, v9  }
0x3d0: {  	[tilespmem:$0x13D0] =	vst v11;
	v8 =	vadd.s32 $0x3FE00, v8  }
0x3d1: {  	s30 =	simm.s32 $0x1B80;
	[tilespmem:$0x13F0] =	vst v8  }
0x3d2: {  	[spmem:s3] =	stream.indirect.scatter.add.f32 [tilespmem:s30], [sflag:$0x3], $0x1, s23, s0, $0xb8;
	[tilespmem:$0xE000] =	vst v63  }
0x3d3: {  	_ = 	snop  }
0x3d4: {  	[spmem:s4] =	stream.indirect.scatter.add.f32 [tilespmem:s25], [sflag:$0x3], $0x1, s23, s0, $0xb8;
	[tilespmem:$0xE000] =	vst v63  }
0x3d5: {  	_ =	swait.ge [sflag:s9], $0x80  }
0x3d6: {  	[sflag:s9] =	ssyncset.done $0x0  }
0x3d7: {  	[sflag:s9] =	ssyncadd.s32 $0xFFFFFF80  }
0x3d8: {  	_ =	swait.ge [sflag:s9], $0x80  }
0x3d9: {  	[sflag:s9] =	ssyncset.done $0x0  }
0x3da: {  	[sflag:s9] =	ssyncadd.s32 $0xFFFFFF80  }
0x3db: {  	_ =	swait.ge [sflag:s9], $0x80  }
0x3dc: {  	[sflag:s9] =	ssyncset.done $0x0  }
0x3dd: {  	[sflag:s9] =	ssyncadd.s32 $0xFFFFFF80  }
0x3de: {  	_ =	swait.ge [sflag:s9], $0x80  }
0x3df: {  	[sflag:s9] =	ssyncset.done $0x0  }
0x3e0: {  	[sflag:s9] =	ssyncadd.s32 $0xFFFFFF80  }
0x3e1: {  	_ =	swait.ge [sflag:s9], $0x80  }
0x3e2: {  	[sflag:s9] =	ssyncset.done $0x0  }
0x3e3: {  	[sflag:s9] =	ssyncadd.s32 $0xFFFFFF80  }
0x3e4: {  	_ =	swait.ge [sflag:s9], $0x80  }
0x3e5: {  	[sflag:s9] =	ssyncset.done $0x0  }
0x3e6: {  	[sflag:s9] =	ssyncadd.s32 $0xFFFFFF80  }
0x3e7: {  	_ =	swait.ge [sflag:s9], $0x80  }
0x3e8: {  	[sflag:s9] =	ssyncset.done $0x0  }
0x3e9: {  	[sflag:s9] =	ssyncadd.s32 $0xFFFFFF80  }
0x3ea: {  	_ =	swait.ge [sflag:s9], $0x80  }
0x3eb: {  	[sflag:s9] =	ssyncset.done $0x0  }
0x3ec: {  	[sflag:s9] =	ssyncadd.s32 $0xFFFFFF80  }
0x3ed: {  	_ =	swait.ge [sflag:s9], $0x80  }
.Ltmp6:
0x3ee: {  	[sflag:s9] =	ssyncset.done $0x0;
	(pc) =	sbr.rel .LBB2_6-.Ltmp6, $4  }
0x3ef: {  	[sflag:s9] =	ssyncadd.s32 $0xFFFFFF80  }
0x3f0: {  	_ =	swait.ge [sflag:s9], $0x80  }
0x3f1: {  	[sflag:s9] =	ssyncset.done $0x0  }
0x3f2: {  	[sflag:s9] =	ssyncadd.s32 $0xFFFFFF80  }
.LBB2_8:
0x3f3: {  	_ =	sfence.sel $0x180000  }
0x3f4: {  	[bflag:$0x0] =	sbarrier.arrive $0xFFFF  }
0x3f5: {  	_ =	strace $0x90000047  }
0x3f6: {  	s0 =	stileid.u32;
	[bflag:$0x2] =	sbarrier.arrive $0xFFFF  }
0x3f7: {  	p0 =	sne.s32 s0, $0x0;
	s0 =	rddreg [dreg:$0x4]  }
0x3f8: {  	s0 =	sadd.s32 @!p0 $0x100000, s0  }
0x3f9: {  	[sflag:s0] =	ssyncadd.tile.s32 @!p0 $0x1;
	_ =	shalt  }
.Lfunc_end2:
_tile_overlayer_lowered:
.L_overlay_start_2:
0x3fa: {  	(tag) =	ssettag $0x2  }
0x3fb: {  	s0 =	rddreg [dreg:$0x0];
	s2 =	stileid.u32  }
0x3fc: {  	s1 =	rddreg [dreg:$0x1];
	p0 =	sne.s32 s2, $0x0  }
0x3fd: {  	s3 =	rddreg [dreg:$0x2];
	[bflag:$0x3] =	sbarrier.arrive $0xFFFF;
	s2 =	simm.s32 @!p0 $0x1C04  }
0x3fe: {  	[timem:s3], [sflag:s2] =	dma.local @!p0 [hbm:s0], s1  }
0x3ff: {  	s0 =	simm.s32 @!p0 $0x4  }
0x400: {  	_ =	swait.ge @!p0 [sflag:s0], s1  }
0x401: {  	s1 =	ssub.s32 @!p0 $0x0, s1;
	[sflag:s0] =	ssyncset.done @!p0 $0x0  }
0x402: {  	[sflag:s0] =	ssyncadd.s32 @!p0 s1  }
0x403: {  	[bflag:$0x3] =	sbarrier.arrive $0xFFFF  }
0x404: {  	_ =	shalt  }

</sc_bundles>
